<compile_context>
chip_gen: v7x
topology: tpu7x:2x2x1
jax: 0.10.2.dev20260603
libtpu: 0.0.44.dev20260713+nightly
codegen_flags: <defaults>
</compile_context>

<pallas_src>
import functools

import jax
import jax.numpy as jnp
from jax import lax
from jax.experimental import pallas as pl
from jax.experimental.pallas import tpu as pltpu
from jax.experimental.pallas import tpu_sc as plsc

NC = 2
NS = 16
NW = NC * NS
CHUNK = 40
NBUF = 3
DCHUNK = 80


def _mesh():
  return plsc.VectorSubcoreMesh(
      core_axis_name="c", subcore_axis_name="s", num_cores=NC,
      num_subcores=NS)


def _zero_vmem_2d(ref, rows, width):
  zeros = jnp.zeros((16,), jnp.float32)

  @pl.loop(0, rows)
  def _(r):
    for k in range(width // 16):
      ref[r, pl.ds(k * 16, 16)] = zeros


def _deg_call(dst3d, nbins):
  nch = dst3d.shape[1]
  bpt = nbins // NS

  @functools.partial(
      pl.kernel,
      out_type=jax.ShapeDtypeStruct((NC * nbins,), jnp.float32),
      mesh=_mesh(),
      scratch_types=[
          pltpu.VMEM_SHARED((nbins,), jnp.float32),
          pltpu.VMEM((nch, DCHUNK), jnp.int32),
          pltpu.VMEM((DCHUNK,), jnp.float32),
          pltpu.VMEM((bpt,), jnp.float32),
          pltpu.SemaphoreType.DMA,
      ],
  )
  def k(dst_hbm, out_hbm, acc, didx, ones_v, zb, sem):
    c = lax.axis_index("c")
    s = lax.axis_index("s")
    wid = s * NC + c
    for i in range(DCHUNK // 16):
      ones_v[pl.ds(i * 16, 16)] = jnp.ones((16,), jnp.float32)

    @pl.loop(0, bpt // 16)
    def _(i):
      zb[pl.ds(i * 16, 16)] = jnp.zeros((16,), jnp.float32)

    pltpu.sync_copy(zb, acc.at[pl.ds(s * bpt, bpt)])
    pltpu.sync_copy(dst_hbm.at[wid], didx)
    plsc.subcore_barrier()

    bsz = 25
    assert nch % bsz == 0
    for base in range(0, nch, bsz):

      @pl.loop(base, base + bsz)
      def _(j):
        pltpu.async_copy(ones_v, acc.at[didx.at[j]], sem, add=True)

      @pl.loop(0, bsz)
      def _(j):
        pltpu.make_async_copy(out_hbm.at[pl.ds(0, DCHUNK)], ones_v,
                              sem).wait()

    plsc.subcore_barrier()
    pltpu.sync_copy(acc.at[pl.ds(s * bpt, bpt)],
                    out_hbm.at[pl.ds(c * nbins + s * bpt, bpt)])

  return k(dst3d)


def _scatter_call(h, pk3d, npad):
  n, d = h.shape
  nch = pk3d.shape[1]
  assert (nch - 7) % NBUF == 0
  rpt = npad // NS

  @functools.partial(
      pl.kernel,
      out_type=jax.ShapeDtypeStruct((NC, npad, d), jnp.float32),
      mesh=_mesh(),
      scratch_types=[
          pltpu.VMEM_SHARED((npad, d), jnp.float32),
          pltpu.VMEM((nch, CHUNK), jnp.int32),
          [pltpu.VMEM((CHUNK,), jnp.int32) for _ in range(NBUF)],
          [pltpu.VMEM((CHUNK,), jnp.int32) for _ in range(NBUF)],
          [pltpu.VMEM((CHUNK, d), jnp.float32) for _ in range(NBUF)],
          [pltpu.SemaphoreType.DMA for _ in range(NBUF)],
          [pltpu.SemaphoreType.DMA for _ in range(NBUF)],
      ],
  )
  def k(h_hbm, pk_hbm, out_hbm, acc, pk, sidx, didx, rows, semg, sems):
    c = lax.axis_index("c")
    s = lax.axis_index("s")
    wid = s * NC + c
    _zero_vmem_2d(rows[0], CHUNK, d)
    for t in range(rpt // CHUNK):
      pltpu.sync_copy(rows[0], acc.at[pl.ds(s * rpt + t * CHUNK, CHUNK)])
    pltpu.sync_copy(pk_hbm.at[wid], pk)
    plsc.subcore_barrier()

    def unpack(j, kk):
      for t in (0, 16, 24):
        p = pk[j, pl.ds(t, 16)]
        sidx[kk][pl.ds(t, 16)] = lax.bitwise_and(p, 0xFFFF)
        didx[kk][pl.ds(t, 16)] = lax.shift_right_logical(p, 16)

    def fire_g(kk):
      pltpu.async_copy(h_hbm.at[sidx[kk]], rows[kk], semg[kk])

    def wait_g(kk):
      pltpu.make_async_copy(h_hbm.at[pl.ds(0, CHUNK)], rows[kk],
                            semg[kk]).wait()

    def fire_s(kk):
      pltpu.async_copy(rows[kk], acc.at[didx[kk]], sems[kk], add=True)

    def drain_s(kk):
      pltpu.make_async_copy(h_hbm.at[pl.ds(0, CHUNK)], rows[kk],
                            sems[kk]).wait()

    def body(j, kk, fire_next, drain_prev):
      k2 = (kk + 2) % NBUF
      wait_g(kk)
      fire_s(kk)
      if drain_prev:
        drain_s(k2)
      if fire_next:
        unpack(j + 2, k2)
        fire_g(k2)

    for j in range(2):
      unpack(j, j)
      fire_g(j)
    body(0, 0, True, False)

    @pl.loop(0, (nch - 7) // NBUF)
    def _(m):
      j = NBUF * m + 1
      for t in range(NBUF):
        body(j + t, (1 + t) % NBUF, True, True)

    for j in range(nch - 6, nch - 2):
      body(j, j % NBUF, True, True)
    body(nch - 2, (nch - 2) % NBUF, False, False)
    body(nch - 1, (nch - 1) % NBUF, False, False)
    for t in range(NBUF):
      drain_s(t)
    plsc.subcore_barrier()
    pltpu.sync_copy(acc.at[pl.ds(s * rpt, rpt)],
                    out_hbm.at[c, pl.ds(s * rpt, rpt)])

  return k(h, pk3d)


def _pre_call(x, W1, dis_col):
  n = x.shape[0]
  h = W1.shape[1]

  def body(x_ref, w_ref, dis_ref, hw_ref, hpre_ref):
    hw = jnp.dot(x_ref[...], w_ref[...], preferred_element_type=jnp.float32)
    hw_ref[...] = hw
    hpre_ref[...] = hw * dis_ref[...]

  sh = jax.ShapeDtypeStruct((n, h), jnp.float32)
  return pl.pallas_call(body, out_shape=(sh, sh))(x, W1, dis_col)


def _mid_call(sp, hw, dis_col, b, gamma, beta, W2):
  n, h = hw.shape

  def body(sp_ref, hw_ref, dis_ref, b_ref, g_ref, be_ref, w2_ref,
           h2w_ref, h2pre_ref):
    dis = dis_ref[...]
    t = (dis * (sp_ref[0, :n] + sp_ref[1, :n]) + (dis * dis) * hw_ref[...]
         + b_ref[...])
    mean = jnp.mean(t, axis=0, keepdims=True)
    ctr = t - mean
    var = jnp.mean(ctr * ctr, axis=0, keepdims=True)
    hn = ctr * lax.rsqrt(var + 1e-5) * g_ref[...] + be_ref[...]
    hn = jnp.maximum(hn, 0.0)
    h2 = jnp.dot(hn, w2_ref[...], preferred_element_type=jnp.float32)
    h2w_ref[...] = h2
    h2pre_ref[...] = h2 * dis

  sh = jax.ShapeDtypeStruct((n, W2.shape[1]), jnp.float32)
  return pl.pallas_call(body, out_shape=(sh, sh))(
      sp, hw, dis_col, b, gamma, beta, W2)


def _post_call(sp, hw, dis_col, b, gamma, beta, W_mu, b_mu, W_lv, b_lv):
  n, h = hw.shape
  l = W_mu.shape[1]

  def body(sp_ref, hw_ref, dis_ref, b_ref, g_ref, be_ref, wmu_ref, bmu_ref,
           wlv_ref, blv_ref, mu_ref, lv_ref):
    dis = dis_ref[...]
    t = (dis * (sp_ref[0, :n] + sp_ref[1, :n]) + (dis * dis) * hw_ref[...]
         + b_ref[...])
    mean = jnp.mean(t, axis=0, keepdims=True)
    ctr = t - mean
    var = jnp.mean(ctr * ctr, axis=0, keepdims=True)
    hn = ctr * lax.rsqrt(var + 1e-5) * g_ref[...] + be_ref[...]
    hn = jnp.maximum(hn, 0.0)
    mu_ref[...] = (jnp.dot(hn, wmu_ref[...], preferred_element_type=jnp.float32)
                   + bmu_ref[...])
    lv_ref[...] = (jnp.dot(hn, wlv_ref[...], preferred_element_type=jnp.float32)
                   + blv_ref[...])

  sh = jax.ShapeDtypeStruct((n, l), jnp.float32)
  return pl.pallas_call(body, out_shape=(sh, sh))(
      sp, hw, dis_col, b, gamma, beta, W_mu, b_mu, W_lv, b_lv)


def kernel(x, edge_index, W1, b1, gamma1, beta1, W2, b2, gamma2, beta2,
           W_mu, b_mu, W_lv, b_lv):
  n = x.shape[0]
  e = edge_index.shape[1]
  assert e % (NW * CHUNK) == 0 and e % (NW * DCHUNK) == 0
  assert n % NS == 0 and n <= 65536
  npad = ((n + 2047) // 2048) * 2048
  nbins = npad

  dst3d = edge_index[1].reshape(NW, -1, DCHUNK)
  pk3d = (edge_index[0]
          | (edge_index[1] << jnp.int32(16))).reshape(NW, -1, CHUNK)

  deg_p = _deg_call(dst3d, nbins).reshape(NC, nbins)
  dis_col = lax.rsqrt(deg_p[0] + deg_p[1] + 1.0)[:n].reshape(n, 1)

  h1w, h1pre = _pre_call(x, W1, dis_col)
  s1p = _scatter_call(h1pre, pk3d, npad)
  h2w, h2pre = _mid_call(s1p, h1w, dis_col, b1, gamma1, beta1, W2)
  s2p = _scatter_call(h2pre, pk3d, npad)
  mu, logvar = _post_call(s2p, h2w, dis_col, b2, gamma2, beta2,
                          W_mu, b_mu, W_lv, b_lv)
  return (mu, logvar)

# --- scband reference (transcript-rebuilt; emitter-appended) ---
"""Pipeline reference for scband-structure-encoder-54030688584369 (READ-ONLY COPY).

The authoritative reference and input builder live on the scoring server;
editing this copy changes nothing except your own understanding.
"""

import jax, jax.numpy as jnp
import numpy as np

N = 10000
E = 320000
D = 128
H = 128
L = 64


def setup_inputs(seed: int = 0) -> dict:
    key = jax.random.key(seed)
    ks = jax.random.split(key, 12)
    x = jax.random.normal(ks[0], (N, D), dtype=jnp.float32)
    edge_index = jax.random.randint(ks[1], (2, E), 0, N, dtype=jnp.int32)
    s1 = 1.0 / np.sqrt(D)
    W1 = jax.random.uniform(ks[2], (D, H), minval=-s1, maxval=s1, dtype=jnp.float32)
    b1 = jax.random.uniform(ks[3], (H,), minval=-s1, maxval=s1, dtype=jnp.float32)
    s2 = 1.0 / np.sqrt(H)
    W2 = jax.random.uniform(ks[4], (H, H), minval=-s2, maxval=s2, dtype=jnp.float32)
    b2 = jax.random.uniform(ks[5], (H,), minval=-s2, maxval=s2, dtype=jnp.float32)
    gamma1 = jnp.ones((H,), dtype=jnp.float32)
    beta1 = jnp.zeros((H,), dtype=jnp.float32)
    gamma2 = jnp.ones((H,), dtype=jnp.float32)
    beta2 = jnp.zeros((H,), dtype=jnp.float32)
    W_mu = jax.random.uniform(ks[6], (H, L), minval=-s2, maxval=s2, dtype=jnp.float32)
    b_mu = jax.random.uniform(ks[7], (L,), minval=-s2, maxval=s2, dtype=jnp.float32)
    W_lv = jax.random.uniform(ks[8], (H, L), minval=-s2, maxval=s2, dtype=jnp.float32)
    b_lv = jax.random.uniform(ks[9], (L,), minval=-s2, maxval=s2, dtype=jnp.float32)
    return {"x": x, "edge_index": edge_index, "W1": W1, "b1": b1, "gamma1": gamma1,
            "beta1": beta1, "W2": W2, "b2": b2, "gamma2": gamma2, "beta2": beta2,
            "W_mu": W_mu, "b_mu": b_mu, "W_lv": W_lv, "b_lv": b_lv}


def _gcn_conv(h, W, b, src, dst, n):
    # PyG GCNConv: add self loops, symmetric normalization D^-1/2 (A+I) D^-1/2
    h = h @ W
    loop = jnp.arange(n, dtype=src.dtype)
    s = jnp.concatenate([src, loop])
    d = jnp.concatenate([dst, loop])
    deg = jnp.zeros((n,), dtype=h.dtype).at[d].add(1.0)
    deg_inv_sqrt = jnp.where(deg > 0, jax.lax.rsqrt(jnp.maximum(deg, 1e-12)), 0.0)
    norm = deg_inv_sqrt[s] * deg_inv_sqrt[d]
    msg = h[s] * norm[:, None]
    out = jnp.zeros((n, h.shape[1]), dtype=h.dtype).at[d].add(msg)
    return out + b


def _batchnorm(h, gamma, beta, eps=1e-5):
    mean = jnp.mean(h, axis=0)
    var = jnp.var(h, axis=0)
    return (h - mean) * jax.lax.rsqrt(var + eps) * gamma + beta


def reference(x, edge_index, W1, b1, gamma1, beta1, W2, b2, gamma2, beta2, W_mu, b_mu, W_lv, b_lv):
    src = edge_index[0]
    dst = edge_index[1]
    n = x.shape[0]
    h = _gcn_conv(x, W1, b1, src, dst, n)
    h = _batchnorm(h, gamma1, beta1)
    h = jax.nn.relu(h)
    h = _gcn_conv(h, W2, b2, src, dst, n)
    h = _batchnorm(h, gamma2, beta2)
    h = jax.nn.relu(h)
    mu = h @ W_mu + b_mu
    logvar = h @ W_lv + b_lv
    return (mu, logvar)

if __name__ == "__main__":
    import jax
    _d = setup_inputs()
    print(jax.jit(kernel)(*tuple(_d.values())))

</pallas_src>

<mosaic_0001>
#map = affine_map<(d0, d1) -> (0, 0, 0)>
#map1 = affine_map<(d0, d1) -> (0)>
module attributes {stable_mosaic.version = 14 : i64} {
  func.func @k(%arg0: i32, %arg1: i32, %arg2: memref<32x125x80xi32, #tpu.memory_space<hbm>>, %arg3: memref<20480xf32, #tpu.memory_space<hbm>>, %arg4: memref<10240xf32, #tpu.memory_space<vmem_shared>>, %arg5: memref<125x80xi32, #tpu.memory_space<vmem>>, %arg6: memref<80xf32, #tpu.memory_space<vmem>>, %arg7: memref<640xf32, #tpu.memory_space<vmem>>, %arg8: memref<!tpu.dma_semaphore, #tpu.memory_space<semaphore_mem>>) attributes {dimension_semantics = [#tpu.dimension_semantics<core_parallel>, #tpu.dimension_semantics<subcore_parallel>], iteration_bounds = array<i64: 2, 16>, scalar_prefetch = 0 : i64, scratch_operands = 5 : i64, tpu.core_type = #tpu.core_type<sc_vector_subcore>, window_params = [{transform_indices = #map}, {transform_indices = #map1}]} {
    %mul3A = arith.constant 2 : i32
    %mul3A_0 = arith.muli %arg1, %mul3A : i32
    %add3A = arith.addi %mul3A_0, %arg0 : i32
    %broadcast_in_dim3A = arith.constant 1.000000e+00 : f32
    %broadcast_in_dim3A_1 = vector.broadcast %broadcast_in_dim3A : f32 to vector<16xf32>
    %swap3A = arith.constant 0 : index
    %swap3A_2 = tpu.vector_load %arg6[%swap3A] {strides = array<i32>} : memref<80xf32, #tpu.memory_space<vmem>>, vector<16xf32>,
    %swap3A_3 = vector.shape_cast %swap3A_2 : vector<16xf32> to vector<16xf32>
    %swap3A_4 = vector.shape_cast %broadcast_in_dim3A_1 : vector<16xf32> to vector<16xf32>
    tpu.vector_store %arg6[%swap3A], %swap3A_4 {strides = array<i32>} : memref<80xf32, #tpu.memory_space<vmem>>, vector<16xf32>,
    %broadcast_in_dim3A_5 = arith.constant 1.000000e+00 : f32
    %broadcast_in_dim3A_6 = vector.broadcast %broadcast_in_dim3A_5 : f32 to vector<16xf32>
    %swap3A_7 = arith.constant 16 : index
    %swap3A_8 = tpu.vector_load %arg6[%swap3A_7] {strides = array<i32>} : memref<80xf32, #tpu.memory_space<vmem>>, vector<16xf32>,
    %swap3A_9 = vector.shape_cast %swap3A_8 : vector<16xf32> to vector<16xf32>
    %swap3A_10 = vector.shape_cast %broadcast_in_dim3A_6 : vector<16xf32> to vector<16xf32>
    tpu.vector_store %arg6[%swap3A_7], %swap3A_10 {strides = array<i32>} : memref<80xf32, #tpu.memory_space<vmem>>, vector<16xf32>,
    %broadcast_in_dim3A_11 = arith.constant 1.000000e+00 : f32
    %broadcast_in_dim3A_12 = vector.broadcast %broadcast_in_dim3A_11 : f32 to vector<16xf32>
    %swap3A_13 = arith.constant 32 : index
    %swap3A_14 = tpu.vector_load %arg6[%swap3A_13] {strides = array<i32>} : memref<80xf32, #tpu.memory_space<vmem>>, vector<16xf32>,
    %swap3A_15 = vector.shape_cast %swap3A_14 : vector<16xf32> to vector<16xf32>
    %swap3A_16 = vector.shape_cast %broadcast_in_dim3A_12 : vector<16xf32> to vector<16xf32>
    tpu.vector_store %arg6[%swap3A_13], %swap3A_16 {strides = array<i32>} : memref<80xf32, #tpu.memory_space<vmem>>, vector<16xf32>,
    %broadcast_in_dim3A_17 = arith.constant 1.000000e+00 : f32
    %broadcast_in_dim3A_18 = vector.broadcast %broadcast_in_dim3A_17 : f32 to vector<16xf32>
    %swap3A_19 = arith.constant 48 : index
    %swap3A_20 = tpu.vector_load %arg6[%swap3A_19] {strides = array<i32>} : memref<80xf32, #tpu.memory_space<vmem>>, vector<16xf32>,
    %swap3A_21 = vector.shape_cast %swap3A_20 : vector<16xf32> to vector<16xf32>
    %swap3A_22 = vector.shape_cast %broadcast_in_dim3A_18 : vector<16xf32> to vector<16xf32>
    tpu.vector_store %arg6[%swap3A_19], %swap3A_22 {strides = array<i32>} : memref<80xf32, #tpu.memory_space<vmem>>, vector<16xf32>,
    %broadcast_in_dim3A_23 = arith.constant 1.000000e+00 : f32
    %broadcast_in_dim3A_24 = vector.broadcast %broadcast_in_dim3A_23 : f32 to vector<16xf32>
    %swap3A_25 = arith.constant 64 : index
    %swap3A_26 = tpu.vector_load %arg6[%swap3A_25] {strides = array<i32>} : memref<80xf32, #tpu.memory_space<vmem>>, vector<16xf32>,
    %swap3A_27 = vector.shape_cast %swap3A_26 : vector<16xf32> to vector<16xf32>
    %swap3A_28 = vector.shape_cast %broadcast_in_dim3A_24 : vector<16xf32> to vector<16xf32>
    tpu.vector_store %arg6[%swap3A_25], %swap3A_28 {strides = array<i32>} : memref<80xf32, #tpu.memory_space<vmem>>, vector<16xf32>,
    %scan3A = arith.constant 0 : i32
    %scan3A_29 = arith.constant 40 : i32
    %scan3A_30 = arith.addi %scan3A, %scan3A_29 : i32
    %scan3A_31 = arith.constant 1 : i32
    scf.for %scan3A_93 = %scan3A to %scan3A_30 step %scan3A_31  : i32 {
      %mul3A_94 = arith.constant 1 : i32
      %mul3A_95 = arith.muli %scan3A_93, %mul3A_94 : i32
      %add3A_96 = arith.constant 0 : i32
      %add3A_97 = arith.addi %add3A_96, %mul3A_95 : i32
      %broadcast_in_dim3A_98 = arith.constant 0.000000e+00 : f32
      %broadcast_in_dim3A_99 = vector.broadcast %broadcast_in_dim3A_98 : f32 to vector<16xf32>
      %mul3A_100 = arith.constant 16 : i32
      %mul3A_101 = arith.muli %add3A_97, %mul3A_100 : i32
      %swap3A_102 = arith.index_cast %mul3A_101 : i32 to index
      %swap3A_103 = tpu.vector_load %arg7[%swap3A_102] {strides = array<i32>} : memref<640xf32, #tpu.memory_space<vmem>>, vector<16xf32>,
      %swap3A_104 = vector.shape_cast %swap3A_103 : vector<16xf32> to vector<16xf32>
      %swap3A_105 = vector.shape_cast %broadcast_in_dim3A_99 : vector<16xf32> to vector<16xf32>
      tpu.vector_store %arg7[%swap3A_102], %swap3A_105 {strides = array<i32>} : memref<640xf32, #tpu.memory_space<vmem>>, vector<16xf32>,
    }
    %scan3A_32 = arith.constant 40 : i32
    %mul3A_33 = arith.constant 640 : i32
    %mul3A_34 = arith.muli %arg1, %mul3A_33 : i32
    "tpu.region"() ({
      %run_scoped3A = tpu.sem_alloc : memref<!tpu.dma_semaphore, #tpu.memory_space<semaphore_mem>>
      %dma_start3A = tpu.memref_slice %arg4[%mul3A_34] : memref<10240xf32, #tpu.memory_space<vmem_shared>> -> memref<640xf32, #tpu.memory_space<vmem_shared>>
      %dma_start3A_93 = tpu.memref_slice %arg4[%mul3A_34] : memref<10240xf32, #tpu.memory_space<vmem_shared>> -> memref<640xf32, #tpu.memory_space<vmem_shared>>
      tpu.enqueue_dma source(%arg7 : memref<640xf32, #tpu.memory_space<vmem>>) target(%dma_start3A_93 : memref<640xf32, #tpu.memory_space<vmem_shared>>) target_semaphore(%run_scoped3A : memref<!tpu.dma_semaphore, #tpu.memory_space<semaphore_mem>>)
      %dma_wait3A = tpu.memref_slice %arg4[%mul3A_34] : memref<10240xf32, #tpu.memory_space<vmem_shared>> -> memref<640xf32, #tpu.memory_space<vmem_shared>>
      %dma_wait3A_94 = tpu.memref_slice %arg4[%mul3A_34] : memref<10240xf32, #tpu.memory_space<vmem_shared>> -> memref<640xf32, #tpu.memory_space<vmem_shared>>
      tpu.wait_dma2 semaphore(%run_scoped3A : memref<!tpu.dma_semaphore, #tpu.memory_space<semaphore_mem>>) src(%arg7 : memref<640xf32, #tpu.memory_space<vmem>>) dst(%dma_wait3A_94 : memref<640xf32, #tpu.memory_space<vmem_shared>>)
      tpu.yield
    }) : () -> ()
    "tpu.region"() ({
      %run_scoped3A = tpu.sem_alloc : memref<!tpu.dma_semaphore, #tpu.memory_space<semaphore_mem>>
      %dma_start3A = arith.constant 0 : i32
      %dma_start3A_93 = arith.constant 0 : i32
      %dma_start3A_94 = tpu.memref_slice %arg2[%add3A, %dma_start3A, %dma_start3A_93] : memref<32x125x80xi32, #tpu.memory_space<hbm>> -> memref<1x125x80xi32, #tpu.memory_space<hbm>>
      %dma_start3A_95 = tpu.memref_squeeze %dma_start3A_94 : memref<1x125x80xi32, #tpu.memory_space<hbm>> -> memref<125x80xi32, #tpu.memory_space<hbm>>
      %dma_start3A_96 = arith.constant 0 : i32
      %dma_start3A_97 = arith.constant 0 : i32
      %dma_start3A_98 = tpu.memref_slice %arg2[%add3A, %dma_start3A_96, %dma_start3A_97] : memref<32x125x80xi32, #tpu.memory_space<hbm>> -> memref<1x125x80xi32, #tpu.memory_space<hbm>>
      %dma_start3A_99 = tpu.memref_squeeze %dma_start3A_98 : memref<1x125x80xi32, #tpu.memory_space<hbm>> -> memref<125x80xi32, #tpu.memory_space<hbm>>
      tpu.enqueue_dma source(%dma_start3A_99 : memref<125x80xi32, #tpu.memory_space<hbm>>) target(%arg5 : memref<125x80xi32, #tpu.memory_space<vmem>>) target_semaphore(%run_scoped3A : memref<!tpu.dma_semaphore, #tpu.memory_space<semaphore_mem>>)
      %dma_wait3A = arith.constant 0 : i32
      %dma_wait3A_100 = arith.constant 0 : i32
      %dma_wait3A_101 = tpu.memref_slice %arg2[%add3A, %dma_wait3A, %dma_wait3A_100] : memref<32x125x80xi32, #tpu.memory_space<hbm>> -> memref<1x125x80xi32, #tpu.memory_space<hbm>>
      %dma_wait3A_102 = tpu.memref_squeeze %dma_wait3A_101 : memref<1x125x80xi32, #tpu.memory_space<hbm>> -> memref<125x80xi32, #tpu.memory_space<hbm>>
      %dma_wait3A_103 = arith.constant 0 : i32
      %dma_wait3A_104 = arith.constant 0 : i32
      %dma_wait3A_105 = tpu.memref_slice %arg2[%add3A, %dma_wait3A_103, %dma_wait3A_104] : memref<32x125x80xi32, #tpu.memory_space<hbm>> -> memref<1x125x80xi32, #tpu.memory_space<hbm>>
      %dma_wait3A_106 = tpu.memref_squeeze %dma_wait3A_105 : memref<1x125x80xi32, #tpu.memory_space<hbm>> -> memref<125x80xi32, #tpu.memory_space<hbm>>
      tpu.wait_dma2 semaphore(%run_scoped3A : memref<!tpu.dma_semaphore, #tpu.memory_space<semaphore_mem>>) src(%dma_wait3A_106 : memref<125x80xi32, #tpu.memory_space<hbm>>) dst(%arg5 : memref<125x80xi32, #tpu.memory_space<vmem>>)
      tpu.yield
    }) : () -> ()
    %barrier3A = arith.constant 0 : index
    tpu.barrier barrier_id(%barrier3A)
    %scan3A_35 = arith.constant 0 : i32
    %scan3A_36 = arith.constant 25 : i32
    %scan3A_37 = arith.addi %scan3A_35, %scan3A_36 : i32
    %scan3A_38 = arith.constant 1 : i32
    scf.for %scan3A_93 = %scan3A_35 to %scan3A_37 step %scan3A_38  : i32 {
      %mul3A_94 = arith.constant 1 : i32
      %mul3A_95 = arith.muli %scan3A_93, %mul3A_94 : i32
      %add3A_96 = arith.constant 0 : i32
      %add3A_97 = arith.addi %add3A_96, %mul3A_95 : i32
      %dma_start3A = arith.constant 0 : i32
      %dma_start3A_98 = tpu.memref_slice %arg5[%add3A_97, %dma_start3A] : memref<125x80xi32, #tpu.memory_space<vmem>> -> memref<1x80xi32, #tpu.memory_space<vmem>>
      %dma_start3A_99 = tpu.memref_squeeze %dma_start3A_98 : memref<1x80xi32, #tpu.memory_space<vmem>> -> memref<80xi32, #tpu.memory_space<vmem>>
      %dma_start3A_100 = arith.constant 0 : i32
      %dma_start3A_101 = tpu.memref_slice %arg4[%dma_start3A_100] : memref<10240xf32, #tpu.memory_space<vmem_shared>> -> memref<10240xf32, #tpu.memory_space<vmem_shared>>
      tpu.enqueue_indirect_dma source(%arg6 : memref<80xf32, #tpu.memory_space<vmem>>) target(%dma_start3A_101 : memref<10240xf32, #tpu.memory_space<vmem_shared>>) offsets(%dma_start3A_99 : memref<80xi32, #tpu.memory_space<vmem>>) semaphore(%arg8 : memref<!tpu.dma_semaphore, #tpu.memory_space<semaphore_mem>>) {add = true}
    }
    %scan3A_39 = arith.constant 25 : i32
    %scan3A_40 = arith.constant 0 : i32
    %scan3A_41 = arith.constant 25 : i32
    %scan3A_42 = arith.addi %scan3A_40, %scan3A_41 : i32
    %scan3A_43 = arith.constant 1 : i32
    scf.for %scan3A_93 = %scan3A_40 to %scan3A_42 step %scan3A_43  : i32 {
      %mul3A_94 = arith.constant 1 : i32
      %mul3A_95 = arith.muli %scan3A_93, %mul3A_94 : i32
      %add3A_96 = arith.constant 0 : i32
      %add3A_97 = arith.addi %add3A_96, %mul3A_95 : i32
      %dma_wait3A = arith.constant 0 : i32
      %dma_wait3A_98 = tpu.memref_slice %arg3[%dma_wait3A] : memref<20480xf32, #tpu.memory_space<hbm>> -> memref<80xf32, #tpu.memory_space<hbm>>
      %dma_wait3A_99 = arith.constant 0 : i32
      %dma_wait3A_100 = tpu.memref_slice %arg3[%dma_wait3A_99] : memref<20480xf32, #tpu.memory_space<hbm>> -> memref<80xf32, #tpu.memory_space<hbm>>
      tpu.wait_dma2 semaphore(%arg8 : memref<!tpu.dma_semaphore, #tpu.memory_space<semaphore_mem>>) src(%dma_wait3A_100 : memref<80xf32, #tpu.memory_space<hbm>>) dst(%arg6 : memref<80xf32, #tpu.memory_space<vmem>>)
    }
    %scan3A_44 = arith.constant 25 : i32
    %scan3A_45 = arith.constant 0 : i32
    %scan3A_46 = arith.constant 25 : i32
    %scan3A_47 = arith.addi %scan3A_45, %scan3A_46 : i32
    %scan3A_48 = arith.constant 1 : i32
    scf.for %scan3A_93 = %scan3A_45 to %scan3A_47 step %scan3A_48  : i32 {
      %mul3A_94 = arith.constant 1 : i32
      %mul3A_95 = arith.muli %scan3A_93, %mul3A_94 : i32
      %add3A_96 = arith.constant 25 : i32
      %add3A_97 = arith.addi %add3A_96, %mul3A_95 : i32
      %dma_start3A = arith.constant 0 : i32
      %dma_start3A_98 = tpu.memref_slice %arg5[%add3A_97, %dma_start3A] : memref<125x80xi32, #tpu.memory_space<vmem>> -> memref<1x80xi32, #tpu.memory_space<vmem>>
      %dma_start3A_99 = tpu.memref_squeeze %dma_start3A_98 : memref<1x80xi32, #tpu.memory_space<vmem>> -> memref<80xi32, #tpu.memory_space<vmem>>
      %dma_start3A_100 = arith.constant 0 : i32
      %dma_start3A_101 = tpu.memref_slice %arg4[%dma_start3A_100] : memref<10240xf32, #tpu.memory_space<vmem_shared>> -> memref<10240xf32, #tpu.memory_space<vmem_shared>>
      tpu.enqueue_indirect_dma source(%arg6 : memref<80xf32, #tpu.memory_space<vmem>>) target(%dma_start3A_101 : memref<10240xf32, #tpu.memory_space<vmem_shared>>) offsets(%dma_start3A_99 : memref<80xi32, #tpu.memory_space<vmem>>) semaphore(%arg8 : memref<!tpu.dma_semaphore, #tpu.memory_space<semaphore_mem>>) {add = true}
    }
    %scan3A_49 = arith.constant 25 : i32
    %scan3A_50 = arith.constant 0 : i32
    %scan3A_51 = arith.constant 25 : i32
    %scan3A_52 = arith.addi %scan3A_50, %scan3A_51 : i32
    %scan3A_53 = arith.constant 1 : i32
    scf.for %scan3A_93 = %scan3A_50 to %scan3A_52 step %scan3A_53  : i32 {
      %mul3A_94 = arith.constant 1 : i32
      %mul3A_95 = arith.muli %scan3A_93, %mul3A_94 : i32
      %add3A_96 = arith.constant 0 : i32
      %add3A_97 = arith.addi %add3A_96, %mul3A_95 : i32
      %dma_wait3A = arith.constant 0 : i32
      %dma_wait3A_98 = tpu.memref_slice %arg3[%dma_wait3A] : memref<20480xf32, #tpu.memory_space<hbm>> -> memref<80xf32, #tpu.memory_space<hbm>>
      %dma_wait3A_99 = arith.constant 0 : i32
      %dma_wait3A_100 = tpu.memref_slice %arg3[%dma_wait3A_99] : memref<20480xf32, #tpu.memory_space<hbm>> -> memref<80xf32, #tpu.memory_space<hbm>>
      tpu.wait_dma2 semaphore(%arg8 : memref<!tpu.dma_semaphore, #tpu.memory_space<semaphore_mem>>) src(%dma_wait3A_100 : memref<80xf32, #tpu.memory_space<hbm>>) dst(%arg6 : memref<80xf32, #tpu.memory_space<vmem>>)
    }
    %scan3A_54 = arith.constant 25 : i32
    %scan3A_55 = arith.constant 0 : i32
    %scan3A_56 = arith.constant 25 : i32
    %scan3A_57 = arith.addi %scan3A_55, %scan3A_56 : i32
    %scan3A_58 = arith.constant 1 : i32
    scf.for %scan3A_93 = %scan3A_55 to %scan3A_57 step %scan3A_58  : i32 {
      %mul3A_94 = arith.constant 1 : i32
      %mul3A_95 = arith.muli %scan3A_93, %mul3A_94 : i32
      %add3A_96 = arith.constant 50 : i32
      %add3A_97 = arith.addi %add3A_96, %mul3A_95 : i32
      %dma_start3A = arith.constant 0 : i32
      %dma_start3A_98 = tpu.memref_slice %arg5[%add3A_97, %dma_start3A] : memref<125x80xi32, #tpu.memory_space<vmem>> -> memref<1x80xi32, #tpu.memory_space<vmem>>
      %dma_start3A_99 = tpu.memref_squeeze %dma_start3A_98 : memref<1x80xi32, #tpu.memory_space<vmem>> -> memref<80xi32, #tpu.memory_space<vmem>>
      %dma_start3A_100 = arith.constant 0 : i32
      %dma_start3A_101 = tpu.memref_slice %arg4[%dma_start3A_100] : memref<10240xf32, #tpu.memory_space<vmem_shared>> -> memref<10240xf32, #tpu.memory_space<vmem_shared>>
      tpu.enqueue_indirect_dma source(%arg6 : memref<80xf32, #tpu.memory_space<vmem>>) target(%dma_start3A_101 : memref<10240xf32, #tpu.memory_space<vmem_shared>>) offsets(%dma_start3A_99 : memref<80xi32, #tpu.memory_space<vmem>>) semaphore(%arg8 : memref<!tpu.dma_semaphore, #tpu.memory_space<semaphore_mem>>) {add = true}
    }
    %scan3A_59 = arith.constant 25 : i32
    %scan3A_60 = arith.constant 0 : i32
    %scan3A_61 = arith.constant 25 : i32
    %scan3A_62 = arith.addi %scan3A_60, %scan3A_61 : i32
    %scan3A_63 = arith.constant 1 : i32
    scf.for %scan3A_93 = %scan3A_60 to %scan3A_62 step %scan3A_63  : i32 {
      %mul3A_94 = arith.constant 1 : i32
      %mul3A_95 = arith.muli %scan3A_93, %mul3A_94 : i32
      %add3A_96 = arith.constant 0 : i32
      %add3A_97 = arith.addi %add3A_96, %mul3A_95 : i32
      %dma_wait3A = arith.constant 0 : i32
      %dma_wait3A_98 = tpu.memref_slice %arg3[%dma_wait3A] : memref<20480xf32, #tpu.memory_space<hbm>> -> memref<80xf32, #tpu.memory_space<hbm>>
      %dma_wait3A_99 = arith.constant 0 : i32
      %dma_wait3A_100 = tpu.memref_slice %arg3[%dma_wait3A_99] : memref<20480xf32, #tpu.memory_space<hbm>> -> memref<80xf32, #tpu.memory_space<hbm>>
      tpu.wait_dma2 semaphore(%arg8 : memref<!tpu.dma_semaphore, #tpu.memory_space<semaphore_mem>>) src(%dma_wait3A_100 : memref<80xf32, #tpu.memory_space<hbm>>) dst(%arg6 : memref<80xf32, #tpu.memory_space<vmem>>)
    }
    %scan3A_64 = arith.constant 25 : i32
    %scan3A_65 = arith.constant 0 : i32
    %scan3A_66 = arith.constant 25 : i32
    %scan3A_67 = arith.addi %scan3A_65, %scan3A_66 : i32
    %scan3A_68 = arith.constant 1 : i32
    scf.for %scan3A_93 = %scan3A_65 to %scan3A_67 step %scan3A_68  : i32 {
      %mul3A_94 = arith.constant 1 : i32
      %mul3A_95 = arith.muli %scan3A_93, %mul3A_94 : i32
      %add3A_96 = arith.constant 75 : i32
      %add3A_97 = arith.addi %add3A_96, %mul3A_95 : i32
      %dma_start3A = arith.constant 0 : i32
      %dma_start3A_98 = tpu.memref_slice %arg5[%add3A_97, %dma_start3A] : memref<125x80xi32, #tpu.memory_space<vmem>> -> memref<1x80xi32, #tpu.memory_space<vmem>>
      %dma_start3A_99 = tpu.memref_squeeze %dma_start3A_98 : memref<1x80xi32, #tpu.memory_space<vmem>> -> memref<80xi32, #tpu.memory_space<vmem>>
      %dma_start3A_100 = arith.constant 0 : i32
      %dma_start3A_101 = tpu.memref_slice %arg4[%dma_start3A_100] : memref<10240xf32, #tpu.memory_space<vmem_shared>> -> memref<10240xf32, #tpu.memory_space<vmem_shared>>
      tpu.enqueue_indirect_dma source(%arg6 : memref<80xf32, #tpu.memory_space<vmem>>) target(%dma_start3A_101 : memref<10240xf32, #tpu.memory_space<vmem_shared>>) offsets(%dma_start3A_99 : memref<80xi32, #tpu.memory_space<vmem>>) semaphore(%arg8 : memref<!tpu.dma_semaphore, #tpu.memory_space<semaphore_mem>>) {add = true}
    }
    %scan3A_69 = arith.constant 25 : i32
    %scan3A_70 = arith.constant 0 : i32
    %scan3A_71 = arith.constant 25 : i32
    %scan3A_72 = arith.addi %scan3A_70, %scan3A_71 : i32
    %scan3A_73 = arith.constant 1 : i32
    scf.for %scan3A_93 = %scan3A_70 to %scan3A_72 step %scan3A_73  : i32 {
      %mul3A_94 = arith.constant 1 : i32
      %mul3A_95 = arith.muli %scan3A_93, %mul3A_94 : i32
      %add3A_96 = arith.constant 0 : i32
      %add3A_97 = arith.addi %add3A_96, %mul3A_95 : i32
      %dma_wait3A = arith.constant 0 : i32
      %dma_wait3A_98 = tpu.memref_slice %arg3[%dma_wait3A] : memref<20480xf32, #tpu.memory_space<hbm>> -> memref<80xf32, #tpu.memory_space<hbm>>
      %dma_wait3A_99 = arith.constant 0 : i32
      %dma_wait3A_100 = tpu.memref_slice %arg3[%dma_wait3A_99] : memref<20480xf32, #tpu.memory_space<hbm>> -> memref<80xf32, #tpu.memory_space<hbm>>
      tpu.wait_dma2 semaphore(%arg8 : memref<!tpu.dma_semaphore, #tpu.memory_space<semaphore_mem>>) src(%dma_wait3A_100 : memref<80xf32, #tpu.memory_space<hbm>>) dst(%arg6 : memref<80xf32, #tpu.memory_space<vmem>>)
    }
    %scan3A_74 = arith.constant 25 : i32
    %scan3A_75 = arith.constant 0 : i32
    %scan3A_76 = arith.constant 25 : i32
    %scan3A_77 = arith.addi %scan3A_75, %scan3A_76 : i32
    %scan3A_78 = arith.constant 1 : i32
    scf.for %scan3A_93 = %scan3A_75 to %scan3A_77 step %scan3A_78  : i32 {
      %mul3A_94 = arith.constant 1 : i32
      %mul3A_95 = arith.muli %scan3A_93, %mul3A_94 : i32
      %add3A_96 = arith.constant 100 : i32
      %add3A_97 = arith.addi %add3A_96, %mul3A_95 : i32
      %dma_start3A = arith.constant 0 : i32
      %dma_start3A_98 = tpu.memref_slice %arg5[%add3A_97, %dma_start3A] : memref<125x80xi32, #tpu.memory_space<vmem>> -> memref<1x80xi32, #tpu.memory_space<vmem>>
      %dma_start3A_99 = tpu.memref_squeeze %dma_start3A_98 : memref<1x80xi32, #tpu.memory_space<vmem>> -> memref<80xi32, #tpu.memory_space<vmem>>
      %dma_start3A_100 = arith.constant 0 : i32
      %dma_start3A_101 = tpu.memref_slice %arg4[%dma_start3A_100] : memref<10240xf32, #tpu.memory_space<vmem_shared>> -> memref<10240xf32, #tpu.memory_space<vmem_shared>>
      tpu.enqueue_indirect_dma source(%arg6 : memref<80xf32, #tpu.memory_space<vmem>>) target(%dma_start3A_101 : memref<10240xf32, #tpu.memory_space<vmem_shared>>) offsets(%dma_start3A_99 : memref<80xi32, #tpu.memory_space<vmem>>) semaphore(%arg8 : memref<!tpu.dma_semaphore, #tpu.memory_space<semaphore_mem>>) {add = true}
    }
    %scan3A_79 = arith.constant 25 : i32
    %scan3A_80 = arith.constant 0 : i32
    %scan3A_81 = arith.constant 25 : i32
    %scan3A_82 = arith.addi %scan3A_80, %scan3A_81 : i32
    %scan3A_83 = arith.constant 1 : i32
    scf.for %scan3A_93 = %scan3A_80 to %scan3A_82 step %scan3A_83  : i32 {
      %mul3A_94 = arith.constant 1 : i32
      %mul3A_95 = arith.muli %scan3A_93, %mul3A_94 : i32
      %add3A_96 = arith.constant 0 : i32
      %add3A_97 = arith.addi %add3A_96, %mul3A_95 : i32
      %dma_wait3A = arith.constant 0 : i32
      %dma_wait3A_98 = tpu.memref_slice %arg3[%dma_wait3A] : memref<20480xf32, #tpu.memory_space<hbm>> -> memref<80xf32, #tpu.memory_space<hbm>>
      %dma_wait3A_99 = arith.constant 0 : i32
      %dma_wait3A_100 = tpu.memref_slice %arg3[%dma_wait3A_99] : memref<20480xf32, #tpu.memory_space<hbm>> -> memref<80xf32, #tpu.memory_space<hbm>>
      tpu.wait_dma2 semaphore(%arg8 : memref<!tpu.dma_semaphore, #tpu.memory_space<semaphore_mem>>) src(%dma_wait3A_100 : memref<80xf32, #tpu.memory_space<hbm>>) dst(%arg6 : memref<80xf32, #tpu.memory_space<vmem>>)
    }
    %scan3A_84 = arith.constant 25 : i32
    %barrier3A_85 = arith.constant 0 : index
    tpu.barrier barrier_id(%barrier3A_85)
    %mul3A_86 = arith.constant 640 : i32
    %mul3A_87 = arith.muli %arg1, %mul3A_86 : i32
    %mul3A_88 = arith.constant 10240 : i32
    %mul3A_89 = arith.muli %arg0, %mul3A_88 : i32
    %mul3A_90 = arith.constant 640 : i32
    %mul3A_91 = arith.muli %arg1, %mul3A_90 : i32
    %add3A_92 = arith.addi %mul3A_89, %mul3A_91 : i32
    "tpu.region"() ({
      %run_scoped3A = tpu.sem_alloc : memref<!tpu.dma_semaphore, #tpu.memory_space<semaphore_mem>>
      %dma_start3A = tpu.memref_slice %arg3[%add3A_92] : memref<20480xf32, #tpu.memory_space<hbm>> -> memref<640xf32, #tpu.memory_space<hbm>>
      %dma_start3A_93 = tpu.memref_slice %arg4[%mul3A_87] : memref<10240xf32, #tpu.memory_space<vmem_shared>> -> memref<640xf32, #tpu.memory_space<vmem_shared>>
      tpu.enqueue_dma source(%dma_start3A_93 : memref<640xf32, #tpu.memory_space<vmem_shared>>) target(%dma_start3A : memref<640xf32, #tpu.memory_space<hbm>>) target_semaphore(%run_scoped3A : memref<!tpu.dma_semaphore, #tpu.memory_space<semaphore_mem>>)
      %dma_wait3A = tpu.memref_slice %arg3[%add3A_92] : memref<20480xf32, #tpu.memory_space<hbm>> -> memref<640xf32, #tpu.memory_space<hbm>>
      %dma_wait3A_94 = tpu.memref_slice %arg4[%mul3A_87] : memref<10240xf32, #tpu.memory_space<vmem_shared>> -> memref<640xf32, #tpu.memory_space<vmem_shared>>
      tpu.wait_dma2 semaphore(%run_scoped3A : memref<!tpu.dma_semaphore, #tpu.memory_space<semaphore_mem>>) src(%dma_wait3A_94 : memref<640xf32, #tpu.memory_space<vmem_shared>>) dst(%dma_wait3A : memref<640xf32, #tpu.memory_space<hbm>>)
      tpu.yield
    }) : () -> ()
    return
  }
}

#map = affine_map<(d0, d1) -> (0, 0)>
#map1 = affine_map<(d0, d1) -> (0, 0, 0)>
module attributes {stable_mosaic.version = 14 : i64} {
  func.func @k(%arg0: i32, %arg1: i32, %arg2: memref<10000x128xf32, #tpu.memory_space<hbm>>, %arg3: memref<32x250x40xi32, #tpu.memory_space<hbm>>, %arg4: memref<2x10240x128xf32, #tpu.memory_space<hbm>>, %arg5: memref<10240x128xf32, #tpu.memory_space<vmem_shared>>, %arg6: memref<250x40xi32, #tpu.memory_space<vmem>>, %arg7: memref<40xi32, #tpu.memory_space<vmem>>, %arg8: memref<40xi32, #tpu.memory_space<vmem>>, %arg9: memref<40xi32, #tpu.memory_space<vmem>>, %arg10: memref<40xi32, #tpu.memory_space<vmem>>, %arg11: memref<40xi32, #tpu.memory_space<vmem>>, %arg12: memref<40xi32, #tpu.memory_space<vmem>>, %arg13: memref<40x128xf32, #tpu.memory_space<vmem>>, %arg14: memref<40x128xf32, #tpu.memory_space<vmem>>, %arg15: memref<40x128xf32, #tpu.memory_space<vmem>>, %arg16: memref<!tpu.dma_semaphore, #tpu.memory_space<semaphore_mem>>, %arg17: memref<!tpu.dma_semaphore, #tpu.memory_space<semaphore_mem>>, %arg18: memref<!tpu.dma_semaphore, #tpu.memory_space<semaphore_mem>>, %arg19: memref<!tpu.dma_semaphore, #tpu.memory_space<semaphore_mem>>, %arg20: memref<!tpu.dma_semaphore, #tpu.memory_space<semaphore_mem>>, %arg21: memref<!tpu.dma_semaphore, #tpu.memory_space<semaphore_mem>>) attributes {dimension_semantics = [#tpu.dimension_semantics<core_parallel>, #tpu.dimension_semantics<subcore_parallel>], iteration_bounds = array<i64: 2, 16>, scalar_prefetch = 0 : i64, scratch_operands = 17 : i64, tpu.core_type = #tpu.core_type<sc_vector_subcore>, window_params = [{transform_indices = #map}, {transform_indices = #map1}, {transform_indices = #map1}]} {
    %mul3A = arith.constant 2 : i32
    %mul3A_0 = arith.muli %arg1, %mul3A : i32
    %add3A = arith.addi %mul3A_0, %arg0 : i32
    %broadcast_in_dim3A = arith.constant 0.000000e+00 : f32
    %broadcast_in_dim3A_1 = vector.broadcast %broadcast_in_dim3A : f32 to vector<16xf32>
    %scan3A = arith.constant 0 : i32
    %scan3A_2 = arith.constant 40 : i32
    %scan3A_3 = arith.addi %scan3A, %scan3A_2 : i32
    %scan3A_4 = arith.constant 1 : i32
    scf.for %scan3A_599 = %scan3A to %scan3A_3 step %scan3A_4  : i32 {
      %mul3A_600 = arith.constant 1 : i32
      %mul3A_601 = arith.muli %scan3A_599, %mul3A_600 : i32
      %add3A_602 = arith.constant 0 : i32
      %add3A_603 = arith.addi %add3A_602, %mul3A_601 : i32
      %swap3A_604 = arith.index_cast %add3A_603 : i32 to index
      %swap3A_605 = arith.constant 0 : index
      %swap3A_606 = tpu.vector_load %arg13[%swap3A_604, %swap3A_605] {strides = array<i32>} : memref<40x128xf32, #tpu.memory_space<vmem>>, vector<1x16xf32>,
      %swap3A_607 = vector.shape_cast %swap3A_606 : vector<1x16xf32> to vector<16xf32>
      %swap3A_608 = vector.shape_cast %broadcast_in_dim3A_1 : vector<16xf32> to vector<1x16xf32>
      tpu.vector_store %arg13[%swap3A_604, %swap3A_605], %swap3A_608 {strides = array<i32>} : memref<40x128xf32, #tpu.memory_space<vmem>>, vector<1x16xf32>,
      %swap3A_609 = arith.index_cast %add3A_603 : i32 to index
      %swap3A_610 = arith.constant 16 : index
      %swap3A_611 = tpu.vector_load %arg13[%swap3A_609, %swap3A_610] {strides = array<i32>} : memref<40x128xf32, #tpu.memory_space<vmem>>, vector<1x16xf32>,
      %swap3A_612 = vector.shape_cast %swap3A_611 : vector<1x16xf32> to vector<16xf32>
      %swap3A_613 = vector.shape_cast %broadcast_in_dim3A_1 : vector<16xf32> to vector<1x16xf32>
      tpu.vector_store %arg13[%swap3A_609, %swap3A_610], %swap3A_613 {strides = array<i32>} : memref<40x128xf32, #tpu.memory_space<vmem>>, vector<1x16xf32>,
      %swap3A_614 = arith.index_cast %add3A_603 : i32 to index
      %swap3A_615 = arith.constant 32 : index
      %swap3A_616 = tpu.vector_load %arg13[%swap3A_614, %swap3A_615] {strides = array<i32>} : memref<40x128xf32, #tpu.memory_space<vmem>>, vector<1x16xf32>,
      %swap3A_617 = vector.shape_cast %swap3A_616 : vector<1x16xf32> to vector<16xf32>
      %swap3A_618 = vector.shape_cast %broadcast_in_dim3A_1 : vector<16xf32> to vector<1x16xf32>
      tpu.vector_store %arg13[%swap3A_614, %swap3A_615], %swap3A_618 {strides = array<i32>} : memref<40x128xf32, #tpu.memory_space<vmem>>, vector<1x16xf32>,
      %swap3A_619 = arith.index_cast %add3A_603 : i32 to index
      %swap3A_620 = arith.constant 48 : index
      %swap3A_621 = tpu.vector_load %arg13[%swap3A_619, %swap3A_620] {strides = array<i32>} : memref<40x128xf32, #tpu.memory_space<vmem>>, vector<1x16xf32>,
      %swap3A_622 = vector.shape_cast %swap3A_621 : vector<1x16xf32> to vector<16xf32>
      %swap3A_623 = vector.shape_cast %broadcast_in_dim3A_1 : vector<16xf32> to vector<1x16xf32>
      tpu.vector_store %arg13[%swap3A_619, %swap3A_620], %swap3A_623 {strides = array<i32>} : memref<40x128xf32, #tpu.memory_space<vmem>>, vector<1x16xf32>,
      %swap3A_624 = arith.index_cast %add3A_603 : i32 to index
      %swap3A_625 = arith.constant 64 : index
      %swap3A_626 = tpu.vector_load %arg13[%swap3A_624, %swap3A_625] {strides = array<i32>} : memref<40x128xf32, #tpu.memory_space<vmem>>, vector<1x16xf32>,
      %swap3A_627 = vector.shape_cast %swap3A_626 : vector<1x16xf32> to vector<16xf32>
      %swap3A_628 = vector.shape_cast %broadcast_in_dim3A_1 : vector<16xf32> to vector<1x16xf32>
      tpu.vector_store %arg13[%swap3A_624, %swap3A_625], %swap3A_628 {strides = array<i32>} : memref<40x128xf32, #tpu.memory_space<vmem>>, vector<1x16xf32>,
      %swap3A_629 = arith.index_cast %add3A_603 : i32 to index
      %swap3A_630 = arith.constant 80 : index
      %swap3A_631 = tpu.vector_load %arg13[%swap3A_629, %swap3A_630] {strides = array<i32>} : memref<40x128xf32, #tpu.memory_space<vmem>>, vector<1x16xf32>,
      %swap3A_632 = vector.shape_cast %swap3A_631 : vector<1x16xf32> to vector<16xf32>
      %swap3A_633 = vector.shape_cast %broadcast_in_dim3A_1 : vector<16xf32> to vector<1x16xf32>
      tpu.vector_store %arg13[%swap3A_629, %swap3A_630], %swap3A_633 {strides = array<i32>} : memref<40x128xf32, #tpu.memory_space<vmem>>, vector<1x16xf32>,
      %swap3A_634 = arith.index_cast %add3A_603 : i32 to index
      %swap3A_635 = arith.constant 96 : index
      %swap3A_636 = tpu.vector_load %arg13[%swap3A_634, %swap3A_635] {strides = array<i32>} : memref<40x128xf32, #tpu.memory_space<vmem>>, vector<1x16xf32>,
      %swap3A_637 = vector.shape_cast %swap3A_636 : vector<1x16xf32> to vector<16xf32>
      %swap3A_638 = vector.shape_cast %broadcast_in_dim3A_1 : vector<16xf32> to vector<1x16xf32>
      tpu.vector_store %arg13[%swap3A_634, %swap3A_635], %swap3A_638 {strides = array<i32>} : memref<40x128xf32, #tpu.memory_space<vmem>>, vector<1x16xf32>,
      %swap3A_639 = arith.index_cast %add3A_603 : i32 to index
      %swap3A_640 = arith.constant 112 : index
      %swap3A_641 = tpu.vector_load %arg13[%swap3A_639, %swap3A_640] {strides = array<i32>} : memref<40x128xf32, #tpu.memory_space<vmem>>, vector<1x16xf32>,
      %swap3A_642 = vector.shape_cast %swap3A_641 : vector<1x16xf32> to vector<16xf32>
      %swap3A_643 = vector.shape_cast %broadcast_in_dim3A_1 : vector<16xf32> to vector<1x16xf32>
      tpu.vector_store %arg13[%swap3A_639, %swap3A_640], %swap3A_643 {strides = array<i32>} : memref<40x128xf32, #tpu.memory_space<vmem>>, vector<1x16xf32>,
    }
    %scan3A_5 = arith.constant 40 : i32
    %mul3A_6 = arith.constant 640 : i32
    %mul3A_7 = arith.muli %arg1, %mul3A_6 : i32
    %add3A_8 = arith.constant 0 : i32
    %add3A_9 = arith.addi %mul3A_7, %add3A_8 : i32
    "tpu.region"() ({
      %run_scoped3A = tpu.sem_alloc : memref<!tpu.dma_semaphore, #tpu.memory_space<semaphore_mem>>
      %dma_start3A_599 = arith.constant 0 : i32
      %dma_start3A_600 = tpu.memref_slice %arg5[%add3A_9, %dma_start3A_599] : memref<10240x128xf32, #tpu.memory_space<vmem_shared>> -> memref<40x128xf32, #tpu.memory_space<vmem_shared>>
      %dma_start3A_601 = arith.constant 0 : i32
      %dma_start3A_602 = tpu.memref_slice %arg5[%add3A_9, %dma_start3A_601] : memref<10240x128xf32, #tpu.memory_space<vmem_shared>> -> memref<40x128xf32, #tpu.memory_space<vmem_shared>>
      tpu.enqueue_dma source(%arg13 : memref<40x128xf32, #tpu.memory_space<vmem>>) target(%dma_start3A_602 : memref<40x128xf32, #tpu.memory_space<vmem_shared>>) target_semaphore(%run_scoped3A : memref<!tpu.dma_semaphore, #tpu.memory_space<semaphore_mem>>)
      %dma_wait3A_603 = arith.constant 0 : i32
      %dma_wait3A_604 = tpu.memref_slice %arg5[%add3A_9, %dma_wait3A_603] : memref<10240x128xf32, #tpu.memory_space<vmem_shared>> -> memref<40x128xf32, #tpu.memory_space<vmem_shared>>
      %dma_wait3A_605 = arith.constant 0 : i32
      %dma_wait3A_606 = tpu.memref_slice %arg5[%add3A_9, %dma_wait3A_605] : memref<10240x128xf32, #tpu.memory_space<vmem_shared>> -> memref<40x128xf32, #tpu.memory_space<vmem_shared>>
      tpu.wait_dma2 semaphore(%run_scoped3A : memref<!tpu.dma_semaphore, #tpu.memory_space<semaphore_mem>>) src(%arg13 : memref<40x128xf32, #tpu.memory_space<vmem>>) dst(%dma_wait3A_606 : memref<40x128xf32, #tpu.memory_space<vmem_shared>>)
      tpu.yield
    }) : () -> ()
    %mul3A_10 = arith.constant 640 : i32
    %mul3A_11 = arith.muli %arg1, %mul3A_10 : i32
    %add3A_12 = arith.constant 40 : i32
    %add3A_13 = arith.addi %mul3A_11, %add3A_12 : i32
    "tpu.region"() ({
      %run_scoped3A = tpu.sem_alloc : memref<!tpu.dma_semaphore, #tpu.memory_space<semaphore_mem>>
      %dma_start3A_599 = arith.constant 0 : i32
      %dma_start3A_600 = tpu.memref_slice %arg5[%add3A_13, %dma_start3A_599] : memref<10240x128xf32, #tpu.memory_space<vmem_shared>> -> memref<40x128xf32, #tpu.memory_space<vmem_shared>>
      %dma_start3A_601 = arith.constant 0 : i32
      %dma_start3A_602 = tpu.memref_slice %arg5[%add3A_13, %dma_start3A_601] : memref<10240x128xf32, #tpu.memory_space<vmem_shared>> -> memref<40x128xf32, #tpu.memory_space<vmem_shared>>
      tpu.enqueue_dma source(%arg13 : memref<40x128xf32, #tpu.memory_space<vmem>>) target(%dma_start3A_602 : memref<40x128xf32, #tpu.memory_space<vmem_shared>>) target_semaphore(%run_scoped3A : memref<!tpu.dma_semaphore, #tpu.memory_space<semaphore_mem>>)
      %dma_wait3A_603 = arith.constant 0 : i32
      %dma_wait3A_604 = tpu.memref_slice %arg5[%add3A_13, %dma_wait3A_603] : memref<10240x128xf32, #tpu.memory_space<vmem_shared>> -> memref<40x128xf32, #tpu.memory_space<vmem_shared>>
      %dma_wait3A_605 = arith.constant 0 : i32
      %dma_wait3A_606 = tpu.memref_slice %arg5[%add3A_13, %dma_wait3A_605] : memref<10240x128xf32, #tpu.memory_space<vmem_shared>> -> memref<40x128xf32, #tpu.memory_space<vmem_shared>>
      tpu.wait_dma2 semaphore(%run_scoped3A : memref<!tpu.dma_semaphore, #tpu.memory_space<semaphore_mem>>) src(%arg13 : memref<40x128xf32, #tpu.memory_space<vmem>>) dst(%dma_wait3A_606 : memref<40x128xf32, #tpu.memory_space<vmem_shared>>)
      tpu.yield
    }) : () -> ()
    %mul3A_14 = arith.constant 640 : i32
    %mul3A_15 = arith.muli %arg1, %mul3A_14 : i32
    %add3A_16 = arith.constant 80 : i32
    %add3A_17 = arith.addi %mul3A_15, %add3A_16 : i32
    "tpu.region"() ({
      %run_scoped3A = tpu.sem_alloc : memref<!tpu.dma_semaphore, #tpu.memory_space<semaphore_mem>>
      %dma_start3A_599 = arith.constant 0 : i32
      %dma_start3A_600 = tpu.memref_slice %arg5[%add3A_17, %dma_start3A_599] : memref<10240x128xf32, #tpu.memory_space<vmem_shared>> -> memref<40x128xf32, #tpu.memory_space<vmem_shared>>
      %dma_start3A_601 = arith.constant 0 : i32
      %dma_start3A_602 = tpu.memref_slice %arg5[%add3A_17, %dma_start3A_601] : memref<10240x128xf32, #tpu.memory_space<vmem_shared>> -> memref<40x128xf32, #tpu.memory_space<vmem_shared>>
      tpu.enqueue_dma source(%arg13 : memref<40x128xf32, #tpu.memory_space<vmem>>) target(%dma_start3A_602 : memref<40x128xf32, #tpu.memory_space<vmem_shared>>) target_semaphore(%run_scoped3A : memref<!tpu.dma_semaphore, #tpu.memory_space<semaphore_mem>>)
      %dma_wait3A_603 = arith.constant 0 : i32
      %dma_wait3A_604 = tpu.memref_slice %arg5[%add3A_17, %dma_wait3A_603] : memref<10240x128xf32, #tpu.memory_space<vmem_shared>> -> memref<40x128xf32, #tpu.memory_space<vmem_shared>>
      %dma_wait3A_605 = arith.constant 0 : i32
      %dma_wait3A_606 = tpu.memref_slice %arg5[%add3A_17, %dma_wait3A_605] : memref<10240x128xf32, #tpu.memory_space<vmem_shared>> -> memref<40x128xf32, #tpu.memory_space<vmem_shared>>
      tpu.wait_dma2 semaphore(%run_scoped3A : memref<!tpu.dma_semaphore, #tpu.memory_space<semaphore_mem>>) src(%arg13 : memref<40x128xf32, #tpu.memory_space<vmem>>) dst(%dma_wait3A_606 : memref<40x128xf32, #tpu.memory_space<vmem_shared>>)
      tpu.yield
    }) : () -> ()
    %mul3A_18 = arith.constant 640 : i32
    %mul3A_19 = arith.muli %arg1, %mul3A_18 : i32
    %add3A_20 = arith.constant 120 : i32
    %add3A_21 = arith.addi %mul3A_19, %add3A_20 : i32
    "tpu.region"() ({
      %run_scoped3A = tpu.sem_alloc : memref<!tpu.dma_semaphore, #tpu.memory_space<semaphore_mem>>
      %dma_start3A_599 = arith.constant 0 : i32
      %dma_start3A_600 = tpu.memref_slice %arg5[%add3A_21, %dma_start3A_599] : memref<10240x128xf32, #tpu.memory_space<vmem_shared>> -> memref<40x128xf32, #tpu.memory_space<vmem_shared>>
      %dma_start3A_601 = arith.constant 0 : i32
      %dma_start3A_602 = tpu.memref_slice %arg5[%add3A_21, %dma_start3A_601] : memref<10240x128xf32, #tpu.memory_space<vmem_shared>> -> memref<40x128xf32, #tpu.memory_space<vmem_shared>>
      tpu.enqueue_dma source(%arg13 : memref<40x128xf32, #tpu.memory_space<vmem>>) target(%dma_start3A_602 : memref<40x128xf32, #tpu.memory_space<vmem_shared>>) target_semaphore(%run_scoped3A : memref<!tpu.dma_semaphore, #tpu.memory_space<semaphore_mem>>)
      %dma_wait3A_603 = arith.constant 0 : i32
      %dma_wait3A_604 = tpu.memref_slice %arg5[%add3A_21, %dma_wait3A_603] : memref<10240x128xf32, #tpu.memory_space<vmem_shared>> -> memref<40x128xf32, #tpu.memory_space<vmem_shared>>
      %dma_wait3A_605 = arith.constant 0 : i32
      %dma_wait3A_606 = tpu.memref_slice %arg5[%add3A_21, %dma_wait3A_605] : memref<10240x128xf32, #tpu.memory_space<vmem_shared>> -> memref<40x128xf32, #tpu.memory_space<vmem_shared>>
      tpu.wait_dma2 semaphore(%run_scoped3A : memref<!tpu.dma_semaphore, #tpu.memory_space<semaphore_mem>>) src(%arg13 : memref<40x128xf32, #tpu.memory_space<vmem>>) dst(%dma_wait3A_606 : memref<40x128xf32, #tpu.memory_space<vmem_shared>>)
      tpu.yield
    }) : () -> ()
    %mul3A_22 = arith.constant 640 : i32
    %mul3A_23 = arith.muli %arg1, %mul3A_22 : i32
    %add3A_24 = arith.constant 160 : i32
    %add3A_25 = arith.addi %mul3A_23, %add3A_24 : i32
    "tpu.region"() ({
      %run_scoped3A = tpu.sem_alloc : memref<!tpu.dma_semaphore, #tpu.memory_space<semaphore_mem>>
      %dma_start3A_599 = arith.constant 0 : i32
      %dma_start3A_600 = tpu.memref_slice %arg5[%add3A_25, %dma_start3A_599] : memref<10240x128xf32, #tpu.memory_space<vmem_shared>> -> memref<40x128xf32, #tpu.memory_space<vmem_shared>>
      %dma_start3A_601 = arith.constant 0 : i32
      %dma_start3A_602 = tpu.memref_slice %arg5[%add3A_25, %dma_start3A_601] : memref<10240x128xf32, #tpu.memory_space<vmem_shared>> -> memref<40x128xf32, #tpu.memory_space<vmem_shared>>
      tpu.enqueue_dma source(%arg13 : memref<40x128xf32, #tpu.memory_space<vmem>>) target(%dma_start3A_602 : memref<40x128xf32, #tpu.memory_space<vmem_shared>>) target_semaphore(%run_scoped3A : memref<!tpu.dma_semaphore, #tpu.memory_space<semaphore_mem>>)
      %dma_wait3A_603 = arith.constant 0 : i32
      %dma_wait3A_604 = tpu.memref_slice %arg5[%add3A_25, %dma_wait3A_603] : memref<10240x128xf32, #tpu.memory_space<vmem_shared>> -> memref<40x128xf32, #tpu.memory_space<vmem_shared>>
      %dma_wait3A_605 = arith.constant 0 : i32
      %dma_wait3A_606 = tpu.memref_slice %arg5[%add3A_25, %dma_wait3A_605] : memref<10240x128xf32, #tpu.memory_space<vmem_shared>> -> memref<40x128xf32, #tpu.memory_space<vmem_shared>>
      tpu.wait_dma2 semaphore(%run_scoped3A : memref<!tpu.dma_semaphore, #tpu.memory_space<semaphore_mem>>) src(%arg13 : memref<40x128xf32, #tpu.memory_space<vmem>>) dst(%dma_wait3A_606 : memref<40x128xf32, #tpu.memory_space<vmem_shared>>)
      tpu.yield
    }) : () -> ()
    %mul3A_26 = arith.constant 640 : i32
    %mul3A_27 = arith.muli %arg1, %mul3A_26 : i32
    %add3A_28 = arith.constant 200 : i32
    %add3A_29 = arith.addi %mul3A_27, %add3A_28 : i32
    "tpu.region"() ({
      %run_scoped3A = tpu.sem_alloc : memref<!tpu.dma_semaphore, #tpu.memory_space<semaphore_mem>>
      %dma_start3A_599 = arith.constant 0 : i32
      %dma_start3A_600 = tpu.memref_slice %arg5[%add3A_29, %dma_start3A_599] : memref<10240x128xf32, #tpu.memory_space<vmem_shared>> -> memref<40x128xf32, #tpu.memory_space<vmem_shared>>
      %dma_start3A_601 = arith.constant 0 : i32
      %dma_start3A_602 = tpu.memref_slice %arg5[%add3A_29, %dma_start3A_601] : memref<10240x128xf32, #tpu.memory_space<vmem_shared>> -> memref<40x128xf32, #tpu.memory_space<vmem_shared>>
      tpu.enqueue_dma source(%arg13 : memref<40x128xf32, #tpu.memory_space<vmem>>) target(%dma_start3A_602 : memref<40x128xf32, #tpu.memory_space<vmem_shared>>) target_semaphore(%run_scoped3A : memref<!tpu.dma_semaphore, #tpu.memory_space<semaphore_mem>>)
      %dma_wait3A_603 = arith.constant 0 : i32
      %dma_wait3A_604 = tpu.memref_slice %arg5[%add3A_29, %dma_wait3A_603] : memref<10240x128xf32, #tpu.memory_space<vmem_shared>> -> memref<40x128xf32, #tpu.memory_space<vmem_shared>>
      %dma_wait3A_605 = arith.constant 0 : i32
      %dma_wait3A_606 = tpu.memref_slice %arg5[%add3A_29, %dma_wait3A_605] : memref<10240x128xf32, #tpu.memory_space<vmem_shared>> -> memref<40x128xf32, #tpu.memory_space<vmem_shared>>
      tpu.wait_dma2 semaphore(%run_scoped3A : memref<!tpu.dma_semaphore, #tpu.memory_space<semaphore_mem>>) src(%arg13 : memref<40x128xf32, #tpu.memory_space<vmem>>) dst(%dma_wait3A_606 : memref<40x128xf32, #tpu.memory_space<vmem_shared>>)
      tpu.yield
    }) : () -> ()
    %mul3A_30 = arith.constant 640 : i32
    %mul3A_31 = arith.muli %arg1, %mul3A_30 : i32
    %add3A_32 = arith.constant 240 : i32
    %add3A_33 = arith.addi %mul3A_31, %add3A_32 : i32
    "tpu.region"() ({
      %run_scoped3A = tpu.sem_alloc : memref<!tpu.dma_semaphore, #tpu.memory_space<semaphore_mem>>
      %dma_start3A_599 = arith.constant 0 : i32
      %dma_start3A_600 = tpu.memref_slice %arg5[%add3A_33, %dma_start3A_599] : memref<10240x128xf32, #tpu.memory_space<vmem_shared>> -> memref<40x128xf32, #tpu.memory_space<vmem_shared>>
      %dma_start3A_601 = arith.constant 0 : i32
      %dma_start3A_602 = tpu.memref_slice %arg5[%add3A_33, %dma_start3A_601] : memref<10240x128xf32, #tpu.memory_space<vmem_shared>> -> memref<40x128xf32, #tpu.memory_space<vmem_shared>>
      tpu.enqueue_dma source(%arg13 : memref<40x128xf32, #tpu.memory_space<vmem>>) target(%dma_start3A_602 : memref<40x128xf32, #tpu.memory_space<vmem_shared>>) target_semaphore(%run_scoped3A : memref<!tpu.dma_semaphore, #tpu.memory_space<semaphore_mem>>)
      %dma_wait3A_603 = arith.constant 0 : i32
      %dma_wait3A_604 = tpu.memref_slice %arg5[%add3A_33, %dma_wait3A_603] : memref<10240x128xf32, #tpu.memory_space<vmem_shared>> -> memref<40x128xf32, #tpu.memory_space<vmem_shared>>
      %dma_wait3A_605 = arith.constant 0 : i32
      %dma_wait3A_606 = tpu.memref_slice %arg5[%add3A_33, %dma_wait3A_605] : memref<10240x128xf32, #tpu.memory_space<vmem_shared>> -> memref<40x128xf32, #tpu.memory_space<vmem_shared>>
      tpu.wait_dma2 semaphore(%run_scoped3A : memref<!tpu.dma_semaphore, #tpu.memory_space<semaphore_mem>>) src(%arg13 : memref<40x128xf32, #tpu.memory_space<vmem>>) dst(%dma_wait3A_606 : memref<40x128xf32, #tpu.memory_space<vmem_shared>>)
      tpu.yield
    }) : () -> ()
    %mul3A_34 = arith.constant 640 : i32
    %mul3A_35 = arith.muli %arg1, %mul3A_34 : i32
    %add3A_36 = arith.constant 280 : i32
    %add3A_37 = arith.addi %mul3A_35, %add3A_36 : i32
    "tpu.region"() ({
      %run_scoped3A = tpu.sem_alloc : memref<!tpu.dma_semaphore, #tpu.memory_space<semaphore_mem>>
      %dma_start3A_599 = arith.constant 0 : i32
      %dma_start3A_600 = tpu.memref_slice %arg5[%add3A_37, %dma_start3A_599] : memref<10240x128xf32, #tpu.memory_space<vmem_shared>> -> memref<40x128xf32, #tpu.memory_space<vmem_shared>>
      %dma_start3A_601 = arith.constant 0 : i32
      %dma_start3A_602 = tpu.memref_slice %arg5[%add3A_37, %dma_start3A_601] : memref<10240x128xf32, #tpu.memory_space<vmem_shared>> -> memref<40x128xf32, #tpu.memory_space<vmem_shared>>
      tpu.enqueue_dma source(%arg13 : memref<40x128xf32, #tpu.memory_space<vmem>>) target(%dma_start3A_602 : memref<40x128xf32, #tpu.memory_space<vmem_shared>>) target_semaphore(%run_scoped3A : memref<!tpu.dma_semaphore, #tpu.memory_space<semaphore_mem>>)
      %dma_wait3A_603 = arith.constant 0 : i32
      %dma_wait3A_604 = tpu.memref_slice %arg5[%add3A_37, %dma_wait3A_603] : memref<10240x128xf32, #tpu.memory_space<vmem_shared>> -> memref<40x128xf32, #tpu.memory_space<vmem_shared>>
      %dma_wait3A_605 = arith.constant 0 : i32
      %dma_wait3A_606 = tpu.memref_slice %arg5[%add3A_37, %dma_wait3A_605] : memref<10240x128xf32, #tpu.memory_space<vmem_shared>> -> memref<40x128xf32, #tpu.memory_space<vmem_shared>>
      tpu.wait_dma2 semaphore(%run_scoped3A : memref<!tpu.dma_semaphore, #tpu.memory_space<semaphore_mem>>) src(%arg13 : memref<40x128xf32, #tpu.memory_space<vmem>>) dst(%dma_wait3A_606 : memref<40x128xf32, #tpu.memory_space<vmem_shared>>)
      tpu.yield
    }) : () -> ()
    %mul3A_38 = arith.constant 640 : i32
    %mul3A_39 = arith.muli %arg1, %mul3A_38 : i32
    %add3A_40 = arith.constant 320 : i32
    %add3A_41 = arith.addi %mul3A_39, %add3A_40 : i32
    "tpu.region"() ({
      %run_scoped3A = tpu.sem_alloc : memref<!tpu.dma_semaphore, #tpu.memory_space<semaphore_mem>>
      %dma_start3A_599 = arith.constant 0 : i32
      %dma_start3A_600 = tpu.memref_slice %arg5[%add3A_41, %dma_start3A_599] : memref<10240x128xf32, #tpu.memory_space<vmem_shared>> -> memref<40x128xf32, #tpu.memory_space<vmem_shared>>
      %dma_start3A_601 = arith.constant 0 : i32
      %dma_start3A_602 = tpu.memref_slice %arg5[%add3A_41, %dma_start3A_601] : memref<10240x128xf32, #tpu.memory_space<vmem_shared>> -> memref<40x128xf32, #tpu.memory_space<vmem_shared>>
      tpu.enqueue_dma source(%arg13 : memref<40x128xf32, #tpu.memory_space<vmem>>) target(%dma_start3A_602 : memref<40x128xf32, #tpu.memory_space<vmem_shared>>) target_semaphore(%run_scoped3A : memref<!tpu.dma_semaphore, #tpu.memory_space<semaphore_mem>>)
      %dma_wait3A_603 = arith.constant 0 : i32
      %dma_wait3A_604 = tpu.memref_slice %arg5[%add3A_41, %dma_wait3A_603] : memref<10240x128xf32, #tpu.memory_space<vmem_shared>> -> memref<40x128xf32, #tpu.memory_space<vmem_shared>>
      %dma_wait3A_605 = arith.constant 0 : i32
      %dma_wait3A_606 = tpu.memref_slice %arg5[%add3A_41, %dma_wait3A_605] : memref<10240x128xf32, #tpu.memory_space<vmem_shared>> -> memref<40x128xf32, #tpu.memory_space<vmem_shared>>
      tpu.wait_dma2 semaphore(%run_scoped3A : memref<!tpu.dma_semaphore, #tpu.memory_space<semaphore_mem>>) src(%arg13 : memref<40x128xf32, #tpu.memory_space<vmem>>) dst(%dma_wait3A_606 : memref<40x128xf32, #tpu.memory_space<vmem_shared>>)
      tpu.yield
    }) : () -> ()
    %mul3A_42 = arith.constant 640 : i32
    %mul3A_43 = arith.muli %arg1, %mul3A_42 : i32
    %add3A_44 = arith.constant 360 : i32
    %add3A_45 = arith.addi %mul3A_43, %add3A_44 : i32
    "tpu.region"() ({
      %run_scoped3A = tpu.sem_alloc : memref<!tpu.dma_semaphore, #tpu.memory_space<semaphore_mem>>
      %dma_start3A_599 = arith.constant 0 : i32
      %dma_start3A_600 = tpu.memref_slice %arg5[%add3A_45, %dma_start3A_599] : memref<10240x128xf32, #tpu.memory_space<vmem_shared>> -> memref<40x128xf32, #tpu.memory_space<vmem_shared>>
      %dma_start3A_601 = arith.constant 0 : i32
      %dma_start3A_602 = tpu.memref_slice %arg5[%add3A_45, %dma_start3A_601] : memref<10240x128xf32, #tpu.memory_space<vmem_shared>> -> memref<40x128xf32, #tpu.memory_space<vmem_shared>>
      tpu.enqueue_dma source(%arg13 : memref<40x128xf32, #tpu.memory_space<vmem>>) target(%dma_start3A_602 : memref<40x128xf32, #tpu.memory_space<vmem_shared>>) target_semaphore(%run_scoped3A : memref<!tpu.dma_semaphore, #tpu.memory_space<semaphore_mem>>)
      %dma_wait3A_603 = arith.constant 0 : i32
      %dma_wait3A_604 = tpu.memref_slice %arg5[%add3A_45, %dma_wait3A_603] : memref<10240x128xf32, #tpu.memory_space<vmem_shared>> -> memref<40x128xf32, #tpu.memory_space<vmem_shared>>
      %dma_wait3A_605 = arith.constant 0 : i32
      %dma_wait3A_606 = tpu.memref_slice %arg5[%add3A_45, %dma_wait3A_605] : memref<10240x128xf32, #tpu.memory_space<vmem_shared>> -> memref<40x128xf32, #tpu.memory_space<vmem_shared>>
      tpu.wait_dma2 semaphore(%run_scoped3A : memref<!tpu.dma_semaphore, #tpu.memory_space<semaphore_mem>>) src(%arg13 : memref<40x128xf32, #tpu.memory_space<vmem>>) dst(%dma_wait3A_606 : memref<40x128xf32, #tpu.memory_space<vmem_shared>>)
      tpu.yield
    }) : () -> ()
    %mul3A_46 = arith.constant 640 : i32
    %mul3A_47 = arith.muli %arg1, %mul3A_46 : i32
    %add3A_48 = arith.constant 400 : i32
    %add3A_49 = arith.addi %mul3A_47, %add3A_48 : i32
    "tpu.region"() ({
      %run_scoped3A = tpu.sem_alloc : memref<!tpu.dma_semaphore, #tpu.memory_space<semaphore_mem>>
      %dma_start3A_599 = arith.constant 0 : i32
      %dma_start3A_600 = tpu.memref_slice %arg5[%add3A_49, %dma_start3A_599] : memref<10240x128xf32, #tpu.memory_space<vmem_shared>> -> memref<40x128xf32, #tpu.memory_space<vmem_shared>>
      %dma_start3A_601 = arith.constant 0 : i32
      %dma_start3A_602 = tpu.memref_slice %arg5[%add3A_49, %dma_start3A_601] : memref<10240x128xf32, #tpu.memory_space<vmem_shared>> -> memref<40x128xf32, #tpu.memory_space<vmem_shared>>
      tpu.enqueue_dma source(%arg13 : memref<40x128xf32, #tpu.memory_space<vmem>>) target(%dma_start3A_602 : memref<40x128xf32, #tpu.memory_space<vmem_shared>>) target_semaphore(%run_scoped3A : memref<!tpu.dma_semaphore, #tpu.memory_space<semaphore_mem>>)
      %dma_wait3A_603 = arith.constant 0 : i32
      %dma_wait3A_604 = tpu.memref_slice %arg5[%add3A_49, %dma_wait3A_603] : memref<10240x128xf32, #tpu.memory_space<vmem_shared>> -> memref<40x128xf32, #tpu.memory_space<vmem_shared>>
      %dma_wait3A_605 = arith.constant 0 : i32
      %dma_wait3A_606 = tpu.memref_slice %arg5[%add3A_49, %dma_wait3A_605] : memref<10240x128xf32, #tpu.memory_space<vmem_shared>> -> memref<40x128xf32, #tpu.memory_space<vmem_shared>>
      tpu.wait_dma2 semaphore(%run_scoped3A : memref<!tpu.dma_semaphore, #tpu.memory_space<semaphore_mem>>) src(%arg13 : memref<40x128xf32, #tpu.memory_space<vmem>>) dst(%dma_wait3A_606 : memref<40x128xf32, #tpu.memory_space<vmem_shared>>)
      tpu.yield
    }) : () -> ()
    %mul3A_50 = arith.constant 640 : i32
    %mul3A_51 = arith.muli %arg1, %mul3A_50 : i32
    %add3A_52 = arith.constant 440 : i32
    %add3A_53 = arith.addi %mul3A_51, %add3A_52 : i32
    "tpu.region"() ({
      %run_scoped3A = tpu.sem_alloc : memref<!tpu.dma_semaphore, #tpu.memory_space<semaphore_mem>>
      %dma_start3A_599 = arith.constant 0 : i32
      %dma_start3A_600 = tpu.memref_slice %arg5[%add3A_53, %dma_start3A_599] : memref<10240x128xf32, #tpu.memory_space<vmem_shared>> -> memref<40x128xf32, #tpu.memory_space<vmem_shared>>
      %dma_start3A_601 = arith.constant 0 : i32
      %dma_start3A_602 = tpu.memref_slice %arg5[%add3A_53, %dma_start3A_601] : memref<10240x128xf32, #tpu.memory_space<vmem_shared>> -> memref<40x128xf32, #tpu.memory_space<vmem_shared>>
      tpu.enqueue_dma source(%arg13 : memref<40x128xf32, #tpu.memory_space<vmem>>) target(%dma_start3A_602 : memref<40x128xf32, #tpu.memory_space<vmem_shared>>) target_semaphore(%run_scoped3A : memref<!tpu.dma_semaphore, #tpu.memory_space<semaphore_mem>>)
      %dma_wait3A_603 = arith.constant 0 : i32
      %dma_wait3A_604 = tpu.memref_slice %arg5[%add3A_53, %dma_wait3A_603] : memref<10240x128xf32, #tpu.memory_space<vmem_shared>> -> memref<40x128xf32, #tpu.memory_space<vmem_shared>>
      %dma_wait3A_605 = arith.constant 0 : i32
      %dma_wait3A_606 = tpu.memref_slice %arg5[%add3A_53, %dma_wait3A_605] : memref<10240x128xf32, #tpu.memory_space<vmem_shared>> -> memref<40x128xf32, #tpu.memory_space<vmem_shared>>
      tpu.wait_dma2 semaphore(%run_scoped3A : memref<!tpu.dma_semaphore, #tpu.memory_space<semaphore_mem>>) src(%arg13 : memref<40x128xf32, #tpu.memory_space<vmem>>) dst(%dma_wait3A_606 : memref<40x128xf32, #tpu.memory_space<vmem_shared>>)
      tpu.yield
    }) : () -> ()
    %mul3A_54 = arith.constant 640 : i32
    %mul3A_55 = arith.muli %arg1, %mul3A_54 : i32
    %add3A_56 = arith.constant 480 : i32
    %add3A_57 = arith.addi %mul3A_55, %add3A_56 : i32
    "tpu.region"() ({
      %run_scoped3A = tpu.sem_alloc : memref<!tpu.dma_semaphore, #tpu.memory_space<semaphore_mem>>
      %dma_start3A_599 = arith.constant 0 : i32
      %dma_start3A_600 = tpu.memref_slice %arg5[%add3A_57, %dma_start3A_599] : memref<10240x128xf32, #tpu.memory_space<vmem_shared>> -> memref<40x128xf32, #tpu.memory_space<vmem_shared>>
      %dma_start3A_601 = arith.constant 0 : i32
      %dma_start3A_602 = tpu.memref_slice %arg5[%add3A_57, %dma_start3A_601] : memref<10240x128xf32, #tpu.memory_space<vmem_shared>> -> memref<40x128xf32, #tpu.memory_space<vmem_shared>>
      tpu.enqueue_dma source(%arg13 : memref<40x128xf32, #tpu.memory_space<vmem>>) target(%dma_start3A_602 : memref<40x128xf32, #tpu.memory_space<vmem_shared>>) target_semaphore(%run_scoped3A : memref<!tpu.dma_semaphore, #tpu.memory_space<semaphore_mem>>)
      %dma_wait3A_603 = arith.constant 0 : i32
      %dma_wait3A_604 = tpu.memref_slice %arg5[%add3A_57, %dma_wait3A_603] : memref<10240x128xf32, #tpu.memory_space<vmem_shared>> -> memref<40x128xf32, #tpu.memory_space<vmem_shared>>
      %dma_wait3A_605 = arith.constant 0 : i32
      %dma_wait3A_606 = tpu.memref_slice %arg5[%add3A_57, %dma_wait3A_605] : memref<10240x128xf32, #tpu.memory_space<vmem_shared>> -> memref<40x128xf32, #tpu.memory_space<vmem_shared>>
      tpu.wait_dma2 semaphore(%run_scoped3A : memref<!tpu.dma_semaphore, #tpu.memory_space<semaphore_mem>>) src(%arg13 : memref<40x128xf32, #tpu.memory_space<vmem>>) dst(%dma_wait3A_606 : memref<40x128xf32, #tpu.memory_space<vmem_shared>>)
      tpu.yield
    }) : () -> ()
    %mul3A_58 = arith.constant 640 : i32
    %mul3A_59 = arith.muli %arg1, %mul3A_58 : i32
    %add3A_60 = arith.constant 520 : i32
    %add3A_61 = arith.addi %mul3A_59, %add3A_60 : i32
    "tpu.region"() ({
      %run_scoped3A = tpu.sem_alloc : memref<!tpu.dma_semaphore, #tpu.memory_space<semaphore_mem>>
      %dma_start3A_599 = arith.constant 0 : i32
      %dma_start3A_600 = tpu.memref_slice %arg5[%add3A_61, %dma_start3A_599] : memref<10240x128xf32, #tpu.memory_space<vmem_shared>> -> memref<40x128xf32, #tpu.memory_space<vmem_shared>>
      %dma_start3A_601 = arith.constant 0 : i32
      %dma_start3A_602 = tpu.memref_slice %arg5[%add3A_61, %dma_start3A_601] : memref<10240x128xf32, #tpu.memory_space<vmem_shared>> -> memref<40x128xf32, #tpu.memory_space<vmem_shared>>
      tpu.enqueue_dma source(%arg13 : memref<40x128xf32, #tpu.memory_space<vmem>>) target(%dma_start3A_602 : memref<40x128xf32, #tpu.memory_space<vmem_shared>>) target_semaphore(%run_scoped3A : memref<!tpu.dma_semaphore, #tpu.memory_space<semaphore_mem>>)
      %dma_wait3A_603 = arith.constant 0 : i32
      %dma_wait3A_604 = tpu.memref_slice %arg5[%add3A_61, %dma_wait3A_603] : memref<10240x128xf32, #tpu.memory_space<vmem_shared>> -> memref<40x128xf32, #tpu.memory_space<vmem_shared>>
      %dma_wait3A_605 = arith.constant 0 : i32
      %dma_wait3A_606 = tpu.memref_slice %arg5[%add3A_61, %dma_wait3A_605] : memref<10240x128xf32, #tpu.memory_space<vmem_shared>> -> memref<40x128xf32, #tpu.memory_space<vmem_shared>>
      tpu.wait_dma2 semaphore(%run_scoped3A : memref<!tpu.dma_semaphore, #tpu.memory_space<semaphore_mem>>) src(%arg13 : memref<40x128xf32, #tpu.memory_space<vmem>>) dst(%dma_wait3A_606 : memref<40x128xf32, #tpu.memory_space<vmem_shared>>)
      tpu.yield
    }) : () -> ()
    %mul3A_62 = arith.constant 640 : i32
    %mul3A_63 = arith.muli %arg1, %mul3A_62 : i32
    %add3A_64 = arith.constant 560 : i32
    %add3A_65 = arith.addi %mul3A_63, %add3A_64 : i32
    "tpu.region"() ({
      %run_scoped3A = tpu.sem_alloc : memref<!tpu.dma_semaphore, #tpu.memory_space<semaphore_mem>>
      %dma_start3A_599 = arith.constant 0 : i32
      %dma_start3A_600 = tpu.memref_slice %arg5[%add3A_65, %dma_start3A_599] : memref<10240x128xf32, #tpu.memory_space<vmem_shared>> -> memref<40x128xf32, #tpu.memory_space<vmem_shared>>
      %dma_start3A_601 = arith.constant 0 : i32
      %dma_start3A_602 = tpu.memref_slice %arg5[%add3A_65, %dma_start3A_601] : memref<10240x128xf32, #tpu.memory_space<vmem_shared>> -> memref<40x128xf32, #tpu.memory_space<vmem_shared>>
      tpu.enqueue_dma source(%arg13 : memref<40x128xf32, #tpu.memory_space<vmem>>) target(%dma_start3A_602 : memref<40x128xf32, #tpu.memory_space<vmem_shared>>) target_semaphore(%run_scoped3A : memref<!tpu.dma_semaphore, #tpu.memory_space<semaphore_mem>>)
      %dma_wait3A_603 = arith.constant 0 : i32
      %dma_wait3A_604 = tpu.memref_slice %arg5[%add3A_65, %dma_wait3A_603] : memref<10240x128xf32, #tpu.memory_space<vmem_shared>> -> memref<40x128xf32, #tpu.memory_space<vmem_shared>>
      %dma_wait3A_605 = arith.constant 0 : i32
      %dma_wait3A_606 = tpu.memref_slice %arg5[%add3A_65, %dma_wait3A_605] : memref<10240x128xf32, #tpu.memory_space<vmem_shared>> -> memref<40x128xf32, #tpu.memory_space<vmem_shared>>
      tpu.wait_dma2 semaphore(%run_scoped3A : memref<!tpu.dma_semaphore, #tpu.memory_space<semaphore_mem>>) src(%arg13 : memref<40x128xf32, #tpu.memory_space<vmem>>) dst(%dma_wait3A_606 : memref<40x128xf32, #tpu.memory_space<vmem_shared>>)
      tpu.yield
    }) : () -> ()
    %mul3A_66 = arith.constant 640 : i32
    %mul3A_67 = arith.muli %arg1, %mul3A_66 : i32
    %add3A_68 = arith.constant 600 : i32
    %add3A_69 = arith.addi %mul3A_67, %add3A_68 : i32
    "tpu.region"() ({
      %run_scoped3A = tpu.sem_alloc : memref<!tpu.dma_semaphore, #tpu.memory_space<semaphore_mem>>
      %dma_start3A_599 = arith.constant 0 : i32
      %dma_start3A_600 = tpu.memref_slice %arg5[%add3A_69, %dma_start3A_599] : memref<10240x128xf32, #tpu.memory_space<vmem_shared>> -> memref<40x128xf32, #tpu.memory_space<vmem_shared>>
      %dma_start3A_601 = arith.constant 0 : i32
      %dma_start3A_602 = tpu.memref_slice %arg5[%add3A_69, %dma_start3A_601] : memref<10240x128xf32, #tpu.memory_space<vmem_shared>> -> memref<40x128xf32, #tpu.memory_space<vmem_shared>>
      tpu.enqueue_dma source(%arg13 : memref<40x128xf32, #tpu.memory_space<vmem>>) target(%dma_start3A_602 : memref<40x128xf32, #tpu.memory_space<vmem_shared>>) target_semaphore(%run_scoped3A : memref<!tpu.dma_semaphore, #tpu.memory_space<semaphore_mem>>)
      %dma_wait3A_603 = arith.constant 0 : i32
      %dma_wait3A_604 = tpu.memref_slice %arg5[%add3A_69, %dma_wait3A_603] : memref<10240x128xf32, #tpu.memory_space<vmem_shared>> -> memref<40x128xf32, #tpu.memory_space<vmem_shared>>
      %dma_wait3A_605 = arith.constant 0 : i32
      %dma_wait3A_606 = tpu.memref_slice %arg5[%add3A_69, %dma_wait3A_605] : memref<10240x128xf32, #tpu.memory_space<vmem_shared>> -> memref<40x128xf32, #tpu.memory_space<vmem_shared>>
      tpu.wait_dma2 semaphore(%run_scoped3A : memref<!tpu.dma_semaphore, #tpu.memory_space<semaphore_mem>>) src(%arg13 : memref<40x128xf32, #tpu.memory_space<vmem>>) dst(%dma_wait3A_606 : memref<40x128xf32, #tpu.memory_space<vmem_shared>>)
      tpu.yield
    }) : () -> ()
    "tpu.region"() ({
      %run_scoped3A = tpu.sem_alloc : memref<!tpu.dma_semaphore, #tpu.memory_space<semaphore_mem>>
      %dma_start3A_599 = arith.constant 0 : i32
      %dma_start3A_600 = arith.constant 0 : i32
      %dma_start3A_601 = tpu.memref_slice %arg3[%add3A, %dma_start3A_599, %dma_start3A_600] : memref<32x250x40xi32, #tpu.memory_space<hbm>> -> memref<1x250x40xi32, #tpu.memory_space<hbm>>
      %dma_start3A_602 = tpu.memref_squeeze %dma_start3A_601 : memref<1x250x40xi32, #tpu.memory_space<hbm>> -> memref<250x40xi32, #tpu.memory_space<hbm>>
      %dma_start3A_603 = arith.constant 0 : i32
      %dma_start3A_604 = arith.constant 0 : i32
      %dma_start3A_605 = tpu.memref_slice %arg3[%add3A, %dma_start3A_603, %dma_start3A_604] : memref<32x250x40xi32, #tpu.memory_space<hbm>> -> memref<1x250x40xi32, #tpu.memory_space<hbm>>
      %dma_start3A_606 = tpu.memref_squeeze %dma_start3A_605 : memref<1x250x40xi32, #tpu.memory_space<hbm>> -> memref<250x40xi32, #tpu.memory_space<hbm>>
      tpu.enqueue_dma source(%dma_start3A_606 : memref<250x40xi32, #tpu.memory_space<hbm>>) target(%arg6 : memref<250x40xi32, #tpu.memory_space<vmem>>) target_semaphore(%run_scoped3A : memref<!tpu.dma_semaphore, #tpu.memory_space<semaphore_mem>>)
      %dma_wait3A_607 = arith.constant 0 : i32
      %dma_wait3A_608 = arith.constant 0 : i32
      %dma_wait3A_609 = tpu.memref_slice %arg3[%add3A, %dma_wait3A_607, %dma_wait3A_608] : memref<32x250x40xi32, #tpu.memory_space<hbm>> -> memref<1x250x40xi32, #tpu.memory_space<hbm>>
      %dma_wait3A_610 = tpu.memref_squeeze %dma_wait3A_609 : memref<1x250x40xi32, #tpu.memory_space<hbm>> -> memref<250x40xi32, #tpu.memory_space<hbm>>
      %dma_wait3A_611 = arith.constant 0 : i32
      %dma_wait3A_612 = arith.constant 0 : i32
      %dma_wait3A_613 = tpu.memref_slice %arg3[%add3A, %dma_wait3A_611, %dma_wait3A_612] : memref<32x250x40xi32, #tpu.memory_space<hbm>> -> memref<1x250x40xi32, #tpu.memory_space<hbm>>
      %dma_wait3A_614 = tpu.memref_squeeze %dma_wait3A_613 : memref<1x250x40xi32, #tpu.memory_space<hbm>> -> memref<250x40xi32, #tpu.memory_space<hbm>>
      tpu.wait_dma2 semaphore(%run_scoped3A : memref<!tpu.dma_semaphore, #tpu.memory_space<semaphore_mem>>) src(%dma_wait3A_614 : memref<250x40xi32, #tpu.memory_space<hbm>>) dst(%arg6 : memref<250x40xi32, #tpu.memory_space<vmem>>)
      tpu.yield
    }) : () -> ()
    %barrier3A = arith.constant 0 : index
    tpu.barrier barrier_id(%barrier3A)
    %get3A = arith.constant 0 : i32
    %get3A_70 = arith.index_cast %get3A : i32 to index
    %get3A_71 = arith.constant 0 : index
    %get3A_72 = tpu.vector_load %arg6[%get3A_70, %get3A_71] {strides = array<i32>} : memref<250x40xi32, #tpu.memory_space<vmem>>, vector<1x16xi32>,
    %get3A_73 = vector.shape_cast %get3A_72 : vector<1x16xi32> to vector<16xi32>
    %and3A = arith.constant 65535 : i32
    %and3A_74 = vector.broadcast %and3A : i32 to vector<16xi32>
    %and3A_75 = arith.andi %get3A_73, %and3A_74 : vector<16xi32>
    %swap3A = arith.constant 0 : index
    %swap3A_76 = tpu.vector_load %arg7[%swap3A] {strides = array<i32>} : memref<40xi32, #tpu.memory_space<vmem>>, vector<16xi32>,
    %swap3A_77 = vector.shape_cast %swap3A_76 : vector<16xi32> to vector<16xi32>
    %swap3A_78 = vector.shape_cast %and3A_75 : vector<16xi32> to vector<16xi32>
    tpu.vector_store %arg7[%swap3A], %swap3A_78 {strides = array<i32>} : memref<40xi32, #tpu.memory_space<vmem>>, vector<16xi32>,
    %shift_right_logical3A = arith.constant 16 : i32
    %shift_right_logical3A_79 = vector.broadcast %shift_right_logical3A : i32 to vector<16xi32>
    %shift_right_logical3A_80 = arith.shrui %get3A_73, %shift_right_logical3A_79 : vector<16xi32>
    %swap3A_81 = arith.constant 0 : index
    %swap3A_82 = tpu.vector_load %arg10[%swap3A_81] {strides = array<i32>} : memref<40xi32, #tpu.memory_space<vmem>>, vector<16xi32>,
    %swap3A_83 = vector.shape_cast %swap3A_82 : vector<16xi32> to vector<16xi32>
    %swap3A_84 = vector.shape_cast %shift_right_logical3A_80 : vector<16xi32> to vector<16xi32>
    tpu.vector_store %arg10[%swap3A_81], %swap3A_84 {strides = array<i32>} : memref<40xi32, #tpu.memory_space<vmem>>, vector<16xi32>,
    %get3A_85 = arith.constant 0 : i32
    %get3A_86 = arith.index_cast %get3A_85 : i32 to index
    %get3A_87 = arith.constant 16 : index
    %get3A_88 = tpu.vector_load %arg6[%get3A_86, %get3A_87] {strides = array<i32>} : memref<250x40xi32, #tpu.memory_space<vmem>>, vector<1x16xi32>,
    %get3A_89 = vector.shape_cast %get3A_88 : vector<1x16xi32> to vector<16xi32>
    %and3A_90 = arith.constant 65535 : i32
    %and3A_91 = vector.broadcast %and3A_90 : i32 to vector<16xi32>
    %and3A_92 = arith.andi %get3A_89, %and3A_91 : vector<16xi32>
    %swap3A_93 = arith.constant 16 : index
    %swap3A_94 = tpu.vector_load %arg7[%swap3A_93] {strides = array<i32>} : memref<40xi32, #tpu.memory_space<vmem>>, vector<16xi32>,
    %swap3A_95 = vector.shape_cast %swap3A_94 : vector<16xi32> to vector<16xi32>
    %swap3A_96 = vector.shape_cast %and3A_92 : vector<16xi32> to vector<16xi32>
    tpu.vector_store %arg7[%swap3A_93], %swap3A_96 {strides = array<i32>} : memref<40xi32, #tpu.memory_space<vmem>>, vector<16xi32>,
    %shift_right_logical3A_97 = arith.constant 16 : i32
    %shift_right_logical3A_98 = vector.broadcast %shift_right_logical3A_97 : i32 to vector<16xi32>
    %shift_right_logical3A_99 = arith.shrui %get3A_89, %shift_right_logical3A_98 : vector<16xi32>
    %swap3A_100 = arith.constant 16 : index
    %swap3A_101 = tpu.vector_load %arg10[%swap3A_100] {strides = array<i32>} : memref<40xi32, #tpu.memory_space<vmem>>, vector<16xi32>,
    %swap3A_102 = vector.shape_cast %swap3A_101 : vector<16xi32> to vector<16xi32>
    %swap3A_103 = vector.shape_cast %shift_right_logical3A_99 : vector<16xi32> to vector<16xi32>
    tpu.vector_store %arg10[%swap3A_100], %swap3A_103 {strides = array<i32>} : memref<40xi32, #tpu.memory_space<vmem>>, vector<16xi32>,
    %get3A_104 = arith.constant 0 : i32
    %get3A_105 = arith.index_cast %get3A_104 : i32 to index
    %get3A_106 = arith.constant 24 : index
    %get3A_107 = tpu.vector_load %arg6[%get3A_105, %get3A_106] {strides = array<i32>} : memref<250x40xi32, #tpu.memory_space<vmem>>, vector<1x16xi32>,
    %get3A_108 = vector.shape_cast %get3A_107 : vector<1x16xi32> to vector<16xi32>
    %and3A_109 = arith.constant 65535 : i32
    %and3A_110 = vector.broadcast %and3A_109 : i32 to vector<16xi32>
    %and3A_111 = arith.andi %get3A_108, %and3A_110 : vector<16xi32>
    %swap3A_112 = arith.constant 24 : index
    %swap3A_113 = tpu.vector_load %arg7[%swap3A_112] {strides = array<i32>} : memref<40xi32, #tpu.memory_space<vmem>>, vector<16xi32>,
    %swap3A_114 = vector.shape_cast %swap3A_113 : vector<16xi32> to vector<16xi32>
    %swap3A_115 = vector.shape_cast %and3A_111 : vector<16xi32> to vector<16xi32>
    tpu.vector_store %arg7[%swap3A_112], %swap3A_115 {strides = array<i32>} : memref<40xi32, #tpu.memory_space<vmem>>, vector<16xi32>,
    %shift_right_logical3A_116 = arith.constant 16 : i32
    %shift_right_logical3A_117 = vector.broadcast %shift_right_logical3A_116 : i32 to vector<16xi32>
    %shift_right_logical3A_118 = arith.shrui %get3A_108, %shift_right_logical3A_117 : vector<16xi32>
    %swap3A_119 = arith.constant 24 : index
    %swap3A_120 = tpu.vector_load %arg10[%swap3A_119] {strides = array<i32>} : memref<40xi32, #tpu.memory_space<vmem>>, vector<16xi32>,
    %swap3A_121 = vector.shape_cast %swap3A_120 : vector<16xi32> to vector<16xi32>
    %swap3A_122 = vector.shape_cast %shift_right_logical3A_118 : vector<16xi32> to vector<16xi32>
    tpu.vector_store %arg10[%swap3A_119], %swap3A_122 {strides = array<i32>} : memref<40xi32, #tpu.memory_space<vmem>>, vector<16xi32>,
    %dma_start3A = arith.constant 0 : i32
    %dma_start3A_123 = arith.constant 0 : i32
    %dma_start3A_124 = tpu.memref_slice %arg2[%dma_start3A, %dma_start3A_123] : memref<10000x128xf32, #tpu.memory_space<hbm>> -> memref<10000x128xf32, #tpu.memory_space<hbm>>
    tpu.enqueue_indirect_dma source(%dma_start3A_124 : memref<10000x128xf32, #tpu.memory_space<hbm>>) target(%arg13 : memref<40x128xf32, #tpu.memory_space<vmem>>) offsets(%arg7 : memref<40xi32, #tpu.memory_space<vmem>>) semaphore(%arg16 : memref<!tpu.dma_semaphore, #tpu.memory_space<semaphore_mem>>)
    %get3A_125 = arith.constant 1 : i32
    %get3A_126 = arith.index_cast %get3A_125 : i32 to index
    %get3A_127 = arith.constant 0 : index
    %get3A_128 = tpu.vector_load %arg6[%get3A_126, %get3A_127] {strides = array<i32>} : memref<250x40xi32, #tpu.memory_space<vmem>>, vector<1x16xi32>,
    %get3A_129 = vector.shape_cast %get3A_128 : vector<1x16xi32> to vector<16xi32>
    %and3A_130 = arith.constant 65535 : i32
    %and3A_131 = vector.broadcast %and3A_130 : i32 to vector<16xi32>
    %and3A_132 = arith.andi %get3A_129, %and3A_131 : vector<16xi32>
    %swap3A_133 = arith.constant 0 : index
    %swap3A_134 = tpu.vector_load %arg8[%swap3A_133] {strides = array<i32>} : memref<40xi32, #tpu.memory_space<vmem>>, vector<16xi32>,
    %swap3A_135 = vector.shape_cast %swap3A_134 : vector<16xi32> to vector<16xi32>
    %swap3A_136 = vector.shape_cast %and3A_132 : vector<16xi32> to vector<16xi32>
    tpu.vector_store %arg8[%swap3A_133], %swap3A_136 {strides = array<i32>} : memref<40xi32, #tpu.memory_space<vmem>>, vector<16xi32>,
    %shift_right_logical3A_137 = arith.constant 16 : i32
    %shift_right_logical3A_138 = vector.broadcast %shift_right_logical3A_137 : i32 to vector<16xi32>
    %shift_right_logical3A_139 = arith.shrui %get3A_129, %shift_right_logical3A_138 : vector<16xi32>
    %swap3A_140 = arith.constant 0 : index
    %swap3A_141 = tpu.vector_load %arg11[%swap3A_140] {strides = array<i32>} : memref<40xi32, #tpu.memory_space<vmem>>, vector<16xi32>,
    %swap3A_142 = vector.shape_cast %swap3A_141 : vector<16xi32> to vector<16xi32>
    %swap3A_143 = vector.shape_cast %shift_right_logical3A_139 : vector<16xi32> to vector<16xi32>
    tpu.vector_store %arg11[%swap3A_140], %swap3A_143 {strides = array<i32>} : memref<40xi32, #tpu.memory_space<vmem>>, vector<16xi32>,
    %get3A_144 = arith.constant 1 : i32
    %get3A_145 = arith.index_cast %get3A_144 : i32 to index
    %get3A_146 = arith.constant 16 : index
    %get3A_147 = tpu.vector_load %arg6[%get3A_145, %get3A_146] {strides = array<i32>} : memref<250x40xi32, #tpu.memory_space<vmem>>, vector<1x16xi32>,
    %get3A_148 = vector.shape_cast %get3A_147 : vector<1x16xi32> to vector<16xi32>
    %and3A_149 = arith.constant 65535 : i32
    %and3A_150 = vector.broadcast %and3A_149 : i32 to vector<16xi32>
    %and3A_151 = arith.andi %get3A_148, %and3A_150 : vector<16xi32>
    %swap3A_152 = arith.constant 16 : index
    %swap3A_153 = tpu.vector_load %arg8[%swap3A_152] {strides = array<i32>} : memref<40xi32, #tpu.memory_space<vmem>>, vector<16xi32>,
    %swap3A_154 = vector.shape_cast %swap3A_153 : vector<16xi32> to vector<16xi32>
    %swap3A_155 = vector.shape_cast %and3A_151 : vector<16xi32> to vector<16xi32>
    tpu.vector_store %arg8[%swap3A_152], %swap3A_155 {strides = array<i32>} : memref<40xi32, #tpu.memory_space<vmem>>, vector<16xi32>,
    %shift_right_logical3A_156 = arith.constant 16 : i32
    %shift_right_logical3A_157 = vector.broadcast %shift_right_logical3A_156 : i32 to vector<16xi32>
    %shift_right_logical3A_158 = arith.shrui %get3A_148, %shift_right_logical3A_157 : vector<16xi32>
    %swap3A_159 = arith.constant 16 : index
    %swap3A_160 = tpu.vector_load %arg11[%swap3A_159] {strides = array<i32>} : memref<40xi32, #tpu.memory_space<vmem>>, vector<16xi32>,
    %swap3A_161 = vector.shape_cast %swap3A_160 : vector<16xi32> to vector<16xi32>
    %swap3A_162 = vector.shape_cast %shift_right_logical3A_158 : vector<16xi32> to vector<16xi32>
    tpu.vector_store %arg11[%swap3A_159], %swap3A_162 {strides = array<i32>} : memref<40xi32, #tpu.memory_space<vmem>>, vector<16xi32>,
    %get3A_163 = arith.constant 1 : i32
    %get3A_164 = arith.index_cast %get3A_163 : i32 to index
    %get3A_165 = arith.constant 24 : index
    %get3A_166 = tpu.vector_load %arg6[%get3A_164, %get3A_165] {strides = array<i32>} : memref<250x40xi32, #tpu.memory_space<vmem>>, vector<1x16xi32>,
    %get3A_167 = vector.shape_cast %get3A_166 : vector<1x16xi32> to vector<16xi32>
    %and3A_168 = arith.constant 65535 : i32
    %and3A_169 = vector.broadcast %and3A_168 : i32 to vector<16xi32>
    %and3A_170 = arith.andi %get3A_167, %and3A_169 : vector<16xi32>
    %swap3A_171 = arith.constant 24 : index
    %swap3A_172 = tpu.vector_load %arg8[%swap3A_171] {strides = array<i32>} : memref<40xi32, #tpu.memory_space<vmem>>, vector<16xi32>,
    %swap3A_173 = vector.shape_cast %swap3A_172 : vector<16xi32> to vector<16xi32>
    %swap3A_174 = vector.shape_cast %and3A_170 : vector<16xi32> to vector<16xi32>
    tpu.vector_store %arg8[%swap3A_171], %swap3A_174 {strides = array<i32>} : memref<40xi32, #tpu.memory_space<vmem>>, vector<16xi32>,
    %shift_right_logical3A_175 = arith.constant 16 : i32
    %shift_right_logical3A_176 = vector.broadcast %shift_right_logical3A_175 : i32 to vector<16xi32>
    %shift_right_logical3A_177 = arith.shrui %get3A_167, %shift_right_logical3A_176 : vector<16xi32>
    %swap3A_178 = arith.constant 24 : index
    %swap3A_179 = tpu.vector_load %arg11[%swap3A_178] {strides = array<i32>} : memref<40xi32, #tpu.memory_space<vmem>>, vector<16xi32>,
    %swap3A_180 = vector.shape_cast %swap3A_179 : vector<16xi32> to vector<16xi32>
    %swap3A_181 = vector.shape_cast %shift_right_logical3A_177 : vector<16xi32> to vector<16xi32>
    tpu.vector_store %arg11[%swap3A_178], %swap3A_181 {strides = array<i32>} : memref<40xi32, #tpu.memory_space<vmem>>, vector<16xi32>,
    %dma_start3A_182 = arith.constant 0 : i32
    %dma_start3A_183 = arith.constant 0 : i32
    %dma_start3A_184 = tpu.memref_slice %arg2[%dma_start3A_182, %dma_start3A_183] : memref<10000x128xf32, #tpu.memory_space<hbm>> -> memref<10000x128xf32, #tpu.memory_space<hbm>>
    tpu.enqueue_indirect_dma source(%dma_start3A_184 : memref<10000x128xf32, #tpu.memory_space<hbm>>) target(%arg14 : memref<40x128xf32, #tpu.memory_space<vmem>>) offsets(%arg8 : memref<40xi32, #tpu.memory_space<vmem>>) semaphore(%arg17 : memref<!tpu.dma_semaphore, #tpu.memory_space<semaphore_mem>>)
    %dma_wait3A = arith.constant 0 : i32
    %dma_wait3A_185 = arith.constant 0 : i32
    %dma_wait3A_186 = tpu.memref_slice %arg2[%dma_wait3A, %dma_wait3A_185] : memref<10000x128xf32, #tpu.memory_space<hbm>> -> memref<40x128xf32, #tpu.memory_space<hbm>>
    %dma_wait3A_187 = arith.constant 0 : i32
    %dma_wait3A_188 = arith.constant 0 : i32
    %dma_wait3A_189 = tpu.memref_slice %arg2[%dma_wait3A_187, %dma_wait3A_188] : memref<10000x128xf32, #tpu.memory_space<hbm>> -> memref<40x128xf32, #tpu.memory_space<hbm>>
    tpu.wait_dma2 semaphore(%arg16 : memref<!tpu.dma_semaphore, #tpu.memory_space<semaphore_mem>>) src(%dma_wait3A_189 : memref<40x128xf32, #tpu.memory_space<hbm>>) dst(%arg13 : memref<40x128xf32, #tpu.memory_space<vmem>>)
    %dma_start3A_190 = arith.constant 0 : i32
    %dma_start3A_191 = arith.constant 0 : i32
    %dma_start3A_192 = tpu.memref_slice %arg5[%dma_start3A_190, %dma_start3A_191] : memref<10240x128xf32, #tpu.memory_space<vmem_shared>> -> memref<10240x128xf32, #tpu.memory_space<vmem_shared>>
    tpu.enqueue_indirect_dma source(%arg13 : memref<40x128xf32, #tpu.memory_space<vmem>>) target(%dma_start3A_192 : memref<10240x128xf32, #tpu.memory_space<vmem_shared>>) offsets(%arg10 : memref<40xi32, #tpu.memory_space<vmem>>) semaphore(%arg19 : memref<!tpu.dma_semaphore, #tpu.memory_space<semaphore_mem>>) {add = true}
    %get3A_193 = arith.constant 2 : i32
    %get3A_194 = arith.index_cast %get3A_193 : i32 to index
    %get3A_195 = arith.constant 0 : index
    %get3A_196 = tpu.vector_load %arg6[%get3A_194, %get3A_195] {strides = array<i32>} : memref<250x40xi32, #tpu.memory_space<vmem>>, vector<1x16xi32>,
    %get3A_197 = vector.shape_cast %get3A_196 : vector<1x16xi32> to vector<16xi32>
    %and3A_198 = arith.constant 65535 : i32
    %and3A_199 = vector.broadcast %and3A_198 : i32 to vector<16xi32>
    %and3A_200 = arith.andi %get3A_197, %and3A_199 : vector<16xi32>
    %swap3A_201 = arith.constant 0 : index
    %swap3A_202 = tpu.vector_load %arg9[%swap3A_201] {strides = array<i32>} : memref<40xi32, #tpu.memory_space<vmem>>, vector<16xi32>,
    %swap3A_203 = vector.shape_cast %swap3A_202 : vector<16xi32> to vector<16xi32>
    %swap3A_204 = vector.shape_cast %and3A_200 : vector<16xi32> to vector<16xi32>
    tpu.vector_store %arg9[%swap3A_201], %swap3A_204 {strides = array<i32>} : memref<40xi32, #tpu.memory_space<vmem>>, vector<16xi32>,
    %shift_right_logical3A_205 = arith.constant 16 : i32
    %shift_right_logical3A_206 = vector.broadcast %shift_right_logical3A_205 : i32 to vector<16xi32>
    %shift_right_logical3A_207 = arith.shrui %get3A_197, %shift_right_logical3A_206 : vector<16xi32>
    %swap3A_208 = arith.constant 0 : index
    %swap3A_209 = tpu.vector_load %arg12[%swap3A_208] {strides = array<i32>} : memref<40xi32, #tpu.memory_space<vmem>>, vector<16xi32>,
    %swap3A_210 = vector.shape_cast %swap3A_209 : vector<16xi32> to vector<16xi32>
    %swap3A_211 = vector.shape_cast %shift_right_logical3A_207 : vector<16xi32> to vector<16xi32>
    tpu.vector_store %arg12[%swap3A_208], %swap3A_211 {strides = array<i32>} : memref<40xi32, #tpu.memory_space<vmem>>, vector<16xi32>,
    %get3A_212 = arith.constant 2 : i32
    %get3A_213 = arith.index_cast %get3A_212 : i32 to index
    %get3A_214 = arith.constant 16 : index
    %get3A_215 = tpu.vector_load %arg6[%get3A_213, %get3A_214] {strides = array<i32>} : memref<250x40xi32, #tpu.memory_space<vmem>>, vector<1x16xi32>,
    %get3A_216 = vector.shape_cast %get3A_215 : vector<1x16xi32> to vector<16xi32>
    %and3A_217 = arith.constant 65535 : i32
    %and3A_218 = vector.broadcast %and3A_217 : i32 to vector<16xi32>
    %and3A_219 = arith.andi %get3A_216, %and3A_218 : vector<16xi32>
    %swap3A_220 = arith.constant 16 : index
    %swap3A_221 = tpu.vector_load %arg9[%swap3A_220] {strides = array<i32>} : memref<40xi32, #tpu.memory_space<vmem>>, vector<16xi32>,
    %swap3A_222 = vector.shape_cast %swap3A_221 : vector<16xi32> to vector<16xi32>
    %swap3A_223 = vector.shape_cast %and3A_219 : vector<16xi32> to vector<16xi32>
    tpu.vector_store %arg9[%swap3A_220], %swap3A_223 {strides = array<i32>} : memref<40xi32, #tpu.memory_space<vmem>>, vector<16xi32>,
    %shift_right_logical3A_224 = arith.constant 16 : i32
    %shift_right_logical3A_225 = vector.broadcast %shift_right_logical3A_224 : i32 to vector<16xi32>
    %shift_right_logical3A_226 = arith.shrui %get3A_216, %shift_right_logical3A_225 : vector<16xi32>
    %swap3A_227 = arith.constant 16 : index
    %swap3A_228 = tpu.vector_load %arg12[%swap3A_227] {strides = array<i32>} : memref<40xi32, #tpu.memory_space<vmem>>, vector<16xi32>,
    %swap3A_229 = vector.shape_cast %swap3A_228 : vector<16xi32> to vector<16xi32>
    %swap3A_230 = vector.shape_cast %shift_right_logical3A_226 : vector<16xi32> to vector<16xi32>
    tpu.vector_store %arg12[%swap3A_227], %swap3A_230 {strides = array<i32>} : memref<40xi32, #tpu.memory_space<vmem>>, vector<16xi32>,
    %get3A_231 = arith.constant 2 : i32
    %get3A_232 = arith.index_cast %get3A_231 : i32 to index
    %get3A_233 = arith.constant 24 : index
    %get3A_234 = tpu.vector_load %arg6[%get3A_232, %get3A_233] {strides = array<i32>} : memref<250x40xi32, #tpu.memory_space<vmem>>, vector<1x16xi32>,
    %get3A_235 = vector.shape_cast %get3A_234 : vector<1x16xi32> to vector<16xi32>
    %and3A_236 = arith.constant 65535 : i32
    %and3A_237 = vector.broadcast %and3A_236 : i32 to vector<16xi32>
    %and3A_238 = arith.andi %get3A_235, %and3A_237 : vector<16xi32>
    %swap3A_239 = arith.constant 24 : index
    %swap3A_240 = tpu.vector_load %arg9[%swap3A_239] {strides = array<i32>} : memref<40xi32, #tpu.memory_space<vmem>>, vector<16xi32>,
    %swap3A_241 = vector.shape_cast %swap3A_240 : vector<16xi32> to vector<16xi32>
    %swap3A_242 = vector.shape_cast %and3A_238 : vector<16xi32> to vector<16xi32>
    tpu.vector_store %arg9[%swap3A_239], %swap3A_242 {strides = array<i32>} : memref<40xi32, #tpu.memory_space<vmem>>, vector<16xi32>,
    %shift_right_logical3A_243 = arith.constant 16 : i32
    %shift_right_logical3A_244 = vector.broadcast %shift_right_logical3A_243 : i32 to vector<16xi32>
    %shift_right_logical3A_245 = arith.shrui %get3A_235, %shift_right_logical3A_244 : vector<16xi32>
    %swap3A_246 = arith.constant 24 : index
    %swap3A_247 = tpu.vector_load %arg12[%swap3A_246] {strides = array<i32>} : memref<40xi32, #tpu.memory_space<vmem>>, vector<16xi32>,
    %swap3A_248 = vector.shape_cast %swap3A_247 : vector<16xi32> to vector<16xi32>
    %swap3A_249 = vector.shape_cast %shift_right_logical3A_245 : vector<16xi32> to vector<16xi32>
    tpu.vector_store %arg12[%swap3A_246], %swap3A_249 {strides = array<i32>} : memref<40xi32, #tpu.memory_space<vmem>>, vector<16xi32>,
    %dma_start3A_250 = arith.constant 0 : i32
    %dma_start3A_251 = arith.constant 0 : i32
    %dma_start3A_252 = tpu.memref_slice %arg2[%dma_start3A_250, %dma_start3A_251] : memref<10000x128xf32, #tpu.memory_space<hbm>> -> memref<10000x128xf32, #tpu.memory_space<hbm>>
    tpu.enqueue_indirect_dma source(%dma_start3A_252 : memref<10000x128xf32, #tpu.memory_space<hbm>>) target(%arg15 : memref<40x128xf32, #tpu.memory_space<vmem>>) offsets(%arg9 : memref<40xi32, #tpu.memory_space<vmem>>) semaphore(%arg18 : memref<!tpu.dma_semaphore, #tpu.memory_space<semaphore_mem>>)
    %scan3A_253 = arith.constant 0 : i32
    %scan3A_254 = arith.constant 81 : i32
    %scan3A_255 = arith.addi %scan3A_253, %scan3A_254 : i32
    %scan3A_256 = arith.constant 1 : i32
    scf.for %scan3A_599 = %scan3A_253 to %scan3A_255 step %scan3A_256  : i32 {
      %mul3A_600 = arith.constant 1 : i32
      %mul3A_601 = arith.muli %scan3A_599, %mul3A_600 : i32
      %add3A_602 = arith.constant 0 : i32
      %add3A_603 = arith.addi %add3A_602, %mul3A_601 : i32
      %mul3A_604 = arith.constant 3 : i32
      %mul3A_605 = arith.muli %mul3A_604, %add3A_603 : i32
      %add3A_606 = arith.constant 1 : i32
      %add3A_607 = arith.addi %mul3A_605, %add3A_606 : i32
      %add3A_608 = arith.constant 0 : i32
      %add3A_609 = arith.addi %add3A_607, %add3A_608 : i32
      %dma_wait3A_610 = arith.constant 0 : i32
      %dma_wait3A_611 = arith.constant 0 : i32
      %dma_wait3A_612 = tpu.memref_slice %arg2[%dma_wait3A_610, %dma_wait3A_611] : memref<10000x128xf32, #tpu.memory_space<hbm>> -> memref<40x128xf32, #tpu.memory_space<hbm>>
      %dma_wait3A_613 = arith.constant 0 : i32
      %dma_wait3A_614 = arith.constant 0 : i32
      %dma_wait3A_615 = tpu.memref_slice %arg2[%dma_wait3A_613, %dma_wait3A_614] : memref<10000x128xf32, #tpu.memory_space<hbm>> -> memref<40x128xf32, #tpu.memory_space<hbm>>
      tpu.wait_dma2 semaphore(%arg17 : memref<!tpu.dma_semaphore, #tpu.memory_space<semaphore_mem>>) src(%dma_wait3A_615 : memref<40x128xf32, #tpu.memory_space<hbm>>) dst(%arg14 : memref<40x128xf32, #tpu.memory_space<vmem>>)
      %dma_start3A_616 = arith.constant 0 : i32
      %dma_start3A_617 = arith.constant 0 : i32
      %dma_start3A_618 = tpu.memref_slice %arg5[%dma_start3A_616, %dma_start3A_617] : memref<10240x128xf32, #tpu.memory_space<vmem_shared>> -> memref<10240x128xf32, #tpu.memory_space<vmem_shared>>
      tpu.enqueue_indirect_dma source(%arg14 : memref<40x128xf32, #tpu.memory_space<vmem>>) target(%dma_start3A_618 : memref<10240x128xf32, #tpu.memory_space<vmem_shared>>) offsets(%arg11 : memref<40xi32, #tpu.memory_space<vmem>>) semaphore(%arg20 : memref<!tpu.dma_semaphore, #tpu.memory_space<semaphore_mem>>) {add = true}
      %dma_wait3A_619 = arith.constant 0 : i32
      %dma_wait3A_620 = arith.constant 0 : i32
      %dma_wait3A_621 = tpu.memref_slice %arg2[%dma_wait3A_619, %dma_wait3A_620] : memref<10000x128xf32, #tpu.memory_space<hbm>> -> memref<40x128xf32, #tpu.memory_space<hbm>>
      %dma_wait3A_622 = arith.constant 0 : i32
      %dma_wait3A_623 = arith.constant 0 : i32
      %dma_wait3A_624 = tpu.memref_slice %arg2[%dma_wait3A_622, %dma_wait3A_623] : memref<10000x128xf32, #tpu.memory_space<hbm>> -> memref<40x128xf32, #tpu.memory_space<hbm>>
      tpu.wait_dma2 semaphore(%arg19 : memref<!tpu.dma_semaphore, #tpu.memory_space<semaphore_mem>>) src(%dma_wait3A_624 : memref<40x128xf32, #tpu.memory_space<hbm>>) dst(%arg13 : memref<40x128xf32, #tpu.memory_space<vmem>>)
      %add3A_625 = arith.constant 2 : i32
      %add3A_626 = arith.addi %add3A_609, %add3A_625 : i32
      %get3A_627 = arith.index_cast %add3A_626 : i32 to index
      %get3A_628 = arith.constant 0 : index
      %get3A_629 = tpu.vector_load %arg6[%get3A_627, %get3A_628] {strides = array<i32>} : memref<250x40xi32, #tpu.memory_space<vmem>>, vector<1x16xi32>,
      %get3A_630 = vector.shape_cast %get3A_629 : vector<1x16xi32> to vector<16xi32>
      %and3A_631 = arith.constant 65535 : i32
      %and3A_632 = vector.broadcast %and3A_631 : i32 to vector<16xi32>
      %and3A_633 = arith.andi %get3A_630, %and3A_632 : vector<16xi32>
      %swap3A_634 = arith.constant 0 : index
      %swap3A_635 = tpu.vector_load %arg7[%swap3A_634] {strides = array<i32>} : memref<40xi32, #tpu.memory_space<vmem>>, vector<16xi32>,
      %swap3A_636 = vector.shape_cast %swap3A_635 : vector<16xi32> to vector<16xi32>
      %swap3A_637 = vector.shape_cast %and3A_633 : vector<16xi32> to vector<16xi32>
      tpu.vector_store %arg7[%swap3A_634], %swap3A_637 {strides = array<i32>} : memref<40xi32, #tpu.memory_space<vmem>>, vector<16xi32>,
      %shift_right_logical3A_638 = arith.constant 16 : i32
      %shift_right_logical3A_639 = vector.broadcast %shift_right_logical3A_638 : i32 to vector<16xi32>
      %shift_right_logical3A_640 = arith.shrui %get3A_630, %shift_right_logical3A_639 : vector<16xi32>
      %swap3A_641 = arith.constant 0 : index
      %swap3A_642 = tpu.vector_load %arg10[%swap3A_641] {strides = array<i32>} : memref<40xi32, #tpu.memory_space<vmem>>, vector<16xi32>,
      %swap3A_643 = vector.shape_cast %swap3A_642 : vector<16xi32> to vector<16xi32>
      %swap3A_644 = vector.shape_cast %shift_right_logical3A_640 : vector<16xi32> to vector<16xi32>
      tpu.vector_store %arg10[%swap3A_641], %swap3A_644 {strides = array<i32>} : memref<40xi32, #tpu.memory_space<vmem>>, vector<16xi32>,
      %get3A_645 = arith.index_cast %add3A_626 : i32 to index
      %get3A_646 = arith.constant 16 : index
      %get3A_647 = tpu.vector_load %arg6[%get3A_645, %get3A_646] {strides = array<i32>} : memref<250x40xi32, #tpu.memory_space<vmem>>, vector<1x16xi32>,
      %get3A_648 = vector.shape_cast %get3A_647 : vector<1x16xi32> to vector<16xi32>
      %and3A_649 = arith.constant 65535 : i32
      %and3A_650 = vector.broadcast %and3A_649 : i32 to vector<16xi32>
      %and3A_651 = arith.andi %get3A_648, %and3A_650 : vector<16xi32>
      %swap3A_652 = arith.constant 16 : index
      %swap3A_653 = tpu.vector_load %arg7[%swap3A_652] {strides = array<i32>} : memref<40xi32, #tpu.memory_space<vmem>>, vector<16xi32>,
      %swap3A_654 = vector.shape_cast %swap3A_653 : vector<16xi32> to vector<16xi32>
      %swap3A_655 = vector.shape_cast %and3A_651 : vector<16xi32> to vector<16xi32>
      tpu.vector_store %arg7[%swap3A_652], %swap3A_655 {strides = array<i32>} : memref<40xi32, #tpu.memory_space<vmem>>, vector<16xi32>,
      %shift_right_logical3A_656 = arith.constant 16 : i32
      %shift_right_logical3A_657 = vector.broadcast %shift_right_logical3A_656 : i32 to vector<16xi32>
      %shift_right_logical3A_658 = arith.shrui %get3A_648, %shift_right_logical3A_657 : vector<16xi32>
      %swap3A_659 = arith.constant 16 : index
      %swap3A_660 = tpu.vector_load %arg10[%swap3A_659] {strides = array<i32>} : memref<40xi32, #tpu.memory_space<vmem>>, vector<16xi32>,
      %swap3A_661 = vector.shape_cast %swap3A_660 : vector<16xi32> to vector<16xi32>
      %swap3A_662 = vector.shape_cast %shift_right_logical3A_658 : vector<16xi32> to vector<16xi32>
      tpu.vector_store %arg10[%swap3A_659], %swap3A_662 {strides = array<i32>} : memref<40xi32, #tpu.memory_space<vmem>>, vector<16xi32>,
      %get3A_663 = arith.index_cast %add3A_626 : i32 to index
      %get3A_664 = arith.constant 24 : index
      %get3A_665 = tpu.vector_load %arg6[%get3A_663, %get3A_664] {strides = array<i32>} : memref<250x40xi32, #tpu.memory_space<vmem>>, vector<1x16xi32>,
      %get3A_666 = vector.shape_cast %get3A_665 : vector<1x16xi32> to vector<16xi32>
      %and3A_667 = arith.constant 65535 : i32
      %and3A_668 = vector.broadcast %and3A_667 : i32 to vector<16xi32>
      %and3A_669 = arith.andi %get3A_666, %and3A_668 : vector<16xi32>
      %swap3A_670 = arith.constant 24 : index
      %swap3A_671 = tpu.vector_load %arg7[%swap3A_670] {strides = array<i32>} : memref<40xi32, #tpu.memory_space<vmem>>, vector<16xi32>,
      %swap3A_672 = vector.shape_cast %swap3A_671 : vector<16xi32> to vector<16xi32>
      %swap3A_673 = vector.shape_cast %and3A_669 : vector<16xi32> to vector<16xi32>
      tpu.vector_store %arg7[%swap3A_670], %swap3A_673 {strides = array<i32>} : memref<40xi32, #tpu.memory_space<vmem>>, vector<16xi32>,
      %shift_right_logical3A_674 = arith.constant 16 : i32
      %shift_right_logical3A_675 = vector.broadcast %shift_right_logical3A_674 : i32 to vector<16xi32>
      %shift_right_logical3A_676 = arith.shrui %get3A_666, %shift_right_logical3A_675 : vector<16xi32>
      %swap3A_677 = arith.constant 24 : index
      %swap3A_678 = tpu.vector_load %arg10[%swap3A_677] {strides = array<i32>} : memref<40xi32, #tpu.memory_space<vmem>>, vector<16xi32>,
      %swap3A_679 = vector.shape_cast %swap3A_678 : vector<16xi32> to vector<16xi32>
      %swap3A_680 = vector.shape_cast %shift_right_logical3A_676 : vector<16xi32> to vector<16xi32>
      tpu.vector_store %arg10[%swap3A_677], %swap3A_680 {strides = array<i32>} : memref<40xi32, #tpu.memory_space<vmem>>, vector<16xi32>,
      %dma_start3A_681 = arith.constant 0 : i32
      %dma_start3A_682 = arith.constant 0 : i32
      %dma_start3A_683 = tpu.memref_slice %arg2[%dma_start3A_681, %dma_start3A_682] : memref<10000x128xf32, #tpu.memory_space<hbm>> -> memref<10000x128xf32, #tpu.memory_space<hbm>>
      tpu.enqueue_indirect_dma source(%dma_start3A_683 : memref<10000x128xf32, #tpu.memory_space<hbm>>) target(%arg13 : memref<40x128xf32, #tpu.memory_space<vmem>>) offsets(%arg7 : memref<40xi32, #tpu.memory_space<vmem>>) semaphore(%arg16 : memref<!tpu.dma_semaphore, #tpu.memory_space<semaphore_mem>>)
      %add3A_684 = arith.constant 1 : i32
      %add3A_685 = arith.addi %add3A_607, %add3A_684 : i32
      %dma_wait3A_686 = arith.constant 0 : i32
      %dma_wait3A_687 = arith.constant 0 : i32
      %dma_wait3A_688 = tpu.memref_slice %arg2[%dma_wait3A_686, %dma_wait3A_687] : memref<10000x128xf32, #tpu.memory_space<hbm>> -> memref<40x128xf32, #tpu.memory_space<hbm>>
      %dma_wait3A_689 = arith.constant 0 : i32
      %dma_wait3A_690 = arith.constant 0 : i32
      %dma_wait3A_691 = tpu.memref_slice %arg2[%dma_wait3A_689, %dma_wait3A_690] : memref<10000x128xf32, #tpu.memory_space<hbm>> -> memref<40x128xf32, #tpu.memory_space<hbm>>
      tpu.wait_dma2 semaphore(%arg18 : memref<!tpu.dma_semaphore, #tpu.memory_space<semaphore_mem>>) src(%dma_wait3A_691 : memref<40x128xf32, #tpu.memory_space<hbm>>) dst(%arg15 : memref<40x128xf32, #tpu.memory_space<vmem>>)
      %dma_start3A_692 = arith.constant 0 : i32
      %dma_start3A_693 = arith.constant 0 : i32
      %dma_start3A_694 = tpu.memref_slice %arg5[%dma_start3A_692, %dma_start3A_693] : memref<10240x128xf32, #tpu.memory_space<vmem_shared>> -> memref<10240x128xf32, #tpu.memory_space<vmem_shared>>
      tpu.enqueue_indirect_dma source(%arg15 : memref<40x128xf32, #tpu.memory_space<vmem>>) target(%dma_start3A_694 : memref<10240x128xf32, #tpu.memory_space<vmem_shared>>) offsets(%arg12 : memref<40xi32, #tpu.memory_space<vmem>>) semaphore(%arg21 : memref<!tpu.dma_semaphore, #tpu.memory_space<semaphore_mem>>) {add = true}
      %dma_wait3A_695 = arith.constant 0 : i32
      %dma_wait3A_696 = arith.constant 0 : i32
      %dma_wait3A_697 = tpu.memref_slice %arg2[%dma_wait3A_695, %dma_wait3A_696] : memref<10000x128xf32, #tpu.memory_space<hbm>> -> memref<40x128xf32, #tpu.memory_space<hbm>>
      %dma_wait3A_698 = arith.constant 0 : i32
      %dma_wait3A_699 = arith.constant 0 : i32
      %dma_wait3A_700 = tpu.memref_slice %arg2[%dma_wait3A_698, %dma_wait3A_699] : memref<10000x128xf32, #tpu.memory_space<hbm>> -> memref<40x128xf32, #tpu.memory_space<hbm>>
      tpu.wait_dma2 semaphore(%arg20 : memref<!tpu.dma_semaphore, #tpu.memory_space<semaphore_mem>>) src(%dma_wait3A_700 : memref<40x128xf32, #tpu.memory_space<hbm>>) dst(%arg14 : memref<40x128xf32, #tpu.memory_space<vmem>>)
      %add3A_701 = arith.constant 2 : i32
      %add3A_702 = arith.addi %add3A_685, %add3A_701 : i32
      %get3A_703 = arith.index_cast %add3A_702 : i32 to index
      %get3A_704 = arith.constant 0 : index
      %get3A_705 = tpu.vector_load %arg6[%get3A_703, %get3A_704] {strides = array<i32>} : memref<250x40xi32, #tpu.memory_space<vmem>>, vector<1x16xi32>,
      %get3A_706 = vector.shape_cast %get3A_705 : vector<1x16xi32> to vector<16xi32>
      %and3A_707 = arith.constant 65535 : i32
      %and3A_708 = vector.broadcast %and3A_707 : i32 to vector<16xi32>
      %and3A_709 = arith.andi %get3A_706, %and3A_708 : vector<16xi32>
      %swap3A_710 = arith.constant 0 : index
      %swap3A_711 = tpu.vector_load %arg8[%swap3A_710] {strides = array<i32>} : memref<40xi32, #tpu.memory_space<vmem>>, vector<16xi32>,
      %swap3A_712 = vector.shape_cast %swap3A_711 : vector<16xi32> to vector<16xi32>
      %swap3A_713 = vector.shape_cast %and3A_709 : vector<16xi32> to vector<16xi32>
      tpu.vector_store %arg8[%swap3A_710], %swap3A_713 {strides = array<i32>} : memref<40xi32, #tpu.memory_space<vmem>>, vector<16xi32>,
      %shift_right_logical3A_714 = arith.constant 16 : i32
      %shift_right_logical3A_715 = vector.broadcast %shift_right_logical3A_714 : i32 to vector<16xi32>
      %shift_right_logical3A_716 = arith.shrui %get3A_706, %shift_right_logical3A_715 : vector<16xi32>
      %swap3A_717 = arith.constant 0 : index
      %swap3A_718 = tpu.vector_load %arg11[%swap3A_717] {strides = array<i32>} : memref<40xi32, #tpu.memory_space<vmem>>, vector<16xi32>,
      %swap3A_719 = vector.shape_cast %swap3A_718 : vector<16xi32> to vector<16xi32>
      %swap3A_720 = vector.shape_cast %shift_right_logical3A_716 : vector<16xi32> to vector<16xi32>
      tpu.vector_store %arg11[%swap3A_717], %swap3A_720 {strides = array<i32>} : memref<40xi32, #tpu.memory_space<vmem>>, vector<16xi32>,
      %get3A_721 = arith.index_cast %add3A_702 : i32 to index
      %get3A_722 = arith.constant 16 : index
      %get3A_723 = tpu.vector_load %arg6[%get3A_721, %get3A_722] {strides = array<i32>} : memref<250x40xi32, #tpu.memory_space<vmem>>, vector<1x16xi32>,
      %get3A_724 = vector.shape_cast %get3A_723 : vector<1x16xi32> to vector<16xi32>
      %and3A_725 = arith.constant 65535 : i32
      %and3A_726 = vector.broadcast %and3A_725 : i32 to vector<16xi32>
      %and3A_727 = arith.andi %get3A_724, %and3A_726 : vector<16xi32>
      %swap3A_728 = arith.constant 16 : index
      %swap3A_729 = tpu.vector_load %arg8[%swap3A_728] {strides = array<i32>} : memref<40xi32, #tpu.memory_space<vmem>>, vector<16xi32>,
      %swap3A_730 = vector.shape_cast %swap3A_729 : vector<16xi32> to vector<16xi32>
      %swap3A_731 = vector.shape_cast %and3A_727 : vector<16xi32> to vector<16xi32>
      tpu.vector_store %arg8[%swap3A_728], %swap3A_731 {strides = array<i32>} : memref<40xi32, #tpu.memory_space<vmem>>, vector<16xi32>,
      %shift_right_logical3A_732 = arith.constant 16 : i32
      %shift_right_logical3A_733 = vector.broadcast %shift_right_logical3A_732 : i32 to vector<16xi32>
      %shift_right_logical3A_734 = arith.shrui %get3A_724, %shift_right_logical3A_733 : vector<16xi32>
      %swap3A_735 = arith.constant 16 : index
      %swap3A_736 = tpu.vector_load %arg11[%swap3A_735] {strides = array<i32>} : memref<40xi32, #tpu.memory_space<vmem>>, vector<16xi32>,
      %swap3A_737 = vector.shape_cast %swap3A_736 : vector<16xi32> to vector<16xi32>
      %swap3A_738 = vector.shape_cast %shift_right_logical3A_734 : vector<16xi32> to vector<16xi32>
      tpu.vector_store %arg11[%swap3A_735], %swap3A_738 {strides = array<i32>} : memref<40xi32, #tpu.memory_space<vmem>>, vector<16xi32>,
      %get3A_739 = arith.index_cast %add3A_702 : i32 to index
      %get3A_740 = arith.constant 24 : index
      %get3A_741 = tpu.vector_load %arg6[%get3A_739, %get3A_740] {strides = array<i32>} : memref<250x40xi32, #tpu.memory_space<vmem>>, vector<1x16xi32>,
      %get3A_742 = vector.shape_cast %get3A_741 : vector<1x16xi32> to vector<16xi32>
      %and3A_743 = arith.constant 65535 : i32
      %and3A_744 = vector.broadcast %and3A_743 : i32 to vector<16xi32>
      %and3A_745 = arith.andi %get3A_742, %and3A_744 : vector<16xi32>
      %swap3A_746 = arith.constant 24 : index
      %swap3A_747 = tpu.vector_load %arg8[%swap3A_746] {strides = array<i32>} : memref<40xi32, #tpu.memory_space<vmem>>, vector<16xi32>,
      %swap3A_748 = vector.shape_cast %swap3A_747 : vector<16xi32> to vector<16xi32>
      %swap3A_749 = vector.shape_cast %and3A_745 : vector<16xi32> to vector<16xi32>
      tpu.vector_store %arg8[%swap3A_746], %swap3A_749 {strides = array<i32>} : memref<40xi32, #tpu.memory_space<vmem>>, vector<16xi32>,
      %shift_right_logical3A_750 = arith.constant 16 : i32
      %shift_right_logical3A_751 = vector.broadcast %shift_right_logical3A_750 : i32 to vector<16xi32>
      %shift_right_logical3A_752 = arith.shrui %get3A_742, %shift_right_logical3A_751 : vector<16xi32>
      %swap3A_753 = arith.constant 24 : index
      %swap3A_754 = tpu.vector_load %arg11[%swap3A_753] {strides = array<i32>} : memref<40xi32, #tpu.memory_space<vmem>>, vector<16xi32>,
      %swap3A_755 = vector.shape_cast %swap3A_754 : vector<16xi32> to vector<16xi32>
      %swap3A_756 = vector.shape_cast %shift_right_logical3A_752 : vector<16xi32> to vector<16xi32>
      tpu.vector_store %arg11[%swap3A_753], %swap3A_756 {strides = array<i32>} : memref<40xi32, #tpu.memory_space<vmem>>, vector<16xi32>,
      %dma_start3A_757 = arith.constant 0 : i32
      %dma_start3A_758 = arith.constant 0 : i32
      %dma_start3A_759 = tpu.memref_slice %arg2[%dma_start3A_757, %dma_start3A_758] : memref<10000x128xf32, #tpu.memory_space<hbm>> -> memref<10000x128xf32, #tpu.memory_space<hbm>>
      tpu.enqueue_indirect_dma source(%dma_start3A_759 : memref<10000x128xf32, #tpu.memory_space<hbm>>) target(%arg14 : memref<40x128xf32, #tpu.memory_space<vmem>>) offsets(%arg8 : memref<40xi32, #tpu.memory_space<vmem>>) semaphore(%arg17 : memref<!tpu.dma_semaphore, #tpu.memory_space<semaphore_mem>>)
      %add3A_760 = arith.constant 2 : i32
      %add3A_761 = arith.addi %add3A_607, %add3A_760 : i32
      %dma_wait3A_762 = arith.constant 0 : i32
      %dma_wait3A_763 = arith.constant 0 : i32
      %dma_wait3A_764 = tpu.memref_slice %arg2[%dma_wait3A_762, %dma_wait3A_763] : memref<10000x128xf32, #tpu.memory_space<hbm>> -> memref<40x128xf32, #tpu.memory_space<hbm>>
      %dma_wait3A_765 = arith.constant 0 : i32
      %dma_wait3A_766 = arith.constant 0 : i32
      %dma_wait3A_767 = tpu.memref_slice %arg2[%dma_wait3A_765, %dma_wait3A_766] : memref<10000x128xf32, #tpu.memory_space<hbm>> -> memref<40x128xf32, #tpu.memory_space<hbm>>
      tpu.wait_dma2 semaphore(%arg16 : memref<!tpu.dma_semaphore, #tpu.memory_space<semaphore_mem>>) src(%dma_wait3A_767 : memref<40x128xf32, #tpu.memory_space<hbm>>) dst(%arg13 : memref<40x128xf32, #tpu.memory_space<vmem>>)
      %dma_start3A_768 = arith.constant 0 : i32
      %dma_start3A_769 = arith.constant 0 : i32
      %dma_start3A_770 = tpu.memref_slice %arg5[%dma_start3A_768, %dma_start3A_769] : memref<10240x128xf32, #tpu.memory_space<vmem_shared>> -> memref<10240x128xf32, #tpu.memory_space<vmem_shared>>
      tpu.enqueue_indirect_dma source(%arg13 : memref<40x128xf32, #tpu.memory_space<vmem>>) target(%dma_start3A_770 : memref<10240x128xf32, #tpu.memory_space<vmem_shared>>) offsets(%arg10 : memref<40xi32, #tpu.memory_space<vmem>>) semaphore(%arg19 : memref<!tpu.dma_semaphore, #tpu.memory_space<semaphore_mem>>) {add = true}
      %dma_wait3A_771 = arith.constant 0 : i32
      %dma_wait3A_772 = arith.constant 0 : i32
      %dma_wait3A_773 = tpu.memref_slice %arg2[%dma_wait3A_771, %dma_wait3A_772] : memref<10000x128xf32, #tpu.memory_space<hbm>> -> memref<40x128xf32, #tpu.memory_space<hbm>>
      %dma_wait3A_774 = arith.constant 0 : i32
      %dma_wait3A_775 = arith.constant 0 : i32
      %dma_wait3A_776 = tpu.memref_slice %arg2[%dma_wait3A_774, %dma_wait3A_775] : memref<10000x128xf32, #tpu.memory_space<hbm>> -> memref<40x128xf32, #tpu.memory_space<hbm>>
      tpu.wait_dma2 semaphore(%arg21 : memref<!tpu.dma_semaphore, #tpu.memory_space<semaphore_mem>>) src(%dma_wait3A_776 : memref<40x128xf32, #tpu.memory_space<hbm>>) dst(%arg15 : memref<40x128xf32, #tpu.memory_space<vmem>>)
      %add3A_777 = arith.constant 2 : i32
      %add3A_778 = arith.addi %add3A_761, %add3A_777 : i32
      %get3A_779 = arith.index_cast %add3A_778 : i32 to index
      %get3A_780 = arith.constant 0 : index
      %get3A_781 = tpu.vector_load %arg6[%get3A_779, %get3A_780] {strides = array<i32>} : memref<250x40xi32, #tpu.memory_space<vmem>>, vector<1x16xi32>,
      %get3A_782 = vector.shape_cast %get3A_781 : vector<1x16xi32> to vector<16xi32>
      %and3A_783 = arith.constant 65535 : i32
      %and3A_784 = vector.broadcast %and3A_783 : i32 to vector<16xi32>
      %and3A_785 = arith.andi %get3A_782, %and3A_784 : vector<16xi32>
      %swap3A_786 = arith.constant 0 : index
      %swap3A_787 = tpu.vector_load %arg9[%swap3A_786] {strides = array<i32>} : memref<40xi32, #tpu.memory_space<vmem>>, vector<16xi32>,
      %swap3A_788 = vector.shape_cast %swap3A_787 : vector<16xi32> to vector<16xi32>
      %swap3A_789 = vector.shape_cast %and3A_785 : vector<16xi32> to vector<16xi32>
      tpu.vector_store %arg9[%swap3A_786], %swap3A_789 {strides = array<i32>} : memref<40xi32, #tpu.memory_space<vmem>>, vector<16xi32>,
      %shift_right_logical3A_790 = arith.constant 16 : i32
      %shift_right_logical3A_791 = vector.broadcast %shift_right_logical3A_790 : i32 to vector<16xi32>
      %shift_right_logical3A_792 = arith.shrui %get3A_782, %shift_right_logical3A_791 : vector<16xi32>
      %swap3A_793 = arith.constant 0 : index
      %swap3A_794 = tpu.vector_load %arg12[%swap3A_793] {strides = array<i32>} : memref<40xi32, #tpu.memory_space<vmem>>, vector<16xi32>,
      %swap3A_795 = vector.shape_cast %swap3A_794 : vector<16xi32> to vector<16xi32>
      %swap3A_796 = vector.shape_cast %shift_right_logical3A_792 : vector<16xi32> to vector<16xi32>
      tpu.vector_store %arg12[%swap3A_793], %swap3A_796 {strides = array<i32>} : memref<40xi32, #tpu.memory_space<vmem>>, vector<16xi32>,
      %get3A_797 = arith.index_cast %add3A_778 : i32 to index
      %get3A_798 = arith.constant 16 : index
      %get3A_799 = tpu.vector_load %arg6[%get3A_797, %get3A_798] {strides = array<i32>} : memref<250x40xi32, #tpu.memory_space<vmem>>, vector<1x16xi32>,
      %get3A_800 = vector.shape_cast %get3A_799 : vector<1x16xi32> to vector<16xi32>
      %and3A_801 = arith.constant 65535 : i32
      %and3A_802 = vector.broadcast %and3A_801 : i32 to vector<16xi32>
      %and3A_803 = arith.andi %get3A_800, %and3A_802 : vector<16xi32>
      %swap3A_804 = arith.constant 16 : index
      %swap3A_805 = tpu.vector_load %arg9[%swap3A_804] {strides = array<i32>} : memref<40xi32, #tpu.memory_space<vmem>>, vector<16xi32>,
      %swap3A_806 = vector.shape_cast %swap3A_805 : vector<16xi32> to vector<16xi32>
      %swap3A_807 = vector.shape_cast %and3A_803 : vector<16xi32> to vector<16xi32>
      tpu.vector_store %arg9[%swap3A_804], %swap3A_807 {strides = array<i32>} : memref<40xi32, #tpu.memory_space<vmem>>, vector<16xi32>,
      %shift_right_logical3A_808 = arith.constant 16 : i32
      %shift_right_logical3A_809 = vector.broadcast %shift_right_logical3A_808 : i32 to vector<16xi32>
      %shift_right_logical3A_810 = arith.shrui %get3A_800, %shift_right_logical3A_809 : vector<16xi32>
      %swap3A_811 = arith.constant 16 : index
      %swap3A_812 = tpu.vector_load %arg12[%swap3A_811] {strides = array<i32>} : memref<40xi32, #tpu.memory_space<vmem>>, vector<16xi32>,
      %swap3A_813 = vector.shape_cast %swap3A_812 : vector<16xi32> to vector<16xi32>
      %swap3A_814 = vector.shape_cast %shift_right_logical3A_810 : vector<16xi32> to vector<16xi32>
      tpu.vector_store %arg12[%swap3A_811], %swap3A_814 {strides = array<i32>} : memref<40xi32, #tpu.memory_space<vmem>>, vector<16xi32>,
      %get3A_815 = arith.index_cast %add3A_778 : i32 to index
      %get3A_816 = arith.constant 24 : index
      %get3A_817 = tpu.vector_load %arg6[%get3A_815, %get3A_816] {strides = array<i32>} : memref<250x40xi32, #tpu.memory_space<vmem>>, vector<1x16xi32>,
      %get3A_818 = vector.shape_cast %get3A_817 : vector<1x16xi32> to vector<16xi32>
      %and3A_819 = arith.constant 65535 : i32
      %and3A_820 = vector.broadcast %and3A_819 : i32 to vector<16xi32>
      %and3A_821 = arith.andi %get3A_818, %and3A_820 : vector<16xi32>
      %swap3A_822 = arith.constant 24 : index
      %swap3A_823 = tpu.vector_load %arg9[%swap3A_822] {strides = array<i32>} : memref<40xi32, #tpu.memory_space<vmem>>, vector<16xi32>,
      %swap3A_824 = vector.shape_cast %swap3A_823 : vector<16xi32> to vector<16xi32>
      %swap3A_825 = vector.shape_cast %and3A_821 : vector<16xi32> to vector<16xi32>
      tpu.vector_store %arg9[%swap3A_822], %swap3A_825 {strides = array<i32>} : memref<40xi32, #tpu.memory_space<vmem>>, vector<16xi32>,
      %shift_right_logical3A_826 = arith.constant 16 : i32
      %shift_right_logical3A_827 = vector.broadcast %shift_right_logical3A_826 : i32 to vector<16xi32>
      %shift_right_logical3A_828 = arith.shrui %get3A_818, %shift_right_logical3A_827 : vector<16xi32>
      %swap3A_829 = arith.constant 24 : index
      %swap3A_830 = tpu.vector_load %arg12[%swap3A_829] {strides = array<i32>} : memref<40xi32, #tpu.memory_space<vmem>>, vector<16xi32>,
      %swap3A_831 = vector.shape_cast %swap3A_830 : vector<16xi32> to vector<16xi32>
      %swap3A_832 = vector.shape_cast %shift_right_logical3A_828 : vector<16xi32> to vector<16xi32>
      tpu.vector_store %arg12[%swap3A_829], %swap3A_832 {strides = array<i32>} : memref<40xi32, #tpu.memory_space<vmem>>, vector<16xi32>,
      %dma_start3A_833 = arith.constant 0 : i32
      %dma_start3A_834 = arith.constant 0 : i32
      %dma_start3A_835 = tpu.memref_slice %arg2[%dma_start3A_833, %dma_start3A_834] : memref<10000x128xf32, #tpu.memory_space<hbm>> -> memref<10000x128xf32, #tpu.memory_space<hbm>>
      tpu.enqueue_indirect_dma source(%dma_start3A_835 : memref<10000x128xf32, #tpu.memory_space<hbm>>) target(%arg15 : memref<40x128xf32, #tpu.memory_space<vmem>>) offsets(%arg9 : memref<40xi32, #tpu.memory_space<vmem>>) semaphore(%arg18 : memref<!tpu.dma_semaphore, #tpu.memory_space<semaphore_mem>>)
    }
    %scan3A_257 = arith.constant 81 : i32
    %dma_wait3A_258 = arith.constant 0 : i32
    %dma_wait3A_259 = arith.constant 0 : i32
    %dma_wait3A_260 = tpu.memref_slice %arg2[%dma_wait3A_258, %dma_wait3A_259] : memref<10000x128xf32, #tpu.memory_space<hbm>> -> memref<40x128xf32, #tpu.memory_space<hbm>>
    %dma_wait3A_261 = arith.constant 0 : i32
    %dma_wait3A_262 = arith.constant 0 : i32
    %dma_wait3A_263 = tpu.memref_slice %arg2[%dma_wait3A_261, %dma_wait3A_262] : memref<10000x128xf32, #tpu.memory_space<hbm>> -> memref<40x128xf32, #tpu.memory_space<hbm>>
    tpu.wait_dma2 semaphore(%arg17 : memref<!tpu.dma_semaphore, #tpu.memory_space<semaphore_mem>>) src(%dma_wait3A_263 : memref<40x128xf32, #tpu.memory_space<hbm>>) dst(%arg14 : memref<40x128xf32, #tpu.memory_space<vmem>>)
    %dma_start3A_264 = arith.constant 0 : i32
    %dma_start3A_265 = arith.constant 0 : i32
    %dma_start3A_266 = tpu.memref_slice %arg5[%dma_start3A_264, %dma_start3A_265] : memref<10240x128xf32, #tpu.memory_space<vmem_shared>> -> memref<10240x128xf32, #tpu.memory_space<vmem_shared>>
    tpu.enqueue_indirect_dma source(%arg14 : memref<40x128xf32, #tpu.memory_space<vmem>>) target(%dma_start3A_266 : memref<10240x128xf32, #tpu.memory_space<vmem_shared>>) offsets(%arg11 : memref<40xi32, #tpu.memory_space<vmem>>) semaphore(%arg20 : memref<!tpu.dma_semaphore, #tpu.memory_space<semaphore_mem>>) {add = true}
    %dma_wait3A_267 = arith.constant 0 : i32
    %dma_wait3A_268 = arith.constant 0 : i32
    %dma_wait3A_269 = tpu.memref_slice %arg2[%dma_wait3A_267, %dma_wait3A_268] : memref<10000x128xf32, #tpu.memory_space<hbm>> -> memref<40x128xf32, #tpu.memory_space<hbm>>
    %dma_wait3A_270 = arith.constant 0 : i32
    %dma_wait3A_271 = arith.constant 0 : i32
    %dma_wait3A_272 = tpu.memref_slice %arg2[%dma_wait3A_270, %dma_wait3A_271] : memref<10000x128xf32, #tpu.memory_space<hbm>> -> memref<40x128xf32, #tpu.memory_space<hbm>>
    tpu.wait_dma2 semaphore(%arg19 : memref<!tpu.dma_semaphore, #tpu.memory_space<semaphore_mem>>) src(%dma_wait3A_272 : memref<40x128xf32, #tpu.memory_space<hbm>>) dst(%arg13 : memref<40x128xf32, #tpu.memory_space<vmem>>)
    %get3A_273 = arith.constant 246 : i32
    %get3A_274 = arith.index_cast %get3A_273 : i32 to index
    %get3A_275 = arith.constant 0 : index
    %get3A_276 = tpu.vector_load %arg6[%get3A_274, %get3A_275] {strides = array<i32>} : memref<250x40xi32, #tpu.memory_space<vmem>>, vector<1x16xi32>,
    %get3A_277 = vector.shape_cast %get3A_276 : vector<1x16xi32> to vector<16xi32>
    %and3A_278 = arith.constant 65535 : i32
    %and3A_279 = vector.broadcast %and3A_278 : i32 to vector<16xi32>
    %and3A_280 = arith.andi %get3A_277, %and3A_279 : vector<16xi32>
    %swap3A_281 = arith.constant 0 : index
    %swap3A_282 = tpu.vector_load %arg7[%swap3A_281] {strides = array<i32>} : memref<40xi32, #tpu.memory_space<vmem>>, vector<16xi32>,
    %swap3A_283 = vector.shape_cast %swap3A_282 : vector<16xi32> to vector<16xi32>
    %swap3A_284 = vector.shape_cast %and3A_280 : vector<16xi32> to vector<16xi32>
    tpu.vector_store %arg7[%swap3A_281], %swap3A_284 {strides = array<i32>} : memref<40xi32, #tpu.memory_space<vmem>>, vector<16xi32>,
    %shift_right_logical3A_285 = arith.constant 16 : i32
    %shift_right_logical3A_286 = vector.broadcast %shift_right_logical3A_285 : i32 to vector<16xi32>
    %shift_right_logical3A_287 = arith.shrui %get3A_277, %shift_right_logical3A_286 : vector<16xi32>
    %swap3A_288 = arith.constant 0 : index
    %swap3A_289 = tpu.vector_load %arg10[%swap3A_288] {strides = array<i32>} : memref<40xi32, #tpu.memory_space<vmem>>, vector<16xi32>,
    %swap3A_290 = vector.shape_cast %swap3A_289 : vector<16xi32> to vector<16xi32>
    %swap3A_291 = vector.shape_cast %shift_right_logical3A_287 : vector<16xi32> to vector<16xi32>
    tpu.vector_store %arg10[%swap3A_288], %swap3A_291 {strides = array<i32>} : memref<40xi32, #tpu.memory_space<vmem>>, vector<16xi32>,
    %get3A_292 = arith.constant 246 : i32
    %get3A_293 = arith.index_cast %get3A_292 : i32 to index
    %get3A_294 = arith.constant 16 : index
    %get3A_295 = tpu.vector_load %arg6[%get3A_293, %get3A_294] {strides = array<i32>} : memref<250x40xi32, #tpu.memory_space<vmem>>, vector<1x16xi32>,
    %get3A_296 = vector.shape_cast %get3A_295 : vector<1x16xi32> to vector<16xi32>
    %and3A_297 = arith.constant 65535 : i32
    %and3A_298 = vector.broadcast %and3A_297 : i32 to vector<16xi32>
    %and3A_299 = arith.andi %get3A_296, %and3A_298 : vector<16xi32>
    %swap3A_300 = arith.constant 16 : index
    %swap3A_301 = tpu.vector_load %arg7[%swap3A_300] {strides = array<i32>} : memref<40xi32, #tpu.memory_space<vmem>>, vector<16xi32>,
    %swap3A_302 = vector.shape_cast %swap3A_301 : vector<16xi32> to vector<16xi32>
    %swap3A_303 = vector.shape_cast %and3A_299 : vector<16xi32> to vector<16xi32>
    tpu.vector_store %arg7[%swap3A_300], %swap3A_303 {strides = array<i32>} : memref<40xi32, #tpu.memory_space<vmem>>, vector<16xi32>,
    %shift_right_logical3A_304 = arith.constant 16 : i32
    %shift_right_logical3A_305 = vector.broadcast %shift_right_logical3A_304 : i32 to vector<16xi32>
    %shift_right_logical3A_306 = arith.shrui %get3A_296, %shift_right_logical3A_305 : vector<16xi32>
    %swap3A_307 = arith.constant 16 : index
    %swap3A_308 = tpu.vector_load %arg10[%swap3A_307] {strides = array<i32>} : memref<40xi32, #tpu.memory_space<vmem>>, vector<16xi32>,
    %swap3A_309 = vector.shape_cast %swap3A_308 : vector<16xi32> to vector<16xi32>
    %swap3A_310 = vector.shape_cast %shift_right_logical3A_306 : vector<16xi32> to vector<16xi32>
    tpu.vector_store %arg10[%swap3A_307], %swap3A_310 {strides = array<i32>} : memref<40xi32, #tpu.memory_space<vmem>>, vector<16xi32>,
    %get3A_311 = arith.constant 246 : i32
    %get3A_312 = arith.index_cast %get3A_311 : i32 to index
    %get3A_313 = arith.constant 24 : index
    %get3A_314 = tpu.vector_load %arg6[%get3A_312, %get3A_313] {strides = array<i32>} : memref<250x40xi32, #tpu.memory_space<vmem>>, vector<1x16xi32>,
    %get3A_315 = vector.shape_cast %get3A_314 : vector<1x16xi32> to vector<16xi32>
    %and3A_316 = arith.constant 65535 : i32
    %and3A_317 = vector.broadcast %and3A_316 : i32 to vector<16xi32>
    %and3A_318 = arith.andi %get3A_315, %and3A_317 : vector<16xi32>
    %swap3A_319 = arith.constant 24 : index
    %swap3A_320 = tpu.vector_load %arg7[%swap3A_319] {strides = array<i32>} : memref<40xi32, #tpu.memory_space<vmem>>, vector<16xi32>,
    %swap3A_321 = vector.shape_cast %swap3A_320 : vector<16xi32> to vector<16xi32>
    %swap3A_322 = vector.shape_cast %and3A_318 : vector<16xi32> to vector<16xi32>
    tpu.vector_store %arg7[%swap3A_319], %swap3A_322 {strides = array<i32>} : memref<40xi32, #tpu.memory_space<vmem>>, vector<16xi32>,
    %shift_right_logical3A_323 = arith.constant 16 : i32
    %shift_right_logical3A_324 = vector.broadcast %shift_right_logical3A_323 : i32 to vector<16xi32>
    %shift_right_logical3A_325 = arith.shrui %get3A_315, %shift_right_logical3A_324 : vector<16xi32>
    %swap3A_326 = arith.constant 24 : index
    %swap3A_327 = tpu.vector_load %arg10[%swap3A_326] {strides = array<i32>} : memref<40xi32, #tpu.memory_space<vmem>>, vector<16xi32>,
    %swap3A_328 = vector.shape_cast %swap3A_327 : vector<16xi32> to vector<16xi32>
    %swap3A_329 = vector.shape_cast %shift_right_logical3A_325 : vector<16xi32> to vector<16xi32>
    tpu.vector_store %arg10[%swap3A_326], %swap3A_329 {strides = array<i32>} : memref<40xi32, #tpu.memory_space<vmem>>, vector<16xi32>,
    %dma_start3A_330 = arith.constant 0 : i32
    %dma_start3A_331 = arith.constant 0 : i32
    %dma_start3A_332 = tpu.memref_slice %arg2[%dma_start3A_330, %dma_start3A_331] : memref<10000x128xf32, #tpu.memory_space<hbm>> -> memref<10000x128xf32, #tpu.memory_space<hbm>>
    tpu.enqueue_indirect_dma source(%dma_start3A_332 : memref<10000x128xf32, #tpu.memory_space<hbm>>) target(%arg13 : memref<40x128xf32, #tpu.memory_space<vmem>>) offsets(%arg7 : memref<40xi32, #tpu.memory_space<vmem>>) semaphore(%arg16 : memref<!tpu.dma_semaphore, #tpu.memory_space<semaphore_mem>>)
    %dma_wait3A_333 = arith.constant 0 : i32
    %dma_wait3A_334 = arith.constant 0 : i32
    %dma_wait3A_335 = tpu.memref_slice %arg2[%dma_wait3A_333, %dma_wait3A_334] : memref<10000x128xf32, #tpu.memory_space<hbm>> -> memref<40x128xf32, #tpu.memory_space<hbm>>
    %dma_wait3A_336 = arith.constant 0 : i32
    %dma_wait3A_337 = arith.constant 0 : i32
    %dma_wait3A_338 = tpu.memref_slice %arg2[%dma_wait3A_336, %dma_wait3A_337] : memref<10000x128xf32, #tpu.memory_space<hbm>> -> memref<40x128xf32, #tpu.memory_space<hbm>>
    tpu.wait_dma2 semaphore(%arg18 : memref<!tpu.dma_semaphore, #tpu.memory_space<semaphore_mem>>) src(%dma_wait3A_338 : memref<40x128xf32, #tpu.memory_space<hbm>>) dst(%arg15 : memref<40x128xf32, #tpu.memory_space<vmem>>)
    %dma_start3A_339 = arith.constant 0 : i32
    %dma_start3A_340 = arith.constant 0 : i32
    %dma_start3A_341 = tpu.memref_slice %arg5[%dma_start3A_339, %dma_start3A_340] : memref<10240x128xf32, #tpu.memory_space<vmem_shared>> -> memref<10240x128xf32, #tpu.memory_space<vmem_shared>>
    tpu.enqueue_indirect_dma source(%arg15 : memref<40x128xf32, #tpu.memory_space<vmem>>) target(%dma_start3A_341 : memref<10240x128xf32, #tpu.memory_space<vmem_shared>>) offsets(%arg12 : memref<40xi32, #tpu.memory_space<vmem>>) semaphore(%arg21 : memref<!tpu.dma_semaphore, #tpu.memory_space<semaphore_mem>>) {add = true}
    %dma_wait3A_342 = arith.constant 0 : i32
    %dma_wait3A_343 = arith.constant 0 : i32
    %dma_wait3A_344 = tpu.memref_slice %arg2[%dma_wait3A_342, %dma_wait3A_343] : memref<10000x128xf32, #tpu.memory_space<hbm>> -> memref<40x128xf32, #tpu.memory_space<hbm>>
    %dma_wait3A_345 = arith.constant 0 : i32
    %dma_wait3A_346 = arith.constant 0 : i32
    %dma_wait3A_347 = tpu.memref_slice %arg2[%dma_wait3A_345, %dma_wait3A_346] : memref<10000x128xf32, #tpu.memory_space<hbm>> -> memref<40x128xf32, #tpu.memory_space<hbm>>
    tpu.wait_dma2 semaphore(%arg20 : memref<!tpu.dma_semaphore, #tpu.memory_space<semaphore_mem>>) src(%dma_wait3A_347 : memref<40x128xf32, #tpu.memory_space<hbm>>) dst(%arg14 : memref<40x128xf32, #tpu.memory_space<vmem>>)
    %get3A_348 = arith.constant 247 : i32
    %get3A_349 = arith.index_cast %get3A_348 : i32 to index
    %get3A_350 = arith.constant 0 : index
    %get3A_351 = tpu.vector_load %arg6[%get3A_349, %get3A_350] {strides = array<i32>} : memref<250x40xi32, #tpu.memory_space<vmem>>, vector<1x16xi32>,
    %get3A_352 = vector.shape_cast %get3A_351 : vector<1x16xi32> to vector<16xi32>
    %and3A_353 = arith.constant 65535 : i32
    %and3A_354 = vector.broadcast %and3A_353 : i32 to vector<16xi32>
    %and3A_355 = arith.andi %get3A_352, %and3A_354 : vector<16xi32>
    %swap3A_356 = arith.constant 0 : index
    %swap3A_357 = tpu.vector_load %arg8[%swap3A_356] {strides = array<i32>} : memref<40xi32, #tpu.memory_space<vmem>>, vector<16xi32>,
    %swap3A_358 = vector.shape_cast %swap3A_357 : vector<16xi32> to vector<16xi32>
    %swap3A_359 = vector.shape_cast %and3A_355 : vector<16xi32> to vector<16xi32>
    tpu.vector_store %arg8[%swap3A_356], %swap3A_359 {strides = array<i32>} : memref<40xi32, #tpu.memory_space<vmem>>, vector<16xi32>,
    %shift_right_logical3A_360 = arith.constant 16 : i32
    %shift_right_logical3A_361 = vector.broadcast %shift_right_logical3A_360 : i32 to vector<16xi32>
    %shift_right_logical3A_362 = arith.shrui %get3A_352, %shift_right_logical3A_361 : vector<16xi32>
    %swap3A_363 = arith.constant 0 : index
    %swap3A_364 = tpu.vector_load %arg11[%swap3A_363] {strides = array<i32>} : memref<40xi32, #tpu.memory_space<vmem>>, vector<16xi32>,
    %swap3A_365 = vector.shape_cast %swap3A_364 : vector<16xi32> to vector<16xi32>
    %swap3A_366 = vector.shape_cast %shift_right_logical3A_362 : vector<16xi32> to vector<16xi32>
    tpu.vector_store %arg11[%swap3A_363], %swap3A_366 {strides = array<i32>} : memref<40xi32, #tpu.memory_space<vmem>>, vector<16xi32>,
    %get3A_367 = arith.constant 247 : i32
    %get3A_368 = arith.index_cast %get3A_367 : i32 to index
    %get3A_369 = arith.constant 16 : index
    %get3A_370 = tpu.vector_load %arg6[%get3A_368, %get3A_369] {strides = array<i32>} : memref<250x40xi32, #tpu.memory_space<vmem>>, vector<1x16xi32>,
    %get3A_371 = vector.shape_cast %get3A_370 : vector<1x16xi32> to vector<16xi32>
    %and3A_372 = arith.constant 65535 : i32
    %and3A_373 = vector.broadcast %and3A_372 : i32 to vector<16xi32>
    %and3A_374 = arith.andi %get3A_371, %and3A_373 : vector<16xi32>
    %swap3A_375 = arith.constant 16 : index
    %swap3A_376 = tpu.vector_load %arg8[%swap3A_375] {strides = array<i32>} : memref<40xi32, #tpu.memory_space<vmem>>, vector<16xi32>,
    %swap3A_377 = vector.shape_cast %swap3A_376 : vector<16xi32> to vector<16xi32>
    %swap3A_378 = vector.shape_cast %and3A_374 : vector<16xi32> to vector<16xi32>
    tpu.vector_store %arg8[%swap3A_375], %swap3A_378 {strides = array<i32>} : memref<40xi32, #tpu.memory_space<vmem>>, vector<16xi32>,
    %shift_right_logical3A_379 = arith.constant 16 : i32
    %shift_right_logical3A_380 = vector.broadcast %shift_right_logical3A_379 : i32 to vector<16xi32>
    %shift_right_logical3A_381 = arith.shrui %get3A_371, %shift_right_logical3A_380 : vector<16xi32>
    %swap3A_382 = arith.constant 16 : index
    %swap3A_383 = tpu.vector_load %arg11[%swap3A_382] {strides = array<i32>} : memref<40xi32, #tpu.memory_space<vmem>>, vector<16xi32>,
    %swap3A_384 = vector.shape_cast %swap3A_383 : vector<16xi32> to vector<16xi32>
    %swap3A_385 = vector.shape_cast %shift_right_logical3A_381 : vector<16xi32> to vector<16xi32>
    tpu.vector_store %arg11[%swap3A_382], %swap3A_385 {strides = array<i32>} : memref<40xi32, #tpu.memory_space<vmem>>, vector<16xi32>,
    %get3A_386 = arith.constant 247 : i32
    %get3A_387 = arith.index_cast %get3A_386 : i32 to index
    %get3A_388 = arith.constant 24 : index
    %get3A_389 = tpu.vector_load %arg6[%get3A_387, %get3A_388] {strides = array<i32>} : memref<250x40xi32, #tpu.memory_space<vmem>>, vector<1x16xi32>,
    %get3A_390 = vector.shape_cast %get3A_389 : vector<1x16xi32> to vector<16xi32>
    %and3A_391 = arith.constant 65535 : i32
    %and3A_392 = vector.broadcast %and3A_391 : i32 to vector<16xi32>
    %and3A_393 = arith.andi %get3A_390, %and3A_392 : vector<16xi32>
    %swap3A_394 = arith.constant 24 : index
    %swap3A_395 = tpu.vector_load %arg8[%swap3A_394] {strides = array<i32>} : memref<40xi32, #tpu.memory_space<vmem>>, vector<16xi32>,
    %swap3A_396 = vector.shape_cast %swap3A_395 : vector<16xi32> to vector<16xi32>
    %swap3A_397 = vector.shape_cast %and3A_393 : vector<16xi32> to vector<16xi32>
    tpu.vector_store %arg8[%swap3A_394], %swap3A_397 {strides = array<i32>} : memref<40xi32, #tpu.memory_space<vmem>>, vector<16xi32>,
    %shift_right_logical3A_398 = arith.constant 16 : i32
    %shift_right_logical3A_399 = vector.broadcast %shift_right_logical3A_398 : i32 to vector<16xi32>
    %shift_right_logical3A_400 = arith.shrui %get3A_390, %shift_right_logical3A_399 : vector<16xi32>
    %swap3A_401 = arith.constant 24 : index
    %swap3A_402 = tpu.vector_load %arg11[%swap3A_401] {strides = array<i32>} : memref<40xi32, #tpu.memory_space<vmem>>, vector<16xi32>,
    %swap3A_403 = vector.shape_cast %swap3A_402 : vector<16xi32> to vector<16xi32>
    %swap3A_404 = vector.shape_cast %shift_right_logical3A_400 : vector<16xi32> to vector<16xi32>
    tpu.vector_store %arg11[%swap3A_401], %swap3A_404 {strides = array<i32>} : memref<40xi32, #tpu.memory_space<vmem>>, vector<16xi32>,
    %dma_start3A_405 = arith.constant 0 : i32
    %dma_start3A_406 = arith.constant 0 : i32
    %dma_start3A_407 = tpu.memref_slice %arg2[%dma_start3A_405, %dma_start3A_406] : memref<10000x128xf32, #tpu.memory_space<hbm>> -> memref<10000x128xf32, #tpu.memory_space<hbm>>
    tpu.enqueue_indirect_dma source(%dma_start3A_407 : memref<10000x128xf32, #tpu.memory_space<hbm>>) target(%arg14 : memref<40x128xf32, #tpu.memory_space<vmem>>) offsets(%arg8 : memref<40xi32, #tpu.memory_space<vmem>>) semaphore(%arg17 : memref<!tpu.dma_semaphore, #tpu.memory_space<semaphore_mem>>)
    %dma_wait3A_408 = arith.constant 0 : i32
    %dma_wait3A_409 = arith.constant 0 : i32
    %dma_wait3A_410 = tpu.memref_slice %arg2[%dma_wait3A_408, %dma_wait3A_409] : memref<10000x128xf32, #tpu.memory_space<hbm>> -> memref<40x128xf32, #tpu.memory_space<hbm>>
    %dma_wait3A_411 = arith.constant 0 : i32
    %dma_wait3A_412 = arith.constant 0 : i32
    %dma_wait3A_413 = tpu.memref_slice %arg2[%dma_wait3A_411, %dma_wait3A_412] : memref<10000x128xf32, #tpu.memory_space<hbm>> -> memref<40x128xf32, #tpu.memory_space<hbm>>
    tpu.wait_dma2 semaphore(%arg16 : memref<!tpu.dma_semaphore, #tpu.memory_space<semaphore_mem>>) src(%dma_wait3A_413 : memref<40x128xf32, #tpu.memory_space<hbm>>) dst(%arg13 : memref<40x128xf32, #tpu.memory_space<vmem>>)
    %dma_start3A_414 = arith.constant 0 : i32
    %dma_start3A_415 = arith.constant 0 : i32
    %dma_start3A_416 = tpu.memref_slice %arg5[%dma_start3A_414, %dma_start3A_415] : memref<10240x128xf32, #tpu.memory_space<vmem_shared>> -> memref<10240x128xf32, #tpu.memory_space<vmem_shared>>
    tpu.enqueue_indirect_dma source(%arg13 : memref<40x128xf32, #tpu.memory_space<vmem>>) target(%dma_start3A_416 : memref<10240x128xf32, #tpu.memory_space<vmem_shared>>) offsets(%arg10 : memref<40xi32, #tpu.memory_space<vmem>>) semaphore(%arg19 : memref<!tpu.dma_semaphore, #tpu.memory_space<semaphore_mem>>) {add = true}
    %dma_wait3A_417 = arith.constant 0 : i32
    %dma_wait3A_418 = arith.constant 0 : i32
    %dma_wait3A_419 = tpu.memref_slice %arg2[%dma_wait3A_417, %dma_wait3A_418] : memref<10000x128xf32, #tpu.memory_space<hbm>> -> memref<40x128xf32, #tpu.memory_space<hbm>>
    %dma_wait3A_420 = arith.constant 0 : i32
    %dma_wait3A_421 = arith.constant 0 : i32
    %dma_wait3A_422 = tpu.memref_slice %arg2[%dma_wait3A_420, %dma_wait3A_421] : memref<10000x128xf32, #tpu.memory_space<hbm>> -> memref<40x128xf32, #tpu.memory_space<hbm>>
    tpu.wait_dma2 semaphore(%arg21 : memref<!tpu.dma_semaphore, #tpu.memory_space<semaphore_mem>>) src(%dma_wait3A_422 : memref<40x128xf32, #tpu.memory_space<hbm>>) dst(%arg15 : memref<40x128xf32, #tpu.memory_space<vmem>>)
    %get3A_423 = arith.constant 248 : i32
    %get3A_424 = arith.index_cast %get3A_423 : i32 to index
    %get3A_425 = arith.constant 0 : index
    %get3A_426 = tpu.vector_load %arg6[%get3A_424, %get3A_425] {strides = array<i32>} : memref<250x40xi32, #tpu.memory_space<vmem>>, vector<1x16xi32>,
    %get3A_427 = vector.shape_cast %get3A_426 : vector<1x16xi32> to vector<16xi32>
    %and3A_428 = arith.constant 65535 : i32
    %and3A_429 = vector.broadcast %and3A_428 : i32 to vector<16xi32>
    %and3A_430 = arith.andi %get3A_427, %and3A_429 : vector<16xi32>
    %swap3A_431 = arith.constant 0 : index
    %swap3A_432 = tpu.vector_load %arg9[%swap3A_431] {strides = array<i32>} : memref<40xi32, #tpu.memory_space<vmem>>, vector<16xi32>,
    %swap3A_433 = vector.shape_cast %swap3A_432 : vector<16xi32> to vector<16xi32>
    %swap3A_434 = vector.shape_cast %and3A_430 : vector<16xi32> to vector<16xi32>
    tpu.vector_store %arg9[%swap3A_431], %swap3A_434 {strides = array<i32>} : memref<40xi32, #tpu.memory_space<vmem>>, vector<16xi32>,
    %shift_right_logical3A_435 = arith.constant 16 : i32
    %shift_right_logical3A_436 = vector.broadcast %shift_right_logical3A_435 : i32 to vector<16xi32>
    %shift_right_logical3A_437 = arith.shrui %get3A_427, %shift_right_logical3A_436 : vector<16xi32>
    %swap3A_438 = arith.constant 0 : index
    %swap3A_439 = tpu.vector_load %arg12[%swap3A_438] {strides = array<i32>} : memref<40xi32, #tpu.memory_space<vmem>>, vector<16xi32>,
    %swap3A_440 = vector.shape_cast %swap3A_439 : vector<16xi32> to vector<16xi32>
    %swap3A_441 = vector.shape_cast %shift_right_logical3A_437 : vector<16xi32> to vector<16xi32>
    tpu.vector_store %arg12[%swap3A_438], %swap3A_441 {strides = array<i32>} : memref<40xi32, #tpu.memory_space<vmem>>, vector<16xi32>,
    %get3A_442 = arith.constant 248 : i32
    %get3A_443 = arith.index_cast %get3A_442 : i32 to index
    %get3A_444 = arith.constant 16 : index
    %get3A_445 = tpu.vector_load %arg6[%get3A_443, %get3A_444] {strides = array<i32>} : memref<250x40xi32, #tpu.memory_space<vmem>>, vector<1x16xi32>,
    %get3A_446 = vector.shape_cast %get3A_445 : vector<1x16xi32> to vector<16xi32>
    %and3A_447 = arith.constant 65535 : i32
    %and3A_448 = vector.broadcast %and3A_447 : i32 to vector<16xi32>
    %and3A_449 = arith.andi %get3A_446, %and3A_448 : vector<16xi32>
    %swap3A_450 = arith.constant 16 : index
    %swap3A_451 = tpu.vector_load %arg9[%swap3A_450] {strides = array<i32>} : memref<40xi32, #tpu.memory_space<vmem>>, vector<16xi32>,
    %swap3A_452 = vector.shape_cast %swap3A_451 : vector<16xi32> to vector<16xi32>
    %swap3A_453 = vector.shape_cast %and3A_449 : vector<16xi32> to vector<16xi32>
    tpu.vector_store %arg9[%swap3A_450], %swap3A_453 {strides = array<i32>} : memref<40xi32, #tpu.memory_space<vmem>>, vector<16xi32>,
    %shift_right_logical3A_454 = arith.constant 16 : i32
    %shift_right_logical3A_455 = vector.broadcast %shift_right_logical3A_454 : i32 to vector<16xi32>
    %shift_right_logical3A_456 = arith.shrui %get3A_446, %shift_right_logical3A_455 : vector<16xi32>
    %swap3A_457 = arith.constant 16 : index
    %swap3A_458 = tpu.vector_load %arg12[%swap3A_457] {strides = array<i32>} : memref<40xi32, #tpu.memory_space<vmem>>, vector<16xi32>,
    %swap3A_459 = vector.shape_cast %swap3A_458 : vector<16xi32> to vector<16xi32>
    %swap3A_460 = vector.shape_cast %shift_right_logical3A_456 : vector<16xi32> to vector<16xi32>
    tpu.vector_store %arg12[%swap3A_457], %swap3A_460 {strides = array<i32>} : memref<40xi32, #tpu.memory_space<vmem>>, vector<16xi32>,
    %get3A_461 = arith.constant 248 : i32
    %get3A_462 = arith.index_cast %get3A_461 : i32 to index
    %get3A_463 = arith.constant 24 : index
    %get3A_464 = tpu.vector_load %arg6[%get3A_462, %get3A_463] {strides = array<i32>} : memref<250x40xi32, #tpu.memory_space<vmem>>, vector<1x16xi32>,
    %get3A_465 = vector.shape_cast %get3A_464 : vector<1x16xi32> to vector<16xi32>
    %and3A_466 = arith.constant 65535 : i32
    %and3A_467 = vector.broadcast %and3A_466 : i32 to vector<16xi32>
    %and3A_468 = arith.andi %get3A_465, %and3A_467 : vector<16xi32>
    %swap3A_469 = arith.constant 24 : index
    %swap3A_470 = tpu.vector_load %arg9[%swap3A_469] {strides = array<i32>} : memref<40xi32, #tpu.memory_space<vmem>>, vector<16xi32>,
    %swap3A_471 = vector.shape_cast %swap3A_470 : vector<16xi32> to vector<16xi32>
    %swap3A_472 = vector.shape_cast %and3A_468 : vector<16xi32> to vector<16xi32>
    tpu.vector_store %arg9[%swap3A_469], %swap3A_472 {strides = array<i32>} : memref<40xi32, #tpu.memory_space<vmem>>, vector<16xi32>,
    %shift_right_logical3A_473 = arith.constant 16 : i32
    %shift_right_logical3A_474 = vector.broadcast %shift_right_logical3A_473 : i32 to vector<16xi32>
    %shift_right_logical3A_475 = arith.shrui %get3A_465, %shift_right_logical3A_474 : vector<16xi32>
    %swap3A_476 = arith.constant 24 : index
    %swap3A_477 = tpu.vector_load %arg12[%swap3A_476] {strides = array<i32>} : memref<40xi32, #tpu.memory_space<vmem>>, vector<16xi32>,
    %swap3A_478 = vector.shape_cast %swap3A_477 : vector<16xi32> to vector<16xi32>
    %swap3A_479 = vector.shape_cast %shift_right_logical3A_475 : vector<16xi32> to vector<16xi32>
    tpu.vector_store %arg12[%swap3A_476], %swap3A_479 {strides = array<i32>} : memref<40xi32, #tpu.memory_space<vmem>>, vector<16xi32>,
    %dma_start3A_480 = arith.constant 0 : i32
    %dma_start3A_481 = arith.constant 0 : i32
    %dma_start3A_482 = tpu.memref_slice %arg2[%dma_start3A_480, %dma_start3A_481] : memref<10000x128xf32, #tpu.memory_space<hbm>> -> memref<10000x128xf32, #tpu.memory_space<hbm>>
    tpu.enqueue_indirect_dma source(%dma_start3A_482 : memref<10000x128xf32, #tpu.memory_space<hbm>>) target(%arg15 : memref<40x128xf32, #tpu.memory_space<vmem>>) offsets(%arg9 : memref<40xi32, #tpu.memory_space<vmem>>) semaphore(%arg18 : memref<!tpu.dma_semaphore, #tpu.memory_space<semaphore_mem>>)
    %dma_wait3A_483 = arith.constant 0 : i32
    %dma_wait3A_484 = arith.constant 0 : i32
    %dma_wait3A_485 = tpu.memref_slice %arg2[%dma_wait3A_483, %dma_wait3A_484] : memref<10000x128xf32, #tpu.memory_space<hbm>> -> memref<40x128xf32, #tpu.memory_space<hbm>>
    %dma_wait3A_486 = arith.constant 0 : i32
    %dma_wait3A_487 = arith.constant 0 : i32
    %dma_wait3A_488 = tpu.memref_slice %arg2[%dma_wait3A_486, %dma_wait3A_487] : memref<10000x128xf32, #tpu.memory_space<hbm>> -> memref<40x128xf32, #tpu.memory_space<hbm>>
    tpu.wait_dma2 semaphore(%arg17 : memref<!tpu.dma_semaphore, #tpu.memory_space<semaphore_mem>>) src(%dma_wait3A_488 : memref<40x128xf32, #tpu.memory_space<hbm>>) dst(%arg14 : memref<40x128xf32, #tpu.memory_space<vmem>>)
    %dma_start3A_489 = arith.constant 0 : i32
    %dma_start3A_490 = arith.constant 0 : i32
    %dma_start3A_491 = tpu.memref_slice %arg5[%dma_start3A_489, %dma_start3A_490] : memref<10240x128xf32, #tpu.memory_space<vmem_shared>> -> memref<10240x128xf32, #tpu.memory_space<vmem_shared>>
    tpu.enqueue_indirect_dma source(%arg14 : memref<40x128xf32, #tpu.memory_space<vmem>>) target(%dma_start3A_491 : memref<10240x128xf32, #tpu.memory_space<vmem_shared>>) offsets(%arg11 : memref<40xi32, #tpu.memory_space<vmem>>) semaphore(%arg20 : memref<!tpu.dma_semaphore, #tpu.memory_space<semaphore_mem>>) {add = true}
    %dma_wait3A_492 = arith.constant 0 : i32
    %dma_wait3A_493 = arith.constant 0 : i32
    %dma_wait3A_494 = tpu.memref_slice %arg2[%dma_wait3A_492, %dma_wait3A_493] : memref<10000x128xf32, #tpu.memory_space<hbm>> -> memref<40x128xf32, #tpu.memory_space<hbm>>
    %dma_wait3A_495 = arith.constant 0 : i32
    %dma_wait3A_496 = arith.constant 0 : i32
    %dma_wait3A_497 = tpu.memref_slice %arg2[%dma_wait3A_495, %dma_wait3A_496] : memref<10000x128xf32, #tpu.memory_space<hbm>> -> memref<40x128xf32, #tpu.memory_space<hbm>>
    tpu.wait_dma2 semaphore(%arg19 : memref<!tpu.dma_semaphore, #tpu.memory_space<semaphore_mem>>) src(%dma_wait3A_497 : memref<40x128xf32, #tpu.memory_space<hbm>>) dst(%arg13 : memref<40x128xf32, #tpu.memory_space<vmem>>)
    %get3A_498 = arith.constant 249 : i32
    %get3A_499 = arith.index_cast %get3A_498 : i32 to index
    %get3A_500 = arith.constant 0 : index
    %get3A_501 = tpu.vector_load %arg6[%get3A_499, %get3A_500] {strides = array<i32>} : memref<250x40xi32, #tpu.memory_space<vmem>>, vector<1x16xi32>,
    %get3A_502 = vector.shape_cast %get3A_501 : vector<1x16xi32> to vector<16xi32>
    %and3A_503 = arith.constant 65535 : i32
    %and3A_504 = vector.broadcast %and3A_503 : i32 to vector<16xi32>
    %and3A_505 = arith.andi %get3A_502, %and3A_504 : vector<16xi32>
    %swap3A_506 = arith.constant 0 : index
    %swap3A_507 = tpu.vector_load %arg7[%swap3A_506] {strides = array<i32>} : memref<40xi32, #tpu.memory_space<vmem>>, vector<16xi32>,
    %swap3A_508 = vector.shape_cast %swap3A_507 : vector<16xi32> to vector<16xi32>
    %swap3A_509 = vector.shape_cast %and3A_505 : vector<16xi32> to vector<16xi32>
    tpu.vector_store %arg7[%swap3A_506], %swap3A_509 {strides = array<i32>} : memref<40xi32, #tpu.memory_space<vmem>>, vector<16xi32>,
    %shift_right_logical3A_510 = arith.constant 16 : i32
    %shift_right_logical3A_511 = vector.broadcast %shift_right_logical3A_510 : i32 to vector<16xi32>
    %shift_right_logical3A_512 = arith.shrui %get3A_502, %shift_right_logical3A_511 : vector<16xi32>
    %swap3A_513 = arith.constant 0 : index
    %swap3A_514 = tpu.vector_load %arg10[%swap3A_513] {strides = array<i32>} : memref<40xi32, #tpu.memory_space<vmem>>, vector<16xi32>,
    %swap3A_515 = vector.shape_cast %swap3A_514 : vector<16xi32> to vector<16xi32>
    %swap3A_516 = vector.shape_cast %shift_right_logical3A_512 : vector<16xi32> to vector<16xi32>
    tpu.vector_store %arg10[%swap3A_513], %swap3A_516 {strides = array<i32>} : memref<40xi32, #tpu.memory_space<vmem>>, vector<16xi32>,
    %get3A_517 = arith.constant 249 : i32
    %get3A_518 = arith.index_cast %get3A_517 : i32 to index
    %get3A_519 = arith.constant 16 : index
    %get3A_520 = tpu.vector_load %arg6[%get3A_518, %get3A_519] {strides = array<i32>} : memref<250x40xi32, #tpu.memory_space<vmem>>, vector<1x16xi32>,
    %get3A_521 = vector.shape_cast %get3A_520 : vector<1x16xi32> to vector<16xi32>
    %and3A_522 = arith.constant 65535 : i32
    %and3A_523 = vector.broadcast %and3A_522 : i32 to vector<16xi32>
    %and3A_524 = arith.andi %get3A_521, %and3A_523 : vector<16xi32>
    %swap3A_525 = arith.constant 16 : index
    %swap3A_526 = tpu.vector_load %arg7[%swap3A_525] {strides = array<i32>} : memref<40xi32, #tpu.memory_space<vmem>>, vector<16xi32>,
    %swap3A_527 = vector.shape_cast %swap3A_526 : vector<16xi32> to vector<16xi32>
    %swap3A_528 = vector.shape_cast %and3A_524 : vector<16xi32> to vector<16xi32>
    tpu.vector_store %arg7[%swap3A_525], %swap3A_528 {strides = array<i32>} : memref<40xi32, #tpu.memory_space<vmem>>, vector<16xi32>,
    %shift_right_logical3A_529 = arith.constant 16 : i32
    %shift_right_logical3A_530 = vector.broadcast %shift_right_logical3A_529 : i32 to vector<16xi32>
    %shift_right_logical3A_531 = arith.shrui %get3A_521, %shift_right_logical3A_530 : vector<16xi32>
    %swap3A_532 = arith.constant 16 : index
    %swap3A_533 = tpu.vector_load %arg10[%swap3A_532] {strides = array<i32>} : memref<40xi32, #tpu.memory_space<vmem>>, vector<16xi32>,
    %swap3A_534 = vector.shape_cast %swap3A_533 : vector<16xi32> to vector<16xi32>
    %swap3A_535 = vector.shape_cast %shift_right_logical3A_531 : vector<16xi32> to vector<16xi32>
    tpu.vector_store %arg10[%swap3A_532], %swap3A_535 {strides = array<i32>} : memref<40xi32, #tpu.memory_space<vmem>>, vector<16xi32>,
    %get3A_536 = arith.constant 249 : i32
    %get3A_537 = arith.index_cast %get3A_536 : i32 to index
    %get3A_538 = arith.constant 24 : index
    %get3A_539 = tpu.vector_load %arg6[%get3A_537, %get3A_538] {strides = array<i32>} : memref<250x40xi32, #tpu.memory_space<vmem>>, vector<1x16xi32>,
    %get3A_540 = vector.shape_cast %get3A_539 : vector<1x16xi32> to vector<16xi32>
    %and3A_541 = arith.constant 65535 : i32
    %and3A_542 = vector.broadcast %and3A_541 : i32 to vector<16xi32>
    %and3A_543 = arith.andi %get3A_540, %and3A_542 : vector<16xi32>
    %swap3A_544 = arith.constant 24 : index
    %swap3A_545 = tpu.vector_load %arg7[%swap3A_544] {strides = array<i32>} : memref<40xi32, #tpu.memory_space<vmem>>, vector<16xi32>,
    %swap3A_546 = vector.shape_cast %swap3A_545 : vector<16xi32> to vector<16xi32>
    %swap3A_547 = vector.shape_cast %and3A_543 : vector<16xi32> to vector<16xi32>
    tpu.vector_store %arg7[%swap3A_544], %swap3A_547 {strides = array<i32>} : memref<40xi32, #tpu.memory_space<vmem>>, vector<16xi32>,
    %shift_right_logical3A_548 = arith.constant 16 : i32
    %shift_right_logical3A_549 = vector.broadcast %shift_right_logical3A_548 : i32 to vector<16xi32>
    %shift_right_logical3A_550 = arith.shrui %get3A_540, %shift_right_logical3A_549 : vector<16xi32>
    %swap3A_551 = arith.constant 24 : index
    %swap3A_552 = tpu.vector_load %arg10[%swap3A_551] {strides = array<i32>} : memref<40xi32, #tpu.memory_space<vmem>>, vector<16xi32>,
    %swap3A_553 = vector.shape_cast %swap3A_552 : vector<16xi32> to vector<16xi32>
    %swap3A_554 = vector.shape_cast %shift_right_logical3A_550 : vector<16xi32> to vector<16xi32>
    tpu.vector_store %arg10[%swap3A_551], %swap3A_554 {strides = array<i32>} : memref<40xi32, #tpu.memory_space<vmem>>, vector<16xi32>,
    %dma_start3A_555 = arith.constant 0 : i32
    %dma_start3A_556 = arith.constant 0 : i32
    %dma_start3A_557 = tpu.memref_slice %arg2[%dma_start3A_555, %dma_start3A_556] : memref<10000x128xf32, #tpu.memory_space<hbm>> -> memref<10000x128xf32, #tpu.memory_space<hbm>>
    tpu.enqueue_indirect_dma source(%dma_start3A_557 : memref<10000x128xf32, #tpu.memory_space<hbm>>) target(%arg13 : memref<40x128xf32, #tpu.memory_space<vmem>>) offsets(%arg7 : memref<40xi32, #tpu.memory_space<vmem>>) semaphore(%arg16 : memref<!tpu.dma_semaphore, #tpu.memory_space<semaphore_mem>>)
    %dma_wait3A_558 = arith.constant 0 : i32
    %dma_wait3A_559 = arith.constant 0 : i32
    %dma_wait3A_560 = tpu.memref_slice %arg2[%dma_wait3A_558, %dma_wait3A_559] : memref<10000x128xf32, #tpu.memory_space<hbm>> -> memref<40x128xf32, #tpu.memory_space<hbm>>
    %dma_wait3A_561 = arith.constant 0 : i32
    %dma_wait3A_562 = arith.constant 0 : i32
    %dma_wait3A_563 = tpu.memref_slice %arg2[%dma_wait3A_561, %dma_wait3A_562] : memref<10000x128xf32, #tpu.memory_space<hbm>> -> memref<40x128xf32, #tpu.memory_space<hbm>>
    tpu.wait_dma2 semaphore(%arg18 : memref<!tpu.dma_semaphore, #tpu.memory_space<semaphore_mem>>) src(%dma_wait3A_563 : memref<40x128xf32, #tpu.memory_space<hbm>>) dst(%arg15 : memref<40x128xf32, #tpu.memory_space<vmem>>)
    %dma_start3A_564 = arith.constant 0 : i32
    %dma_start3A_565 = arith.constant 0 : i32
    %dma_start3A_566 = tpu.memref_slice %arg5[%dma_start3A_564, %dma_start3A_565] : memref<10240x128xf32, #tpu.memory_space<vmem_shared>> -> memref<10240x128xf32, #tpu.memory_space<vmem_shared>>
    tpu.enqueue_indirect_dma source(%arg15 : memref<40x128xf32, #tpu.memory_space<vmem>>) target(%dma_start3A_566 : memref<10240x128xf32, #tpu.memory_space<vmem_shared>>) offsets(%arg12 : memref<40xi32, #tpu.memory_space<vmem>>) semaphore(%arg21 : memref<!tpu.dma_semaphore, #tpu.memory_space<semaphore_mem>>) {add = true}
    %dma_wait3A_567 = arith.constant 0 : i32
    %dma_wait3A_568 = arith.constant 0 : i32
    %dma_wait3A_569 = tpu.memref_slice %arg2[%dma_wait3A_567, %dma_wait3A_568] : memref<10000x128xf32, #tpu.memory_space<hbm>> -> memref<40x128xf32, #tpu.memory_space<hbm>>
    %dma_wait3A_570 = arith.constant 0 : i32
    %dma_wait3A_571 = arith.constant 0 : i32
    %dma_wait3A_572 = tpu.memref_slice %arg2[%dma_wait3A_570, %dma_wait3A_571] : memref<10000x128xf32, #tpu.memory_space<hbm>> -> memref<40x128xf32, #tpu.memory_space<hbm>>
    tpu.wait_dma2 semaphore(%arg16 : memref<!tpu.dma_semaphore, #tpu.memory_space<semaphore_mem>>) src(%dma_wait3A_572 : memref<40x128xf32, #tpu.memory_space<hbm>>) dst(%arg13 : memref<40x128xf32, #tpu.memory_space<vmem>>)
    %dma_start3A_573 = arith.constant 0 : i32
    %dma_start3A_574 = arith.constant 0 : i32
    %dma_start3A_575 = tpu.memref_slice %arg5[%dma_start3A_573, %dma_start3A_574] : memref<10240x128xf32, #tpu.memory_space<vmem_shared>> -> memref<10240x128xf32, #tpu.memory_space<vmem_shared>>
    tpu.enqueue_indirect_dma source(%arg13 : memref<40x128xf32, #tpu.memory_space<vmem>>) target(%dma_start3A_575 : memref<10240x128xf32, #tpu.memory_space<vmem_shared>>) offsets(%arg10 : memref<40xi32, #tpu.memory_space<vmem>>) semaphore(%arg19 : memref<!tpu.dma_semaphore, #tpu.memory_space<semaphore_mem>>) {add = true}
    %dma_wait3A_576 = arith.constant 0 : i32
    %dma_wait3A_577 = arith.constant 0 : i32
    %dma_wait3A_578 = tpu.memref_slice %arg2[%dma_wait3A_576, %dma_wait3A_577] : memref<10000x128xf32, #tpu.memory_space<hbm>> -> memref<40x128xf32, #tpu.memory_space<hbm>>
    %dma_wait3A_579 = arith.constant 0 : i32
    %dma_wait3A_580 = arith.constant 0 : i32
    %dma_wait3A_581 = tpu.memref_slice %arg2[%dma_wait3A_579, %dma_wait3A_580] : memref<10000x128xf32, #tpu.memory_space<hbm>> -> memref<40x128xf32, #tpu.memory_space<hbm>>
    tpu.wait_dma2 semaphore(%arg19 : memref<!tpu.dma_semaphore, #tpu.memory_space<semaphore_mem>>) src(%dma_wait3A_581 : memref<40x128xf32, #tpu.memory_space<hbm>>) dst(%arg13 : memref<40x128xf32, #tpu.memory_space<vmem>>)
    %dma_wait3A_582 = arith.constant 0 : i32
    %dma_wait3A_583 = arith.constant 0 : i32
    %dma_wait3A_584 = tpu.memref_slice %arg2[%dma_wait3A_582, %dma_wait3A_583] : memref<10000x128xf32, #tpu.memory_space<hbm>> -> memref<40x128xf32, #tpu.memory_space<hbm>>
    %dma_wait3A_585 = arith.constant 0 : i32
    %dma_wait3A_586 = arith.constant 0 : i32
    %dma_wait3A_587 = tpu.memref_slice %arg2[%dma_wait3A_585, %dma_wait3A_586] : memref<10000x128xf32, #tpu.memory_space<hbm>> -> memref<40x128xf32, #tpu.memory_space<hbm>>
    tpu.wait_dma2 semaphore(%arg20 : memref<!tpu.dma_semaphore, #tpu.memory_space<semaphore_mem>>) src(%dma_wait3A_587 : memref<40x128xf32, #tpu.memory_space<hbm>>) dst(%arg14 : memref<40x128xf32, #tpu.memory_space<vmem>>)
    %dma_wait3A_588 = arith.constant 0 : i32
    %dma_wait3A_589 = arith.constant 0 : i32
    %dma_wait3A_590 = tpu.memref_slice %arg2[%dma_wait3A_588, %dma_wait3A_589] : memref<10000x128xf32, #tpu.memory_space<hbm>> -> memref<40x128xf32, #tpu.memory_space<hbm>>
    %dma_wait3A_591 = arith.constant 0 : i32
    %dma_wait3A_592 = arith.constant 0 : i32
    %dma_wait3A_593 = tpu.memref_slice %arg2[%dma_wait3A_591, %dma_wait3A_592] : memref<10000x128xf32, #tpu.memory_space<hbm>> -> memref<40x128xf32, #tpu.memory_space<hbm>>
    tpu.wait_dma2 semaphore(%arg21 : memref<!tpu.dma_semaphore, #tpu.memory_space<semaphore_mem>>) src(%dma_wait3A_593 : memref<40x128xf32, #tpu.memory_space<hbm>>) dst(%arg15 : memref<40x128xf32, #tpu.memory_space<vmem>>)
    %barrier3A_594 = arith.constant 0 : index
    tpu.barrier barrier_id(%barrier3A_594)
    %mul3A_595 = arith.constant 640 : i32
    %mul3A_596 = arith.muli %arg1, %mul3A_595 : i32
    %mul3A_597 = arith.constant 640 : i32
    %mul3A_598 = arith.muli %arg1, %mul3A_597 : i32
    "tpu.region"() ({
      %run_scoped3A = tpu.sem_alloc : memref<!tpu.dma_semaphore, #tpu.memory_space<semaphore_mem>>
      %dma_start3A_599 = arith.constant 0 : i32
      %dma_start3A_600 = tpu.memref_slice %arg4[%arg0, %mul3A_598, %dma_start3A_599] : memref<2x10240x128xf32, #tpu.memory_space<hbm>> -> memref<1x640x128xf32, #tpu.memory_space<hbm>>
      %dma_start3A_601 = tpu.memref_squeeze %dma_start3A_600 : memref<1x640x128xf32, #tpu.memory_space<hbm>> -> memref<640x128xf32, #tpu.memory_space<hbm>>
      %dma_start3A_602 = arith.constant 0 : i32
      %dma_start3A_603 = tpu.memref_slice %arg5[%mul3A_596, %dma_start3A_602] : memref<10240x128xf32, #tpu.memory_space<vmem_shared>> -> memref<640x128xf32, #tpu.memory_space<vmem_shared>>
      tpu.enqueue_dma source(%dma_start3A_603 : memref<640x128xf32, #tpu.memory_space<vmem_shared>>) target(%dma_start3A_601 : memref<640x128xf32, #tpu.memory_space<hbm>>) target_semaphore(%run_scoped3A : memref<!tpu.dma_semaphore, #tpu.memory_space<semaphore_mem>>)
      %dma_wait3A_604 = arith.constant 0 : i32
      %dma_wait3A_605 = tpu.memref_slice %arg4[%arg0, %mul3A_598, %dma_wait3A_604] : memref<2x10240x128xf32, #tpu.memory_space<hbm>> -> memref<1x640x128xf32, #tpu.memory_space<hbm>>
      %dma_wait3A_606 = tpu.memref_squeeze %dma_wait3A_605 : memref<1x640x128xf32, #tpu.memory_space<hbm>> -> memref<640x128xf32, #tpu.memory_space<hbm>>
      %dma_wait3A_607 = arith.constant 0 : i32
      %dma_wait3A_608 = tpu.memref_slice %arg5[%mul3A_596, %dma_wait3A_607] : memref<10240x128xf32, #tpu.memory_space<vmem_shared>> -> memref<640x128xf32, #tpu.memory_space<vmem_shared>>
      tpu.wait_dma2 semaphore(%run_scoped3A : memref<!tpu.dma_semaphore, #tpu.memory_space<semaphore_mem>>) src(%dma_wait3A_608 : memref<640x128xf32, #tpu.memory_space<vmem_shared>>) dst(%dma_wait3A_606 : memref<640x128xf32, #tpu.memory_space<hbm>>)
      tpu.yield
    }) : () -> ()
    return
  }
}

#map = affine_map<(d0, d1) -> (0, 0)>
#map1 = affine_map<(d0, d1) -> (0, 0, 0)>
module attributes {stable_mosaic.version = 14 : i64} {
  func.func @k(%arg0: i32, %arg1: i32, %arg2: memref<10000x128xf32, #tpu.memory_space<hbm>>, %arg3: memref<32x250x40xi32, #tpu.memory_space<hbm>>, %arg4: memref<2x10240x128xf32, #tpu.memory_space<hbm>>, %arg5: memref<10240x128xf32, #tpu.memory_space<vmem_shared>>, %arg6: memref<250x40xi32, #tpu.memory_space<vmem>>, %arg7: memref<40xi32, #tpu.memory_space<vmem>>, %arg8: memref<40xi32, #tpu.memory_space<vmem>>, %arg9: memref<40xi32, #tpu.memory_space<vmem>>, %arg10: memref<40xi32, #tpu.memory_space<vmem>>, %arg11: memref<40xi32, #tpu.memory_space<vmem>>, %arg12: memref<40xi32, #tpu.memory_space<vmem>>, %arg13: memref<40x128xf32, #tpu.memory_space<vmem>>, %arg14: memref<40x128xf32, #tpu.memory_space<vmem>>, %arg15: memref<40x128xf32, #tpu.memory_space<vmem>>, %arg16: memref<!tpu.dma_semaphore, #tpu.memory_space<semaphore_mem>>, %arg17: memref<!tpu.dma_semaphore, #tpu.memory_space<semaphore_mem>>, %arg18: memref<!tpu.dma_semaphore, #tpu.memory_space<semaphore_mem>>, %arg19: memref<!tpu.dma_semaphore, #tpu.memory_space<semaphore_mem>>, %arg20: memref<!tpu.dma_semaphore, #tpu.memory_space<semaphore_mem>>, %arg21: memref<!tpu.dma_semaphore, #tpu.memory_space<semaphore_mem>>) attributes {dimension_semantics = [#tpu.dimension_semantics<core_parallel>, #tpu.dimension_semantics<subcore_parallel>], iteration_bounds = array<i64: 2, 16>, scalar_prefetch = 0 : i64, scratch_operands = 17 : i64, tpu.core_type = #tpu.core_type<sc_vector_subcore>, window_params = [{transform_indices = #map}, {transform_indices = #map1}, {transform_indices = #map1}]} {
    %mul3A = arith.constant 2 : i32
    %mul3A_0 = arith.muli %arg1, %mul3A : i32
    %add3A = arith.addi %mul3A_0, %arg0 : i32
    %broadcast_in_dim3A = arith.constant 0.000000e+00 : f32
    %broadcast_in_dim3A_1 = vector.broadcast %broadcast_in_dim3A : f32 to vector<16xf32>
    %scan3A = arith.constant 0 : i32
    %scan3A_2 = arith.constant 40 : i32
    %scan3A_3 = arith.addi %scan3A, %scan3A_2 : i32
    %scan3A_4 = arith.constant 1 : i32
    scf.for %scan3A_599 = %scan3A to %scan3A_3 step %scan3A_4  : i32 {
      %mul3A_600 = arith.constant 1 : i32
      %mul3A_601 = arith.muli %scan3A_599, %mul3A_600 : i32
      %add3A_602 = arith.constant 0 : i32
      %add3A_603 = arith.addi %add3A_602, %mul3A_601 : i32
      %swap3A_604 = arith.index_cast %add3A_603 : i32 to index
      %swap3A_605 = arith.constant 0 : index
      %swap3A_606 = tpu.vector_load %arg13[%swap3A_604, %swap3A_605] {strides = array<i32>} : memref<40x128xf32, #tpu.memory_space<vmem>>, vector<1x16xf32>,
      %swap3A_607 = vector.shape_cast %swap3A_606 : vector<1x16xf32> to vector<16xf32>
      %swap3A_608 = vector.shape_cast %broadcast_in_dim3A_1 : vector<16xf32> to vector<1x16xf32>
      tpu.vector_store %arg13[%swap3A_604, %swap3A_605], %swap3A_608 {strides = array<i32>} : memref<40x128xf32, #tpu.memory_space<vmem>>, vector<1x16xf32>,
      %swap3A_609 = arith.index_cast %add3A_603 : i32 to index
      %swap3A_610 = arith.constant 16 : index
      %swap3A_611 = tpu.vector_load %arg13[%swap3A_609, %swap3A_610] {strides = array<i32>} : memref<40x128xf32, #tpu.memory_space<vmem>>, vector<1x16xf32>,
      %swap3A_612 = vector.shape_cast %swap3A_611 : vector<1x16xf32> to vector<16xf32>
      %swap3A_613 = vector.shape_cast %broadcast_in_dim3A_1 : vector<16xf32> to vector<1x16xf32>
      tpu.vector_store %arg13[%swap3A_609, %swap3A_610], %swap3A_613 {strides = array<i32>} : memref<40x128xf32, #tpu.memory_space<vmem>>, vector<1x16xf32>,
      %swap3A_614 = arith.index_cast %add3A_603 : i32 to index
      %swap3A_615 = arith.constant 32 : index
      %swap3A_616 = tpu.vector_load %arg13[%swap3A_614, %swap3A_615] {strides = array<i32>} : memref<40x128xf32, #tpu.memory_space<vmem>>, vector<1x16xf32>,
      %swap3A_617 = vector.shape_cast %swap3A_616 : vector<1x16xf32> to vector<16xf32>
      %swap3A_618 = vector.shape_cast %broadcast_in_dim3A_1 : vector<16xf32> to vector<1x16xf32>
      tpu.vector_store %arg13[%swap3A_614, %swap3A_615], %swap3A_618 {strides = array<i32>} : memref<40x128xf32, #tpu.memory_space<vmem>>, vector<1x16xf32>,
      %swap3A_619 = arith.index_cast %add3A_603 : i32 to index
      %swap3A_620 = arith.constant 48 : index
      %swap3A_621 = tpu.vector_load %arg13[%swap3A_619, %swap3A_620] {strides = array<i32>} : memref<40x128xf32, #tpu.memory_space<vmem>>, vector<1x16xf32>,
      %swap3A_622 = vector.shape_cast %swap3A_621 : vector<1x16xf32> to vector<16xf32>
      %swap3A_623 = vector.shape_cast %broadcast_in_dim3A_1 : vector<16xf32> to vector<1x16xf32>
      tpu.vector_store %arg13[%swap3A_619, %swap3A_620], %swap3A_623 {strides = array<i32>} : memref<40x128xf32, #tpu.memory_space<vmem>>, vector<1x16xf32>,
      %swap3A_624 = arith.index_cast %add3A_603 : i32 to index
      %swap3A_625 = arith.constant 64 : index
      %swap3A_626 = tpu.vector_load %arg13[%swap3A_624, %swap3A_625] {strides = array<i32>} : memref<40x128xf32, #tpu.memory_space<vmem>>, vector<1x16xf32>,
      %swap3A_627 = vector.shape_cast %swap3A_626 : vector<1x16xf32> to vector<16xf32>
      %swap3A_628 = vector.shape_cast %broadcast_in_dim3A_1 : vector<16xf32> to vector<1x16xf32>
      tpu.vector_store %arg13[%swap3A_624, %swap3A_625], %swap3A_628 {strides = array<i32>} : memref<40x128xf32, #tpu.memory_space<vmem>>, vector<1x16xf32>,
      %swap3A_629 = arith.index_cast %add3A_603 : i32 to index
      %swap3A_630 = arith.constant 80 : index
      %swap3A_631 = tpu.vector_load %arg13[%swap3A_629, %swap3A_630] {strides = array<i32>} : memref<40x128xf32, #tpu.memory_space<vmem>>, vector<1x16xf32>,
      %swap3A_632 = vector.shape_cast %swap3A_631 : vector<1x16xf32> to vector<16xf32>
      %swap3A_633 = vector.shape_cast %broadcast_in_dim3A_1 : vector<16xf32> to vector<1x16xf32>
      tpu.vector_store %arg13[%swap3A_629, %swap3A_630], %swap3A_633 {strides = array<i32>} : memref<40x128xf32, #tpu.memory_space<vmem>>, vector<1x16xf32>,
      %swap3A_634 = arith.index_cast %add3A_603 : i32 to index
      %swap3A_635 = arith.constant 96 : index
      %swap3A_636 = tpu.vector_load %arg13[%swap3A_634, %swap3A_635] {strides = array<i32>} : memref<40x128xf32, #tpu.memory_space<vmem>>, vector<1x16xf32>,
      %swap3A_637 = vector.shape_cast %swap3A_636 : vector<1x16xf32> to vector<16xf32>
      %swap3A_638 = vector.shape_cast %broadcast_in_dim3A_1 : vector<16xf32> to vector<1x16xf32>
      tpu.vector_store %arg13[%swap3A_634, %swap3A_635], %swap3A_638 {strides = array<i32>} : memref<40x128xf32, #tpu.memory_space<vmem>>, vector<1x16xf32>,
      %swap3A_639 = arith.index_cast %add3A_603 : i32 to index
      %swap3A_640 = arith.constant 112 : index
      %swap3A_641 = tpu.vector_load %arg13[%swap3A_639, %swap3A_640] {strides = array<i32>} : memref<40x128xf32, #tpu.memory_space<vmem>>, vector<1x16xf32>,
      %swap3A_642 = vector.shape_cast %swap3A_641 : vector<1x16xf32> to vector<16xf32>
      %swap3A_643 = vector.shape_cast %broadcast_in_dim3A_1 : vector<16xf32> to vector<1x16xf32>
      tpu.vector_store %arg13[%swap3A_639, %swap3A_640], %swap3A_643 {strides = array<i32>} : memref<40x128xf32, #tpu.memory_space<vmem>>, vector<1x16xf32>,
    }
    %scan3A_5 = arith.constant 40 : i32
    %mul3A_6 = arith.constant 640 : i32
    %mul3A_7 = arith.muli %arg1, %mul3A_6 : i32
    %add3A_8 = arith.constant 0 : i32
    %add3A_9 = arith.addi %mul3A_7, %add3A_8 : i32
    "tpu.region"() ({
      %run_scoped3A = tpu.sem_alloc : memref<!tpu.dma_semaphore, #tpu.memory_space<semaphore_mem>>
      %dma_start3A_599 = arith.constant 0 : i32
      %dma_start3A_600 = tpu.memref_slice %arg5[%add3A_9, %dma_start3A_599] : memref<10240x128xf32, #tpu.memory_space<vmem_shared>> -> memref<40x128xf32, #tpu.memory_space<vmem_shared>>
      %dma_start3A_601 = arith.constant 0 : i32
      %dma_start3A_602 = tpu.memref_slice %arg5[%add3A_9, %dma_start3A_601] : memref<10240x128xf32, #tpu.memory_space<vmem_shared>> -> memref<40x128xf32, #tpu.memory_space<vmem_shared>>
      tpu.enqueue_dma source(%arg13 : memref<40x128xf32, #tpu.memory_space<vmem>>) target(%dma_start3A_602 : memref<40x128xf32, #tpu.memory_space<vmem_shared>>) target_semaphore(%run_scoped3A : memref<!tpu.dma_semaphore, #tpu.memory_space<semaphore_mem>>)
      %dma_wait3A_603 = arith.constant 0 : i32
      %dma_wait3A_604 = tpu.memref_slice %arg5[%add3A_9, %dma_wait3A_603] : memref<10240x128xf32, #tpu.memory_space<vmem_shared>> -> memref<40x128xf32, #tpu.memory_space<vmem_shared>>
      %dma_wait3A_605 = arith.constant 0 : i32
      %dma_wait3A_606 = tpu.memref_slice %arg5[%add3A_9, %dma_wait3A_605] : memref<10240x128xf32, #tpu.memory_space<vmem_shared>> -> memref<40x128xf32, #tpu.memory_space<vmem_shared>>
      tpu.wait_dma2 semaphore(%run_scoped3A : memref<!tpu.dma_semaphore, #tpu.memory_space<semaphore_mem>>) src(%arg13 : memref<40x128xf32, #tpu.memory_space<vmem>>) dst(%dma_wait3A_606 : memref<40x128xf32, #tpu.memory_space<vmem_shared>>)
      tpu.yield
    }) : () -> ()
    %mul3A_10 = arith.constant 640 : i32
    %mul3A_11 = arith.muli %arg1, %mul3A_10 : i32
    %add3A_12 = arith.constant 40 : i32
    %add3A_13 = arith.addi %mul3A_11, %add3A_12 : i32
    "tpu.region"() ({
      %run_scoped3A = tpu.sem_alloc : memref<!tpu.dma_semaphore, #tpu.memory_space<semaphore_mem>>
      %dma_start3A_599 = arith.constant 0 : i32
      %dma_start3A_600 = tpu.memref_slice %arg5[%add3A_13, %dma_start3A_599] : memref<10240x128xf32, #tpu.memory_space<vmem_shared>> -> memref<40x128xf32, #tpu.memory_space<vmem_shared>>
      %dma_start3A_601 = arith.constant 0 : i32
      %dma_start3A_602 = tpu.memref_slice %arg5[%add3A_13, %dma_start3A_601] : memref<10240x128xf32, #tpu.memory_space<vmem_shared>> -> memref<40x128xf32, #tpu.memory_space<vmem_shared>>
      tpu.enqueue_dma source(%arg13 : memref<40x128xf32, #tpu.memory_space<vmem>>) target(%dma_start3A_602 : memref<40x128xf32, #tpu.memory_space<vmem_shared>>) target_semaphore(%run_scoped3A : memref<!tpu.dma_semaphore, #tpu.memory_space<semaphore_mem>>)
      %dma_wait3A_603 = arith.constant 0 : i32
      %dma_wait3A_604 = tpu.memref_slice %arg5[%add3A_13, %dma_wait3A_603] : memref<10240x128xf32, #tpu.memory_space<vmem_shared>> -> memref<40x128xf32, #tpu.memory_space<vmem_shared>>
      %dma_wait3A_605 = arith.constant 0 : i32
      %dma_wait3A_606 = tpu.memref_slice %arg5[%add3A_13, %dma_wait3A_605] : memref<10240x128xf32, #tpu.memory_space<vmem_shared>> -> memref<40x128xf32, #tpu.memory_space<vmem_shared>>
      tpu.wait_dma2 semaphore(%run_scoped3A : memref<!tpu.dma_semaphore, #tpu.memory_space<semaphore_mem>>) src(%arg13 : memref<40x128xf32, #tpu.memory_space<vmem>>) dst(%dma_wait3A_606 : memref<40x128xf32, #tpu.memory_space<vmem_shared>>)
      tpu.yield
    }) : () -> ()
    %mul3A_14 = arith.constant 640 : i32
    %mul3A_15 = arith.muli %arg1, %mul3A_14 : i32
    %add3A_16 = arith.constant 80 : i32
    %add3A_17 = arith.addi %mul3A_15, %add3A_16 : i32
    "tpu.region"() ({
      %run_scoped3A = tpu.sem_alloc : memref<!tpu.dma_semaphore, #tpu.memory_space<semaphore_mem>>
      %dma_start3A_599 = arith.constant 0 : i32
      %dma_start3A_600 = tpu.memref_slice %arg5[%add3A_17, %dma_start3A_599] : memref<10240x128xf32, #tpu.memory_space<vmem_shared>> -> memref<40x128xf32, #tpu.memory_space<vmem_shared>>
      %dma_start3A_601 = arith.constant 0 : i32
      %dma_start3A_602 = tpu.memref_slice %arg5[%add3A_17, %dma_start3A_601] : memref<10240x128xf32, #tpu.memory_space<vmem_shared>> -> memref<40x128xf32, #tpu.memory_space<vmem_shared>>
      tpu.enqueue_dma source(%arg13 : memref<40x128xf32, #tpu.memory_space<vmem>>) target(%dma_start3A_602 : memref<40x128xf32, #tpu.memory_space<vmem_shared>>) target_semaphore(%run_scoped3A : memref<!tpu.dma_semaphore, #tpu.memory_space<semaphore_mem>>)
      %dma_wait3A_603 = arith.constant 0 : i32
      %dma_wait3A_604 = tpu.memref_slice %arg5[%add3A_17, %dma_wait3A_603] : memref<10240x128xf32, #tpu.memory_space<vmem_shared>> -> memref<40x128xf32, #tpu.memory_space<vmem_shared>>
      %dma_wait3A_605 = arith.constant 0 : i32
      %dma_wait3A_606 = tpu.memref_slice %arg5[%add3A_17, %dma_wait3A_605] : memref<10240x128xf32, #tpu.memory_space<vmem_shared>> -> memref<40x128xf32, #tpu.memory_space<vmem_shared>>
      tpu.wait_dma2 semaphore(%run_scoped3A : memref<!tpu.dma_semaphore, #tpu.memory_space<semaphore_mem>>) src(%arg13 : memref<40x128xf32, #tpu.memory_space<vmem>>) dst(%dma_wait3A_606 : memref<40x128xf32, #tpu.memory_space<vmem_shared>>)
      tpu.yield
    }) : () -> ()
    %mul3A_18 = arith.constant 640 : i32
    %mul3A_19 = arith.muli %arg1, %mul3A_18 : i32
    %add3A_20 = arith.constant 120 : i32
    %add3A_21 = arith.addi %mul3A_19, %add3A_20 : i32
    "tpu.region"() ({
      %run_scoped3A = tpu.sem_alloc : memref<!tpu.dma_semaphore, #tpu.memory_space<semaphore_mem>>
      %dma_start3A_599 = arith.constant 0 : i32
      %dma_start3A_600 = tpu.memref_slice %arg5[%add3A_21, %dma_start3A_599] : memref<10240x128xf32, #tpu.memory_space<vmem_shared>> -> memref<40x128xf32, #tpu.memory_space<vmem_shared>>
      %dma_start3A_601 = arith.constant 0 : i32
      %dma_start3A_602 = tpu.memref_slice %arg5[%add3A_21, %dma_start3A_601] : memref<10240x128xf32, #tpu.memory_space<vmem_shared>> -> memref<40x128xf32, #tpu.memory_space<vmem_shared>>
      tpu.enqueue_dma source(%arg13 : memref<40x128xf32, #tpu.memory_space<vmem>>) target(%dma_start3A_602 : memref<40x128xf32, #tpu.memory_space<vmem_shared>>) target_semaphore(%run_scoped3A : memref<!tpu.dma_semaphore, #tpu.memory_space<semaphore_mem>>)
      %dma_wait3A_603 = arith.constant 0 : i32
      %dma_wait3A_604 = tpu.memref_slice %arg5[%add3A_21, %dma_wait3A_603] : memref<10240x128xf32, #tpu.memory_space<vmem_shared>> -> memref<40x128xf32, #tpu.memory_space<vmem_shared>>
      %dma_wait3A_605 = arith.constant 0 : i32
      %dma_wait3A_606 = tpu.memref_slice %arg5[%add3A_21, %dma_wait3A_605] : memref<10240x128xf32, #tpu.memory_space<vmem_shared>> -> memref<40x128xf32, #tpu.memory_space<vmem_shared>>
      tpu.wait_dma2 semaphore(%run_scoped3A : memref<!tpu.dma_semaphore, #tpu.memory_space<semaphore_mem>>) src(%arg13 : memref<40x128xf32, #tpu.memory_space<vmem>>) dst(%dma_wait3A_606 : memref<40x128xf32, #tpu.memory_space<vmem_shared>>)
      tpu.yield
    }) : () -> ()
    %mul3A_22 = arith.constant 640 : i32
    %mul3A_23 = arith.muli %arg1, %mul3A_22 : i32
    %add3A_24 = arith.constant 160 : i32
    %add3A_25 = arith.addi %mul3A_23, %add3A_24 : i32
    "tpu.region"() ({
      %run_scoped3A = tpu.sem_alloc : memref<!tpu.dma_semaphore, #tpu.memory_space<semaphore_mem>>
      %dma_start3A_599 = arith.constant 0 : i32
      %dma_start3A_600 = tpu.memref_slice %arg5[%add3A_25, %dma_start3A_599] : memref<10240x128xf32, #tpu.memory_space<vmem_shared>> -> memref<40x128xf32, #tpu.memory_space<vmem_shared>>
      %dma_start3A_601 = arith.constant 0 : i32
      %dma_start3A_602 = tpu.memref_slice %arg5[%add3A_25, %dma_start3A_601] : memref<10240x128xf32, #tpu.memory_space<vmem_shared>> -> memref<40x128xf32, #tpu.memory_space<vmem_shared>>
      tpu.enqueue_dma source(%arg13 : memref<40x128xf32, #tpu.memory_space<vmem>>) target(%dma_start3A_602 : memref<40x128xf32, #tpu.memory_space<vmem_shared>>) target_semaphore(%run_scoped3A : memref<!tpu.dma_semaphore, #tpu.memory_space<semaphore_mem>>)
      %dma_wait3A_603 = arith.constant 0 : i32
      %dma_wait3A_604 = tpu.memref_slice %arg5[%add3A_25, %dma_wait3A_603] : memref<10240x128xf32, #tpu.memory_space<vmem_shared>> -> memref<40x128xf32, #tpu.memory_space<vmem_shared>>
      %dma_wait3A_605 = arith.constant 0 : i32
      %dma_wait3A_606 = tpu.memref_slice %arg5[%add3A_25, %dma_wait3A_605] : memref<10240x128xf32, #tpu.memory_space<vmem_shared>> -> memref<40x128xf32, #tpu.memory_space<vmem_shared>>
      tpu.wait_dma2 semaphore(%run_scoped3A : memref<!tpu.dma_semaphore, #tpu.memory_space<semaphore_mem>>) src(%arg13 : memref<40x128xf32, #tpu.memory_space<vmem>>) dst(%dma_wait3A_606 : memref<40x128xf32, #tpu.memory_space<vmem_shared>>)
      tpu.yield
    }) : () -> ()
    %mul3A_26 = arith.constant 640 : i32
    %mul3A_27 = arith.muli %arg1, %mul3A_26 : i32
    %add3A_28 = arith.constant 200 : i32
    %add3A_29 = arith.addi %mul3A_27, %add3A_28 : i32
    "tpu.region"() ({
      %run_scoped3A = tpu.sem_alloc : memref<!tpu.dma_semaphore, #tpu.memory_space<semaphore_mem>>
      %dma_start3A_599 = arith.constant 0 : i32
      %dma_start3A_600 = tpu.memref_slice %arg5[%add3A_29, %dma_start3A_599] : memref<10240x128xf32, #tpu.memory_space<vmem_shared>> -> memref<40x128xf32, #tpu.memory_space<vmem_shared>>
      %dma_start3A_601 = arith.constant 0 : i32
      %dma_start3A_602 = tpu.memref_slice %arg5[%add3A_29, %dma_start3A_601] : memref<10240x128xf32, #tpu.memory_space<vmem_shared>> -> memref<40x128xf32, #tpu.memory_space<vmem_shared>>
      tpu.enqueue_dma source(%arg13 : memref<40x128xf32, #tpu.memory_space<vmem>>) target(%dma_start3A_602 : memref<40x128xf32, #tpu.memory_space<vmem_shared>>) target_semaphore(%run_scoped3A : memref<!tpu.dma_semaphore, #tpu.memory_space<semaphore_mem>>)
      %dma_wait3A_603 = arith.constant 0 : i32
      %dma_wait3A_604 = tpu.memref_slice %arg5[%add3A_29, %dma_wait3A_603] : memref<10240x128xf32, #tpu.memory_space<vmem_shared>> -> memref<40x128xf32, #tpu.memory_space<vmem_shared>>
      %dma_wait3A_605 = arith.constant 0 : i32
      %dma_wait3A_606 = tpu.memref_slice %arg5[%add3A_29, %dma_wait3A_605] : memref<10240x128xf32, #tpu.memory_space<vmem_shared>> -> memref<40x128xf32, #tpu.memory_space<vmem_shared>>
      tpu.wait_dma2 semaphore(%run_scoped3A : memref<!tpu.dma_semaphore, #tpu.memory_space<semaphore_mem>>) src(%arg13 : memref<40x128xf32, #tpu.memory_space<vmem>>) dst(%dma_wait3A_606 : memref<40x128xf32, #tpu.memory_space<vmem_shared>>)
      tpu.yield
    }) : () -> ()
    %mul3A_30 = arith.constant 640 : i32
    %mul3A_31 = arith.muli %arg1, %mul3A_30 : i32
    %add3A_32 = arith.constant 240 : i32
    %add3A_33 = arith.addi %mul3A_31, %add3A_32 : i32
    "tpu.region"() ({
      %run_scoped3A = tpu.sem_alloc : memref<!tpu.dma_semaphore, #tpu.memory_space<semaphore_mem>>
      %dma_start3A_599 = arith.constant 0 : i32
      %dma_start3A_600 = tpu.memref_slice %arg5[%add3A_33, %dma_start3A_599] : memref<10240x128xf32, #tpu.memory_space<vmem_shared>> -> memref<40x128xf32, #tpu.memory_space<vmem_shared>>
      %dma_start3A_601 = arith.constant 0 : i32
      %dma_start3A_602 = tpu.memref_slice %arg5[%add3A_33, %dma_start3A_601] : memref<10240x128xf32, #tpu.memory_space<vmem_shared>> -> memref<40x128xf32, #tpu.memory_space<vmem_shared>>
      tpu.enqueue_dma source(%arg13 : memref<40x128xf32, #tpu.memory_space<vmem>>) target(%dma_start3A_602 : memref<40x128xf32, #tpu.memory_space<vmem_shared>>) target_semaphore(%run_scoped3A : memref<!tpu.dma_semaphore, #tpu.memory_space<semaphore_mem>>)
      %dma_wait3A_603 = arith.constant 0 : i32
      %dma_wait3A_604 = tpu.memref_slice %arg5[%add3A_33, %dma_wait3A_603] : memref<10240x128xf32, #tpu.memory_space<vmem_shared>> -> memref<40x128xf32, #tpu.memory_space<vmem_shared>>
      %dma_wait3A_605 = arith.constant 0 : i32
      %dma_wait3A_606 = tpu.memref_slice %arg5[%add3A_33, %dma_wait3A_605] : memref<10240x128xf32, #tpu.memory_space<vmem_shared>> -> memref<40x128xf32, #tpu.memory_space<vmem_shared>>
      tpu.wait_dma2 semaphore(%run_scoped3A : memref<!tpu.dma_semaphore, #tpu.memory_space<semaphore_mem>>) src(%arg13 : memref<40x128xf32, #tpu.memory_space<vmem>>) dst(%dma_wait3A_606 : memref<40x128xf32, #tpu.memory_space<vmem_shared>>)
      tpu.yield
    }) : () -> ()
    %mul3A_34 = arith.constant 640 : i32
    %mul3A_35 = arith.muli %arg1, %mul3A_34 : i32
    %add3A_36 = arith.constant 280 : i32
    %add3A_37 = arith.addi %mul3A_35, %add3A_36 : i32
    "tpu.region"() ({
      %run_scoped3A = tpu.sem_alloc : memref<!tpu.dma_semaphore, #tpu.memory_space<semaphore_mem>>
      %dma_start3A_599 = arith.constant 0 : i32
      %dma_start3A_600 = tpu.memref_slice %arg5[%add3A_37, %dma_start3A_599] : memref<10240x128xf32, #tpu.memory_space<vmem_shared>> -> memref<40x128xf32, #tpu.memory_space<vmem_shared>>
      %dma_start3A_601 = arith.constant 0 : i32
      %dma_start3A_602 = tpu.memref_slice %arg5[%add3A_37, %dma_start3A_601] : memref<10240x128xf32, #tpu.memory_space<vmem_shared>> -> memref<40x128xf32, #tpu.memory_space<vmem_shared>>
      tpu.enqueue_dma source(%arg13 : memref<40x128xf32, #tpu.memory_space<vmem>>) target(%dma_start3A_602 : memref<40x128xf32, #tpu.memory_space<vmem_shared>>) target_semaphore(%run_scoped3A : memref<!tpu.dma_semaphore, #tpu.memory_space<semaphore_mem>>)
      %dma_wait3A_603 = arith.constant 0 : i32
      %dma_wait3A_604 = tpu.memref_slice %arg5[%add3A_37, %dma_wait3A_603] : memref<10240x128xf32, #tpu.memory_space<vmem_shared>> -> memref<40x128xf32, #tpu.memory_space<vmem_shared>>
      %dma_wait3A_605 = arith.constant 0 : i32
      %dma_wait3A_606 = tpu.memref_slice %arg5[%add3A_37, %dma_wait3A_605] : memref<10240x128xf32, #tpu.memory_space<vmem_shared>> -> memref<40x128xf32, #tpu.memory_space<vmem_shared>>
      tpu.wait_dma2 semaphore(%run_scoped3A : memref<!tpu.dma_semaphore, #tpu.memory_space<semaphore_mem>>) src(%arg13 : memref<40x128xf32, #tpu.memory_space<vmem>>) dst(%dma_wait3A_606 : memref<40x128xf32, #tpu.memory_space<vmem_shared>>)
      tpu.yield
    }) : () -> ()
    %mul3A_38 = arith.constant 640 : i32
    %mul3A_39 = arith.muli %arg1, %mul3A_38 : i32
    %add3A_40 = arith.constant 320 : i32
    %add3A_41 = arith.addi %mul3A_39, %add3A_40 : i32
    "tpu.region"() ({
      %run_scoped3A = tpu.sem_alloc : memref<!tpu.dma_semaphore, #tpu.memory_space<semaphore_mem>>
      %dma_start3A_599 = arith.constant 0 : i32
      %dma_start3A_600 = tpu.memref_slice %arg5[%add3A_41, %dma_start3A_599] : memref<10240x128xf32, #tpu.memory_space<vmem_shared>> -> memref<40x128xf32, #tpu.memory_space<vmem_shared>>
      %dma_start3A_601 = arith.constant 0 : i32
      %dma_start3A_602 = tpu.memref_slice %arg5[%add3A_41, %dma_start3A_601] : memref<10240x128xf32, #tpu.memory_space<vmem_shared>> -> memref<40x128xf32, #tpu.memory_space<vmem_shared>>
      tpu.enqueue_dma source(%arg13 : memref<40x128xf32, #tpu.memory_space<vmem>>) target(%dma_start3A_602 : memref<40x128xf32, #tpu.memory_space<vmem_shared>>) target_semaphore(%run_scoped3A : memref<!tpu.dma_semaphore, #tpu.memory_space<semaphore_mem>>)
      %dma_wait3A_603 = arith.constant 0 : i32
      %dma_wait3A_604 = tpu.memref_slice %arg5[%add3A_41, %dma_wait3A_603] : memref<10240x128xf32, #tpu.memory_space<vmem_shared>> -> memref<40x128xf32, #tpu.memory_space<vmem_shared>>
      %dma_wait3A_605 = arith.constant 0 : i32
      %dma_wait3A_606 = tpu.memref_slice %arg5[%add3A_41, %dma_wait3A_605] : memref<10240x128xf32, #tpu.memory_space<vmem_shared>> -> memref<40x128xf32, #tpu.memory_space<vmem_shared>>
      tpu.wait_dma2 semaphore(%run_scoped3A : memref<!tpu.dma_semaphore, #tpu.memory_space<semaphore_mem>>) src(%arg13 : memref<40x128xf32, #tpu.memory_space<vmem>>) dst(%dma_wait3A_606 : memref<40x128xf32, #tpu.memory_space<vmem_shared>>)
      tpu.yield
    }) : () -> ()
    %mul3A_42 = arith.constant 640 : i32
    %mul3A_43 = arith.muli %arg1, %mul3A_42 : i32
    %add3A_44 = arith.constant 360 : i32
    %add3A_45 = arith.addi %mul3A_43, %add3A_44 : i32
    "tpu.region"() ({
      %run_scoped3A = tpu.sem_alloc : memref<!tpu.dma_semaphore, #tpu.memory_space<semaphore_mem>>
      %dma_start3A_599 = arith.constant 0 : i32
      %dma_start3A_600 = tpu.memref_slice %arg5[%add3A_45, %dma_start3A_599] : memref<10240x128xf32, #tpu.memory_space<vmem_shared>> -> memref<40x128xf32, #tpu.memory_space<vmem_shared>>
      %dma_start3A_601 = arith.constant 0 : i32
      %dma_start3A_602 = tpu.memref_slice %arg5[%add3A_45, %dma_start3A_601] : memref<10240x128xf32, #tpu.memory_space<vmem_shared>> -> memref<40x128xf32, #tpu.memory_space<vmem_shared>>
      tpu.enqueue_dma source(%arg13 : memref<40x128xf32, #tpu.memory_space<vmem>>) target(%dma_start3A_602 : memref<40x128xf32, #tpu.memory_space<vmem_shared>>) target_semaphore(%run_scoped3A : memref<!tpu.dma_semaphore, #tpu.memory_space<semaphore_mem>>)
      %dma_wait3A_603 = arith.constant 0 : i32
      %dma_wait3A_604 = tpu.memref_slice %arg5[%add3A_45, %dma_wait3A_603] : memref<10240x128xf32, #tpu.memory_space<vmem_shared>> -> memref<40x128xf32, #tpu.memory_space<vmem_shared>>
      %dma_wait3A_605 = arith.constant 0 : i32
      %dma_wait3A_606 = tpu.memref_slice %arg5[%add3A_45, %dma_wait3A_605] : memref<10240x128xf32, #tpu.memory_space<vmem_shared>> -> memref<40x128xf32, #tpu.memory_space<vmem_shared>>
      tpu.wait_dma2 semaphore(%run_scoped3A : memref<!tpu.dma_semaphore, #tpu.memory_space<semaphore_mem>>) src(%arg13 : memref<40x128xf32, #tpu.memory_space<vmem>>) dst(%dma_wait3A_606 : memref<40x128xf32, #tpu.memory_space<vmem_shared>>)
      tpu.yield
    }) : () -> ()
    %mul3A_46 = arith.constant 640 : i32
    %mul3A_47 = arith.muli %arg1, %mul3A_46 : i32
    %add3A_48 = arith.constant 400 : i32
    %add3A_49 = arith.addi %mul3A_47, %add3A_48 : i32
    "tpu.region"() ({
      %run_scoped3A = tpu.sem_alloc : memref<!tpu.dma_semaphore, #tpu.memory_space<semaphore_mem>>
      %dma_start3A_599 = arith.constant 0 : i32
      %dma_start3A_600 = tpu.memref_slice %arg5[%add3A_49, %dma_start3A_599] : memref<10240x128xf32, #tpu.memory_space<vmem_shared>> -> memref<40x128xf32, #tpu.memory_space<vmem_shared>>
      %dma_start3A_601 = arith.constant 0 : i32
      %dma_start3A_602 = tpu.memref_slice %arg5[%add3A_49, %dma_start3A_601] : memref<10240x128xf32, #tpu.memory_space<vmem_shared>> -> memref<40x128xf32, #tpu.memory_space<vmem_shared>>
      tpu.enqueue_dma source(%arg13 : memref<40x128xf32, #tpu.memory_space<vmem>>) target(%dma_start3A_602 : memref<40x128xf32, #tpu.memory_space<vmem_shared>>) target_semaphore(%run_scoped3A : memref<!tpu.dma_semaphore, #tpu.memory_space<semaphore_mem>>)
      %dma_wait3A_603 = arith.constant 0 : i32
      %dma_wait3A_604 = tpu.memref_slice %arg5[%add3A_49, %dma_wait3A_603] : memref<10240x128xf32, #tpu.memory_space<vmem_shared>> -> memref<40x128xf32, #tpu.memory_space<vmem_shared>>
      %dma_wait3A_605 = arith.constant 0 : i32
      %dma_wait3A_606 = tpu.memref_slice %arg5[%add3A_49, %dma_wait3A_605] : memref<10240x128xf32, #tpu.memory_space<vmem_shared>> -> memref<40x128xf32, #tpu.memory_space<vmem_shared>>
      tpu.wait_dma2 semaphore(%run_scoped3A : memref<!tpu.dma_semaphore, #tpu.memory_space<semaphore_mem>>) src(%arg13 : memref<40x128xf32, #tpu.memory_space<vmem>>) dst(%dma_wait3A_606 : memref<40x128xf32, #tpu.memory_space<vmem_shared>>)
      tpu.yield
    }) : () -> ()
    %mul3A_50 = arith.constant 640 : i32
    %mul3A_51 = arith.muli %arg1, %mul3A_50 : i32
    %add3A_52 = arith.constant 440 : i32
    %add3A_53 = arith.addi %mul3A_51, %add3A_52 : i32
    "tpu.region"() ({
      %run_scoped3A = tpu.sem_alloc : memref<!tpu.dma_semaphore, #tpu.memory_space<semaphore_mem>>
      %dma_start3A_599 = arith.constant 0 : i32
      %dma_start3A_600 = tpu.memref_slice %arg5[%add3A_53, %dma_start3A_599] : memref<10240x128xf32, #tpu.memory_space<vmem_shared>> -> memref<40x128xf32, #tpu.memory_space<vmem_shared>>
      %dma_start3A_601 = arith.constant 0 : i32
      %dma_start3A_602 = tpu.memref_slice %arg5[%add3A_53, %dma_start3A_601] : memref<10240x128xf32, #tpu.memory_space<vmem_shared>> -> memref<40x128xf32, #tpu.memory_space<vmem_shared>>
      tpu.enqueue_dma source(%arg13 : memref<40x128xf32, #tpu.memory_space<vmem>>) target(%dma_start3A_602 : memref<40x128xf32, #tpu.memory_space<vmem_shared>>) target_semaphore(%run_scoped3A : memref<!tpu.dma_semaphore, #tpu.memory_space<semaphore_mem>>)
      %dma_wait3A_603 = arith.constant 0 : i32
      %dma_wait3A_604 = tpu.memref_slice %arg5[%add3A_53, %dma_wait3A_603] : memref<10240x128xf32, #tpu.memory_space<vmem_shared>> -> memref<40x128xf32, #tpu.memory_space<vmem_shared>>
      %dma_wait3A_605 = arith.constant 0 : i32
      %dma_wait3A_606 = tpu.memref_slice %arg5[%add3A_53, %dma_wait3A_605] : memref<10240x128xf32, #tpu.memory_space<vmem_shared>> -> memref<40x128xf32, #tpu.memory_space<vmem_shared>>
      tpu.wait_dma2 semaphore(%run_scoped3A : memref<!tpu.dma_semaphore, #tpu.memory_space<semaphore_mem>>) src(%arg13 : memref<40x128xf32, #tpu.memory_space<vmem>>) dst(%dma_wait3A_606 : memref<40x128xf32, #tpu.memory_space<vmem_shared>>)
      tpu.yield
    }) : () -> ()
    %mul3A_54 = arith.constant 640 : i32
    %mul3A_55 = arith.muli %arg1, %mul3A_54 : i32
    %add3A_56 = arith.constant 480 : i32
    %add3A_57 = arith.addi %mul3A_55, %add3A_56 : i32
    "tpu.region"() ({
      %run_scoped3A = tpu.sem_alloc : memref<!tpu.dma_semaphore, #tpu.memory_space<semaphore_mem>>
      %dma_start3A_599 = arith.constant 0 : i32
      %dma_start3A_600 = tpu.memref_slice %arg5[%add3A_57, %dma_start3A_599] : memref<10240x128xf32, #tpu.memory_space<vmem_shared>> -> memref<40x128xf32, #tpu.memory_space<vmem_shared>>
      %dma_start3A_601 = arith.constant 0 : i32
      %dma_start3A_602 = tpu.memref_slice %arg5[%add3A_57, %dma_start3A_601] : memref<10240x128xf32, #tpu.memory_space<vmem_shared>> -> memref<40x128xf32, #tpu.memory_space<vmem_shared>>
      tpu.enqueue_dma source(%arg13 : memref<40x128xf32, #tpu.memory_space<vmem>>) target(%dma_start3A_602 : memref<40x128xf32, #tpu.memory_space<vmem_shared>>) target_semaphore(%run_scoped3A : memref<!tpu.dma_semaphore, #tpu.memory_space<semaphore_mem>>)
      %dma_wait3A_603 = arith.constant 0 : i32
      %dma_wait3A_604 = tpu.memref_slice %arg5[%add3A_57, %dma_wait3A_603] : memref<10240x128xf32, #tpu.memory_space<vmem_shared>> -> memref<40x128xf32, #tpu.memory_space<vmem_shared>>
      %dma_wait3A_605 = arith.constant 0 : i32
      %dma_wait3A_606 = tpu.memref_slice %arg5[%add3A_57, %dma_wait3A_605] : memref<10240x128xf32, #tpu.memory_space<vmem_shared>> -> memref<40x128xf32, #tpu.memory_space<vmem_shared>>
      tpu.wait_dma2 semaphore(%run_scoped3A : memref<!tpu.dma_semaphore, #tpu.memory_space<semaphore_mem>>) src(%arg13 : memref<40x128xf32, #tpu.memory_space<vmem>>) dst(%dma_wait3A_606 : memref<40x128xf32, #tpu.memory_space<vmem_shared>>)
      tpu.yield
    }) : () -> ()
    %mul3A_58 = arith.constant 640 : i32
    %mul3A_59 = arith.muli %arg1, %mul3A_58 : i32
    %add3A_60 = arith.constant 520 : i32
    %add3A_61 = arith.addi %mul3A_59, %add3A_60 : i32
    "tpu.region"() ({
      %run_scoped3A = tpu.sem_alloc : memref<!tpu.dma_semaphore, #tpu.memory_space<semaphore_mem>>
      %dma_start3A_599 = arith.constant 0 : i32
      %dma_start3A_600 = tpu.memref_slice %arg5[%add3A_61, %dma_start3A_599] : memref<10240x128xf32, #tpu.memory_space<vmem_shared>> -> memref<40x128xf32, #tpu.memory_space<vmem_shared>>
      %dma_start3A_601 = arith.constant 0 : i32
      %dma_start3A_602 = tpu.memref_slice %arg5[%add3A_61, %dma_start3A_601] : memref<10240x128xf32, #tpu.memory_space<vmem_shared>> -> memref<40x128xf32, #tpu.memory_space<vmem_shared>>
      tpu.enqueue_dma source(%arg13 : memref<40x128xf32, #tpu.memory_space<vmem>>) target(%dma_start3A_602 : memref<40x128xf32, #tpu.memory_space<vmem_shared>>) target_semaphore(%run_scoped3A : memref<!tpu.dma_semaphore, #tpu.memory_space<semaphore_mem>>)
      %dma_wait3A_603 = arith.constant 0 : i32
      %dma_wait3A_604 = tpu.memref_slice %arg5[%add3A_61, %dma_wait3A_603] : memref<10240x128xf32, #tpu.memory_space<vmem_shared>> -> memref<40x128xf32, #tpu.memory_space<vmem_shared>>
      %dma_wait3A_605 = arith.constant 0 : i32
      %dma_wait3A_606 = tpu.memref_slice %arg5[%add3A_61, %dma_wait3A_605] : memref<10240x128xf32, #tpu.memory_space<vmem_shared>> -> memref<40x128xf32, #tpu.memory_space<vmem_shared>>
      tpu.wait_dma2 semaphore(%run_scoped3A : memref<!tpu.dma_semaphore, #tpu.memory_space<semaphore_mem>>) src(%arg13 : memref<40x128xf32, #tpu.memory_space<vmem>>) dst(%dma_wait3A_606 : memref<40x128xf32, #tpu.memory_space<vmem_shared>>)
      tpu.yield
    }) : () -> ()
    %mul3A_62 = arith.constant 640 : i32
    %mul3A_63 = arith.muli %arg1, %mul3A_62 : i32
    %add3A_64 = arith.constant 560 : i32
    %add3A_65 = arith.addi %mul3A_63, %add3A_64 : i32
    "tpu.region"() ({
      %run_scoped3A = tpu.sem_alloc : memref<!tpu.dma_semaphore, #tpu.memory_space<semaphore_mem>>
      %dma_start3A_599 = arith.constant 0 : i32
      %dma_start3A_600 = tpu.memref_slice %arg5[%add3A_65, %dma_start3A_599] : memref<10240x128xf32, #tpu.memory_space<vmem_shared>> -> memref<40x128xf32, #tpu.memory_space<vmem_shared>>
      %dma_start3A_601 = arith.constant 0 : i32
      %dma_start3A_602 = tpu.memref_slice %arg5[%add3A_65, %dma_start3A_601] : memref<10240x128xf32, #tpu.memory_space<vmem_shared>> -> memref<40x128xf32, #tpu.memory_space<vmem_shared>>
      tpu.enqueue_dma source(%arg13 : memref<40x128xf32, #tpu.memory_space<vmem>>) target(%dma_start3A_602 : memref<40x128xf32, #tpu.memory_space<vmem_shared>>) target_semaphore(%run_scoped3A : memref<!tpu.dma_semaphore, #tpu.memory_space<semaphore_mem>>)
      %dma_wait3A_603 = arith.constant 0 : i32
      %dma_wait3A_604 = tpu.memref_slice %arg5[%add3A_65, %dma_wait3A_603] : memref<10240x128xf32, #tpu.memory_space<vmem_shared>> -> memref<40x128xf32, #tpu.memory_space<vmem_shared>>
      %dma_wait3A_605 = arith.constant 0 : i32
      %dma_wait3A_606 = tpu.memref_slice %arg5[%add3A_65, %dma_wait3A_605] : memref<10240x128xf32, #tpu.memory_space<vmem_shared>> -> memref<40x128xf32, #tpu.memory_space<vmem_shared>>
      tpu.wait_dma2 semaphore(%run_scoped3A : memref<!tpu.dma_semaphore, #tpu.memory_space<semaphore_mem>>) src(%arg13 : memref<40x128xf32, #tpu.memory_space<vmem>>) dst(%dma_wait3A_606 : memref<40x128xf32, #tpu.memory_space<vmem_shared>>)
      tpu.yield
    }) : () -> ()
    %mul3A_66 = arith.constant 640 : i32
    %mul3A_67 = arith.muli %arg1, %mul3A_66 : i32
    %add3A_68 = arith.constant 600 : i32
    %add3A_69 = arith.addi %mul3A_67, %add3A_68 : i32
    "tpu.region"() ({
      %run_scoped3A = tpu.sem_alloc : memref<!tpu.dma_semaphore, #tpu.memory_space<semaphore_mem>>
      %dma_start3A_599 = arith.constant 0 : i32
      %dma_start3A_600 = tpu.memref_slice %arg5[%add3A_69, %dma_start3A_599] : memref<10240x128xf32, #tpu.memory_space<vmem_shared>> -> memref<40x128xf32, #tpu.memory_space<vmem_shared>>
      %dma_start3A_601 = arith.constant 0 : i32
      %dma_start3A_602 = tpu.memref_slice %arg5[%add3A_69, %dma_start3A_601] : memref<10240x128xf32, #tpu.memory_space<vmem_shared>> -> memref<40x128xf32, #tpu.memory_space<vmem_shared>>
      tpu.enqueue_dma source(%arg13 : memref<40x128xf32, #tpu.memory_space<vmem>>) target(%dma_start3A_602 : memref<40x128xf32, #tpu.memory_space<vmem_shared>>) target_semaphore(%run_scoped3A : memref<!tpu.dma_semaphore, #tpu.memory_space<semaphore_mem>>)
      %dma_wait3A_603 = arith.constant 0 : i32
      %dma_wait3A_604 = tpu.memref_slice %arg5[%add3A_69, %dma_wait3A_603] : memref<10240x128xf32, #tpu.memory_space<vmem_shared>> -> memref<40x128xf32, #tpu.memory_space<vmem_shared>>
      %dma_wait3A_605 = arith.constant 0 : i32
      %dma_wait3A_606 = tpu.memref_slice %arg5[%add3A_69, %dma_wait3A_605] : memref<10240x128xf32, #tpu.memory_space<vmem_shared>> -> memref<40x128xf32, #tpu.memory_space<vmem_shared>>
      tpu.wait_dma2 semaphore(%run_scoped3A : memref<!tpu.dma_semaphore, #tpu.memory_space<semaphore_mem>>) src(%arg13 : memref<40x128xf32, #tpu.memory_space<vmem>>) dst(%dma_wait3A_606 : memref<40x128xf32, #tpu.memory_space<vmem_shared>>)
      tpu.yield
    }) : () -> ()
    "tpu.region"() ({
      %run_scoped3A = tpu.sem_alloc : memref<!tpu.dma_semaphore, #tpu.memory_space<semaphore_mem>>
      %dma_start3A_599 = arith.constant 0 : i32
      %dma_start3A_600 = arith.constant 0 : i32
      %dma_start3A_601 = tpu.memref_slice %arg3[%add3A, %dma_start3A_599, %dma_start3A_600] : memref<32x250x40xi32, #tpu.memory_space<hbm>> -> memref<1x250x40xi32, #tpu.memory_space<hbm>>
      %dma_start3A_602 = tpu.memref_squeeze %dma_start3A_601 : memref<1x250x40xi32, #tpu.memory_space<hbm>> -> memref<250x40xi32, #tpu.memory_space<hbm>>
      %dma_start3A_603 = arith.constant 0 : i32
      %dma_start3A_604 = arith.constant 0 : i32
      %dma_start3A_605 = tpu.memref_slice %arg3[%add3A, %dma_start3A_603, %dma_start3A_604] : memref<32x250x40xi32, #tpu.memory_space<hbm>> -> memref<1x250x40xi32, #tpu.memory_space<hbm>>
      %dma_start3A_606 = tpu.memref_squeeze %dma_start3A_605 : memref<1x250x40xi32, #tpu.memory_space<hbm>> -> memref<250x40xi32, #tpu.memory_space<hbm>>
      tpu.enqueue_dma source(%dma_start3A_606 : memref<250x40xi32, #tpu.memory_space<hbm>>) target(%arg6 : memref<250x40xi32, #tpu.memory_space<vmem>>) target_semaphore(%run_scoped3A : memref<!tpu.dma_semaphore, #tpu.memory_space<semaphore_mem>>)
      %dma_wait3A_607 = arith.constant 0 : i32
      %dma_wait3A_608 = arith.constant 0 : i32
      %dma_wait3A_609 = tpu.memref_slice %arg3[%add3A, %dma_wait3A_607, %dma_wait3A_608] : memref<32x250x40xi32, #tpu.memory_space<hbm>> -> memref<1x250x40xi32, #tpu.memory_space<hbm>>
      %dma_wait3A_610 = tpu.memref_squeeze %dma_wait3A_609 : memref<1x250x40xi32, #tpu.memory_space<hbm>> -> memref<250x40xi32, #tpu.memory_space<hbm>>
      %dma_wait3A_611 = arith.constant 0 : i32
      %dma_wait3A_612 = arith.constant 0 : i32
      %dma_wait3A_613 = tpu.memref_slice %arg3[%add3A, %dma_wait3A_611, %dma_wait3A_612] : memref<32x250x40xi32, #tpu.memory_space<hbm>> -> memref<1x250x40xi32, #tpu.memory_space<hbm>>
      %dma_wait3A_614 = tpu.memref_squeeze %dma_wait3A_613 : memref<1x250x40xi32, #tpu.memory_space<hbm>> -> memref<250x40xi32, #tpu.memory_space<hbm>>
      tpu.wait_dma2 semaphore(%run_scoped3A : memref<!tpu.dma_semaphore, #tpu.memory_space<semaphore_mem>>) src(%dma_wait3A_614 : memref<250x40xi32, #tpu.memory_space<hbm>>) dst(%arg6 : memref<250x40xi32, #tpu.memory_space<vmem>>)
      tpu.yield
    }) : () -> ()
    %barrier3A = arith.constant 0 : index
    tpu.barrier barrier_id(%barrier3A)
    %get3A = arith.constant 0 : i32
    %get3A_70 = arith.index_cast %get3A : i32 to index
    %get3A_71 = arith.constant 0 : index
    %get3A_72 = tpu.vector_load %arg6[%get3A_70, %get3A_71] {strides = array<i32>} : memref<250x40xi32, #tpu.memory_space<vmem>>, vector<1x16xi32>,
    %get3A_73 = vector.shape_cast %get3A_72 : vector<1x16xi32> to vector<16xi32>
    %and3A = arith.constant 65535 : i32
    %and3A_74 = vector.broadcast %and3A : i32 to vector<16xi32>
    %and3A_75 = arith.andi %get3A_73, %and3A_74 : vector<16xi32>
    %swap3A = arith.constant 0 : index
    %swap3A_76 = tpu.vector_load %arg7[%swap3A] {strides = array<i32>} : memref<40xi32, #tpu.memory_space<vmem>>, vector<16xi32>,
    %swap3A_77 = vector.shape_cast %swap3A_76 : vector<16xi32> to vector<16xi32>
    %swap3A_78 = vector.shape_cast %and3A_75 : vector<16xi32> to vector<16xi32>
    tpu.vector_store %arg7[%swap3A], %swap3A_78 {strides = array<i32>} : memref<40xi32, #tpu.memory_space<vmem>>, vector<16xi32>,
    %shift_right_logical3A = arith.constant 16 : i32
    %shift_right_logical3A_79 = vector.broadcast %shift_right_logical3A : i32 to vector<16xi32>
    %shift_right_logical3A_80 = arith.shrui %get3A_73, %shift_right_logical3A_79 : vector<16xi32>
    %swap3A_81 = arith.constant 0 : index
    %swap3A_82 = tpu.vector_load %arg10[%swap3A_81] {strides = array<i32>} : memref<40xi32, #tpu.memory_space<vmem>>, vector<16xi32>,
    %swap3A_83 = vector.shape_cast %swap3A_82 : vector<16xi32> to vector<16xi32>
    %swap3A_84 = vector.shape_cast %shift_right_logical3A_80 : vector<16xi32> to vector<16xi32>
    tpu.vector_store %arg10[%swap3A_81], %swap3A_84 {strides = array<i32>} : memref<40xi32, #tpu.memory_space<vmem>>, vector<16xi32>,
    %get3A_85 = arith.constant 0 : i32
    %get3A_86 = arith.index_cast %get3A_85 : i32 to index
    %get3A_87 = arith.constant 16 : index
    %get3A_88 = tpu.vector_load %arg6[%get3A_86, %get3A_87] {strides = array<i32>} : memref<250x40xi32, #tpu.memory_space<vmem>>, vector<1x16xi32>,
    %get3A_89 = vector.shape_cast %get3A_88 : vector<1x16xi32> to vector<16xi32>
    %and3A_90 = arith.constant 65535 : i32
    %and3A_91 = vector.broadcast %and3A_90 : i32 to vector<16xi32>
    %and3A_92 = arith.andi %get3A_89, %and3A_91 : vector<16xi32>
    %swap3A_93 = arith.constant 16 : index
    %swap3A_94 = tpu.vector_load %arg7[%swap3A_93] {strides = array<i32>} : memref<40xi32, #tpu.memory_space<vmem>>, vector<16xi32>,
    %swap3A_95 = vector.shape_cast %swap3A_94 : vector<16xi32> to vector<16xi32>
    %swap3A_96 = vector.shape_cast %and3A_92 : vector<16xi32> to vector<16xi32>
    tpu.vector_store %arg7[%swap3A_93], %swap3A_96 {strides = array<i32>} : memref<40xi32, #tpu.memory_space<vmem>>, vector<16xi32>,
    %shift_right_logical3A_97 = arith.constant 16 : i32
    %shift_right_logical3A_98 = vector.broadcast %shift_right_logical3A_97 : i32 to vector<16xi32>
    %shift_right_logical3A_99 = arith.shrui %get3A_89, %shift_right_logical3A_98 : vector<16xi32>
    %swap3A_100 = arith.constant 16 : index
    %swap3A_101 = tpu.vector_load %arg10[%swap3A_100] {strides = array<i32>} : memref<40xi32, #tpu.memory_space<vmem>>, vector<16xi32>,
    %swap3A_102 = vector.shape_cast %swap3A_101 : vector<16xi32> to vector<16xi32>
    %swap3A_103 = vector.shape_cast %shift_right_logical3A_99 : vector<16xi32> to vector<16xi32>
    tpu.vector_store %arg10[%swap3A_100], %swap3A_103 {strides = array<i32>} : memref<40xi32, #tpu.memory_space<vmem>>, vector<16xi32>,
    %get3A_104 = arith.constant 0 : i32
    %get3A_105 = arith.index_cast %get3A_104 : i32 to index
    %get3A_106 = arith.constant 24 : index
    %get3A_107 = tpu.vector_load %arg6[%get3A_105, %get3A_106] {strides = array<i32>} : memref<250x40xi32, #tpu.memory_space<vmem>>, vector<1x16xi32>,
    %get3A_108 = vector.shape_cast %get3A_107 : vector<1x16xi32> to vector<16xi32>
    %and3A_109 = arith.constant 65535 : i32
    %and3A_110 = vector.broadcast %and3A_109 : i32 to vector<16xi32>
    %and3A_111 = arith.andi %get3A_108, %and3A_110 : vector<16xi32>
    %swap3A_112 = arith.constant 24 : index
    %swap3A_113 = tpu.vector_load %arg7[%swap3A_112] {strides = array<i32>} : memref<40xi32, #tpu.memory_space<vmem>>, vector<16xi32>,
    %swap3A_114 = vector.shape_cast %swap3A_113 : vector<16xi32> to vector<16xi32>
    %swap3A_115 = vector.shape_cast %and3A_111 : vector<16xi32> to vector<16xi32>
    tpu.vector_store %arg7[%swap3A_112], %swap3A_115 {strides = array<i32>} : memref<40xi32, #tpu.memory_space<vmem>>, vector<16xi32>,
    %shift_right_logical3A_116 = arith.constant 16 : i32
    %shift_right_logical3A_117 = vector.broadcast %shift_right_logical3A_116 : i32 to vector<16xi32>
    %shift_right_logical3A_118 = arith.shrui %get3A_108, %shift_right_logical3A_117 : vector<16xi32>
    %swap3A_119 = arith.constant 24 : index
    %swap3A_120 = tpu.vector_load %arg10[%swap3A_119] {strides = array<i32>} : memref<40xi32, #tpu.memory_space<vmem>>, vector<16xi32>,
    %swap3A_121 = vector.shape_cast %swap3A_120 : vector<16xi32> to vector<16xi32>
    %swap3A_122 = vector.shape_cast %shift_right_logical3A_118 : vector<16xi32> to vector<16xi32>
    tpu.vector_store %arg10[%swap3A_119], %swap3A_122 {strides = array<i32>} : memref<40xi32, #tpu.memory_space<vmem>>, vector<16xi32>,
    %dma_start3A = arith.constant 0 : i32
    %dma_start3A_123 = arith.constant 0 : i32
    %dma_start3A_124 = tpu.memref_slice %arg2[%dma_start3A, %dma_start3A_123] : memref<10000x128xf32, #tpu.memory_space<hbm>> -> memref<10000x128xf32, #tpu.memory_space<hbm>>
    tpu.enqueue_indirect_dma source(%dma_start3A_124 : memref<10000x128xf32, #tpu.memory_space<hbm>>) target(%arg13 : memref<40x128xf32, #tpu.memory_space<vmem>>) offsets(%arg7 : memref<40xi32, #tpu.memory_space<vmem>>) semaphore(%arg16 : memref<!tpu.dma_semaphore, #tpu.memory_space<semaphore_mem>>)
    %get3A_125 = arith.constant 1 : i32
    %get3A_126 = arith.index_cast %get3A_125 : i32 to index
    %get3A_127 = arith.constant 0 : index
    %get3A_128 = tpu.vector_load %arg6[%get3A_126, %get3A_127] {strides = array<i32>} : memref<250x40xi32, #tpu.memory_space<vmem>>, vector<1x16xi32>,
    %get3A_129 = vector.shape_cast %get3A_128 : vector<1x16xi32> to vector<16xi32>
    %and3A_130 = arith.constant 65535 : i32
    %and3A_131 = vector.broadcast %and3A_130 : i32 to vector<16xi32>
    %and3A_132 = arith.andi %get3A_129, %and3A_131 : vector<16xi32>
    %swap3A_133 = arith.constant 0 : index
    %swap3A_134 = tpu.vector_load %arg8[%swap3A_133] {strides = array<i32>} : memref<40xi32, #tpu.memory_space<vmem>>, vector<16xi32>,
    %swap3A_135 = vector.shape_cast %swap3A_134 : vector<16xi32> to vector<16xi32>
    %swap3A_136 = vector.shape_cast %and3A_132 : vector<16xi32> to vector<16xi32>
    tpu.vector_store %arg8[%swap3A_133], %swap3A_136 {strides = array<i32>} : memref<40xi32, #tpu.memory_space<vmem>>, vector<16xi32>,
    %shift_right_logical3A_137 = arith.constant 16 : i32
    %shift_right_logical3A_138 = vector.broadcast %shift_right_logical3A_137 : i32 to vector<16xi32>
    %shift_right_logical3A_139 = arith.shrui %get3A_129, %shift_right_logical3A_138 : vector<16xi32>
    %swap3A_140 = arith.constant 0 : index
    %swap3A_141 = tpu.vector_load %arg11[%swap3A_140] {strides = array<i32>} : memref<40xi32, #tpu.memory_space<vmem>>, vector<16xi32>,
    %swap3A_142 = vector.shape_cast %swap3A_141 : vector<16xi32> to vector<16xi32>
    %swap3A_143 = vector.shape_cast %shift_right_logical3A_139 : vector<16xi32> to vector<16xi32>
    tpu.vector_store %arg11[%swap3A_140], %swap3A_143 {strides = array<i32>} : memref<40xi32, #tpu.memory_space<vmem>>, vector<16xi32>,
    %get3A_144 = arith.constant 1 : i32
    %get3A_145 = arith.index_cast %get3A_144 : i32 to index
    %get3A_146 = arith.constant 16 : index
    %get3A_147 = tpu.vector_load %arg6[%get3A_145, %get3A_146] {strides = array<i32>} : memref<250x40xi32, #tpu.memory_space<vmem>>, vector<1x16xi32>,
    %get3A_148 = vector.shape_cast %get3A_147 : vector<1x16xi32> to vector<16xi32>
    %and3A_149 = arith.constant 65535 : i32
    %and3A_150 = vector.broadcast %and3A_149 : i32 to vector<16xi32>
    %and3A_151 = arith.andi %get3A_148, %and3A_150 : vector<16xi32>
    %swap3A_152 = arith.constant 16 : index
    %swap3A_153 = tpu.vector_load %arg8[%swap3A_152] {strides = array<i32>} : memref<40xi32, #tpu.memory_space<vmem>>, vector<16xi32>,
    %swap3A_154 = vector.shape_cast %swap3A_153 : vector<16xi32> to vector<16xi32>
    %swap3A_155 = vector.shape_cast %and3A_151 : vector<16xi32> to vector<16xi32>
    tpu.vector_store %arg8[%swap3A_152], %swap3A_155 {strides = array<i32>} : memref<40xi32, #tpu.memory_space<vmem>>, vector<16xi32>,
    %shift_right_logical3A_156 = arith.constant 16 : i32
    %shift_right_logical3A_157 = vector.broadcast %shift_right_logical3A_156 : i32 to vector<16xi32>
    %shift_right_logical3A_158 = arith.shrui %get3A_148, %shift_right_logical3A_157 : vector<16xi32>
    %swap3A_159 = arith.constant 16 : index
    %swap3A_160 = tpu.vector_load %arg11[%swap3A_159] {strides = array<i32>} : memref<40xi32, #tpu.memory_space<vmem>>, vector<16xi32>,
    %swap3A_161 = vector.shape_cast %swap3A_160 : vector<16xi32> to vector<16xi32>
    %swap3A_162 = vector.shape_cast %shift_right_logical3A_158 : vector<16xi32> to vector<16xi32>
    tpu.vector_store %arg11[%swap3A_159], %swap3A_162 {strides = array<i32>} : memref<40xi32, #tpu.memory_space<vmem>>, vector<16xi32>,
    %get3A_163 = arith.constant 1 : i32
    %get3A_164 = arith.index_cast %get3A_163 : i32 to index
    %get3A_165 = arith.constant 24 : index
    %get3A_166 = tpu.vector_load %arg6[%get3A_164, %get3A_165] {strides = array<i32>} : memref<250x40xi32, #tpu.memory_space<vmem>>, vector<1x16xi32>,
    %get3A_167 = vector.shape_cast %get3A_166 : vector<1x16xi32> to vector<16xi32>
    %and3A_168 = arith.constant 65535 : i32
    %and3A_169 = vector.broadcast %and3A_168 : i32 to vector<16xi32>
    %and3A_170 = arith.andi %get3A_167, %and3A_169 : vector<16xi32>
    %swap3A_171 = arith.constant 24 : index
    %swap3A_172 = tpu.vector_load %arg8[%swap3A_171] {strides = array<i32>} : memref<40xi32, #tpu.memory_space<vmem>>, vector<16xi32>,
    %swap3A_173 = vector.shape_cast %swap3A_172 : vector<16xi32> to vector<16xi32>
    %swap3A_174 = vector.shape_cast %and3A_170 : vector<16xi32> to vector<16xi32>
    tpu.vector_store %arg8[%swap3A_171], %swap3A_174 {strides = array<i32>} : memref<40xi32, #tpu.memory_space<vmem>>, vector<16xi32>,
    %shift_right_logical3A_175 = arith.constant 16 : i32
    %shift_right_logical3A_176 = vector.broadcast %shift_right_logical3A_175 : i32 to vector<16xi32>
    %shift_right_logical3A_177 = arith.shrui %get3A_167, %shift_right_logical3A_176 : vector<16xi32>
    %swap3A_178 = arith.constant 24 : index
    %swap3A_179 = tpu.vector_load %arg11[%swap3A_178] {strides = array<i32>} : memref<40xi32, #tpu.memory_space<vmem>>, vector<16xi32>,
    %swap3A_180 = vector.shape_cast %swap3A_179 : vector<16xi32> to vector<16xi32>
    %swap3A_181 = vector.shape_cast %shift_right_logical3A_177 : vector<16xi32> to vector<16xi32>
    tpu.vector_store %arg11[%swap3A_178], %swap3A_181 {strides = array<i32>} : memref<40xi32, #tpu.memory_space<vmem>>, vector<16xi32>,
    %dma_start3A_182 = arith.constant 0 : i32
    %dma_start3A_183 = arith.constant 0 : i32
    %dma_start3A_184 = tpu.memref_slice %arg2[%dma_start3A_182, %dma_start3A_183] : memref<10000x128xf32, #tpu.memory_space<hbm>> -> memref<10000x128xf32, #tpu.memory_space<hbm>>
    tpu.enqueue_indirect_dma source(%dma_start3A_184 : memref<10000x128xf32, #tpu.memory_space<hbm>>) target(%arg14 : memref<40x128xf32, #tpu.memory_space<vmem>>) offsets(%arg8 : memref<40xi32, #tpu.memory_space<vmem>>) semaphore(%arg17 : memref<!tpu.dma_semaphore, #tpu.memory_space<semaphore_mem>>)
    %dma_wait3A = arith.constant 0 : i32
    %dma_wait3A_185 = arith.constant 0 : i32
    %dma_wait3A_186 = tpu.memref_slice %arg2[%dma_wait3A, %dma_wait3A_185] : memref<10000x128xf32, #tpu.memory_space<hbm>> -> memref<40x128xf32, #tpu.memory_space<hbm>>
    %dma_wait3A_187 = arith.constant 0 : i32
    %dma_wait3A_188 = arith.constant 0 : i32
    %dma_wait3A_189 = tpu.memref_slice %arg2[%dma_wait3A_187, %dma_wait3A_188] : memref<10000x128xf32, #tpu.memory_space<hbm>> -> memref<40x128xf32, #tpu.memory_space<hbm>>
    tpu.wait_dma2 semaphore(%arg16 : memref<!tpu.dma_semaphore, #tpu.memory_space<semaphore_mem>>) src(%dma_wait3A_189 : memref<40x128xf32, #tpu.memory_space<hbm>>) dst(%arg13 : memref<40x128xf32, #tpu.memory_space<vmem>>)
    %dma_start3A_190 = arith.constant 0 : i32
    %dma_start3A_191 = arith.constant 0 : i32
    %dma_start3A_192 = tpu.memref_slice %arg5[%dma_start3A_190, %dma_start3A_191] : memref<10240x128xf32, #tpu.memory_space<vmem_shared>> -> memref<10240x128xf32, #tpu.memory_space<vmem_shared>>
    tpu.enqueue_indirect_dma source(%arg13 : memref<40x128xf32, #tpu.memory_space<vmem>>) target(%dma_start3A_192 : memref<10240x128xf32, #tpu.memory_space<vmem_shared>>) offsets(%arg10 : memref<40xi32, #tpu.memory_space<vmem>>) semaphore(%arg19 : memref<!tpu.dma_semaphore, #tpu.memory_space<semaphore_mem>>) {add = true}
    %get3A_193 = arith.constant 2 : i32
    %get3A_194 = arith.index_cast %get3A_193 : i32 to index
    %get3A_195 = arith.constant 0 : index
    %get3A_196 = tpu.vector_load %arg6[%get3A_194, %get3A_195] {strides = array<i32>} : memref<250x40xi32, #tpu.memory_space<vmem>>, vector<1x16xi32>,
    %get3A_197 = vector.shape_cast %get3A_196 : vector<1x16xi32> to vector<16xi32>
    %and3A_198 = arith.constant 65535 : i32
    %and3A_199 = vector.broadcast %and3A_198 : i32 to vector<16xi32>
    %and3A_200 = arith.andi %get3A_197, %and3A_199 : vector<16xi32>
    %swap3A_201 = arith.constant 0 : index
    %swap3A_202 = tpu.vector_load %arg9[%swap3A_201] {strides = array<i32>} : memref<40xi32, #tpu.memory_space<vmem>>, vector<16xi32>,
    %swap3A_203 = vector.shape_cast %swap3A_202 : vector<16xi32> to vector<16xi32>
    %swap3A_204 = vector.shape_cast %and3A_200 : vector<16xi32> to vector<16xi32>
    tpu.vector_store %arg9[%swap3A_201], %swap3A_204 {strides = array<i32>} : memref<40xi32, #tpu.memory_space<vmem>>, vector<16xi32>,
    %shift_right_logical3A_205 = arith.constant 16 : i32
    %shift_right_logical3A_206 = vector.broadcast %shift_right_logical3A_205 : i32 to vector<16xi32>
    %shift_right_logical3A_207 = arith.shrui %get3A_197, %shift_right_logical3A_206 : vector<16xi32>
    %swap3A_208 = arith.constant 0 : index
    %swap3A_209 = tpu.vector_load %arg12[%swap3A_208] {strides = array<i32>} : memref<40xi32, #tpu.memory_space<vmem>>, vector<16xi32>,
    %swap3A_210 = vector.shape_cast %swap3A_209 : vector<16xi32> to vector<16xi32>
    %swap3A_211 = vector.shape_cast %shift_right_logical3A_207 : vector<16xi32> to vector<16xi32>
    tpu.vector_store %arg12[%swap3A_208], %swap3A_211 {strides = array<i32>} : memref<40xi32, #tpu.memory_space<vmem>>, vector<16xi32>,
    %get3A_212 = arith.constant 2 : i32
    %get3A_213 = arith.index_cast %get3A_212 : i32 to index
    %get3A_214 = arith.constant 16 : index
    %get3A_215 = tpu.vector_load %arg6[%get3A_213, %get3A_214] {strides = array<i32>} : memref<250x40xi32, #tpu.memory_space<vmem>>, vector<1x16xi32>,
    %get3A_216 = vector.shape_cast %get3A_215 : vector<1x16xi32> to vector<16xi32>
    %and3A_217 = arith.constant 65535 : i32
    %and3A_218 = vector.broadcast %and3A_217 : i32 to vector<16xi32>
    %and3A_219 = arith.andi %get3A_216, %and3A_218 : vector<16xi32>
    %swap3A_220 = arith.constant 16 : index
    %swap3A_221 = tpu.vector_load %arg9[%swap3A_220] {strides = array<i32>} : memref<40xi32, #tpu.memory_space<vmem>>, vector<16xi32>,
    %swap3A_222 = vector.shape_cast %swap3A_221 : vector<16xi32> to vector<16xi32>
    %swap3A_223 = vector.shape_cast %and3A_219 : vector<16xi32> to vector<16xi32>
    tpu.vector_store %arg9[%swap3A_220], %swap3A_223 {strides = array<i32>} : memref<40xi32, #tpu.memory_space<vmem>>, vector<16xi32>,
    %shift_right_logical3A_224 = arith.constant 16 : i32
    %shift_right_logical3A_225 = vector.broadcast %shift_right_logical3A_224 : i32 to vector<16xi32>
    %shift_right_logical3A_226 = arith.shrui %get3A_216, %shift_right_logical3A_225 : vector<16xi32>
    %swap3A_227 = arith.constant 16 : index
    %swap3A_228 = tpu.vector_load %arg12[%swap3A_227] {strides = array<i32>} : memref<40xi32, #tpu.memory_space<vmem>>, vector<16xi32>,
    %swap3A_229 = vector.shape_cast %swap3A_228 : vector<16xi32> to vector<16xi32>
    %swap3A_230 = vector.shape_cast %shift_right_logical3A_226 : vector<16xi32> to vector<16xi32>
    tpu.vector_store %arg12[%swap3A_227], %swap3A_230 {strides = array<i32>} : memref<40xi32, #tpu.memory_space<vmem>>, vector<16xi32>,
    %get3A_231 = arith.constant 2 : i32
    %get3A_232 = arith.index_cast %get3A_231 : i32 to index
    %get3A_233 = arith.constant 24 : index
    %get3A_234 = tpu.vector_load %arg6[%get3A_232, %get3A_233] {strides = array<i32>} : memref<250x40xi32, #tpu.memory_space<vmem>>, vector<1x16xi32>,
    %get3A_235 = vector.shape_cast %get3A_234 : vector<1x16xi32> to vector<16xi32>
    %and3A_236 = arith.constant 65535 : i32
    %and3A_237 = vector.broadcast %and3A_236 : i32 to vector<16xi32>
    %and3A_238 = arith.andi %get3A_235, %and3A_237 : vector<16xi32>
    %swap3A_239 = arith.constant 24 : index
    %swap3A_240 = tpu.vector_load %arg9[%swap3A_239] {strides = array<i32>} : memref<40xi32, #tpu.memory_space<vmem>>, vector<16xi32>,
    %swap3A_241 = vector.shape_cast %swap3A_240 : vector<16xi32> to vector<16xi32>
    %swap3A_242 = vector.shape_cast %and3A_238 : vector<16xi32> to vector<16xi32>
    tpu.vector_store %arg9[%swap3A_239], %swap3A_242 {strides = array<i32>} : memref<40xi32, #tpu.memory_space<vmem>>, vector<16xi32>,
    %shift_right_logical3A_243 = arith.constant 16 : i32
    %shift_right_logical3A_244 = vector.broadcast %shift_right_logical3A_243 : i32 to vector<16xi32>
    %shift_right_logical3A_245 = arith.shrui %get3A_235, %shift_right_logical3A_244 : vector<16xi32>
    %swap3A_246 = arith.constant 24 : index
    %swap3A_247 = tpu.vector_load %arg12[%swap3A_246] {strides = array<i32>} : memref<40xi32, #tpu.memory_space<vmem>>, vector<16xi32>,
    %swap3A_248 = vector.shape_cast %swap3A_247 : vector<16xi32> to vector<16xi32>
    %swap3A_249 = vector.shape_cast %shift_right_logical3A_245 : vector<16xi32> to vector<16xi32>
    tpu.vector_store %arg12[%swap3A_246], %swap3A_249 {strides = array<i32>} : memref<40xi32, #tpu.memory_space<vmem>>, vector<16xi32>,
    %dma_start3A_250 = arith.constant 0 : i32
    %dma_start3A_251 = arith.constant 0 : i32
    %dma_start3A_252 = tpu.memref_slice %arg2[%dma_start3A_250, %dma_start3A_251] : memref<10000x128xf32, #tpu.memory_space<hbm>> -> memref<10000x128xf32, #tpu.memory_space<hbm>>
    tpu.enqueue_indirect_dma source(%dma_start3A_252 : memref<10000x128xf32, #tpu.memory_space<hbm>>) target(%arg15 : memref<40x128xf32, #tpu.memory_space<vmem>>) offsets(%arg9 : memref<40xi32, #tpu.memory_space<vmem>>) semaphore(%arg18 : memref<!tpu.dma_semaphore, #tpu.memory_space<semaphore_mem>>)
    %scan3A_253 = arith.constant 0 : i32
    %scan3A_254 = arith.constant 81 : i32
    %scan3A_255 = arith.addi %scan3A_253, %scan3A_254 : i32
    %scan3A_256 = arith.constant 1 : i32
    scf.for %scan3A_599 = %scan3A_253 to %scan3A_255 step %scan3A_256  : i32 {
      %mul3A_600 = arith.constant 1 : i32
      %mul3A_601 = arith.muli %scan3A_599, %mul3A_600 : i32
      %add3A_602 = arith.constant 0 : i32
      %add3A_603 = arith.addi %add3A_602, %mul3A_601 : i32
      %mul3A_604 = arith.constant 3 : i32
      %mul3A_605 = arith.muli %mul3A_604, %add3A_603 : i32
      %add3A_606 = arith.constant 1 : i32
      %add3A_607 = arith.addi %mul3A_605, %add3A_606 : i32
      %add3A_608 = arith.constant 0 : i32
      %add3A_609 = arith.addi %add3A_607, %add3A_608 : i32
      %dma_wait3A_610 = arith.constant 0 : i32
      %dma_wait3A_611 = arith.constant 0 : i32
      %dma_wait3A_612 = tpu.memref_slice %arg2[%dma_wait3A_610, %dma_wait3A_611] : memref<10000x128xf32, #tpu.memory_space<hbm>> -> memref<40x128xf32, #tpu.memory_space<hbm>>
      %dma_wait3A_613 = arith.constant 0 : i32
      %dma_wait3A_614 = arith.constant 0 : i32
      %dma_wait3A_615 = tpu.memref_slice %arg2[%dma_wait3A_613, %dma_wait3A_614] : memref<10000x128xf32, #tpu.memory_space<hbm>> -> memref<40x128xf32, #tpu.memory_space<hbm>>
      tpu.wait_dma2 semaphore(%arg17 : memref<!tpu.dma_semaphore, #tpu.memory_space<semaphore_mem>>) src(%dma_wait3A_615 : memref<40x128xf32, #tpu.memory_space<hbm>>) dst(%arg14 : memref<40x128xf32, #tpu.memory_space<vmem>>)
      %dma_start3A_616 = arith.constant 0 : i32
      %dma_start3A_617 = arith.constant 0 : i32
      %dma_start3A_618 = tpu.memref_slice %arg5[%dma_start3A_616, %dma_start3A_617] : memref<10240x128xf32, #tpu.memory_space<vmem_shared>> -> memref<10240x128xf32, #tpu.memory_space<vmem_shared>>
      tpu.enqueue_indirect_dma source(%arg14 : memref<40x128xf32, #tpu.memory_space<vmem>>) target(%dma_start3A_618 : memref<10240x128xf32, #tpu.memory_space<vmem_shared>>) offsets(%arg11 : memref<40xi32, #tpu.memory_space<vmem>>) semaphore(%arg20 : memref<!tpu.dma_semaphore, #tpu.memory_space<semaphore_mem>>) {add = true}
      %dma_wait3A_619 = arith.constant 0 : i32
      %dma_wait3A_620 = arith.constant 0 : i32
      %dma_wait3A_621 = tpu.memref_slice %arg2[%dma_wait3A_619, %dma_wait3A_620] : memref<10000x128xf32, #tpu.memory_space<hbm>> -> memref<40x128xf32, #tpu.memory_space<hbm>>
      %dma_wait3A_622 = arith.constant 0 : i32
      %dma_wait3A_623 = arith.constant 0 : i32
      %dma_wait3A_624 = tpu.memref_slice %arg2[%dma_wait3A_622, %dma_wait3A_623] : memref<10000x128xf32, #tpu.memory_space<hbm>> -> memref<40x128xf32, #tpu.memory_space<hbm>>
      tpu.wait_dma2 semaphore(%arg19 : memref<!tpu.dma_semaphore, #tpu.memory_space<semaphore_mem>>) src(%dma_wait3A_624 : memref<40x128xf32, #tpu.memory_space<hbm>>) dst(%arg13 : memref<40x128xf32, #tpu.memory_space<vmem>>)
      %add3A_625 = arith.constant 2 : i32
      %add3A_626 = arith.addi %add3A_609, %add3A_625 : i32
      %get3A_627 = arith.index_cast %add3A_626 : i32 to index
      %get3A_628 = arith.constant 0 : index
      %get3A_629 = tpu.vector_load %arg6[%get3A_627, %get3A_628] {strides = array<i32>} : memref<250x40xi32, #tpu.memory_space<vmem>>, vector<1x16xi32>,
      %get3A_630 = vector.shape_cast %get3A_629 : vector<1x16xi32> to vector<16xi32>
      %and3A_631 = arith.constant 65535 : i32
      %and3A_632 = vector.broadcast %and3A_631 : i32 to vector<16xi32>
      %and3A_633 = arith.andi %get3A_630, %and3A_632 : vector<16xi32>
      %swap3A_634 = arith.constant 0 : index
      %swap3A_635 = tpu.vector_load %arg7[%swap3A_634] {strides = array<i32>} : memref<40xi32, #tpu.memory_space<vmem>>, vector<16xi32>,
      %swap3A_636 = vector.shape_cast %swap3A_635 : vector<16xi32> to vector<16xi32>
      %swap3A_637 = vector.shape_cast %and3A_633 : vector<16xi32> to vector<16xi32>
      tpu.vector_store %arg7[%swap3A_634], %swap3A_637 {strides = array<i32>} : memref<40xi32, #tpu.memory_space<vmem>>, vector<16xi32>,
      %shift_right_logical3A_638 = arith.constant 16 : i32
      %shift_right_logical3A_639 = vector.broadcast %shift_right_logical3A_638 : i32 to vector<16xi32>
      %shift_right_logical3A_640 = arith.shrui %get3A_630, %shift_right_logical3A_639 : vector<16xi32>
      %swap3A_641 = arith.constant 0 : index
      %swap3A_642 = tpu.vector_load %arg10[%swap3A_641] {strides = array<i32>} : memref<40xi32, #tpu.memory_space<vmem>>, vector<16xi32>,
      %swap3A_643 = vector.shape_cast %swap3A_642 : vector<16xi32> to vector<16xi32>
      %swap3A_644 = vector.shape_cast %shift_right_logical3A_640 : vector<16xi32> to vector<16xi32>
      tpu.vector_store %arg10[%swap3A_641], %swap3A_644 {strides = array<i32>} : memref<40xi32, #tpu.memory_space<vmem>>, vector<16xi32>,
      %get3A_645 = arith.index_cast %add3A_626 : i32 to index
      %get3A_646 = arith.constant 16 : index
      %get3A_647 = tpu.vector_load %arg6[%get3A_645, %get3A_646] {strides = array<i32>} : memref<250x40xi32, #tpu.memory_space<vmem>>, vector<1x16xi32>,
      %get3A_648 = vector.shape_cast %get3A_647 : vector<1x16xi32> to vector<16xi32>
      %and3A_649 = arith.constant 65535 : i32
      %and3A_650 = vector.broadcast %and3A_649 : i32 to vector<16xi32>
      %and3A_651 = arith.andi %get3A_648, %and3A_650 : vector<16xi32>
      %swap3A_652 = arith.constant 16 : index
      %swap3A_653 = tpu.vector_load %arg7[%swap3A_652] {strides = array<i32>} : memref<40xi32, #tpu.memory_space<vmem>>, vector<16xi32>,
      %swap3A_654 = vector.shape_cast %swap3A_653 : vector<16xi32> to vector<16xi32>
      %swap3A_655 = vector.shape_cast %and3A_651 : vector<16xi32> to vector<16xi32>
      tpu.vector_store %arg7[%swap3A_652], %swap3A_655 {strides = array<i32>} : memref<40xi32, #tpu.memory_space<vmem>>, vector<16xi32>,
      %shift_right_logical3A_656 = arith.constant 16 : i32
      %shift_right_logical3A_657 = vector.broadcast %shift_right_logical3A_656 : i32 to vector<16xi32>
      %shift_right_logical3A_658 = arith.shrui %get3A_648, %shift_right_logical3A_657 : vector<16xi32>
      %swap3A_659 = arith.constant 16 : index
      %swap3A_660 = tpu.vector_load %arg10[%swap3A_659] {strides = array<i32>} : memref<40xi32, #tpu.memory_space<vmem>>, vector<16xi32>,
      %swap3A_661 = vector.shape_cast %swap3A_660 : vector<16xi32> to vector<16xi32>
      %swap3A_662 = vector.shape_cast %shift_right_logical3A_658 : vector<16xi32> to vector<16xi32>
      tpu.vector_store %arg10[%swap3A_659], %swap3A_662 {strides = array<i32>} : memref<40xi32, #tpu.memory_space<vmem>>, vector<16xi32>,
      %get3A_663 = arith.index_cast %add3A_626 : i32 to index
      %get3A_664 = arith.constant 24 : index
      %get3A_665 = tpu.vector_load %arg6[%get3A_663, %get3A_664] {strides = array<i32>} : memref<250x40xi32, #tpu.memory_space<vmem>>, vector<1x16xi32>,
      %get3A_666 = vector.shape_cast %get3A_665 : vector<1x16xi32> to vector<16xi32>
      %and3A_667 = arith.constant 65535 : i32
      %and3A_668 = vector.broadcast %and3A_667 : i32 to vector<16xi32>
      %and3A_669 = arith.andi %get3A_666, %and3A_668 : vector<16xi32>
      %swap3A_670 = arith.constant 24 : index
      %swap3A_671 = tpu.vector_load %arg7[%swap3A_670] {strides = array<i32>} : memref<40xi32, #tpu.memory_space<vmem>>, vector<16xi32>,
      %swap3A_672 = vector.shape_cast %swap3A_671 : vector<16xi32> to vector<16xi32>
      %swap3A_673 = vector.shape_cast %and3A_669 : vector<16xi32> to vector<16xi32>
      tpu.vector_store %arg7[%swap3A_670], %swap3A_673 {strides = array<i32>} : memref<40xi32, #tpu.memory_space<vmem>>, vector<16xi32>,
      %shift_right_logical3A_674 = arith.constant 16 : i32
      %shift_right_logical3A_675 = vector.broadcast %shift_right_logical3A_674 : i32 to vector<16xi32>
      %shift_right_logical3A_676 = arith.shrui %get3A_666, %shift_right_logical3A_675 : vector<16xi32>
      %swap3A_677 = arith.constant 24 : index
      %swap3A_678 = tpu.vector_load %arg10[%swap3A_677] {strides = array<i32>} : memref<40xi32, #tpu.memory_space<vmem>>, vector<16xi32>,
      %swap3A_679 = vector.shape_cast %swap3A_678 : vector<16xi32> to vector<16xi32>
      %swap3A_680 = vector.shape_cast %shift_right_logical3A_676 : vector<16xi32> to vector<16xi32>
      tpu.vector_store %arg10[%swap3A_677], %swap3A_680 {strides = array<i32>} : memref<40xi32, #tpu.memory_space<vmem>>, vector<16xi32>,
      %dma_start3A_681 = arith.constant 0 : i32
      %dma_start3A_682 = arith.constant 0 : i32
      %dma_start3A_683 = tpu.memref_slice %arg2[%dma_start3A_681, %dma_start3A_682] : memref<10000x128xf32, #tpu.memory_space<hbm>> -> memref<10000x128xf32, #tpu.memory_space<hbm>>
      tpu.enqueue_indirect_dma source(%dma_start3A_683 : memref<10000x128xf32, #tpu.memory_space<hbm>>) target(%arg13 : memref<40x128xf32, #tpu.memory_space<vmem>>) offsets(%arg7 : memref<40xi32, #tpu.memory_space<vmem>>) semaphore(%arg16 : memref<!tpu.dma_semaphore, #tpu.memory_space<semaphore_mem>>)
      %add3A_684 = arith.constant 1 : i32
      %add3A_685 = arith.addi %add3A_607, %add3A_684 : i32
      %dma_wait3A_686 = arith.constant 0 : i32
      %dma_wait3A_687 = arith.constant 0 : i32
      %dma_wait3A_688 = tpu.memref_slice %arg2[%dma_wait3A_686, %dma_wait3A_687] : memref<10000x128xf32, #tpu.memory_space<hbm>> -> memref<40x128xf32, #tpu.memory_space<hbm>>
      %dma_wait3A_689 = arith.constant 0 : i32
      %dma_wait3A_690 = arith.constant 0 : i32
      %dma_wait3A_691 = tpu.memref_slice %arg2[%dma_wait3A_689, %dma_wait3A_690] : memref<10000x128xf32, #tpu.memory_space<hbm>> -> memref<40x128xf32, #tpu.memory_space<hbm>>
      tpu.wait_dma2 semaphore(%arg18 : memref<!tpu.dma_semaphore, #tpu.memory_space<semaphore_mem>>) src(%dma_wait3A_691 : memref<40x128xf32, #tpu.memory_space<hbm>>) dst(%arg15 : memref<40x128xf32, #tpu.memory_space<vmem>>)
      %dma_start3A_692 = arith.constant 0 : i32
      %dma_start3A_693 = arith.constant 0 : i32
      %dma_start3A_694 = tpu.memref_slice %arg5[%dma_start3A_692, %dma_start3A_693] : memref<10240x128xf32, #tpu.memory_space<vmem_shared>> -> memref<10240x128xf32, #tpu.memory_space<vmem_shared>>
      tpu.enqueue_indirect_dma source(%arg15 : memref<40x128xf32, #tpu.memory_space<vmem>>) target(%dma_start3A_694 : memref<10240x128xf32, #tpu.memory_space<vmem_shared>>) offsets(%arg12 : memref<40xi32, #tpu.memory_space<vmem>>) semaphore(%arg21 : memref<!tpu.dma_semaphore, #tpu.memory_space<semaphore_mem>>) {add = true}
      %dma_wait3A_695 = arith.constant 0 : i32
      %dma_wait3A_696 = arith.constant 0 : i32
      %dma_wait3A_697 = tpu.memref_slice %arg2[%dma_wait3A_695, %dma_wait3A_696] : memref<10000x128xf32, #tpu.memory_space<hbm>> -> memref<40x128xf32, #tpu.memory_space<hbm>>
      %dma_wait3A_698 = arith.constant 0 : i32
      %dma_wait3A_699 = arith.constant 0 : i32
      %dma_wait3A_700 = tpu.memref_slice %arg2[%dma_wait3A_698, %dma_wait3A_699] : memref<10000x128xf32, #tpu.memory_space<hbm>> -> memref<40x128xf32, #tpu.memory_space<hbm>>
      tpu.wait_dma2 semaphore(%arg20 : memref<!tpu.dma_semaphore, #tpu.memory_space<semaphore_mem>>) src(%dma_wait3A_700 : memref<40x128xf32, #tpu.memory_space<hbm>>) dst(%arg14 : memref<40x128xf32, #tpu.memory_space<vmem>>)
      %add3A_701 = arith.constant 2 : i32
      %add3A_702 = arith.addi %add3A_685, %add3A_701 : i32
      %get3A_703 = arith.index_cast %add3A_702 : i32 to index
      %get3A_704 = arith.constant 0 : index
      %get3A_705 = tpu.vector_load %arg6[%get3A_703, %get3A_704] {strides = array<i32>} : memref<250x40xi32, #tpu.memory_space<vmem>>, vector<1x16xi32>,
      %get3A_706 = vector.shape_cast %get3A_705 : vector<1x16xi32> to vector<16xi32>
      %and3A_707 = arith.constant 65535 : i32
      %and3A_708 = vector.broadcast %and3A_707 : i32 to vector<16xi32>
      %and3A_709 = arith.andi %get3A_706, %and3A_708 : vector<16xi32>
      %swap3A_710 = arith.constant 0 : index
      %swap3A_711 = tpu.vector_load %arg8[%swap3A_710] {strides = array<i32>} : memref<40xi32, #tpu.memory_space<vmem>>, vector<16xi32>,
      %swap3A_712 = vector.shape_cast %swap3A_711 : vector<16xi32> to vector<16xi32>
      %swap3A_713 = vector.shape_cast %and3A_709 : vector<16xi32> to vector<16xi32>
      tpu.vector_store %arg8[%swap3A_710], %swap3A_713 {strides = array<i32>} : memref<40xi32, #tpu.memory_space<vmem>>, vector<16xi32>,
      %shift_right_logical3A_714 = arith.constant 16 : i32
      %shift_right_logical3A_715 = vector.broadcast %shift_right_logical3A_714 : i32 to vector<16xi32>
      %shift_right_logical3A_716 = arith.shrui %get3A_706, %shift_right_logical3A_715 : vector<16xi32>
      %swap3A_717 = arith.constant 0 : index
      %swap3A_718 = tpu.vector_load %arg11[%swap3A_717] {strides = array<i32>} : memref<40xi32, #tpu.memory_space<vmem>>, vector<16xi32>,
      %swap3A_719 = vector.shape_cast %swap3A_718 : vector<16xi32> to vector<16xi32>
      %swap3A_720 = vector.shape_cast %shift_right_logical3A_716 : vector<16xi32> to vector<16xi32>
      tpu.vector_store %arg11[%swap3A_717], %swap3A_720 {strides = array<i32>} : memref<40xi32, #tpu.memory_space<vmem>>, vector<16xi32>,
      %get3A_721 = arith.index_cast %add3A_702 : i32 to index
      %get3A_722 = arith.constant 16 : index
      %get3A_723 = tpu.vector_load %arg6[%get3A_721, %get3A_722] {strides = array<i32>} : memref<250x40xi32, #tpu.memory_space<vmem>>, vector<1x16xi32>,
      %get3A_724 = vector.shape_cast %get3A_723 : vector<1x16xi32> to vector<16xi32>
      %and3A_725 = arith.constant 65535 : i32
      %and3A_726 = vector.broadcast %and3A_725 : i32 to vector<16xi32>
      %and3A_727 = arith.andi %get3A_724, %and3A_726 : vector<16xi32>
      %swap3A_728 = arith.constant 16 : index
      %swap3A_729 = tpu.vector_load %arg8[%swap3A_728] {strides = array<i32>} : memref<40xi32, #tpu.memory_space<vmem>>, vector<16xi32>,
      %swap3A_730 = vector.shape_cast %swap3A_729 : vector<16xi32> to vector<16xi32>
      %swap3A_731 = vector.shape_cast %and3A_727 : vector<16xi32> to vector<16xi32>
      tpu.vector_store %arg8[%swap3A_728], %swap3A_731 {strides = array<i32>} : memref<40xi32, #tpu.memory_space<vmem>>, vector<16xi32>,
      %shift_right_logical3A_732 = arith.constant 16 : i32
      %shift_right_logical3A_733 = vector.broadcast %shift_right_logical3A_732 : i32 to vector<16xi32>
      %shift_right_logical3A_734 = arith.shrui %get3A_724, %shift_right_logical3A_733 : vector<16xi32>
      %swap3A_735 = arith.constant 16 : index
      %swap3A_736 = tpu.vector_load %arg11[%swap3A_735] {strides = array<i32>} : memref<40xi32, #tpu.memory_space<vmem>>, vector<16xi32>,
      %swap3A_737 = vector.shape_cast %swap3A_736 : vector<16xi32> to vector<16xi32>
      %swap3A_738 = vector.shape_cast %shift_right_logical3A_734 : vector<16xi32> to vector<16xi32>
      tpu.vector_store %arg11[%swap3A_735], %swap3A_738 {strides = array<i32>} : memref<40xi32, #tpu.memory_space<vmem>>, vector<16xi32>,
      %get3A_739 = arith.index_cast %add3A_702 : i32 to index
      %get3A_740 = arith.constant 24 : index
      %get3A_741 = tpu.vector_load %arg6[%get3A_739, %get3A_740] {strides = array<i32>} : memref<250x40xi32, #tpu.memory_space<vmem>>, vector<1x16xi32>,
      %get3A_742 = vector.shape_cast %get3A_741 : vector<1x16xi32> to vector<16xi32>
      %and3A_743 = arith.constant 65535 : i32
      %and3A_744 = vector.broadcast %and3A_743 : i32 to vector<16xi32>
      %and3A_745 = arith.andi %get3A_742, %and3A_744 : vector<16xi32>
      %swap3A_746 = arith.constant 24 : index
      %swap3A_747 = tpu.vector_load %arg8[%swap3A_746] {strides = array<i32>} : memref<40xi32, #tpu.memory_space<vmem>>, vector<16xi32>,
      %swap3A_748 = vector.shape_cast %swap3A_747 : vector<16xi32> to vector<16xi32>
      %swap3A_749 = vector.shape_cast %and3A_745 : vector<16xi32> to vector<16xi32>
      tpu.vector_store %arg8[%swap3A_746], %swap3A_749 {strides = array<i32>} : memref<40xi32, #tpu.memory_space<vmem>>, vector<16xi32>,
      %shift_right_logical3A_750 = arith.constant 16 : i32
      %shift_right_logical3A_751 = vector.broadcast %shift_right_logical3A_750 : i32 to vector<16xi32>
      %shift_right_logical3A_752 = arith.shrui %get3A_742, %shift_right_logical3A_751 : vector<16xi32>
      %swap3A_753 = arith.constant 24 : index
      %swap3A_754 = tpu.vector_load %arg11[%swap3A_753] {strides = array<i32>} : memref<40xi32, #tpu.memory_space<vmem>>, vector<16xi32>,
      %swap3A_755 = vector.shape_cast %swap3A_754 : vector<16xi32> to vector<16xi32>
      %swap3A_756 = vector.shape_cast %shift_right_logical3A_752 : vector<16xi32> to vector<16xi32>
      tpu.vector_store %arg11[%swap3A_753], %swap3A_756 {strides = array<i32>} : memref<40xi32, #tpu.memory_space<vmem>>, vector<16xi32>,
      %dma_start3A_757 = arith.constant 0 : i32
      %dma_start3A_758 = arith.constant 0 : i32
      %dma_start3A_759 = tpu.memref_slice %arg2[%dma_start3A_757, %dma_start3A_758] : memref<10000x128xf32, #tpu.memory_space<hbm>> -> memref<10000x128xf32, #tpu.memory_space<hbm>>
      tpu.enqueue_indirect_dma source(%dma_start3A_759 : memref<10000x128xf32, #tpu.memory_space<hbm>>) target(%arg14 : memref<40x128xf32, #tpu.memory_space<vmem>>) offsets(%arg8 : memref<40xi32, #tpu.memory_space<vmem>>) semaphore(%arg17 : memref<!tpu.dma_semaphore, #tpu.memory_space<semaphore_mem>>)
      %add3A_760 = arith.constant 2 : i32
      %add3A_761 = arith.addi %add3A_607, %add3A_760 : i32
      %dma_wait3A_762 = arith.constant 0 : i32
      %dma_wait3A_763 = arith.constant 0 : i32
      %dma_wait3A_764 = tpu.memref_slice %arg2[%dma_wait3A_762, %dma_wait3A_763] : memref<10000x128xf32, #tpu.memory_space<hbm>> -> memref<40x128xf32, #tpu.memory_space<hbm>>
      %dma_wait3A_765 = arith.constant 0 : i32
      %dma_wait3A_766 = arith.constant 0 : i32
      %dma_wait3A_767 = tpu.memref_slice %arg2[%dma_wait3A_765, %dma_wait3A_766] : memref<10000x128xf32, #tpu.memory_space<hbm>> -> memref<40x128xf32, #tpu.memory_space<hbm>>
      tpu.wait_dma2 semaphore(%arg16 : memref<!tpu.dma_semaphore, #tpu.memory_space<semaphore_mem>>) src(%dma_wait3A_767 : memref<40x128xf32, #tpu.memory_space<hbm>>) dst(%arg13 : memref<40x128xf32, #tpu.memory_space<vmem>>)
      %dma_start3A_768 = arith.constant 0 : i32
      %dma_start3A_769 = arith.constant 0 : i32
      %dma_start3A_770 = tpu.memref_slice %arg5[%dma_start3A_768, %dma_start3A_769] : memref<10240x128xf32, #tpu.memory_space<vmem_shared>> -> memref<10240x128xf32, #tpu.memory_space<vmem_shared>>
      tpu.enqueue_indirect_dma source(%arg13 : memref<40x128xf32, #tpu.memory_space<vmem>>) target(%dma_start3A_770 : memref<10240x128xf32, #tpu.memory_space<vmem_shared>>) offsets(%arg10 : memref<40xi32, #tpu.memory_space<vmem>>) semaphore(%arg19 : memref<!tpu.dma_semaphore, #tpu.memory_space<semaphore_mem>>) {add = true}
      %dma_wait3A_771 = arith.constant 0 : i32
      %dma_wait3A_772 = arith.constant 0 : i32
      %dma_wait3A_773 = tpu.memref_slice %arg2[%dma_wait3A_771, %dma_wait3A_772] : memref<10000x128xf32, #tpu.memory_space<hbm>> -> memref<40x128xf32, #tpu.memory_space<hbm>>
      %dma_wait3A_774 = arith.constant 0 : i32
      %dma_wait3A_775 = arith.constant 0 : i32
      %dma_wait3A_776 = tpu.memref_slice %arg2[%dma_wait3A_774, %dma_wait3A_775] : memref<10000x128xf32, #tpu.memory_space<hbm>> -> memref<40x128xf32, #tpu.memory_space<hbm>>
      tpu.wait_dma2 semaphore(%arg21 : memref<!tpu.dma_semaphore, #tpu.memory_space<semaphore_mem>>) src(%dma_wait3A_776 : memref<40x128xf32, #tpu.memory_space<hbm>>) dst(%arg15 : memref<40x128xf32, #tpu.memory_space<vmem>>)
      %add3A_777 = arith.constant 2 : i32
      %add3A_778 = arith.addi %add3A_761, %add3A_777 : i32
      %get3A_779 = arith.index_cast %add3A_778 : i32 to index
      %get3A_780 = arith.constant 0 : index
      %get3A_781 = tpu.vector_load %arg6[%get3A_779, %get3A_780] {strides = array<i32>} : memref<250x40xi32, #tpu.memory_space<vmem>>, vector<1x16xi32>,
      %get3A_782 = vector.shape_cast %get3A_781 : vector<1x16xi32> to vector<16xi32>
      %and3A_783 = arith.constant 65535 : i32
      %and3A_784 = vector.broadcast %and3A_783 : i32 to vector<16xi32>
      %and3A_785 = arith.andi %get3A_782, %and3A_784 : vector<16xi32>
      %swap3A_786 = arith.constant 0 : index
      %swap3A_787 = tpu.vector_load %arg9[%swap3A_786] {strides = array<i32>} : memref<40xi32, #tpu.memory_space<vmem>>, vector<16xi32>,
      %swap3A_788 = vector.shape_cast %swap3A_787 : vector<16xi32> to vector<16xi32>
      %swap3A_789 = vector.shape_cast %and3A_785 : vector<16xi32> to vector<16xi32>
      tpu.vector_store %arg9[%swap3A_786], %swap3A_789 {strides = array<i32>} : memref<40xi32, #tpu.memory_space<vmem>>, vector<16xi32>,
      %shift_right_logical3A_790 = arith.constant 16 : i32
      %shift_right_logical3A_791 = vector.broadcast %shift_right_logical3A_790 : i32 to vector<16xi32>
      %shift_right_logical3A_792 = arith.shrui %get3A_782, %shift_right_logical3A_791 : vector<16xi32>
      %swap3A_793 = arith.constant 0 : index
      %swap3A_794 = tpu.vector_load %arg12[%swap3A_793] {strides = array<i32>} : memref<40xi32, #tpu.memory_space<vmem>>, vector<16xi32>,
      %swap3A_795 = vector.shape_cast %swap3A_794 : vector<16xi32> to vector<16xi32>
      %swap3A_796 = vector.shape_cast %shift_right_logical3A_792 : vector<16xi32> to vector<16xi32>
      tpu.vector_store %arg12[%swap3A_793], %swap3A_796 {strides = array<i32>} : memref<40xi32, #tpu.memory_space<vmem>>, vector<16xi32>,
      %get3A_797 = arith.index_cast %add3A_778 : i32 to index
      %get3A_798 = arith.constant 16 : index
      %get3A_799 = tpu.vector_load %arg6[%get3A_797, %get3A_798] {strides = array<i32>} : memref<250x40xi32, #tpu.memory_space<vmem>>, vector<1x16xi32>,
      %get3A_800 = vector.shape_cast %get3A_799 : vector<1x16xi32> to vector<16xi32>
      %and3A_801 = arith.constant 65535 : i32
      %and3A_802 = vector.broadcast %and3A_801 : i32 to vector<16xi32>
      %and3A_803 = arith.andi %get3A_800, %and3A_802 : vector<16xi32>
      %swap3A_804 = arith.constant 16 : index
      %swap3A_805 = tpu.vector_load %arg9[%swap3A_804] {strides = array<i32>} : memref<40xi32, #tpu.memory_space<vmem>>, vector<16xi32>,
      %swap3A_806 = vector.shape_cast %swap3A_805 : vector<16xi32> to vector<16xi32>
      %swap3A_807 = vector.shape_cast %and3A_803 : vector<16xi32> to vector<16xi32>
      tpu.vector_store %arg9[%swap3A_804], %swap3A_807 {strides = array<i32>} : memref<40xi32, #tpu.memory_space<vmem>>, vector<16xi32>,
      %shift_right_logical3A_808 = arith.constant 16 : i32
      %shift_right_logical3A_809 = vector.broadcast %shift_right_logical3A_808 : i32 to vector<16xi32>
      %shift_right_logical3A_810 = arith.shrui %get3A_800, %shift_right_logical3A_809 : vector<16xi32>
      %swap3A_811 = arith.constant 16 : index
      %swap3A_812 = tpu.vector_load %arg12[%swap3A_811] {strides = array<i32>} : memref<40xi32, #tpu.memory_space<vmem>>, vector<16xi32>,
      %swap3A_813 = vector.shape_cast %swap3A_812 : vector<16xi32> to vector<16xi32>
      %swap3A_814 = vector.shape_cast %shift_right_logical3A_810 : vector<16xi32> to vector<16xi32>
      tpu.vector_store %arg12[%swap3A_811], %swap3A_814 {strides = array<i32>} : memref<40xi32, #tpu.memory_space<vmem>>, vector<16xi32>,
      %get3A_815 = arith.index_cast %add3A_778 : i32 to index
      %get3A_816 = arith.constant 24 : index
      %get3A_817 = tpu.vector_load %arg6[%get3A_815, %get3A_816] {strides = array<i32>} : memref<250x40xi32, #tpu.memory_space<vmem>>, vector<1x16xi32>,
      %get3A_818 = vector.shape_cast %get3A_817 : vector<1x16xi32> to vector<16xi32>
      %and3A_819 = arith.constant 65535 : i32
      %and3A_820 = vector.broadcast %and3A_819 : i32 to vector<16xi32>
      %and3A_821 = arith.andi %get3A_818, %and3A_820 : vector<16xi32>
      %swap3A_822 = arith.constant 24 : index
      %swap3A_823 = tpu.vector_load %arg9[%swap3A_822] {strides = array<i32>} : memref<40xi32, #tpu.memory_space<vmem>>, vector<16xi32>,
      %swap3A_824 = vector.shape_cast %swap3A_823 : vector<16xi32> to vector<16xi32>
      %swap3A_825 = vector.shape_cast %and3A_821 : vector<16xi32> to vector<16xi32>
      tpu.vector_store %arg9[%swap3A_822], %swap3A_825 {strides = array<i32>} : memref<40xi32, #tpu.memory_space<vmem>>, vector<16xi32>,
      %shift_right_logical3A_826 = arith.constant 16 : i32
      %shift_right_logical3A_827 = vector.broadcast %shift_right_logical3A_826 : i32 to vector<16xi32>
      %shift_right_logical3A_828 = arith.shrui %get3A_818, %shift_right_logical3A_827 : vector<16xi32>
      %swap3A_829 = arith.constant 24 : index
      %swap3A_830 = tpu.vector_load %arg12[%swap3A_829] {strides = array<i32>} : memref<40xi32, #tpu.memory_space<vmem>>, vector<16xi32>,
      %swap3A_831 = vector.shape_cast %swap3A_830 : vector<16xi32> to vector<16xi32>
      %swap3A_832 = vector.shape_cast %shift_right_logical3A_828 : vector<16xi32> to vector<16xi32>
      tpu.vector_store %arg12[%swap3A_829], %swap3A_832 {strides = array<i32>} : memref<40xi32, #tpu.memory_space<vmem>>, vector<16xi32>,
      %dma_start3A_833 = arith.constant 0 : i32
      %dma_start3A_834 = arith.constant 0 : i32
      %dma_start3A_835 = tpu.memref_slice %arg2[%dma_start3A_833, %dma_start3A_834] : memref<10000x128xf32, #tpu.memory_space<hbm>> -> memref<10000x128xf32, #tpu.memory_space<hbm>>
      tpu.enqueue_indirect_dma source(%dma_start3A_835 : memref<10000x128xf32, #tpu.memory_space<hbm>>) target(%arg15 : memref<40x128xf32, #tpu.memory_space<vmem>>) offsets(%arg9 : memref<40xi32, #tpu.memory_space<vmem>>) semaphore(%arg18 : memref<!tpu.dma_semaphore, #tpu.memory_space<semaphore_mem>>)
    }
    %scan3A_257 = arith.constant 81 : i32
    %dma_wait3A_258 = arith.constant 0 : i32
    %dma_wait3A_259 = arith.constant 0 : i32
    %dma_wait3A_260 = tpu.memref_slice %arg2[%dma_wait3A_258, %dma_wait3A_259] : memref<10000x128xf32, #tpu.memory_space<hbm>> -> memref<40x128xf32, #tpu.memory_space<hbm>>
    %dma_wait3A_261 = arith.constant 0 : i32
    %dma_wait3A_262 = arith.constant 0 : i32
    %dma_wait3A_263 = tpu.memref_slice %arg2[%dma_wait3A_261, %dma_wait3A_262] : memref<10000x128xf32, #tpu.memory_space<hbm>> -> memref<40x128xf32, #tpu.memory_space<hbm>>
    tpu.wait_dma2 semaphore(%arg17 : memref<!tpu.dma_semaphore, #tpu.memory_space<semaphore_mem>>) src(%dma_wait3A_263 : memref<40x128xf32, #tpu.memory_space<hbm>>) dst(%arg14 : memref<40x128xf32, #tpu.memory_space<vmem>>)
    %dma_start3A_264 = arith.constant 0 : i32
    %dma_start3A_265 = arith.constant 0 : i32
    %dma_start3A_266 = tpu.memref_slice %arg5[%dma_start3A_264, %dma_start3A_265] : memref<10240x128xf32, #tpu.memory_space<vmem_shared>> -> memref<10240x128xf32, #tpu.memory_space<vmem_shared>>
    tpu.enqueue_indirect_dma source(%arg14 : memref<40x128xf32, #tpu.memory_space<vmem>>) target(%dma_start3A_266 : memref<10240x128xf32, #tpu.memory_space<vmem_shared>>) offsets(%arg11 : memref<40xi32, #tpu.memory_space<vmem>>) semaphore(%arg20 : memref<!tpu.dma_semaphore, #tpu.memory_space<semaphore_mem>>) {add = true}
    %dma_wait3A_267 = arith.constant 0 : i32
    %dma_wait3A_268 = arith.constant 0 : i32
    %dma_wait3A_269 = tpu.memref_slice %arg2[%dma_wait3A_267, %dma_wait3A_268] : memref<10000x128xf32, #tpu.memory_space<hbm>> -> memref<40x128xf32, #tpu.memory_space<hbm>>
    %dma_wait3A_270 = arith.constant 0 : i32
    %dma_wait3A_271 = arith.constant 0 : i32
    %dma_wait3A_272 = tpu.memref_slice %arg2[%dma_wait3A_270, %dma_wait3A_271] : memref<10000x128xf32, #tpu.memory_space<hbm>> -> memref<40x128xf32, #tpu.memory_space<hbm>>
    tpu.wait_dma2 semaphore(%arg19 : memref<!tpu.dma_semaphore, #tpu.memory_space<semaphore_mem>>) src(%dma_wait3A_272 : memref<40x128xf32, #tpu.memory_space<hbm>>) dst(%arg13 : memref<40x128xf32, #tpu.memory_space<vmem>>)
    %get3A_273 = arith.constant 246 : i32
    %get3A_274 = arith.index_cast %get3A_273 : i32 to index
    %get3A_275 = arith.constant 0 : index
    %get3A_276 = tpu.vector_load %arg6[%get3A_274, %get3A_275] {strides = array<i32>} : memref<250x40xi32, #tpu.memory_space<vmem>>, vector<1x16xi32>,
    %get3A_277 = vector.shape_cast %get3A_276 : vector<1x16xi32> to vector<16xi32>
    %and3A_278 = arith.constant 65535 : i32
    %and3A_279 = vector.broadcast %and3A_278 : i32 to vector<16xi32>
    %and3A_280 = arith.andi %get3A_277, %and3A_279 : vector<16xi32>
    %swap3A_281 = arith.constant 0 : index
    %swap3A_282 = tpu.vector_load %arg7[%swap3A_281] {strides = array<i32>} : memref<40xi32, #tpu.memory_space<vmem>>, vector<16xi32>,
    %swap3A_283 = vector.shape_cast %swap3A_282 : vector<16xi32> to vector<16xi32>
    %swap3A_284 = vector.shape_cast %and3A_280 : vector<16xi32> to vector<16xi32>
    tpu.vector_store %arg7[%swap3A_281], %swap3A_284 {strides = array<i32>} : memref<40xi32, #tpu.memory_space<vmem>>, vector<16xi32>,
    %shift_right_logical3A_285 = arith.constant 16 : i32
    %shift_right_logical3A_286 = vector.broadcast %shift_right_logical3A_285 : i32 to vector<16xi32>
    %shift_right_logical3A_287 = arith.shrui %get3A_277, %shift_right_logical3A_286 : vector<16xi32>
    %swap3A_288 = arith.constant 0 : index
    %swap3A_289 = tpu.vector_load %arg10[%swap3A_288] {strides = array<i32>} : memref<40xi32, #tpu.memory_space<vmem>>, vector<16xi32>,
    %swap3A_290 = vector.shape_cast %swap3A_289 : vector<16xi32> to vector<16xi32>
    %swap3A_291 = vector.shape_cast %shift_right_logical3A_287 : vector<16xi32> to vector<16xi32>
    tpu.vector_store %arg10[%swap3A_288], %swap3A_291 {strides = array<i32>} : memref<40xi32, #tpu.memory_space<vmem>>, vector<16xi32>,
    %get3A_292 = arith.constant 246 : i32
    %get3A_293 = arith.index_cast %get3A_292 : i32 to index
    %get3A_294 = arith.constant 16 : index
    %get3A_295 = tpu.vector_load %arg6[%get3A_293, %get3A_294] {strides = array<i32>} : memref<250x40xi32, #tpu.memory_space<vmem>>, vector<1x16xi32>,
    %get3A_296 = vector.shape_cast %get3A_295 : vector<1x16xi32> to vector<16xi32>
    %and3A_297 = arith.constant 65535 : i32
    %and3A_298 = vector.broadcast %and3A_297 : i32 to vector<16xi32>
    %and3A_299 = arith.andi %get3A_296, %and3A_298 : vector<16xi32>
    %swap3A_300 = arith.constant 16 : index
    %swap3A_301 = tpu.vector_load %arg7[%swap3A_300] {strides = array<i32>} : memref<40xi32, #tpu.memory_space<vmem>>, vector<16xi32>,
    %swap3A_302 = vector.shape_cast %swap3A_301 : vector<16xi32> to vector<16xi32>
    %swap3A_303 = vector.shape_cast %and3A_299 : vector<16xi32> to vector<16xi32>
    tpu.vector_store %arg7[%swap3A_300], %swap3A_303 {strides = array<i32>} : memref<40xi32, #tpu.memory_space<vmem>>, vector<16xi32>,
    %shift_right_logical3A_304 = arith.constant 16 : i32
    %shift_right_logical3A_305 = vector.broadcast %shift_right_logical3A_304 : i32 to vector<16xi32>
    %shift_right_logical3A_306 = arith.shrui %get3A_296, %shift_right_logical3A_305 : vector<16xi32>
    %swap3A_307 = arith.constant 16 : index
    %swap3A_308 = tpu.vector_load %arg10[%swap3A_307] {strides = array<i32>} : memref<40xi32, #tpu.memory_space<vmem>>, vector<16xi32>,
    %swap3A_309 = vector.shape_cast %swap3A_308 : vector<16xi32> to vector<16xi32>
    %swap3A_310 = vector.shape_cast %shift_right_logical3A_306 : vector<16xi32> to vector<16xi32>
    tpu.vector_store %arg10[%swap3A_307], %swap3A_310 {strides = array<i32>} : memref<40xi32, #tpu.memory_space<vmem>>, vector<16xi32>,
    %get3A_311 = arith.constant 246 : i32
    %get3A_312 = arith.index_cast %get3A_311 : i32 to index
    %get3A_313 = arith.constant 24 : index
    %get3A_314 = tpu.vector_load %arg6[%get3A_312, %get3A_313] {strides = array<i32>} : memref<250x40xi32, #tpu.memory_space<vmem>>, vector<1x16xi32>,
    %get3A_315 = vector.shape_cast %get3A_314 : vector<1x16xi32> to vector<16xi32>
    %and3A_316 = arith.constant 65535 : i32
    %and3A_317 = vector.broadcast %and3A_316 : i32 to vector<16xi32>
    %and3A_318 = arith.andi %get3A_315, %and3A_317 : vector<16xi32>
    %swap3A_319 = arith.constant 24 : index
    %swap3A_320 = tpu.vector_load %arg7[%swap3A_319] {strides = array<i32>} : memref<40xi32, #tpu.memory_space<vmem>>, vector<16xi32>,
    %swap3A_321 = vector.shape_cast %swap3A_320 : vector<16xi32> to vector<16xi32>
    %swap3A_322 = vector.shape_cast %and3A_318 : vector<16xi32> to vector<16xi32>
    tpu.vector_store %arg7[%swap3A_319], %swap3A_322 {strides = array<i32>} : memref<40xi32, #tpu.memory_space<vmem>>, vector<16xi32>,
    %shift_right_logical3A_323 = arith.constant 16 : i32
    %shift_right_logical3A_324 = vector.broadcast %shift_right_logical3A_323 : i32 to vector<16xi32>
    %shift_right_logical3A_325 = arith.shrui %get3A_315, %shift_right_logical3A_324 : vector<16xi32>
    %swap3A_326 = arith.constant 24 : index
    %swap3A_327 = tpu.vector_load %arg10[%swap3A_326] {strides = array<i32>} : memref<40xi32, #tpu.memory_space<vmem>>, vector<16xi32>,
    %swap3A_328 = vector.shape_cast %swap3A_327 : vector<16xi32> to vector<16xi32>
    %swap3A_329 = vector.shape_cast %shift_right_logical3A_325 : vector<16xi32> to vector<16xi32>
    tpu.vector_store %arg10[%swap3A_326], %swap3A_329 {strides = array<i32>} : memref<40xi32, #tpu.memory_space<vmem>>, vector<16xi32>,
    %dma_start3A_330 = arith.constant 0 : i32
    %dma_start3A_331 = arith.constant 0 : i32
    %dma_start3A_332 = tpu.memref_slice %arg2[%dma_start3A_330, %dma_start3A_331] : memref<10000x128xf32, #tpu.memory_space<hbm>> -> memref<10000x128xf32, #tpu.memory_space<hbm>>
    tpu.enqueue_indirect_dma source(%dma_start3A_332 : memref<10000x128xf32, #tpu.memory_space<hbm>>) target(%arg13 : memref<40x128xf32, #tpu.memory_space<vmem>>) offsets(%arg7 : memref<40xi32, #tpu.memory_space<vmem>>) semaphore(%arg16 : memref<!tpu.dma_semaphore, #tpu.memory_space<semaphore_mem>>)
    %dma_wait3A_333 = arith.constant 0 : i32
    %dma_wait3A_334 = arith.constant 0 : i32
    %dma_wait3A_335 = tpu.memref_slice %arg2[%dma_wait3A_333, %dma_wait3A_334] : memref<10000x128xf32, #tpu.memory_space<hbm>> -> memref<40x128xf32, #tpu.memory_space<hbm>>
    %dma_wait3A_336 = arith.constant 0 : i32
    %dma_wait3A_337 = arith.constant 0 : i32
    %dma_wait3A_338 = tpu.memref_slice %arg2[%dma_wait3A_336, %dma_wait3A_337] : memref<10000x128xf32, #tpu.memory_space<hbm>> -> memref<40x128xf32, #tpu.memory_space<hbm>>
    tpu.wait_dma2 semaphore(%arg18 : memref<!tpu.dma_semaphore, #tpu.memory_space<semaphore_mem>>) src(%dma_wait3A_338 : memref<40x128xf32, #tpu.memory_space<hbm>>) dst(%arg15 : memref<40x128xf32, #tpu.memory_space<vmem>>)
    %dma_start3A_339 = arith.constant 0 : i32
    %dma_start3A_340 = arith.constant 0 : i32
    %dma_start3A_341 = tpu.memref_slice %arg5[%dma_start3A_339, %dma_start3A_340] : memref<10240x128xf32, #tpu.memory_space<vmem_shared>> -> memref<10240x128xf32, #tpu.memory_space<vmem_shared>>
    tpu.enqueue_indirect_dma source(%arg15 : memref<40x128xf32, #tpu.memory_space<vmem>>) target(%dma_start3A_341 : memref<10240x128xf32, #tpu.memory_space<vmem_shared>>) offsets(%arg12 : memref<40xi32, #tpu.memory_space<vmem>>) semaphore(%arg21 : memref<!tpu.dma_semaphore, #tpu.memory_space<semaphore_mem>>) {add = true}
    %dma_wait3A_342 = arith.constant 0 : i32
    %dma_wait3A_343 = arith.constant 0 : i32
    %dma_wait3A_344 = tpu.memref_slice %arg2[%dma_wait3A_342, %dma_wait3A_343] : memref<10000x128xf32, #tpu.memory_space<hbm>> -> memref<40x128xf32, #tpu.memory_space<hbm>>
    %dma_wait3A_345 = arith.constant 0 : i32
    %dma_wait3A_346 = arith.constant 0 : i32
    %dma_wait3A_347 = tpu.memref_slice %arg2[%dma_wait3A_345, %dma_wait3A_346] : memref<10000x128xf32, #tpu.memory_space<hbm>> -> memref<40x128xf32, #tpu.memory_space<hbm>>
    tpu.wait_dma2 semaphore(%arg20 : memref<!tpu.dma_semaphore, #tpu.memory_space<semaphore_mem>>) src(%dma_wait3A_347 : memref<40x128xf32, #tpu.memory_space<hbm>>) dst(%arg14 : memref<40x128xf32, #tpu.memory_space<vmem>>)
    %get3A_348 = arith.constant 247 : i32
    %get3A_349 = arith.index_cast %get3A_348 : i32 to index
    %get3A_350 = arith.constant 0 : index
    %get3A_351 = tpu.vector_load %arg6[%get3A_349, %get3A_350] {strides = array<i32>} : memref<250x40xi32, #tpu.memory_space<vmem>>, vector<1x16xi32>,
    %get3A_352 = vector.shape_cast %get3A_351 : vector<1x16xi32> to vector<16xi32>
    %and3A_353 = arith.constant 65535 : i32
    %and3A_354 = vector.broadcast %and3A_353 : i32 to vector<16xi32>
    %and3A_355 = arith.andi %get3A_352, %and3A_354 : vector<16xi32>
    %swap3A_356 = arith.constant 0 : index
    %swap3A_357 = tpu.vector_load %arg8[%swap3A_356] {strides = array<i32>} : memref<40xi32, #tpu.memory_space<vmem>>, vector<16xi32>,
    %swap3A_358 = vector.shape_cast %swap3A_357 : vector<16xi32> to vector<16xi32>
    %swap3A_359 = vector.shape_cast %and3A_355 : vector<16xi32> to vector<16xi32>
    tpu.vector_store %arg8[%swap3A_356], %swap3A_359 {strides = array<i32>} : memref<40xi32, #tpu.memory_space<vmem>>, vector<16xi32>,
    %shift_right_logical3A_360 = arith.constant 16 : i32
    %shift_right_logical3A_361 = vector.broadcast %shift_right_logical3A_360 : i32 to vector<16xi32>
    %shift_right_logical3A_362 = arith.shrui %get3A_352, %shift_right_logical3A_361 : vector<16xi32>
    %swap3A_363 = arith.constant 0 : index
    %swap3A_364 = tpu.vector_load %arg11[%swap3A_363] {strides = array<i32>} : memref<40xi32, #tpu.memory_space<vmem>>, vector<16xi32>,
    %swap3A_365 = vector.shape_cast %swap3A_364 : vector<16xi32> to vector<16xi32>
    %swap3A_366 = vector.shape_cast %shift_right_logical3A_362 : vector<16xi32> to vector<16xi32>
    tpu.vector_store %arg11[%swap3A_363], %swap3A_366 {strides = array<i32>} : memref<40xi32, #tpu.memory_space<vmem>>, vector<16xi32>,
    %get3A_367 = arith.constant 247 : i32
    %get3A_368 = arith.index_cast %get3A_367 : i32 to index
    %get3A_369 = arith.constant 16 : index
    %get3A_370 = tpu.vector_load %arg6[%get3A_368, %get3A_369] {strides = array<i32>} : memref<250x40xi32, #tpu.memory_space<vmem>>, vector<1x16xi32>,
    %get3A_371 = vector.shape_cast %get3A_370 : vector<1x16xi32> to vector<16xi32>
    %and3A_372 = arith.constant 65535 : i32
    %and3A_373 = vector.broadcast %and3A_372 : i32 to vector<16xi32>
    %and3A_374 = arith.andi %get3A_371, %and3A_373 : vector<16xi32>
    %swap3A_375 = arith.constant 16 : index
    %swap3A_376 = tpu.vector_load %arg8[%swap3A_375] {strides = array<i32>} : memref<40xi32, #tpu.memory_space<vmem>>, vector<16xi32>,
    %swap3A_377 = vector.shape_cast %swap3A_376 : vector<16xi32> to vector<16xi32>
    %swap3A_378 = vector.shape_cast %and3A_374 : vector<16xi32> to vector<16xi32>
    tpu.vector_store %arg8[%swap3A_375], %swap3A_378 {strides = array<i32>} : memref<40xi32, #tpu.memory_space<vmem>>, vector<16xi32>,
    %shift_right_logical3A_379 = arith.constant 16 : i32
    %shift_right_logical3A_380 = vector.broadcast %shift_right_logical3A_379 : i32 to vector<16xi32>
    %shift_right_logical3A_381 = arith.shrui %get3A_371, %shift_right_logical3A_380 : vector<16xi32>
    %swap3A_382 = arith.constant 16 : index
    %swap3A_383 = tpu.vector_load %arg11[%swap3A_382] {strides = array<i32>} : memref<40xi32, #tpu.memory_space<vmem>>, vector<16xi32>,
    %swap3A_384 = vector.shape_cast %swap3A_383 : vector<16xi32> to vector<16xi32>
    %swap3A_385 = vector.shape_cast %shift_right_logical3A_381 : vector<16xi32> to vector<16xi32>
    tpu.vector_store %arg11[%swap3A_382], %swap3A_385 {strides = array<i32>} : memref<40xi32, #tpu.memory_space<vmem>>, vector<16xi32>,
    %get3A_386 = arith.constant 247 : i32
    %get3A_387 = arith.index_cast %get3A_386 : i32 to index
    %get3A_388 = arith.constant 24 : index
    %get3A_389 = tpu.vector_load %arg6[%get3A_387, %get3A_388] {strides = array<i32>} : memref<250x40xi32, #tpu.memory_space<vmem>>, vector<1x16xi32>,
    %get3A_390 = vector.shape_cast %get3A_389 : vector<1x16xi32> to vector<16xi32>
    %and3A_391 = arith.constant 65535 : i32
    %and3A_392 = vector.broadcast %and3A_391 : i32 to vector<16xi32>
    %and3A_393 = arith.andi %get3A_390, %and3A_392 : vector<16xi32>
    %swap3A_394 = arith.constant 24 : index
    %swap3A_395 = tpu.vector_load %arg8[%swap3A_394] {strides = array<i32>} : memref<40xi32, #tpu.memory_space<vmem>>, vector<16xi32>,
    %swap3A_396 = vector.shape_cast %swap3A_395 : vector<16xi32> to vector<16xi32>
    %swap3A_397 = vector.shape_cast %and3A_393 : vector<16xi32> to vector<16xi32>
    tpu.vector_store %arg8[%swap3A_394], %swap3A_397 {strides = array<i32>} : memref<40xi32, #tpu.memory_space<vmem>>, vector<16xi32>,
    %shift_right_logical3A_398 = arith.constant 16 : i32
    %shift_right_logical3A_399 = vector.broadcast %shift_right_logical3A_398 : i32 to vector<16xi32>
    %shift_right_logical3A_400 = arith.shrui %get3A_390, %shift_right_logical3A_399 : vector<16xi32>
    %swap3A_401 = arith.constant 24 : index
    %swap3A_402 = tpu.vector_load %arg11[%swap3A_401] {strides = array<i32>} : memref<40xi32, #tpu.memory_space<vmem>>, vector<16xi32>,
    %swap3A_403 = vector.shape_cast %swap3A_402 : vector<16xi32> to vector<16xi32>
    %swap3A_404 = vector.shape_cast %shift_right_logical3A_400 : vector<16xi32> to vector<16xi32>
    tpu.vector_store %arg11[%swap3A_401], %swap3A_404 {strides = array<i32>} : memref<40xi32, #tpu.memory_space<vmem>>, vector<16xi32>,
    %dma_start3A_405 = arith.constant 0 : i32
    %dma_start3A_406 = arith.constant 0 : i32
    %dma_start3A_407 = tpu.memref_slice %arg2[%dma_start3A_405, %dma_start3A_406] : memref<10000x128xf32, #tpu.memory_space<hbm>> -> memref<10000x128xf32, #tpu.memory_space<hbm>>
    tpu.enqueue_indirect_dma source(%dma_start3A_407 : memref<10000x128xf32, #tpu.memory_space<hbm>>) target(%arg14 : memref<40x128xf32, #tpu.memory_space<vmem>>) offsets(%arg8 : memref<40xi32, #tpu.memory_space<vmem>>) semaphore(%arg17 : memref<!tpu.dma_semaphore, #tpu.memory_space<semaphore_mem>>)
    %dma_wait3A_408 = arith.constant 0 : i32
    %dma_wait3A_409 = arith.constant 0 : i32
    %dma_wait3A_410 = tpu.memref_slice %arg2[%dma_wait3A_408, %dma_wait3A_409] : memref<10000x128xf32, #tpu.memory_space<hbm>> -> memref<40x128xf32, #tpu.memory_space<hbm>>
    %dma_wait3A_411 = arith.constant 0 : i32
    %dma_wait3A_412 = arith.constant 0 : i32
    %dma_wait3A_413 = tpu.memref_slice %arg2[%dma_wait3A_411, %dma_wait3A_412] : memref<10000x128xf32, #tpu.memory_space<hbm>> -> memref<40x128xf32, #tpu.memory_space<hbm>>
    tpu.wait_dma2 semaphore(%arg16 : memref<!tpu.dma_semaphore, #tpu.memory_space<semaphore_mem>>) src(%dma_wait3A_413 : memref<40x128xf32, #tpu.memory_space<hbm>>) dst(%arg13 : memref<40x128xf32, #tpu.memory_space<vmem>>)
    %dma_start3A_414 = arith.constant 0 : i32
    %dma_start3A_415 = arith.constant 0 : i32
    %dma_start3A_416 = tpu.memref_slice %arg5[%dma_start3A_414, %dma_start3A_415] : memref<10240x128xf32, #tpu.memory_space<vmem_shared>> -> memref<10240x128xf32, #tpu.memory_space<vmem_shared>>
    tpu.enqueue_indirect_dma source(%arg13 : memref<40x128xf32, #tpu.memory_space<vmem>>) target(%dma_start3A_416 : memref<10240x128xf32, #tpu.memory_space<vmem_shared>>) offsets(%arg10 : memref<40xi32, #tpu.memory_space<vmem>>) semaphore(%arg19 : memref<!tpu.dma_semaphore, #tpu.memory_space<semaphore_mem>>) {add = true}
    %dma_wait3A_417 = arith.constant 0 : i32
    %dma_wait3A_418 = arith.constant 0 : i32
    %dma_wait3A_419 = tpu.memref_slice %arg2[%dma_wait3A_417, %dma_wait3A_418] : memref<10000x128xf32, #tpu.memory_space<hbm>> -> memref<40x128xf32, #tpu.memory_space<hbm>>
    %dma_wait3A_420 = arith.constant 0 : i32
    %dma_wait3A_421 = arith.constant 0 : i32
    %dma_wait3A_422 = tpu.memref_slice %arg2[%dma_wait3A_420, %dma_wait3A_421] : memref<10000x128xf32, #tpu.memory_space<hbm>> -> memref<40x128xf32, #tpu.memory_space<hbm>>
    tpu.wait_dma2 semaphore(%arg21 : memref<!tpu.dma_semaphore, #tpu.memory_space<semaphore_mem>>) src(%dma_wait3A_422 : memref<40x128xf32, #tpu.memory_space<hbm>>) dst(%arg15 : memref<40x128xf32, #tpu.memory_space<vmem>>)
    %get3A_423 = arith.constant 248 : i32
    %get3A_424 = arith.index_cast %get3A_423 : i32 to index
    %get3A_425 = arith.constant 0 : index
    %get3A_426 = tpu.vector_load %arg6[%get3A_424, %get3A_425] {strides = array<i32>} : memref<250x40xi32, #tpu.memory_space<vmem>>, vector<1x16xi32>,
    %get3A_427 = vector.shape_cast %get3A_426 : vector<1x16xi32> to vector<16xi32>
    %and3A_428 = arith.constant 65535 : i32
    %and3A_429 = vector.broadcast %and3A_428 : i32 to vector<16xi32>
    %and3A_430 = arith.andi %get3A_427, %and3A_429 : vector<16xi32>
    %swap3A_431 = arith.constant 0 : index
    %swap3A_432 = tpu.vector_load %arg9[%swap3A_431] {strides = array<i32>} : memref<40xi32, #tpu.memory_space<vmem>>, vector<16xi32>,
    %swap3A_433 = vector.shape_cast %swap3A_432 : vector<16xi32> to vector<16xi32>
    %swap3A_434 = vector.shape_cast %and3A_430 : vector<16xi32> to vector<16xi32>
    tpu.vector_store %arg9[%swap3A_431], %swap3A_434 {strides = array<i32>} : memref<40xi32, #tpu.memory_space<vmem>>, vector<16xi32>,
    %shift_right_logical3A_435 = arith.constant 16 : i32
    %shift_right_logical3A_436 = vector.broadcast %shift_right_logical3A_435 : i32 to vector<16xi32>
    %shift_right_logical3A_437 = arith.shrui %get3A_427, %shift_right_logical3A_436 : vector<16xi32>
    %swap3A_438 = arith.constant 0 : index
    %swap3A_439 = tpu.vector_load %arg12[%swap3A_438] {strides = array<i32>} : memref<40xi32, #tpu.memory_space<vmem>>, vector<16xi32>,
    %swap3A_440 = vector.shape_cast %swap3A_439 : vector<16xi32> to vector<16xi32>
    %swap3A_441 = vector.shape_cast %shift_right_logical3A_437 : vector<16xi32> to vector<16xi32>
    tpu.vector_store %arg12[%swap3A_438], %swap3A_441 {strides = array<i32>} : memref<40xi32, #tpu.memory_space<vmem>>, vector<16xi32>,
    %get3A_442 = arith.constant 248 : i32
    %get3A_443 = arith.index_cast %get3A_442 : i32 to index
    %get3A_444 = arith.constant 16 : index
    %get3A_445 = tpu.vector_load %arg6[%get3A_443, %get3A_444] {strides = array<i32>} : memref<250x40xi32, #tpu.memory_space<vmem>>, vector<1x16xi32>,
    %get3A_446 = vector.shape_cast %get3A_445 : vector<1x16xi32> to vector<16xi32>
    %and3A_447 = arith.constant 65535 : i32
    %and3A_448 = vector.broadcast %and3A_447 : i32 to vector<16xi32>
    %and3A_449 = arith.andi %get3A_446, %and3A_448 : vector<16xi32>
    %swap3A_450 = arith.constant 16 : index
    %swap3A_451 = tpu.vector_load %arg9[%swap3A_450] {strides = array<i32>} : memref<40xi32, #tpu.memory_space<vmem>>, vector<16xi32>,
    %swap3A_452 = vector.shape_cast %swap3A_451 : vector<16xi32> to vector<16xi32>
    %swap3A_453 = vector.shape_cast %and3A_449 : vector<16xi32> to vector<16xi32>
    tpu.vector_store %arg9[%swap3A_450], %swap3A_453 {strides = array<i32>} : memref<40xi32, #tpu.memory_space<vmem>>, vector<16xi32>,
    %shift_right_logical3A_454 = arith.constant 16 : i32
    %shift_right_logical3A_455 = vector.broadcast %shift_right_logical3A_454 : i32 to vector<16xi32>
    %shift_right_logical3A_456 = arith.shrui %get3A_446, %shift_right_logical3A_455 : vector<16xi32>
    %swap3A_457 = arith.constant 16 : index
    %swap3A_458 = tpu.vector_load %arg12[%swap3A_457] {strides = array<i32>} : memref<40xi32, #tpu.memory_space<vmem>>, vector<16xi32>,
    %swap3A_459 = vector.shape_cast %swap3A_458 : vector<16xi32> to vector<16xi32>
    %swap3A_460 = vector.shape_cast %shift_right_logical3A_456 : vector<16xi32> to vector<16xi32>
    tpu.vector_store %arg12[%swap3A_457], %swap3A_460 {strides = array<i32>} : memref<40xi32, #tpu.memory_space<vmem>>, vector<16xi32>,
    %get3A_461 = arith.constant 248 : i32
    %get3A_462 = arith.index_cast %get3A_461 : i32 to index
    %get3A_463 = arith.constant 24 : index
    %get3A_464 = tpu.vector_load %arg6[%get3A_462, %get3A_463] {strides = array<i32>} : memref<250x40xi32, #tpu.memory_space<vmem>>, vector<1x16xi32>,
    %get3A_465 = vector.shape_cast %get3A_464 : vector<1x16xi32> to vector<16xi32>
    %and3A_466 = arith.constant 65535 : i32
    %and3A_467 = vector.broadcast %and3A_466 : i32 to vector<16xi32>
    %and3A_468 = arith.andi %get3A_465, %and3A_467 : vector<16xi32>
    %swap3A_469 = arith.constant 24 : index
    %swap3A_470 = tpu.vector_load %arg9[%swap3A_469] {strides = array<i32>} : memref<40xi32, #tpu.memory_space<vmem>>, vector<16xi32>,
    %swap3A_471 = vector.shape_cast %swap3A_470 : vector<16xi32> to vector<16xi32>
    %swap3A_472 = vector.shape_cast %and3A_468 : vector<16xi32> to vector<16xi32>
    tpu.vector_store %arg9[%swap3A_469], %swap3A_472 {strides = array<i32>} : memref<40xi32, #tpu.memory_space<vmem>>, vector<16xi32>,
    %shift_right_logical3A_473 = arith.constant 16 : i32
    %shift_right_logical3A_474 = vector.broadcast %shift_right_logical3A_473 : i32 to vector<16xi32>
    %shift_right_logical3A_475 = arith.shrui %get3A_465, %shift_right_logical3A_474 : vector<16xi32>
    %swap3A_476 = arith.constant 24 : index
    %swap3A_477 = tpu.vector_load %arg12[%swap3A_476] {strides = array<i32>} : memref<40xi32, #tpu.memory_space<vmem>>, vector<16xi32>,
    %swap3A_478 = vector.shape_cast %swap3A_477 : vector<16xi32> to vector<16xi32>
    %swap3A_479 = vector.shape_cast %shift_right_logical3A_475 : vector<16xi32> to vector<16xi32>
    tpu.vector_store %arg12[%swap3A_476], %swap3A_479 {strides = array<i32>} : memref<40xi32, #tpu.memory_space<vmem>>, vector<16xi32>,
    %dma_start3A_480 = arith.constant 0 : i32
    %dma_start3A_481 = arith.constant 0 : i32
    %dma_start3A_482 = tpu.memref_slice %arg2[%dma_start3A_480, %dma_start3A_481] : memref<10000x128xf32, #tpu.memory_space<hbm>> -> memref<10000x128xf32, #tpu.memory_space<hbm>>
    tpu.enqueue_indirect_dma source(%dma_start3A_482 : memref<10000x128xf32, #tpu.memory_space<hbm>>) target(%arg15 : memref<40x128xf32, #tpu.memory_space<vmem>>) offsets(%arg9 : memref<40xi32, #tpu.memory_space<vmem>>) semaphore(%arg18 : memref<!tpu.dma_semaphore, #tpu.memory_space<semaphore_mem>>)
    %dma_wait3A_483 = arith.constant 0 : i32
    %dma_wait3A_484 = arith.constant 0 : i32
    %dma_wait3A_485 = tpu.memref_slice %arg2[%dma_wait3A_483, %dma_wait3A_484] : memref<10000x128xf32, #tpu.memory_space<hbm>> -> memref<40x128xf32, #tpu.memory_space<hbm>>
    %dma_wait3A_486 = arith.constant 0 : i32
    %dma_wait3A_487 = arith.constant 0 : i32
    %dma_wait3A_488 = tpu.memref_slice %arg2[%dma_wait3A_486, %dma_wait3A_487] : memref<10000x128xf32, #tpu.memory_space<hbm>> -> memref<40x128xf32, #tpu.memory_space<hbm>>
    tpu.wait_dma2 semaphore(%arg17 : memref<!tpu.dma_semaphore, #tpu.memory_space<semaphore_mem>>) src(%dma_wait3A_488 : memref<40x128xf32, #tpu.memory_space<hbm>>) dst(%arg14 : memref<40x128xf32, #tpu.memory_space<vmem>>)
    %dma_start3A_489 = arith.constant 0 : i32
    %dma_start3A_490 = arith.constant 0 : i32
    %dma_start3A_491 = tpu.memref_slice %arg5[%dma_start3A_489, %dma_start3A_490] : memref<10240x128xf32, #tpu.memory_space<vmem_shared>> -> memref<10240x128xf32, #tpu.memory_space<vmem_shared>>
    tpu.enqueue_indirect_dma source(%arg14 : memref<40x128xf32, #tpu.memory_space<vmem>>) target(%dma_start3A_491 : memref<10240x128xf32, #tpu.memory_space<vmem_shared>>) offsets(%arg11 : memref<40xi32, #tpu.memory_space<vmem>>) semaphore(%arg20 : memref<!tpu.dma_semaphore, #tpu.memory_space<semaphore_mem>>) {add = true}
    %dma_wait3A_492 = arith.constant 0 : i32
    %dma_wait3A_493 = arith.constant 0 : i32
    %dma_wait3A_494 = tpu.memref_slice %arg2[%dma_wait3A_492, %dma_wait3A_493] : memref<10000x128xf32, #tpu.memory_space<hbm>> -> memref<40x128xf32, #tpu.memory_space<hbm>>
    %dma_wait3A_495 = arith.constant 0 : i32
    %dma_wait3A_496 = arith.constant 0 : i32
    %dma_wait3A_497 = tpu.memref_slice %arg2[%dma_wait3A_495, %dma_wait3A_496] : memref<10000x128xf32, #tpu.memory_space<hbm>> -> memref<40x128xf32, #tpu.memory_space<hbm>>
    tpu.wait_dma2 semaphore(%arg19 : memref<!tpu.dma_semaphore, #tpu.memory_space<semaphore_mem>>) src(%dma_wait3A_497 : memref<40x128xf32, #tpu.memory_space<hbm>>) dst(%arg13 : memref<40x128xf32, #tpu.memory_space<vmem>>)
    %get3A_498 = arith.constant 249 : i32
    %get3A_499 = arith.index_cast %get3A_498 : i32 to index
    %get3A_500 = arith.constant 0 : index
    %get3A_501 = tpu.vector_load %arg6[%get3A_499, %get3A_500] {strides = array<i32>} : memref<250x40xi32, #tpu.memory_space<vmem>>, vector<1x16xi32>,
    %get3A_502 = vector.shape_cast %get3A_501 : vector<1x16xi32> to vector<16xi32>
    %and3A_503 = arith.constant 65535 : i32
    %and3A_504 = vector.broadcast %and3A_503 : i32 to vector<16xi32>
    %and3A_505 = arith.andi %get3A_502, %and3A_504 : vector<16xi32>
    %swap3A_506 = arith.constant 0 : index
    %swap3A_507 = tpu.vector_load %arg7[%swap3A_506] {strides = array<i32>} : memref<40xi32, #tpu.memory_space<vmem>>, vector<16xi32>,
    %swap3A_508 = vector.shape_cast %swap3A_507 : vector<16xi32> to vector<16xi32>
    %swap3A_509 = vector.shape_cast %and3A_505 : vector<16xi32> to vector<16xi32>
    tpu.vector_store %arg7[%swap3A_506], %swap3A_509 {strides = array<i32>} : memref<40xi32, #tpu.memory_space<vmem>>, vector<16xi32>,
    %shift_right_logical3A_510 = arith.constant 16 : i32
    %shift_right_logical3A_511 = vector.broadcast %shift_right_logical3A_510 : i32 to vector<16xi32>
    %shift_right_logical3A_512 = arith.shrui %get3A_502, %shift_right_logical3A_511 : vector<16xi32>
    %swap3A_513 = arith.constant 0 : index
    %swap3A_514 = tpu.vector_load %arg10[%swap3A_513] {strides = array<i32>} : memref<40xi32, #tpu.memory_space<vmem>>, vector<16xi32>,
    %swap3A_515 = vector.shape_cast %swap3A_514 : vector<16xi32> to vector<16xi32>
    %swap3A_516 = vector.shape_cast %shift_right_logical3A_512 : vector<16xi32> to vector<16xi32>
    tpu.vector_store %arg10[%swap3A_513], %swap3A_516 {strides = array<i32>} : memref<40xi32, #tpu.memory_space<vmem>>, vector<16xi32>,
    %get3A_517 = arith.constant 249 : i32
    %get3A_518 = arith.index_cast %get3A_517 : i32 to index
    %get3A_519 = arith.constant 16 : index
    %get3A_520 = tpu.vector_load %arg6[%get3A_518, %get3A_519] {strides = array<i32>} : memref<250x40xi32, #tpu.memory_space<vmem>>, vector<1x16xi32>,
    %get3A_521 = vector.shape_cast %get3A_520 : vector<1x16xi32> to vector<16xi32>
    %and3A_522 = arith.constant 65535 : i32
    %and3A_523 = vector.broadcast %and3A_522 : i32 to vector<16xi32>
    %and3A_524 = arith.andi %get3A_521, %and3A_523 : vector<16xi32>
    %swap3A_525 = arith.constant 16 : index
    %swap3A_526 = tpu.vector_load %arg7[%swap3A_525] {strides = array<i32>} : memref<40xi32, #tpu.memory_space<vmem>>, vector<16xi32>,
    %swap3A_527 = vector.shape_cast %swap3A_526 : vector<16xi32> to vector<16xi32>
    %swap3A_528 = vector.shape_cast %and3A_524 : vector<16xi32> to vector<16xi32>
    tpu.vector_store %arg7[%swap3A_525], %swap3A_528 {strides = array<i32>} : memref<40xi32, #tpu.memory_space<vmem>>, vector<16xi32>,
    %shift_right_logical3A_529 = arith.constant 16 : i32
    %shift_right_logical3A_530 = vector.broadcast %shift_right_logical3A_529 : i32 to vector<16xi32>
    %shift_right_logical3A_531 = arith.shrui %get3A_521, %shift_right_logical3A_530 : vector<16xi32>
    %swap3A_532 = arith.constant 16 : index
    %swap3A_533 = tpu.vector_load %arg10[%swap3A_532] {strides = array<i32>} : memref<40xi32, #tpu.memory_space<vmem>>, vector<16xi32>,
    %swap3A_534 = vector.shape_cast %swap3A_533 : vector<16xi32> to vector<16xi32>
    %swap3A_535 = vector.shape_cast %shift_right_logical3A_531 : vector<16xi32> to vector<16xi32>
    tpu.vector_store %arg10[%swap3A_532], %swap3A_535 {strides = array<i32>} : memref<40xi32, #tpu.memory_space<vmem>>, vector<16xi32>,
    %get3A_536 = arith.constant 249 : i32
    %get3A_537 = arith.index_cast %get3A_536 : i32 to index
    %get3A_538 = arith.constant 24 : index
    %get3A_539 = tpu.vector_load %arg6[%get3A_537, %get3A_538] {strides = array<i32>} : memref<250x40xi32, #tpu.memory_space<vmem>>, vector<1x16xi32>,
    %get3A_540 = vector.shape_cast %get3A_539 : vector<1x16xi32> to vector<16xi32>
    %and3A_541 = arith.constant 65535 : i32
    %and3A_542 = vector.broadcast %and3A_541 : i32 to vector<16xi32>
    %and3A_543 = arith.andi %get3A_540, %and3A_542 : vector<16xi32>
    %swap3A_544 = arith.constant 24 : index
    %swap3A_545 = tpu.vector_load %arg7[%swap3A_544] {strides = array<i32>} : memref<40xi32, #tpu.memory_space<vmem>>, vector<16xi32>,
    %swap3A_546 = vector.shape_cast %swap3A_545 : vector<16xi32> to vector<16xi32>
    %swap3A_547 = vector.shape_cast %and3A_543 : vector<16xi32> to vector<16xi32>
    tpu.vector_store %arg7[%swap3A_544], %swap3A_547 {strides = array<i32>} : memref<40xi32, #tpu.memory_space<vmem>>, vector<16xi32>,
    %shift_right_logical3A_548 = arith.constant 16 : i32
    %shift_right_logical3A_549 = vector.broadcast %shift_right_logical3A_548 : i32 to vector<16xi32>
    %shift_right_logical3A_550 = arith.shrui %get3A_540, %shift_right_logical3A_549 : vector<16xi32>
    %swap3A_551 = arith.constant 24 : index
    %swap3A_552 = tpu.vector_load %arg10[%swap3A_551] {strides = array<i32>} : memref<40xi32, #tpu.memory_space<vmem>>, vector<16xi32>,
    %swap3A_553 = vector.shape_cast %swap3A_552 : vector<16xi32> to vector<16xi32>
    %swap3A_554 = vector.shape_cast %shift_right_logical3A_550 : vector<16xi32> to vector<16xi32>
    tpu.vector_store %arg10[%swap3A_551], %swap3A_554 {strides = array<i32>} : memref<40xi32, #tpu.memory_space<vmem>>, vector<16xi32>,
    %dma_start3A_555 = arith.constant 0 : i32
    %dma_start3A_556 = arith.constant 0 : i32
    %dma_start3A_557 = tpu.memref_slice %arg2[%dma_start3A_555, %dma_start3A_556] : memref<10000x128xf32, #tpu.memory_space<hbm>> -> memref<10000x128xf32, #tpu.memory_space<hbm>>
    tpu.enqueue_indirect_dma source(%dma_start3A_557 : memref<10000x128xf32, #tpu.memory_space<hbm>>) target(%arg13 : memref<40x128xf32, #tpu.memory_space<vmem>>) offsets(%arg7 : memref<40xi32, #tpu.memory_space<vmem>>) semaphore(%arg16 : memref<!tpu.dma_semaphore, #tpu.memory_space<semaphore_mem>>)
    %dma_wait3A_558 = arith.constant 0 : i32
    %dma_wait3A_559 = arith.constant 0 : i32
    %dma_wait3A_560 = tpu.memref_slice %arg2[%dma_wait3A_558, %dma_wait3A_559] : memref<10000x128xf32, #tpu.memory_space<hbm>> -> memref<40x128xf32, #tpu.memory_space<hbm>>
    %dma_wait3A_561 = arith.constant 0 : i32
    %dma_wait3A_562 = arith.constant 0 : i32
    %dma_wait3A_563 = tpu.memref_slice %arg2[%dma_wait3A_561, %dma_wait3A_562] : memref<10000x128xf32, #tpu.memory_space<hbm>> -> memref<40x128xf32, #tpu.memory_space<hbm>>
    tpu.wait_dma2 semaphore(%arg18 : memref<!tpu.dma_semaphore, #tpu.memory_space<semaphore_mem>>) src(%dma_wait3A_563 : memref<40x128xf32, #tpu.memory_space<hbm>>) dst(%arg15 : memref<40x128xf32, #tpu.memory_space<vmem>>)
    %dma_start3A_564 = arith.constant 0 : i32
    %dma_start3A_565 = arith.constant 0 : i32
    %dma_start3A_566 = tpu.memref_slice %arg5[%dma_start3A_564, %dma_start3A_565] : memref<10240x128xf32, #tpu.memory_space<vmem_shared>> -> memref<10240x128xf32, #tpu.memory_space<vmem_shared>>
    tpu.enqueue_indirect_dma source(%arg15 : memref<40x128xf32, #tpu.memory_space<vmem>>) target(%dma_start3A_566 : memref<10240x128xf32, #tpu.memory_space<vmem_shared>>) offsets(%arg12 : memref<40xi32, #tpu.memory_space<vmem>>) semaphore(%arg21 : memref<!tpu.dma_semaphore, #tpu.memory_space<semaphore_mem>>) {add = true}
    %dma_wait3A_567 = arith.constant 0 : i32
    %dma_wait3A_568 = arith.constant 0 : i32
    %dma_wait3A_569 = tpu.memref_slice %arg2[%dma_wait3A_567, %dma_wait3A_568] : memref<10000x128xf32, #tpu.memory_space<hbm>> -> memref<40x128xf32, #tpu.memory_space<hbm>>
    %dma_wait3A_570 = arith.constant 0 : i32
    %dma_wait3A_571 = arith.constant 0 : i32
    %dma_wait3A_572 = tpu.memref_slice %arg2[%dma_wait3A_570, %dma_wait3A_571] : memref<10000x128xf32, #tpu.memory_space<hbm>> -> memref<40x128xf32, #tpu.memory_space<hbm>>
    tpu.wait_dma2 semaphore(%arg16 : memref<!tpu.dma_semaphore, #tpu.memory_space<semaphore_mem>>) src(%dma_wait3A_572 : memref<40x128xf32, #tpu.memory_space<hbm>>) dst(%arg13 : memref<40x128xf32, #tpu.memory_space<vmem>>)
    %dma_start3A_573 = arith.constant 0 : i32
    %dma_start3A_574 = arith.constant 0 : i32
    %dma_start3A_575 = tpu.memref_slice %arg5[%dma_start3A_573, %dma_start3A_574] : memref<10240x128xf32, #tpu.memory_space<vmem_shared>> -> memref<10240x128xf32, #tpu.memory_space<vmem_shared>>
    tpu.enqueue_indirect_dma source(%arg13 : memref<40x128xf32, #tpu.memory_space<vmem>>) target(%dma_start3A_575 : memref<10240x128xf32, #tpu.memory_space<vmem_shared>>) offsets(%arg10 : memref<40xi32, #tpu.memory_space<vmem>>) semaphore(%arg19 : memref<!tpu.dma_semaphore, #tpu.memory_space<semaphore_mem>>) {add = true}
    %dma_wait3A_576 = arith.constant 0 : i32
    %dma_wait3A_577 = arith.constant 0 : i32
    %dma_wait3A_578 = tpu.memref_slice %arg2[%dma_wait3A_576, %dma_wait3A_577] : memref<10000x128xf32, #tpu.memory_space<hbm>> -> memref<40x128xf32, #tpu.memory_space<hbm>>
    %dma_wait3A_579 = arith.constant 0 : i32
    %dma_wait3A_580 = arith.constant 0 : i32
    %dma_wait3A_581 = tpu.memref_slice %arg2[%dma_wait3A_579, %dma_wait3A_580] : memref<10000x128xf32, #tpu.memory_space<hbm>> -> memref<40x128xf32, #tpu.memory_space<hbm>>
    tpu.wait_dma2 semaphore(%arg19 : memref<!tpu.dma_semaphore, #tpu.memory_space<semaphore_mem>>) src(%dma_wait3A_581 : memref<40x128xf32, #tpu.memory_space<hbm>>) dst(%arg13 : memref<40x128xf32, #tpu.memory_space<vmem>>)
    %dma_wait3A_582 = arith.constant 0 : i32
    %dma_wait3A_583 = arith.constant 0 : i32
    %dma_wait3A_584 = tpu.memref_slice %arg2[%dma_wait3A_582, %dma_wait3A_583] : memref<10000x128xf32, #tpu.memory_space<hbm>> -> memref<40x128xf32, #tpu.memory_space<hbm>>
    %dma_wait3A_585 = arith.constant 0 : i32
    %dma_wait3A_586 = arith.constant 0 : i32
    %dma_wait3A_587 = tpu.memref_slice %arg2[%dma_wait3A_585, %dma_wait3A_586] : memref<10000x128xf32, #tpu.memory_space<hbm>> -> memref<40x128xf32, #tpu.memory_space<hbm>>
    tpu.wait_dma2 semaphore(%arg20 : memref<!tpu.dma_semaphore, #tpu.memory_space<semaphore_mem>>) src(%dma_wait3A_587 : memref<40x128xf32, #tpu.memory_space<hbm>>) dst(%arg14 : memref<40x128xf32, #tpu.memory_space<vmem>>)
    %dma_wait3A_588 = arith.constant 0 : i32
    %dma_wait3A_589 = arith.constant 0 : i32
    %dma_wait3A_590 = tpu.memref_slice %arg2[%dma_wait3A_588, %dma_wait3A_589] : memref<10000x128xf32, #tpu.memory_space<hbm>> -> memref<40x128xf32, #tpu.memory_space<hbm>>
    %dma_wait3A_591 = arith.constant 0 : i32
    %dma_wait3A_592 = arith.constant 0 : i32
    %dma_wait3A_593 = tpu.memref_slice %arg2[%dma_wait3A_591, %dma_wait3A_592] : memref<10000x128xf32, #tpu.memory_space<hbm>> -> memref<40x128xf32, #tpu.memory_space<hbm>>
    tpu.wait_dma2 semaphore(%arg21 : memref<!tpu.dma_semaphore, #tpu.memory_space<semaphore_mem>>) src(%dma_wait3A_593 : memref<40x128xf32, #tpu.memory_space<hbm>>) dst(%arg15 : memref<40x128xf32, #tpu.memory_space<vmem>>)
    %barrier3A_594 = arith.constant 0 : index
    tpu.barrier barrier_id(%barrier3A_594)
    %mul3A_595 = arith.constant 640 : i32
    %mul3A_596 = arith.muli %arg1, %mul3A_595 : i32
    %mul3A_597 = arith.constant 640 : i32
    %mul3A_598 = arith.muli %arg1, %mul3A_597 : i32
    "tpu.region"() ({
      %run_scoped3A = tpu.sem_alloc : memref<!tpu.dma_semaphore, #tpu.memory_space<semaphore_mem>>
      %dma_start3A_599 = arith.constant 0 : i32
      %dma_start3A_600 = tpu.memref_slice %arg4[%arg0, %mul3A_598, %dma_start3A_599] : memref<2x10240x128xf32, #tpu.memory_space<hbm>> -> memref<1x640x128xf32, #tpu.memory_space<hbm>>
      %dma_start3A_601 = tpu.memref_squeeze %dma_start3A_600 : memref<1x640x128xf32, #tpu.memory_space<hbm>> -> memref<640x128xf32, #tpu.memory_space<hbm>>
      %dma_start3A_602 = arith.constant 0 : i32
      %dma_start3A_603 = tpu.memref_slice %arg5[%mul3A_596, %dma_start3A_602] : memref<10240x128xf32, #tpu.memory_space<vmem_shared>> -> memref<640x128xf32, #tpu.memory_space<vmem_shared>>
      tpu.enqueue_dma source(%dma_start3A_603 : memref<640x128xf32, #tpu.memory_space<vmem_shared>>) target(%dma_start3A_601 : memref<640x128xf32, #tpu.memory_space<hbm>>) target_semaphore(%run_scoped3A : memref<!tpu.dma_semaphore, #tpu.memory_space<semaphore_mem>>)
      %dma_wait3A_604 = arith.constant 0 : i32
      %dma_wait3A_605 = tpu.memref_slice %arg4[%arg0, %mul3A_598, %dma_wait3A_604] : memref<2x10240x128xf32, #tpu.memory_space<hbm>> -> memref<1x640x128xf32, #tpu.memory_space<hbm>>
      %dma_wait3A_606 = tpu.memref_squeeze %dma_wait3A_605 : memref<1x640x128xf32, #tpu.memory_space<hbm>> -> memref<640x128xf32, #tpu.memory_space<hbm>>
      %dma_wait3A_607 = arith.constant 0 : i32
      %dma_wait3A_608 = tpu.memref_slice %arg5[%mul3A_596, %dma_wait3A_607] : memref<10240x128xf32, #tpu.memory_space<vmem_shared>> -> memref<640x128xf32, #tpu.memory_space<vmem_shared>>
      tpu.wait_dma2 semaphore(%run_scoped3A : memref<!tpu.dma_semaphore, #tpu.memory_space<semaphore_mem>>) src(%dma_wait3A_608 : memref<640x128xf32, #tpu.memory_space<vmem_shared>>) dst(%dma_wait3A_606 : memref<640x128xf32, #tpu.memory_space<hbm>>)
      tpu.yield
    }) : () -> ()
    return
  }
}

module attributes {stable_mosaic.version = 14 : i64} {
  func.func @body(%arg0: memref<10000x128xf32, #tpu.memory_space<vmem>>, %arg1: memref<128x128xf32, #tpu.memory_space<vmem>>, %arg2: memref<10000x1xf32, #tpu.memory_space<vmem>>, %arg3: memref<10000x128xf32, #tpu.memory_space<vmem>>, %arg4: memref<10000x128xf32, #tpu.memory_space<vmem>>) attributes {dimension_semantics = [], scalar_prefetch = 0 : i64, scratch_operands = 0 : i64, tpu.core_type = #tpu.core_type<tc>} {
    %get3A = arith.constant 0 : index
    %get3A_0 = arith.constant 0 : index
    %get3A_1 = vector.load %arg0[%get3A, %get3A_0] : memref<10000x128xf32, #tpu.memory_space<vmem>>, vector<10000x128xf32>
    %get3A_2 = arith.constant 0 : index
    %get3A_3 = arith.constant 0 : index
    %get3A_4 = vector.load %arg1[%get3A_2, %get3A_3] : memref<128x128xf32, #tpu.memory_space<vmem>>, vector<128x128xf32>
    %dot_general3A = arith.constant dense<0.000000e+00> : vector<10000x128xf32>
    %dot_general3A_5 = tpu.matmul %get3A_1, %get3A_4, %dot_general3A {dimension_numbers = #tpu.dot_dimension_numbers<[1], [0], [0], [1], [0, 0, 1, 1], [], []>, transpose_lhs_hint = false} : vector<10000x128xf32>, vector<128x128xf32>, vector<10000x128xf32> -> vector<10000x128xf32>
    %swap3A = arith.constant 0 : index
    %swap3A_6 = arith.constant 0 : index
    %swap3A_7 = vector.load %arg3[%swap3A, %swap3A_6] : memref<10000x128xf32, #tpu.memory_space<vmem>>, vector<10000x128xf32>
    tpu.vector_store %arg3[%swap3A, %swap3A_6], %dot_general3A_5 {strides = array<i32>} : memref<10000x128xf32, #tpu.memory_space<vmem>>, vector<10000x128xf32>,
    %get3A_8 = arith.constant 0 : index
    %get3A_9 = arith.constant 0 : index
    %get3A_10 = vector.load %arg2[%get3A_8, %get3A_9] : memref<10000x1xf32, #tpu.memory_space<vmem>>, vector<10000x1xf32>
    %mul3A = vector.broadcast %get3A_10 : vector<10000x1xf32> to vector<10000x128xf32>
    %mul3A_11 = arith.mulf %dot_general3A_5, %mul3A : vector<10000x128xf32>
    %swap3A_12 = arith.constant 0 : index
    %swap3A_13 = arith.constant 0 : index
    %swap3A_14 = vector.load %arg4[%swap3A_12, %swap3A_13] : memref<10000x128xf32, #tpu.memory_space<vmem>>, vector<10000x128xf32>
    tpu.vector_store %arg4[%swap3A_12, %swap3A_13], %mul3A_11 {strides = array<i32>} : memref<10000x128xf32, #tpu.memory_space<vmem>>, vector<10000x128xf32>,
    return
  }
}

module attributes {stable_mosaic.version = 14 : i64} {
  func.func @body(%arg0: memref<2x10240x128xf32, #tpu.memory_space<vmem>>, %arg1: memref<10000x128xf32, #tpu.memory_space<vmem>>, %arg2: memref<10000x1xf32, #tpu.memory_space<vmem>>, %arg3: memref<128xf32, #tpu.memory_space<vmem>>, %arg4: memref<128xf32, #tpu.memory_space<vmem>>, %arg5: memref<128xf32, #tpu.memory_space<vmem>>, %arg6: memref<128x128xf32, #tpu.memory_space<vmem>>, %arg7: memref<10000x128xf32, #tpu.memory_space<vmem>>, %arg8: memref<10000x128xf32, #tpu.memory_space<vmem>>) attributes {dimension_semantics = [], scalar_prefetch = 0 : i64, scratch_operands = 0 : i64, tpu.core_type = #tpu.core_type<tc>} {
    %get3A = arith.constant 0 : index
    %get3A_0 = arith.constant 0 : index
    %get3A_1 = vector.load %arg2[%get3A, %get3A_0] : memref<10000x1xf32, #tpu.memory_space<vmem>>, vector<10000x1xf32>
    %get3A_2 = arith.constant 0 : index
    %get3A_3 = arith.constant 0 : index
    %get3A_4 = arith.constant 0 : index
    %get3A_5 = vector.load %arg0[%get3A_2, %get3A_3, %get3A_4] : memref<2x10240x128xf32, #tpu.memory_space<vmem>>, vector<1x10000x128xf32>
    %get3A_6 = vector.shape_cast %get3A_5 : vector<1x10000x128xf32> to vector<10000x128xf32>
    %get3A_7 = arith.constant 1 : index
    %get3A_8 = arith.constant 0 : index
    %get3A_9 = arith.constant 0 : index
    %get3A_10 = vector.load %arg0[%get3A_7, %get3A_8, %get3A_9] : memref<2x10240x128xf32, #tpu.memory_space<vmem>>, vector<1x10000x128xf32>
    %get3A_11 = vector.shape_cast %get3A_10 : vector<1x10000x128xf32> to vector<10000x128xf32>
    %add3A = arith.addf %get3A_6, %get3A_11 : vector<10000x128xf32>
    %mul3A = vector.broadcast %get3A_1 : vector<10000x1xf32> to vector<10000x128xf32>
    %mul3A_12 = arith.mulf %mul3A, %add3A : vector<10000x128xf32>
    %mul3A_13 = arith.mulf %get3A_1, %get3A_1 : vector<10000x1xf32>
    %get3A_14 = arith.constant 0 : index
    %get3A_15 = arith.constant 0 : index
    %get3A_16 = vector.load %arg1[%get3A_14, %get3A_15] : memref<10000x128xf32, #tpu.memory_space<vmem>>, vector<10000x128xf32>
    %mul3A_17 = vector.broadcast %mul3A_13 : vector<10000x1xf32> to vector<10000x128xf32>
    %mul3A_18 = arith.mulf %mul3A_17, %get3A_16 : vector<10000x128xf32>
    %add3A_19 = arith.addf %mul3A_12, %mul3A_18 : vector<10000x128xf32>
    %get3A_20 = arith.constant 0 : index
    %get3A_21 = vector.load %arg3[%get3A_20] : memref<128xf32, #tpu.memory_space<vmem>>, vector<128xf32>
    %broadcast_in_dim3A = vector.shape_cast %get3A_21 : vector<128xf32> to vector<1x128xf32>
    %add3A_22 = vector.broadcast %broadcast_in_dim3A : vector<1x128xf32> to vector<10000x128xf32>
    %add3A_23 = arith.addf %add3A_19, %add3A_22 : vector<10000x128xf32>
    %reduce_sum3A = arith.constant dense<0.000000e+00> : vector<128xf32>
    %reduce_sum3A_24 = vector.multi_reduction <add>, %add3A_23, %reduce_sum3A [0] : vector<10000x128xf32> to vector<128xf32>
    %broadcast_in_dim3A_25 = vector.shape_cast %reduce_sum3A_24 : vector<128xf32> to vector<1x128xf32>
    %div3A = arith.constant 1.000000e+04 : f32
    %div3A_26 = vector.broadcast %div3A : f32 to vector<1x128xf32>
    %div3A_27 = arith.divf %broadcast_in_dim3A_25, %div3A_26 : vector<1x128xf32>
    %sub3A = vector.broadcast %div3A_27 : vector<1x128xf32> to vector<10000x128xf32>
    %sub3A_28 = arith.subf %add3A_23, %sub3A : vector<10000x128xf32>
    %mul3A_29 = arith.mulf %sub3A_28, %sub3A_28 : vector<10000x128xf32>
    %reduce_sum3A_30 = arith.constant dense<0.000000e+00> : vector<128xf32>
    %reduce_sum3A_31 = vector.multi_reduction <add>, %mul3A_29, %reduce_sum3A_30 [0] : vector<10000x128xf32> to vector<128xf32>
    %broadcast_in_dim3A_32 = vector.shape_cast %reduce_sum3A_31 : vector<128xf32> to vector<1x128xf32>
    %div3A_33 = arith.constant 1.000000e+04 : f32
    %div3A_34 = vector.broadcast %div3A_33 : f32 to vector<1x128xf32>
    %div3A_35 = arith.divf %broadcast_in_dim3A_32, %div3A_34 : vector<1x128xf32>
    %add3A_36 = arith.constant 9.99999974E-6 : f32
    %add3A_37 = vector.broadcast %add3A_36 : f32 to vector<1x128xf32>
    %add3A_38 = arith.addf %div3A_35, %add3A_37 : vector<1x128xf32>
    %rsqrt3A = math.rsqrt %add3A_38 : vector<1x128xf32>
    %mul3A_39 = vector.broadcast %rsqrt3A : vector<1x128xf32> to vector<10000x128xf32>
    %mul3A_40 = arith.mulf %sub3A_28, %mul3A_39 : vector<10000x128xf32>
    %get3A_41 = arith.constant 0 : index
    %get3A_42 = vector.load %arg4[%get3A_41] : memref<128xf32, #tpu.memory_space<vmem>>, vector<128xf32>
    %broadcast_in_dim3A_43 = vector.shape_cast %get3A_42 : vector<128xf32> to vector<1x128xf32>
    %mul3A_44 = vector.broadcast %broadcast_in_dim3A_43 : vector<1x128xf32> to vector<10000x128xf32>
    %mul3A_45 = arith.mulf %mul3A_40, %mul3A_44 : vector<10000x128xf32>
    %get3A_46 = arith.constant 0 : index
    %get3A_47 = vector.load %arg5[%get3A_46] : memref<128xf32, #tpu.memory_space<vmem>>, vector<128xf32>
    %broadcast_in_dim3A_48 = vector.shape_cast %get3A_47 : vector<128xf32> to vector<1x128xf32>
    %add3A_49 = vector.broadcast %broadcast_in_dim3A_48 : vector<1x128xf32> to vector<10000x128xf32>
    %add3A_50 = arith.addf %mul3A_45, %add3A_49 : vector<10000x128xf32>
    %max3A = arith.constant 0.000000e+00 : f32
    %max3A_51 = vector.broadcast %max3A : f32 to vector<10000x128xf32>
    %max3A_52 = arith.maximumf %add3A_50, %max3A_51 : vector<10000x128xf32>
    %get3A_53 = arith.constant 0 : index
    %get3A_54 = arith.constant 0 : index
    %get3A_55 = vector.load %arg6[%get3A_53, %get3A_54] : memref<128x128xf32, #tpu.memory_space<vmem>>, vector<128x128xf32>
    %dot_general3A = arith.constant dense<0.000000e+00> : vector<10000x128xf32>
    %dot_general3A_56 = tpu.matmul %max3A_52, %get3A_55, %dot_general3A {dimension_numbers = #tpu.dot_dimension_numbers<[1], [0], [0], [1], [0, 0, 1, 1], [], []>, transpose_lhs_hint = false} : vector<10000x128xf32>, vector<128x128xf32>, vector<10000x128xf32> -> vector<10000x128xf32>
    %swap3A = arith.constant 0 : index
    %swap3A_57 = arith.constant 0 : index
    %swap3A_58 = vector.load %arg7[%swap3A, %swap3A_57] : memref<10000x128xf32, #tpu.memory_space<vmem>>, vector<10000x128xf32>
    tpu.vector_store %arg7[%swap3A, %swap3A_57], %dot_general3A_56 {strides = array<i32>} : memref<10000x128xf32, #tpu.memory_space<vmem>>, vector<10000x128xf32>,
    %mul3A_59 = vector.broadcast %get3A_1 : vector<10000x1xf32> to vector<10000x128xf32>
    %mul3A_60 = arith.mulf %dot_general3A_56, %mul3A_59 : vector<10000x128xf32>
    %swap3A_61 = arith.constant 0 : index
    %swap3A_62 = arith.constant 0 : index
    %swap3A_63 = vector.load %arg8[%swap3A_61, %swap3A_62] : memref<10000x128xf32, #tpu.memory_space<vmem>>, vector<10000x128xf32>
    tpu.vector_store %arg8[%swap3A_61, %swap3A_62], %mul3A_60 {strides = array<i32>} : memref<10000x128xf32, #tpu.memory_space<vmem>>, vector<10000x128xf32>,
    return
  }
}

module attributes {stable_mosaic.version = 14 : i64} {
  func.func @body(%arg0: memref<2x10240x128xf32, #tpu.memory_space<vmem>>, %arg1: memref<10000x128xf32, #tpu.memory_space<vmem>>, %arg2: memref<10000x1xf32, #tpu.memory_space<vmem>>, %arg3: memref<128xf32, #tpu.memory_space<vmem>>, %arg4: memref<128xf32, #tpu.memory_space<vmem>>, %arg5: memref<128xf32, #tpu.memory_space<vmem>>, %arg6: memref<128x64xf32, #tpu.memory_space<vmem>>, %arg7: memref<64xf32, #tpu.memory_space<vmem>>, %arg8: memref<128x64xf32, #tpu.memory_space<vmem>>, %arg9: memref<64xf32, #tpu.memory_space<vmem>>, %arg10: memref<10000x64xf32, #tpu.memory_space<vmem>>, %arg11: memref<10000x64xf32, #tpu.memory_space<vmem>>) attributes {dimension_semantics = [], scalar_prefetch = 0 : i64, scratch_operands = 0 : i64, tpu.core_type = #tpu.core_type<tc>} {
    %get3A = arith.constant 0 : index
    %get3A_0 = arith.constant 0 : index
    %get3A_1 = vector.load %arg2[%get3A, %get3A_0] : memref<10000x1xf32, #tpu.memory_space<vmem>>, vector<10000x1xf32>
    %get3A_2 = arith.constant 0 : index
    %get3A_3 = arith.constant 0 : index
    %get3A_4 = arith.constant 0 : index
    %get3A_5 = vector.load %arg0[%get3A_2, %get3A_3, %get3A_4] : memref<2x10240x128xf32, #tpu.memory_space<vmem>>, vector<1x10000x128xf32>
    %get3A_6 = vector.shape_cast %get3A_5 : vector<1x10000x128xf32> to vector<10000x128xf32>
    %get3A_7 = arith.constant 1 : index
    %get3A_8 = arith.constant 0 : index
    %get3A_9 = arith.constant 0 : index
    %get3A_10 = vector.load %arg0[%get3A_7, %get3A_8, %get3A_9] : memref<2x10240x128xf32, #tpu.memory_space<vmem>>, vector<1x10000x128xf32>
    %get3A_11 = vector.shape_cast %get3A_10 : vector<1x10000x128xf32> to vector<10000x128xf32>
    %add3A = arith.addf %get3A_6, %get3A_11 : vector<10000x128xf32>
    %mul3A = vector.broadcast %get3A_1 : vector<10000x1xf32> to vector<10000x128xf32>
    %mul3A_12 = arith.mulf %mul3A, %add3A : vector<10000x128xf32>
    %mul3A_13 = arith.mulf %get3A_1, %get3A_1 : vector<10000x1xf32>
    %get3A_14 = arith.constant 0 : index
    %get3A_15 = arith.constant 0 : index
    %get3A_16 = vector.load %arg1[%get3A_14, %get3A_15] : memref<10000x128xf32, #tpu.memory_space<vmem>>, vector<10000x128xf32>
    %mul3A_17 = vector.broadcast %mul3A_13 : vector<10000x1xf32> to vector<10000x128xf32>
    %mul3A_18 = arith.mulf %mul3A_17, %get3A_16 : vector<10000x128xf32>
    %add3A_19 = arith.addf %mul3A_12, %mul3A_18 : vector<10000x128xf32>
    %get3A_20 = arith.constant 0 : index
    %get3A_21 = vector.load %arg3[%get3A_20] : memref<128xf32, #tpu.memory_space<vmem>>, vector<128xf32>
    %broadcast_in_dim3A = vector.shape_cast %get3A_21 : vector<128xf32> to vector<1x128xf32>
    %add3A_22 = vector.broadcast %broadcast_in_dim3A : vector<1x128xf32> to vector<10000x128xf32>
    %add3A_23 = arith.addf %add3A_19, %add3A_22 : vector<10000x128xf32>
    %reduce_sum3A = arith.constant dense<0.000000e+00> : vector<128xf32>
    %reduce_sum3A_24 = vector.multi_reduction <add>, %add3A_23, %reduce_sum3A [0] : vector<10000x128xf32> to vector<128xf32>
    %broadcast_in_dim3A_25 = vector.shape_cast %reduce_sum3A_24 : vector<128xf32> to vector<1x128xf32>
    %div3A = arith.constant 1.000000e+04 : f32
    %div3A_26 = vector.broadcast %div3A : f32 to vector<1x128xf32>
    %div3A_27 = arith.divf %broadcast_in_dim3A_25, %div3A_26 : vector<1x128xf32>
    %sub3A = vector.broadcast %div3A_27 : vector<1x128xf32> to vector<10000x128xf32>
    %sub3A_28 = arith.subf %add3A_23, %sub3A : vector<10000x128xf32>
    %mul3A_29 = arith.mulf %sub3A_28, %sub3A_28 : vector<10000x128xf32>
    %reduce_sum3A_30 = arith.constant dense<0.000000e+00> : vector<128xf32>
    %reduce_sum3A_31 = vector.multi_reduction <add>, %mul3A_29, %reduce_sum3A_30 [0] : vector<10000x128xf32> to vector<128xf32>
    %broadcast_in_dim3A_32 = vector.shape_cast %reduce_sum3A_31 : vector<128xf32> to vector<1x128xf32>
    %div3A_33 = arith.constant 1.000000e+04 : f32
    %div3A_34 = vector.broadcast %div3A_33 : f32 to vector<1x128xf32>
    %div3A_35 = arith.divf %broadcast_in_dim3A_32, %div3A_34 : vector<1x128xf32>
    %add3A_36 = arith.constant 9.99999974E-6 : f32
    %add3A_37 = vector.broadcast %add3A_36 : f32 to vector<1x128xf32>
    %add3A_38 = arith.addf %div3A_35, %add3A_37 : vector<1x128xf32>
    %rsqrt3A = math.rsqrt %add3A_38 : vector<1x128xf32>
    %mul3A_39 = vector.broadcast %rsqrt3A : vector<1x128xf32> to vector<10000x128xf32>
    %mul3A_40 = arith.mulf %sub3A_28, %mul3A_39 : vector<10000x128xf32>
    %get3A_41 = arith.constant 0 : index
    %get3A_42 = vector.load %arg4[%get3A_41] : memref<128xf32, #tpu.memory_space<vmem>>, vector<128xf32>
    %broadcast_in_dim3A_43 = vector.shape_cast %get3A_42 : vector<128xf32> to vector<1x128xf32>
    %mul3A_44 = vector.broadcast %broadcast_in_dim3A_43 : vector<1x128xf32> to vector<10000x128xf32>
    %mul3A_45 = arith.mulf %mul3A_40, %mul3A_44 : vector<10000x128xf32>
    %get3A_46 = arith.constant 0 : index
    %get3A_47 = vector.load %arg5[%get3A_46] : memref<128xf32, #tpu.memory_space<vmem>>, vector<128xf32>
    %broadcast_in_dim3A_48 = vector.shape_cast %get3A_47 : vector<128xf32> to vector<1x128xf32>
    %add3A_49 = vector.broadcast %broadcast_in_dim3A_48 : vector<1x128xf32> to vector<10000x128xf32>
    %add3A_50 = arith.addf %mul3A_45, %add3A_49 : vector<10000x128xf32>
    %max3A = arith.constant 0.000000e+00 : f32
    %max3A_51 = vector.broadcast %max3A : f32 to vector<10000x128xf32>
    %max3A_52 = arith.maximumf %add3A_50, %max3A_51 : vector<10000x128xf32>
    %get3A_53 = arith.constant 0 : index
    %get3A_54 = arith.constant 0 : index
    %get3A_55 = vector.load %arg6[%get3A_53, %get3A_54] : memref<128x64xf32, #tpu.memory_space<vmem>>, vector<128x64xf32>
    %dot_general3A = arith.constant dense<0.000000e+00> : vector<10000x64xf32>
    %dot_general3A_56 = tpu.matmul %max3A_52, %get3A_55, %dot_general3A {dimension_numbers = #tpu.dot_dimension_numbers<[1], [0], [0], [1], [0, 0, 1, 1], [], []>, transpose_lhs_hint = false} : vector<10000x128xf32>, vector<128x64xf32>, vector<10000x64xf32> -> vector<10000x64xf32>
    %get3A_57 = arith.constant 0 : index
    %get3A_58 = vector.load %arg7[%get3A_57] : memref<64xf32, #tpu.memory_space<vmem>>, vector<64xf32>
    %broadcast_in_dim3A_59 = vector.shape_cast %get3A_58 : vector<64xf32> to vector<1x64xf32>
    %add3A_60 = vector.broadcast %broadcast_in_dim3A_59 : vector<1x64xf32> to vector<10000x64xf32>
    %add3A_61 = arith.addf %dot_general3A_56, %add3A_60 : vector<10000x64xf32>
    %swap3A = arith.constant 0 : index
    %swap3A_62 = arith.constant 0 : index
    %swap3A_63 = vector.load %arg10[%swap3A, %swap3A_62] : memref<10000x64xf32, #tpu.memory_space<vmem>>, vector<10000x64xf32>
    tpu.vector_store %arg10[%swap3A, %swap3A_62], %add3A_61 {strides = array<i32>} : memref<10000x64xf32, #tpu.memory_space<vmem>>, vector<10000x64xf32>,
    %get3A_64 = arith.constant 0 : index
    %get3A_65 = arith.constant 0 : index
    %get3A_66 = vector.load %arg8[%get3A_64, %get3A_65] : memref<128x64xf32, #tpu.memory_space<vmem>>, vector<128x64xf32>
    %dot_general3A_67 = arith.constant dense<0.000000e+00> : vector<10000x64xf32>
    %dot_general3A_68 = tpu.matmul %max3A_52, %get3A_66, %dot_general3A_67 {dimension_numbers = #tpu.dot_dimension_numbers<[1], [0], [0], [1], [0, 0, 1, 1], [], []>, transpose_lhs_hint = false} : vector<10000x128xf32>, vector<128x64xf32>, vector<10000x64xf32> -> vector<10000x64xf32>
    %get3A_69 = arith.constant 0 : index
    %get3A_70 = vector.load %arg9[%get3A_69] : memref<64xf32, #tpu.memory_space<vmem>>, vector<64xf32>
    %broadcast_in_dim3A_71 = vector.shape_cast %get3A_70 : vector<64xf32> to vector<1x64xf32>
    %add3A_72 = vector.broadcast %broadcast_in_dim3A_71 : vector<1x64xf32> to vector<10000x64xf32>
    %add3A_73 = arith.addf %dot_general3A_68, %add3A_72 : vector<10000x64xf32>
    %swap3A_74 = arith.constant 0 : index
    %swap3A_75 = arith.constant 0 : index
    %swap3A_76 = vector.load %arg11[%swap3A_74, %swap3A_75] : memref<10000x64xf32, #tpu.memory_space<vmem>>, vector<10000x64xf32>
    tpu.vector_store %arg11[%swap3A_74, %swap3A_75], %add3A_73 {strides = array<i32>} : memref<10000x64xf32, #tpu.memory_space<vmem>>, vector<10000x64xf32>,
    return
  }
}

</mosaic_0001>

<sc_bundles>
// kernel: kernel.11.cloned.1.call-start
scs
__scs_entry_jumppad:
0x0: {  	(pc) =	sbr.rel $0x88, $3  }
0x1: {  	(tag) =	ssettag $0x0;
	lr =	simm.s32 $0x1  }
0x2: {  	[smem:$0x3F93] =	sst lr;
	_ =	strace $0xD0000000  }
0x3: {  	_ = 	snop  }
0x4: {  	_ = 	snop  }
0x5: {  	_ = 	snop  }
0x6: {  	_ = 	snop  }
0x7: {  	_ = 	snop  }
__scs_overlays_trampoline_lowered:
0x8: {  	[smem:$0x3FA2] =	sst s0  }
0x9: {  	[smem:$0x3FA3] =	sst s1  }
0xa: {  	[smem:$0x3FA4] =	sst s2  }
0xb: {  	[smem:$0x3FA5] =	sst s3  }
0xc: {  	[smem:$0x3FA6] =	sst s4  }
0xd: {  	[smem:$0x3FA7] =	sst s5  }
0xe: {  	[smem:$0x3FA8] =	sst s6  }
0xf: {  	[smem:$0x3FA9] =	sst s7  }
0x10: {  	[smem:$0x3FAA] =	sst s8  }
0x11: {  	[smem:$0x3FAB] =	sst s9;
	s0 =	simm.s32 @!p0 $0x0  }
0x12: {  	s1 =	sld [smem:$0x3F91];
	s0 =	simm.s32 @p0 $0x1  }
0x13: {  	[smem:$0x3FAC] =	sst s0;
	s0 =	simm.s32 @!p1 $0x0  }
0x14: {  	s2 =	sld [smem:$0x3F90];
	s0 =	simm.s32 @p1 $0x1  }
0x15: {  	[smem:$0x3FAD] =	sst s0;
	s0 =	simm.s32 @!p2 $0x0  }
0x16: {  	s3 =	sld [smem:$0x3FDB];
	s0 =	simm.s32 @p2 $0x1  }
0x17: {  	s4 =	simm.s32 $0x1BF5;
	[smem:$0x3FAF] =	sst s0  }
0x18: {  	s0 =	sld [smem:$0x3F92];
	_ =	swait.ge [sflag:s4], $0x0  }
0x19: {  	s7 =	sld [smem:$0x3F93]  }
0x1a: {  	s8 =	sadd.s32 $0xFFFFE003, lr  }
0x1b: {  	s9 =	sadd.s32 $0xFFFFFEF7, lr;
	s5 =	simm.s32 $0xFFFFFFFF;
	p2 =	slt.u32 s8, $0xFFFFF086  }
0x1c: {  	p1 =	slt.u32 s9, $0xF7A;
	s5 =	simm.s32 @!p2 $0x0  }
0x1d: {  	s5 =	simm.s32 @p1 $0x1;
	p0 =	seq.s32 s7, s2  }
0x1e: {  	s7 =	smul.u32 @!p0 $0xF7A, s2;
	p2 =	seq.s32 @!p0 s5, $0x0  }
0x1f: {  	s9 =	smul.u32 $0xF7A, s1;
	s8 =	simm.s32 @!p0 $0x1BF5;
	p2 =	por !p2, p0  }
0x20: {  	[sflag:s8] =	ssyncset.s32 @!p0 $0xFFFFF086;
	s6 =	sadd.s32 @!p0 s3, s7;
	s7 =	simm.s32 @!p0 $0x108  }
0x21: {  	s3 =	sadd.s32 s3, s9;
	s6 =	sadd.s32 @!p0 $0x88, s6;
	s7 =	simm.s32 @p2 $0x1082  }
0x22: {  	[simem:s7], [sflag:s8] =	dma.local @!p0 [hbm:s6], $0xF7A  }
0x23: {  	s9 =	sor.u32 $0xD0000000, s2;
	s6 =	simm.s32 $0x108;
	_ =	swait.ge @!p0 [sflag:s8], $0x0  }
0x24: {  	s3 =	sadd.s32 $0x88, s3;
	s6 =	simm.s32 @!p1 $0x1082;
	[sflag:s4] =	ssyncset.s32 $0xFFFFF086  }
0x25: {  	[simem:s6], [sflag:s4] =	dma.local [hbm:s3], $0xF7A  }
0x26: {  	[smem:$0x3F93] =	sst s1;
	(tag) =	ssettag s2;
	_ =	strace s9  }
0x27: {  	s1 =	sld [smem:$0x3FA3]  }
0x28: {  	s2 =	sld [smem:$0x3FA4]  }
0x29: {  	s4 =	sld [smem:$0x3FA6]  }
0x2a: {  	p0 =	seq.s32 s5, $0x0;
	s5 =	sld [smem:$0x3FA7]  }
0x2b: {  	s6 =	sld [smem:$0x3FA8]  }
0x2c: {  	s7 =	sld [smem:$0x3FA9]  }
0x2d: {  	s3 =	simm.s32 $0x108;
	s8 =	sld [smem:$0x3FAA]  }
0x2e: {  	s3 =	simm.s32 @!p0 $0x1082;
	s9 =	sld [smem:$0x3FAB]  }
0x2f: {  	lr =	sadd.s32 s0, s3;
	s0 =	sld [smem:$0x3FA2]  }
0x30: {  	s3 =	sld [smem:$0x3FA5]  }
0x31: {  	[smem:$0x3FAE] =	sst s10  }
0x32: {  	s10 =	sld [smem:$0x3FAC];
	_ =	sdelay $0x3  }
0x33: {  	p0 =	seq.s32 s10, $0x1;
	s10 =	sld [smem:$0x3FAE];
	_ =	sdelay $0x3  }
0x34: {  	[smem:$0x3FAE] =	sst s10  }
0x35: {  	s10 =	sld [smem:$0x3FAD];
	_ =	sdelay $0x3  }
0x36: {  	p1 =	seq.s32 s10, $0x1;
	s10 =	sld [smem:$0x3FAE];
	_ =	sdelay $0x3  }
0x37: {  	[smem:$0x3FAE] =	sst s10  }
0x38: {  	s10 =	sld [smem:$0x3FAF]  }
0x39: {  	_ = 	snop;
	(pc) =	sbr.ind lr, $3  }
0x3a: {  	_ = 	snop  }
0x3b: {  	_ = 	snop  }
0x3c: {  	p2 =	seq.s32 s10, $0x1;
	s10 =	sld [smem:$0x3FAE]  }
0x3d: {  	_ =	shalt  }
0x3e: {  	_ =	shalt  }
0x3f: {  	_ =	shalt  }
0x40: {  	_ =	shalt  }
0x41: {  	_ =	shalt  }
0x42: {  	_ =	shalt  }
0x43: {  	_ =	shalt  }
0x44: {  	_ =	shalt  }
0x45: {  	_ =	shalt  }
0x46: {  	_ =	shalt  }
0x47: {  	_ =	shalt  }
0x48: {  	_ =	shalt  }
0x49: {  	_ =	shalt  }
0x4a: {  	_ =	shalt  }
0x4b: {  	_ =	shalt  }
0x4c: {  	_ =	shalt  }
0x4d: {  	_ =	shalt  }
0x4e: {  	_ =	shalt  }
0x4f: {  	_ =	shalt  }
0x50: {  	_ =	shalt  }
0x51: {  	_ =	shalt  }
0x52: {  	_ =	shalt  }
0x53: {  	_ =	shalt  }
0x54: {  	_ =	shalt  }
0x55: {  	_ =	shalt  }
0x56: {  	_ =	shalt  }
0x57: {  	_ =	shalt  }
0x58: {  	_ =	shalt  }
0x59: {  	_ =	shalt  }
0x5a: {  	_ =	shalt  }
0x5b: {  	_ =	shalt  }
0x5c: {  	_ =	shalt  }
0x5d: {  	_ =	shalt  }
0x5e: {  	_ =	shalt  }
0x5f: {  	_ =	shalt  }
0x60: {  	_ =	shalt  }
0x61: {  	_ =	shalt  }
0x62: {  	_ =	shalt  }
0x63: {  	_ =	shalt  }
0x64: {  	_ =	shalt  }
0x65: {  	_ =	shalt  }
0x66: {  	_ =	shalt  }
0x67: {  	_ =	shalt  }
0x68: {  	_ =	shalt  }
0x69: {  	_ =	shalt  }
0x6a: {  	_ =	shalt  }
0x6b: {  	_ =	shalt  }
0x6c: {  	_ =	shalt  }
0x6d: {  	_ =	shalt  }
0x6e: {  	_ =	shalt  }
0x6f: {  	_ =	shalt  }
0x70: {  	_ =	shalt  }
0x71: {  	_ =	shalt  }
0x72: {  	_ =	shalt  }
0x73: {  	_ =	shalt  }
0x74: {  	_ =	shalt  }
0x75: {  	_ =	shalt  }
0x76: {  	_ =	shalt  }
0x77: {  	_ =	shalt  }
0x78: {  	_ =	shalt  }
0x79: {  	_ =	shalt  }
0x7a: {  	_ =	shalt  }
0x7b: {  	_ =	shalt  }
0x7c: {  	_ =	shalt  }
0x7d: {  	_ =	shalt  }
0x7e: {  	_ =	shalt  }
0x7f: {  	_ =	shalt  }
0x80: {  	_ =	shalt  }
0x81: {  	_ =	shalt  }
0x82: {  	_ =	shalt  }
0x83: {  	_ =	shalt  }
0x84: {  	_ =	shalt  }
0x85: {  	_ =	shalt  }
0x86: {  	_ =	shalt  }
0x87: {  	_ =	shalt  }
.Lfunc_end0:
.L_simem_size_0:
called_computation.1_lowered:
.L_overlay_start_0:
0x88: {  	s2 =	sld [smem:$0x3FD9]  }
0x89: {  	s3 =	sld [smem:$0x3FFE];
	_ =	sdelay $0x1  }
0x8a: {  	s1 =	srdreg.scid  }
0x8b: {  	s0 =	sand.u32 $0x1, s1  }
0x8c: {  	s16 =	sshll.u32 s0, $0xA;
	s2 =	sadd.s32 s3, s2  }
0x8d: {  	s2 =	sadd.s32 s2, s16  }
0x8e: {  	[smem:$0x3FBA] =	sst s2  }
0x8f: {  	_ = 	snop  }
0x90: {  	(tm) =	ssettm $0x1  }
0x91: {  	s17 =	sld [smem:$0x3FFB];
	_ =	sdelay $0x3  }
0x92: {  	_ =	strace s17  }
0x93: {  	s2 =	sld [smem:$0x3FFC];
	_ =	sdelay $0x3  }
0x94: {  	_ =	strace s2  }
0x95: {  	s2 =	sld [smem:$0x3FFD];
	_ =	sdelay $0x3  }
0x96: {  	_ =	strace s2  }
0x97: {  	_ =	strace $0x8FFFFFFF  }
0x98: {  	s18 =	sld [smem:$0x3FDB];
	_ =	sdelay $0x1  }
0x99: {  	s19 =	simm.s32 $_scs_section_size  }
0x9a: {  	s4 =	simm.s32 $_size__tile_overlayer_lowered;
	s5 =	simm.s32 $_tile_overlayer_lowered  }
0x9b: {  	s22 =	simm.s32 $0x1BFF;
	s21 =	sshll.u32 s5, $0x1;
	s2 =	sadd.s32 s19, s18  }
0x9c: {  	s6 =	simm.s32 $0x0;
	s20 =	sshll.u32 s4, $0x1;
	s4 =	sadd.s32 s21, s2  }
0x9d: {  	[timem:s6], [sflag:s22] =	dma.local [hbm:s4], s20  }
0x9e: {  	_ =	swait.ge [sflag:s22], s20  }
0x9f: {  	s3 =	ssub.s32 $0x0, s20;
	[sflag:s22] =	ssyncset.done $0x0  }
0xa0: {  	[sflag:s22] =	ssyncadd.s32 s3;
	_ =	sdelay $0x1  }
0xa1: {  	s23 =	simm.s32 $0x1B8B  }
0xa2: {  	_ =	swait.ge [sflag:s23], $0x1  }
0xa3: {  	[sflag:s23] =	ssyncset.done $0x0  }
0xa4: {  	s25 =	simm.s32 $0x1B8E;
	s24 =	sld [smem:$0x3FFE];
	[sflag:s23] =	ssyncadd.s32 $0xFFFFFFFF  }
0xa5: {  	s26 =	simm.s32 $execute0_lowered;
	[smem:$0x3FD2] =	sst s25  }
0xa6: {  	s4 =	sshll.u32 s26, $0x1;
	_ =	strace $0x80000049;
	[dreg:$0x1] =	wrdreg $0xFFFFFFFF  }
0xa7: {  	s28 =	simm.s32 $_size_execute0_lowered;
	s2 =	sadd.s32 s2, s4;
	[dreg:$0x0] =	wrdreg $0x0  }
0xa8: {  	s4 =	sshll.u32 s28, $0x1;
	[dreg:$0x2] =	wrdreg s2  }
0xa9: {  	[dreg:$0x3] =	wrdreg s4  }
0xaa: {  	[dreg:$0x4] =	wrdreg $0xC0  }
0xab: {  	_ =	task [dreg:s6], $0x5FFFF  }
0xac: {  	[dreg:$0x1] =	wrdreg $0xFFFFFFFF  }
0xad: {  	[dreg:$0x0] =	wrdreg $0x60  }
0xae: {  	[dreg:$0x2] =	wrdreg s24  }
0xaf: {  	[dreg:$0x3] =	wrdreg $0x0  }
0xb0: {  	[dreg:$0x4] =	wrdreg $0x9  }
0xb1: {  	_ =	task.clear_ibuf [dreg:s6], $0x5FFFF;
	_ =	strace $0x90000049  }
0xb2: {  	s29 =	simm.s32 $0x9;
	_ =	strace $0x8000004B  }
0xb3: {  	_ =	swait.ge [sflag:s29], $0x1  }
0xb4: {  	[sflag:s29] =	ssyncadd.s32 $0xFFFFFFFF  }
0xb5: {  	_ =	strace $0x9000004B  }
0xb6: {  	_ =	sfence  }
0xb7: {  	s30 =	sld [smem:$0x0];
	_ =	sdelay $0x2  }
0xb8: {  	s31 =	sshll.u32 s1, $0xD;
	s1 =	sshrl.u32 s1, $0x2  }
0xb9: {  	s3 =	sand.u32 $0x4000, s31;
	s1 =	sadd.s32 s1, s30  }
0xba: {  	s0 =	sor.u32 s3, s0;
	s1 =	sshll.u32 s1, $0x11  }
0xbb: {  	s0 =	sor.u32 s1, s0  }
0xbc: {  	s0 =	sadd.s32 $0x8F2B, s0  }
0xbd: {  	[sflag:s0] =	ssyncadd.remote.s32 $0x1  }
0xbe: {  	_ =	sfence.sel $0xFFFF  }
0xbf: {  	[dreg:$0x0] =	wrdreg $0xFFFFFFFF;
	(pc) =	sbr.abs _section_cstart, $3  }
0xc0: {  	[dreg:$0x1] =	wrdreg $0xFFFFFFFF  }
0xc1: {  	_ =	task.clear_ibuf [dreg:s6], $0x2FFFF;
	_ =	strace $0x9FFFFFFF  }
0xc2: {  	(tm) =	ssettm $0x7FFFFFFF  }
0xc3: {  	_ =	shalt  }
tec
execute0_lowered:
.L_overlay_start_1:
0x0: {  	(tag) =	ssettag $0x1  }
0x1: {  	s0 =	rddreg [dreg:$0x0]  }
0x2: {  	s1 =	rddreg [dreg:$0x1]  }
0x3: {  	s3 =	simm.s32 $0x0;
	s2 =	srdreg.scid;
	s8 =	stileid.u32  }
0x4: {  	s28 =	simm.s32 $0x28;
	s29 =	simm.s32 $0x1C000;
	s5 =	smul.u32 $0x14000, s8  }
0x5: {  	s30 =	simm.s32 $0x1C080;
	s2 =	sand.u32 $0x1, s2;
	s7 =	smul.u32 $0x50000, s8  }
0x6: {  	s31 =	simm.s32 $0x1D700;
	s9 =	simm.s32 $0x3;
	s13 =	smul.u32 $0x140000, s2  }
0x7: {  	s10 =	simm.s32 $0x1C280;
	s11 =	simm.s32 $0x5;
	s7 =	sshrl.u32 s7, $0x2  }
0x8: {  	[smem:$0x7FF] =	sst s3;
	s3 =	sadd.s32 s5, s13;
	s5 =	sadd.s32 s7, s1  }
0x9: {  	s12 =	simm.s32 $0x6;
	s4 =	sadd.s32 $0x22E00, s0;
	s15 =	sadd.s32 $0x1400, s5  }
0xa: {  	_ =	strace $0x8000004A;
	s16 =	sadd.s32 $0x2800, s5;
	[dreg:$0x3] =	wrdreg s15  }
0xb: {  	s26 =	sshll.u32 s8, $0xD;
	s17 =	sadd.s32 $0x3C00, s5;
	[dreg:$0x4] =	wrdreg s16  }
0xc: {  	s8 =	simm.s32 $0x4;
	s18 =	sadd.s32 $0x5000, s5;
	[dreg:$0x5] =	wrdreg s17  }
0xd: {  	s6 =	sshll.u32 s2, $0xC;
	s19 =	sadd.s32 $0x6400, s5;
	[dreg:$0x6] =	wrdreg s18  }
0xe: {  	s2 =	ssub.s32 $0x2, s2;
	s20 =	sadd.s32 $0x7800, s5;
	[dreg:$0x7] =	wrdreg s19  }
0xf: {  	s6 =	sadd.s32 s6, s0;
	s21 =	sadd.s32 $0x8C00, s5;
	[dreg:$0x8] =	wrdreg s20  }
0x10: {  	s14 =	sshrl.u32 s2, $0x1;
	s22 =	sadd.s32 $0xA000, s5;
	[dreg:$0x9] =	wrdreg s21  }
0x11: {  	s2 =	ssub.s32 s2, s14;
	s23 =	sadd.s32 $0xB400, s5;
	[dreg:$0xa] =	wrdreg s22  }
0x12: {  	s7 =	simm.s32 $0x1C200;
	s24 =	sadd.s32 $0xC800, s5;
	[dreg:$0xb] =	wrdreg s23  }
0x13: {  	s3 =	sshrl.u32 s3, $0x3;
	s25 =	sadd.s32 $0xDC00, s5;
	[dreg:$0xc] =	wrdreg s24  }
0x14: {  	s13 =	simm.s32 $0x0;
	s0 =	sadd.s32 s3, s0;
	[dreg:$0xd] =	wrdreg s25  }
0x15: {  	s17 =	sadd.s32 $0xF000, s5;
	s18 =	sadd.s32 $0x10400, s5;
	s3 =	sadd.s32 s26, s6  }
0x16: {  	s19 =	sadd.s32 $0x11800, s5;
	s20 =	sadd.s32 $0x12C00, s5;
	s23 =	smax.u32 s2, $0x1  }
0x17: {  	s24 =	simm.s32 $0x1C300;
	s25 =	simm.s32 $0x7;
	s26 =	simm.s32 $0x1C100  }
0x18: {  	s2 =	simm.s32 $0x1EB00;
	s6 =	simm.s32 $0x2;
	s21 =	sadd.s32 $0x2E00, s3  }
0x19: {  	v0 =	vimm.f32 $0.0e+00;
	s22 =	sadd.s32 $0x4A000, s0;
	s0 =	simm.s32 $0x1;
	s3 =	simm.s32 $0x1C180  }
.LBB2_1:
0x1a: {  	s14 =	simm.s32 $0x0;
	s15 =	simm.s32 $0x200  }
.LBB2_2:
0x1b: {  	p0 =	sne.s32 s15, $0x4E00;
	[tilespmem:s14+$0x1C370] =	vst v0  }
0x1c: {  	[tilespmem:s14+$0x1C300] =	vst v0  }
0x1d: {  	[tilespmem:s14+$0x1C310] =	vst v0  }
.Ltmp0:
0x1e: {  	[tilespmem:s14+$0x1C320] =	vst v0;
	(pc) =	sbr.rel @p0 .LBB2_2-.Ltmp0, $4  }
0x1f: {  	[tilespmem:s14+$0x1C330] =	vst v0  }
0x20: {  	[tilespmem:s14+$0x1C340] =	vst v0  }
0x21: {  	[tilespmem:s14+$0x1C350] =	vst v0  }
0x22: {  	[tilespmem:s14+$0x1C360] =	vst v0;
	s14 =	sshra.s32 s15, $0x2;
	s15 =	sadd.s32 $0x200, s15  }
0x23: {  	[tilespmem:s14+$0x1C370] =	vst v0  }
0x24: {  	[tilespmem:s14+$0x1C300] =	vst v0  }
0x25: {  	[tilespmem:s14+$0x1C310] =	vst v0  }
0x26: {  	[tilespmem:s14+$0x1C320] =	vst v0  }
0x27: {  	[tilespmem:s14+$0x1C330] =	vst v0  }
0x28: {  	[tilespmem:s14+$0x1C340] =	vst v0  }
0x29: {  	[tilespmem:s14+$0x1C350] =	vst v0  }
0x2a: {  	[tilespmem:s14+$0x1C360] =	vst v0  }
0x2b: {  	[spmem:s5] =	stream.linear.scatter [tilespmem:s24], [sflag:$0x7], $0x1400, $0x38;
	[tilespmem:$0x1FF00] =	vst v63  }
0x2c: {  	_ =	swait.ge [sflag:s25], $0x1400  }
0x2d: {  	[sflag:s25] =	ssyncset.done $0x0  }
0x2e: {  	s15 =	rddreg [dreg:$0x3];
	[sflag:s25] =	ssyncadd.s32 $0xFFFFEC00  }
0x2f: {  	[spmem:s15] =	stream.linear.scatter [tilespmem:s24], [sflag:$0x7], $0x1400, $0x38;
	[tilespmem:$0x1FF00] =	vst v63  }
0x30: {  	_ =	swait.ge [sflag:s25], $0x1400  }
0x31: {  	[sflag:s25] =	ssyncset.done $0x0  }
0x32: {  	s16 =	rddreg [dreg:$0x4];
	[sflag:s25] =	ssyncadd.s32 $0xFFFFEC00  }
0x33: {  	[spmem:s16] =	stream.linear.scatter [tilespmem:s24], [sflag:$0x7], $0x1400, $0x38;
	[tilespmem:$0x1FF00] =	vst v63  }
0x34: {  	_ =	swait.ge [sflag:s25], $0x1400  }
0x35: {  	[sflag:s25] =	ssyncset.done $0x0  }
0x36: {  	s15 =	rddreg [dreg:$0x5];
	[sflag:s25] =	ssyncadd.s32 $0xFFFFEC00  }
0x37: {  	[spmem:s15] =	stream.linear.scatter [tilespmem:s24], [sflag:$0x7], $0x1400, $0x38;
	[tilespmem:$0x1FF00] =	vst v63  }
0x38: {  	_ =	swait.ge [sflag:s25], $0x1400  }
0x39: {  	[sflag:s25] =	ssyncset.done $0x0  }
0x3a: {  	s16 =	rddreg [dreg:$0x6];
	[sflag:s25] =	ssyncadd.s32 $0xFFFFEC00  }
0x3b: {  	[spmem:s16] =	stream.linear.scatter [tilespmem:s24], [sflag:$0x7], $0x1400, $0x38;
	[tilespmem:$0x1FF00] =	vst v63  }
0x3c: {  	_ =	swait.ge [sflag:s25], $0x1400  }
0x3d: {  	[sflag:s25] =	ssyncset.done $0x0  }
0x3e: {  	s15 =	rddreg [dreg:$0x7];
	[sflag:s25] =	ssyncadd.s32 $0xFFFFEC00  }
0x3f: {  	[spmem:s15] =	stream.linear.scatter [tilespmem:s24], [sflag:$0x7], $0x1400, $0x38;
	[tilespmem:$0x1FF00] =	vst v63  }
0x40: {  	_ =	swait.ge [sflag:s25], $0x1400  }
0x41: {  	[sflag:s25] =	ssyncset.done $0x0  }
0x42: {  	s16 =	rddreg [dreg:$0x8];
	[sflag:s25] =	ssyncadd.s32 $0xFFFFEC00  }
0x43: {  	[spmem:s16] =	stream.linear.scatter [tilespmem:s24], [sflag:$0x7], $0x1400, $0x38;
	[tilespmem:$0x1FF00] =	vst v63  }
0x44: {  	_ =	swait.ge [sflag:s25], $0x1400  }
0x45: {  	[sflag:s25] =	ssyncset.done $0x0  }
0x46: {  	s15 =	rddreg [dreg:$0x9];
	[sflag:s25] =	ssyncadd.s32 $0xFFFFEC00  }
0x47: {  	[spmem:s15] =	stream.linear.scatter [tilespmem:s24], [sflag:$0x7], $0x1400, $0x38;
	[tilespmem:$0x1FF00] =	vst v63  }
0x48: {  	_ =	swait.ge [sflag:s25], $0x1400  }
0x49: {  	[sflag:s25] =	ssyncset.done $0x0  }
0x4a: {  	s16 =	rddreg [dreg:$0xa];
	[sflag:s25] =	ssyncadd.s32 $0xFFFFEC00  }
0x4b: {  	[spmem:s16] =	stream.linear.scatter [tilespmem:s24], [sflag:$0x7], $0x1400, $0x38;
	[tilespmem:$0x1FF00] =	vst v63  }
0x4c: {  	_ =	swait.ge [sflag:s25], $0x1400  }
0x4d: {  	[sflag:s25] =	ssyncset.done $0x0  }
0x4e: {  	s15 =	rddreg [dreg:$0xb];
	[sflag:s25] =	ssyncadd.s32 $0xFFFFEC00  }
0x4f: {  	[spmem:s15] =	stream.linear.scatter [tilespmem:s24], [sflag:$0x7], $0x1400, $0x38;
	[tilespmem:$0x1FF00] =	vst v63  }
0x50: {  	_ =	swait.ge [sflag:s25], $0x1400  }
0x51: {  	[sflag:s25] =	ssyncset.done $0x0  }
0x52: {  	s16 =	rddreg [dreg:$0xc];
	[sflag:s25] =	ssyncadd.s32 $0xFFFFEC00  }
0x53: {  	[spmem:s16] =	stream.linear.scatter [tilespmem:s24], [sflag:$0x7], $0x1400, $0x38;
	[tilespmem:$0x1FF00] =	vst v63  }
0x54: {  	_ =	swait.ge [sflag:s25], $0x1400  }
0x55: {  	[sflag:s25] =	ssyncset.done $0x0  }
0x56: {  	s15 =	rddreg [dreg:$0xd];
	[sflag:s25] =	ssyncadd.s32 $0xFFFFEC00  }
0x57: {  	[spmem:s15] =	stream.linear.scatter [tilespmem:s24], [sflag:$0x7], $0x1400, $0x38;
	[tilespmem:$0x1FF00] =	vst v63  }
0x58: {  	_ =	swait.ge [sflag:s25], $0x1400  }
0x59: {  	[sflag:s25] =	ssyncset.done $0x0  }
0x5a: {  	[sflag:s25] =	ssyncadd.s32 $0xFFFFEC00  }
0x5b: {  	[spmem:s17] =	stream.linear.scatter [tilespmem:s24], [sflag:$0x7], $0x1400, $0x38;
	[tilespmem:$0x1FF00] =	vst v63  }
0x5c: {  	_ =	swait.ge [sflag:s25], $0x1400  }
0x5d: {  	[sflag:s25] =	ssyncset.done $0x0  }
0x5e: {  	[sflag:s25] =	ssyncadd.s32 $0xFFFFEC00  }
0x5f: {  	[spmem:s18] =	stream.linear.scatter [tilespmem:s24], [sflag:$0x7], $0x1400, $0x38;
	[tilespmem:$0x1FF00] =	vst v63  }
0x60: {  	_ =	swait.ge [sflag:s25], $0x1400  }
0x61: {  	[sflag:s25] =	ssyncset.done $0x0  }
0x62: {  	[sflag:s25] =	ssyncadd.s32 $0xFFFFEC00  }
0x63: {  	[spmem:s19] =	stream.linear.scatter [tilespmem:s24], [sflag:$0x7], $0x1400, $0x38;
	[tilespmem:$0x1FF00] =	vst v63  }
0x64: {  	_ =	swait.ge [sflag:s25], $0x1400  }
0x65: {  	[sflag:s25] =	ssyncset.done $0x0  }
0x66: {  	[sflag:s25] =	ssyncadd.s32 $0xFFFFEC00  }
0x67: {  	[spmem:s20] =	stream.linear.scatter [tilespmem:s24], [sflag:$0x7], $0x1400, $0x38;
	[tilespmem:$0x1FF00] =	vst v63  }
0x68: {  	_ =	swait.ge [sflag:s25], $0x1400  }
0x69: {  	[sflag:s25] =	ssyncset.done $0x0  }
0x6a: {  	s16 =	simm.s32 $0x0;
	s15 =	simm.s32 $0x14000;
	[sflag:s25] =	ssyncadd.s32 $0xFFFFEC00  }
0x6b: {  	[tilespmem:s15], [sflag:$0x7] =	stream.linear.gather [hbm4b:s21+s16], $0x7D00, $0x38;
	[tilespmem:$0x1FF00] =	vst v63  }
0x6c: {  	_ =	swait.ge [sflag:s25], $0x7D00  }
0x6d: {  	[sflag:s25] =	ssyncset.done $0x0  }
0x6e: {  	[sflag:s25] =	ssyncadd.s32 $0xFFFF8300  }
0x6f: {  	[bflag:$0x0] =	sbarrier.arrive $0xFFFF  }
0x70: {  	v1 =	vld [tilespmem:$0x14000];
	_ =	sdelay $0x1  }
0x71: {  	v2 =	vld [tilespmem:$0x14010];
	_ =	sdelay $0x1  }
0x72: {  	v3 =	vld [tilespmem:$0x14018]  }
0x73: {  	v4 =	vand.u32 $0xFFFF, v1  }
0x74: {  	v1 =	vshrl.u32 v1, $0x10;
	[tilespmem:$0x1C000] =	vst v4  }
0x75: {  	[tilespmem:$0x1C180] =	vst v1;
	v1 =	vand.u32 $0xFFFF, v2  }
0x76: {  	[tilespmem:$0x1C010] =	vst v1;
	v1 =	vshrl.u32 v2, $0x10  }
0x77: {  	[tilespmem:$0x1C190] =	vst v1;
	v1 =	vand.u32 $0xFFFF, v3  }
0x78: {  	[tilespmem:$0x1C018] =	vst v1;
	v1 =	vshrl.u32 v3, $0x10  }
0x79: {  	[tilespmem:$0x1C198] =	vst v1  }
0x7a: {  	[tilespmem:s24], [sflag:$0x1] =	stream.indirect.gather [hbm4b:s4+s28], $0x80, s29, s28, $0xb8;
	[tilespmem:$0x1FF00] =	vst v63  }
0x7b: {  	v1 =	vld [tilespmem:$0x14080];
	_ =	sdelay $0x1  }
0x7c: {  	v2 =	vld [tilespmem:$0x14090];
	_ =	sdelay $0x1  }
0x7d: {  	v3 =	vld [tilespmem:$0x14098]  }
0x7e: {  	v62 =	vand.u32 $0xFFFF, v1  }
0x7f: {  	v1 =	vshrl.u32 v1, $0x10;
	[tilespmem:$0x1C080] =	vst v62  }
0x80: {  	[tilespmem:$0x1C200] =	vst v1;
	v1 =	vand.u32 $0xFFFF, v2  }
0x81: {  	[tilespmem:$0x1C090] =	vst v1;
	v1 =	vshrl.u32 v2, $0x10  }
0x82: {  	[tilespmem:$0x1C210] =	vst v1;
	v1 =	vand.u32 $0xFFFF, v3  }
0x83: {  	[tilespmem:$0x1C098] =	vst v1;
	v1 =	vshrl.u32 v3, $0x10  }
0x84: {  	[tilespmem:$0x1C218] =	vst v1  }
0x85: {  	[tilespmem:s31], [sflag:$0x2] =	stream.indirect.gather [hbm4b:s4+s28], $0x80, s30, s28, $0xb8;
	[tilespmem:$0x1FF00] =	vst v63  }
0x86: {  	_ =	swait.ge [sflag:s0], $0x1400  }
0x87: {  	[sflag:s0] =	ssyncset.done $0x0  }
0x88: {  	[sflag:s0] =	ssyncadd.s32 $0xFFFFEC00  }
0x89: {  	[spmem:s1] =	stream.indirect.scatter.add.f32 [tilespmem:s24], [sflag:$0x4], $0x80, s3, s28, $0xb8;
	[tilespmem:$0x1FF00] =	vst v63  }
0x8a: {  	v1 =	vld [tilespmem:$0x14100];
	_ =	sdelay $0x1  }
0x8b: {  	v2 =	vld [tilespmem:$0x14110];
	_ =	sdelay $0x1  }
0x8c: {  	v3 =	vld [tilespmem:$0x14118]  }
0x8d: {  	v63 =	vand.u32 $0xFFFF, v1  }
0x8e: {  	v1 =	vshrl.u32 v1, $0x10;
	[tilespmem:$0x1C100] =	vst v63  }
0x8f: {  	[tilespmem:$0x1C280] =	vst v1;
	v1 =	vand.u32 $0xFFFF, v2  }
0x90: {  	[tilespmem:$0x1C110] =	vst v1;
	v1 =	vshrl.u32 v2, $0x10  }
0x91: {  	[tilespmem:$0x1C290] =	vst v1;
	v1 =	vand.u32 $0xFFFF, v3  }
0x92: {  	[tilespmem:$0x1C118] =	vst v1;
	v1 =	vshrl.u32 v3, $0x10  }
0x93: {  	[tilespmem:$0x1C298] =	vst v1  }
0x94: {  	[tilespmem:s2], [sflag:$0x3] =	stream.indirect.gather [hbm4b:s4+s28], $0x80, s26, s28, $0xb8;
	[tilespmem:$0x1FF00] =	vst v63  }
0x95: {  	_ =	swait.ge [sflag:s6], $0x1400  }
0x96: {  	[sflag:s6] =	ssyncset.done $0x0  }
0x97: {  	[sflag:s6] =	ssyncadd.s32 $0xFFFFEC00  }
0x98: {  	[spmem:s1] =	stream.indirect.scatter.add.f32 [tilespmem:s31], [sflag:$0x5], $0x80, s7, s28, $0xb8;
	[tilespmem:$0x1FF00] =	vst v63  }
0x99: {  	_ =	swait.ge [sflag:s8], $0x1400  }
0x9a: {  	[sflag:s8] =	ssyncset.done $0x0  }
0x9b: {  	s14 =	simm.s32 $0x298;
	[sflag:s8] =	ssyncadd.s32 $0xFFFFEC00  }
0x9c: {  	v1 =	vld [tilespmem:s14+$0x13EE8];
	_ =	sdelay $0x4  }
0x9d: {  	v2 =	vand.u32 $0xFFFF, v1  }
0x9e: {  	v1 =	vshrl.u32 v1, $0x10;
	[tilespmem:$0x1C000] =	vst v2  }
0x9f: {  	[tilespmem:$0x1C180] =	vst v1  }
0xa0: {  	v1 =	vld [tilespmem:s14+$0x13EF8];
	_ =	sdelay $0x4  }
0xa1: {  	v2 =	vand.u32 $0xFFFF, v1  }
0xa2: {  	v1 =	vshrl.u32 v1, $0x10;
	[tilespmem:$0x1C010] =	vst v2  }
0xa3: {  	[tilespmem:$0x1C190] =	vst v1  }
0xa4: {  	v1 =	vld [tilespmem:s14+$0x13F00];
	_ =	sdelay $0x4  }
0xa5: {  	v2 =	vand.u32 $0xFFFF, v1  }
0xa6: {  	v1 =	vshrl.u32 v1, $0x10;
	[tilespmem:$0x1C018] =	vst v2  }
0xa7: {  	[tilespmem:$0x1C198] =	vst v1  }
0xa8: {  	[tilespmem:s24], [sflag:$0x1] =	stream.indirect.gather [hbm4b:s4+s28], $0x80, s29, s28, $0xb8;
	[tilespmem:$0x1FF00] =	vst v63  }
0xa9: {  	_ =	swait.ge [sflag:s9], $0x1400  }
0xaa: {  	[sflag:s9] =	ssyncset.done $0x0  }
0xab: {  	[sflag:s9] =	ssyncadd.s32 $0xFFFFEC00  }
0xac: {  	[spmem:s1] =	stream.indirect.scatter.add.f32 [tilespmem:s2], [sflag:$0x6], $0x80, s10, s28, $0xb8;
	[tilespmem:$0x1FF00] =	vst v63  }
0xad: {  	_ =	swait.ge [sflag:s11], $0x1400  }
0xae: {  	[sflag:s11] =	ssyncset.done $0x0  }
0xaf: {  	[sflag:s11] =	ssyncadd.s32 $0xFFFFEC00  }
0xb0: {  	v1 =	vld [tilespmem:s14+$0x13F68];
	_ =	sdelay $0x4  }
0xb1: {  	v2 =	vand.u32 $0xFFFF, v1  }
0xb2: {  	v1 =	vshrl.u32 v1, $0x10;
	[tilespmem:$0x1C080] =	vst v2  }
0xb3: {  	[tilespmem:$0x1C200] =	vst v1  }
0xb4: {  	v1 =	vld [tilespmem:s14+$0x13F78];
	_ =	sdelay $0x4  }
0xb5: {  	v2 =	vand.u32 $0xFFFF, v1  }
0xb6: {  	v1 =	vshrl.u32 v1, $0x10;
	[tilespmem:$0x1C090] =	vst v2  }
0xb7: {  	[tilespmem:$0x1C210] =	vst v1  }
0xb8: {  	v1 =	vld [tilespmem:s14+$0x13F80];
	_ =	sdelay $0x4  }
0xb9: {  	v2 =	vand.u32 $0xFFFF, v1  }
0xba: {  	v1 =	vshrl.u32 v1, $0x10;
	[tilespmem:$0x1C098] =	vst v2  }
0xbb: {  	[tilespmem:$0x1C218] =	vst v1  }
0xbc: {  	[tilespmem:s31], [sflag:$0x2] =	stream.indirect.gather [hbm4b:s4+s28], $0x80, s30, s28, $0xb8;
	[tilespmem:$0x1FF00] =	vst v63  }
0xbd: {  	_ =	swait.ge [sflag:s0], $0x1400  }
0xbe: {  	[sflag:s0] =	ssyncset.done $0x0  }
0xbf: {  	[sflag:s0] =	ssyncadd.s32 $0xFFFFEC00  }
0xc0: {  	[spmem:s1] =	stream.indirect.scatter.add.f32 [tilespmem:s24], [sflag:$0x4], $0x80, s3, s28, $0xb8;
	[tilespmem:$0x1FF00] =	vst v63  }
0xc1: {  	_ =	swait.ge [sflag:s12], $0x1400  }
0xc2: {  	[sflag:s12] =	ssyncset.done $0x0  }
0xc3: {  	[sflag:s12] =	ssyncadd.s32 $0xFFFFEC00  }
0xc4: {  	v1 =	vld [tilespmem:s14+$0x13FE8];
	_ =	sdelay $0x4  }
0xc5: {  	v2 =	vand.u32 $0xFFFF, v1  }
0xc6: {  	v1 =	vshrl.u32 v1, $0x10;
	[tilespmem:$0x1C100] =	vst v2  }
0xc7: {  	[tilespmem:$0x1C280] =	vst v1  }
0xc8: {  	v1 =	vld [tilespmem:s14+$0x13FF8];
	_ =	sdelay $0x4  }
0xc9: {  	v2 =	vand.u32 $0xFFFF, v1  }
0xca: {  	s15 =	simm.s32 $0x1060;
	v1 =	vshrl.u32 v1, $0x10;
	[tilespmem:$0x1C110] =	vst v2  }
.LBB2_4:
0xcb: {  	p0 =	sne.s32 s15, $0x1EA60;
	[tilespmem:$0x1C290] =	vst v1;
	s16 =	smov.u32 s15;
	s15 =	sadd.s32 $0x600, s15  }
0xcc: {  	v1 =	vld [tilespmem:s14+$0x14000];
	_ =	sdelay $0x4  }
0xcd: {  	v2 =	vand.u32 $0xFFFF, v1;
	v1 =	vshrl.u32 v1, $0x10  }
0xce: {  	[tilespmem:$0x1C118] =	vst v2  }
0xcf: {  	[tilespmem:$0x1C298] =	vst v1  }
0xd0: {  	[tilespmem:s2], [sflag:$0x3] =	stream.indirect.gather [hbm4b:s4+s28], $0x80, s26, s28, $0xb8;
	[tilespmem:$0x1FF00] =	vst v63  }
0xd1: {  	_ =	swait.ge [sflag:s6], $0x1400  }
0xd2: {  	[sflag:s6] =	ssyncset.done $0x0  }
0xd3: {  	[sflag:s6] =	ssyncadd.s32 $0xFFFFEC00  }
0xd4: {  	[spmem:s1] =	stream.indirect.scatter.add.f32 [tilespmem:s31], [sflag:$0x5], $0x80, s7, s28, $0xb8;
	[tilespmem:$0x1FF00] =	vst v63  }
0xd5: {  	_ =	swait.ge [sflag:s8], $0x1400  }
0xd6: {  	[sflag:s8] =	ssyncset.done $0x0  }
0xd7: {  	s14 =	sshra.s32 s16, $0x2;
	[sflag:s8] =	ssyncadd.s32 $0xFFFFEC00  }
0xd8: {  	v1 =	vld [tilespmem:s14+$0x13EE8];
	_ =	sdelay $0x4  }
0xd9: {  	v2 =	vand.u32 $0xFFFF, v1;
	v1 =	vshrl.u32 v1, $0x10  }
0xda: {  	[tilespmem:$0x1C000] =	vst v2  }
0xdb: {  	[tilespmem:$0x1C180] =	vst v1  }
0xdc: {  	v1 =	vld [tilespmem:s14+$0x13EF8];
	_ =	sdelay $0x4  }
0xdd: {  	v2 =	vand.u32 $0xFFFF, v1;
	v1 =	vshrl.u32 v1, $0x10  }
0xde: {  	[tilespmem:$0x1C010] =	vst v2  }
0xdf: {  	[tilespmem:$0x1C190] =	vst v1  }
0xe0: {  	v1 =	vld [tilespmem:s14+$0x13F00];
	_ =	sdelay $0x4  }
0xe1: {  	v2 =	vand.u32 $0xFFFF, v1;
	v1 =	vshrl.u32 v1, $0x10  }
0xe2: {  	[tilespmem:$0x1C018] =	vst v2  }
0xe3: {  	[tilespmem:$0x1C198] =	vst v1  }
0xe4: {  	[tilespmem:s24], [sflag:$0x1] =	stream.indirect.gather [hbm4b:s4+s28], $0x80, s29, s28, $0xb8;
	[tilespmem:$0x1FF00] =	vst v63  }
0xe5: {  	_ =	swait.ge [sflag:s9], $0x1400  }
0xe6: {  	[sflag:s9] =	ssyncset.done $0x0  }
0xe7: {  	[sflag:s9] =	ssyncadd.s32 $0xFFFFEC00  }
0xe8: {  	[spmem:s1] =	stream.indirect.scatter.add.f32 [tilespmem:s2], [sflag:$0x6], $0x80, s10, s28, $0xb8;
	[tilespmem:$0x1FF00] =	vst v63  }
0xe9: {  	_ =	swait.ge [sflag:s11], $0x1400  }
0xea: {  	[sflag:s11] =	ssyncset.done $0x0  }
0xeb: {  	[sflag:s11] =	ssyncadd.s32 $0xFFFFEC00  }
0xec: {  	v1 =	vld [tilespmem:s14+$0x13F68];
	_ =	sdelay $0x4  }
0xed: {  	v2 =	vand.u32 $0xFFFF, v1;
	v1 =	vshrl.u32 v1, $0x10  }
0xee: {  	[tilespmem:$0x1C080] =	vst v2  }
0xef: {  	[tilespmem:$0x1C200] =	vst v1  }
0xf0: {  	v1 =	vld [tilespmem:s14+$0x13F78];
	_ =	sdelay $0x4  }
0xf1: {  	v2 =	vand.u32 $0xFFFF, v1;
	v1 =	vshrl.u32 v1, $0x10  }
0xf2: {  	[tilespmem:$0x1C090] =	vst v2  }
0xf3: {  	[tilespmem:$0x1C210] =	vst v1  }
0xf4: {  	v1 =	vld [tilespmem:s14+$0x13F80];
	_ =	sdelay $0x4  }
0xf5: {  	v2 =	vand.u32 $0xFFFF, v1;
	v1 =	vshrl.u32 v1, $0x10  }
0xf6: {  	[tilespmem:$0x1C098] =	vst v2  }
0xf7: {  	[tilespmem:$0x1C218] =	vst v1  }
0xf8: {  	[tilespmem:s31], [sflag:$0x2] =	stream.indirect.gather [hbm4b:s4+s28], $0x80, s30, s28, $0xb8;
	[tilespmem:$0x1FF00] =	vst v63  }
0xf9: {  	_ =	swait.ge [sflag:s0], $0x1400  }
0xfa: {  	[sflag:s0] =	ssyncset.done $0x0  }
0xfb: {  	[sflag:s0] =	ssyncadd.s32 $0xFFFFEC00  }
0xfc: {  	[spmem:s1] =	stream.indirect.scatter.add.f32 [tilespmem:s24], [sflag:$0x4], $0x80, s3, s28, $0xb8;
	[tilespmem:$0x1FF00] =	vst v63  }
0xfd: {  	_ =	swait.ge [sflag:s12], $0x1400  }
0xfe: {  	[sflag:s12] =	ssyncset.done $0x0  }
0xff: {  	[sflag:s12] =	ssyncadd.s32 $0xFFFFEC00  }
0x100: {  	v1 =	vld [tilespmem:s14+$0x13FE8];
	_ =	sdelay $0x4  }
0x101: {  	v2 =	vand.u32 $0xFFFF, v1;
	v1 =	vshrl.u32 v1, $0x10  }
0x102: {  	[tilespmem:$0x1C100] =	vst v2  }
0x103: {  	[tilespmem:$0x1C280] =	vst v1  }
0x104: {  	v1 =	vld [tilespmem:s14+$0x13FF8];
	_ =	sdelay $0x1  }
.Ltmp1:
0x105: {  	(pc) =	sbr.rel @p0 .LBB2_4-.Ltmp1, $3  }
0x106: {  	_ =	sdelay $0x1  }
0x107: {  	v2 =	vand.u32 $0xFFFF, v1;
	v1 =	vshrl.u32 v1, $0x10  }
0x108: {  	[tilespmem:$0x1C110] =	vst v2  }
0x109: {  	[tilespmem:$0x1C290] =	vst v1  }
0x10a: {  	v1 =	vld [tilespmem:s14+$0x14000];
	_ =	sdelay $0x4  }
0x10b: {  	v2 =	vand.u32 $0xFFFF, v1  }
0x10c: {  	v1 =	vshrl.u32 v1, $0x10;
	[tilespmem:$0x1C118] =	vst v2  }
0x10d: {  	[tilespmem:$0x1C298] =	vst v1  }
0x10e: {  	[tilespmem:s2], [sflag:$0x3] =	stream.indirect.gather [hbm4b:s4+s28], $0x80, s26, s28, $0xb8;
	[tilespmem:$0x1FF00] =	vst v63  }
0x10f: {  	_ =	swait.ge [sflag:s6], $0x1400  }
0x110: {  	[sflag:s6] =	ssyncset.done $0x0  }
0x111: {  	[sflag:s6] =	ssyncadd.s32 $0xFFFFEC00  }
0x112: {  	[spmem:s1] =	stream.indirect.scatter.add.f32 [tilespmem:s31], [sflag:$0x5], $0x80, s7, s28, $0xb8;
	[tilespmem:$0x1FF00] =	vst v63  }
0x113: {  	_ =	swait.ge [sflag:s8], $0x1400  }
0x114: {  	[sflag:s8] =	ssyncset.done $0x0  }
0x115: {  	[sflag:s8] =	ssyncadd.s32 $0xFFFFEC00  }
0x116: {  	v1 =	vld [tilespmem:$0x1BB00];
	_ =	sdelay $0x1  }
0x117: {  	v2 =	vld [tilespmem:$0x1BB10];
	_ =	sdelay $0x1  }
0x118: {  	v3 =	vld [tilespmem:$0x1BB18]  }
0x119: {  	v4 =	vand.u32 $0xFFFF, v1  }
0x11a: {  	v1 =	vshrl.u32 v1, $0x10;
	[tilespmem:$0x1C000] =	vst v4  }
0x11b: {  	[tilespmem:$0x1C180] =	vst v1;
	v1 =	vand.u32 $0xFFFF, v2  }
0x11c: {  	[tilespmem:$0x1C010] =	vst v1;
	v1 =	vshrl.u32 v2, $0x10  }
0x11d: {  	[tilespmem:$0x1C190] =	vst v1;
	v1 =	vand.u32 $0xFFFF, v3  }
0x11e: {  	[tilespmem:$0x1C018] =	vst v1;
	v1 =	vshrl.u32 v3, $0x10  }
0x11f: {  	[tilespmem:$0x1C198] =	vst v1  }
0x120: {  	[tilespmem:s24], [sflag:$0x1] =	stream.indirect.gather [hbm4b:s4+s28], $0x80, s29, s28, $0xb8;
	[tilespmem:$0x1FF00] =	vst v63  }
0x121: {  	_ =	swait.ge [sflag:s9], $0x1400  }
0x122: {  	[sflag:s9] =	ssyncset.done $0x0  }
0x123: {  	[sflag:s9] =	ssyncadd.s32 $0xFFFFEC00  }
0x124: {  	[spmem:s1] =	stream.indirect.scatter.add.f32 [tilespmem:s2], [sflag:$0x6], $0x80, s10, s28, $0xb8;
	[tilespmem:$0x1FF00] =	vst v63  }
0x125: {  	_ =	swait.ge [sflag:s11], $0x1400  }
0x126: {  	[sflag:s11] =	ssyncset.done $0x0  }
0x127: {  	[sflag:s11] =	ssyncadd.s32 $0xFFFFEC00  }
0x128: {  	v1 =	vld [tilespmem:$0x1BB80];
	_ =	sdelay $0x1  }
0x129: {  	v2 =	vld [tilespmem:$0x1BB90];
	_ =	sdelay $0x1  }
0x12a: {  	v3 =	vld [tilespmem:$0x1BB98]  }
0x12b: {  	v61 =	vand.u32 $0xFFFF, v1  }
0x12c: {  	v1 =	vshrl.u32 v1, $0x10;
	[tilespmem:$0x1C080] =	vst v61  }
0x12d: {  	[tilespmem:$0x1C200] =	vst v1;
	v1 =	vand.u32 $0xFFFF, v2  }
0x12e: {  	[tilespmem:$0x1C090] =	vst v1;
	v1 =	vshrl.u32 v2, $0x10  }
0x12f: {  	[tilespmem:$0x1C210] =	vst v1;
	v1 =	vand.u32 $0xFFFF, v3  }
0x130: {  	[tilespmem:$0x1C098] =	vst v1;
	v1 =	vshrl.u32 v3, $0x10  }
0x131: {  	[tilespmem:$0x1C218] =	vst v1  }
0x132: {  	[tilespmem:s31], [sflag:$0x2] =	stream.indirect.gather [hbm4b:s4+s28], $0x80, s30, s28, $0xb8;
	[tilespmem:$0x1FF00] =	vst v63  }
0x133: {  	_ =	swait.ge [sflag:s0], $0x1400  }
0x134: {  	[sflag:s0] =	ssyncset.done $0x0  }
0x135: {  	[sflag:s0] =	ssyncadd.s32 $0xFFFFEC00  }
0x136: {  	[spmem:s1] =	stream.indirect.scatter.add.f32 [tilespmem:s24], [sflag:$0x4], $0x80, s3, s28, $0xb8;
	[tilespmem:$0x1FF00] =	vst v63  }
0x137: {  	_ =	swait.ge [sflag:s12], $0x1400  }
0x138: {  	[sflag:s12] =	ssyncset.done $0x0  }
0x139: {  	[sflag:s12] =	ssyncadd.s32 $0xFFFFEC00  }
0x13a: {  	v1 =	vld [tilespmem:$0x1BC00];
	_ =	sdelay $0x1  }
0x13b: {  	v2 =	vld [tilespmem:$0x1BC10];
	_ =	sdelay $0x1  }
0x13c: {  	v3 =	vld [tilespmem:$0x1BC18]  }
0x13d: {  	v62 =	vand.u32 $0xFFFF, v1  }
0x13e: {  	v1 =	vshrl.u32 v1, $0x10;
	[tilespmem:$0x1C100] =	vst v62  }
0x13f: {  	[tilespmem:$0x1C280] =	vst v1;
	v1 =	vand.u32 $0xFFFF, v2  }
0x140: {  	[tilespmem:$0x1C110] =	vst v1;
	v1 =	vshrl.u32 v2, $0x10  }
0x141: {  	[tilespmem:$0x1C290] =	vst v1;
	v1 =	vand.u32 $0xFFFF, v3  }
0x142: {  	[tilespmem:$0x1C118] =	vst v1;
	v1 =	vshrl.u32 v3, $0x10  }
0x143: {  	[tilespmem:$0x1C298] =	vst v1  }
0x144: {  	[tilespmem:s2], [sflag:$0x3] =	stream.indirect.gather [hbm4b:s4+s28], $0x80, s26, s28, $0xb8;
	[tilespmem:$0x1FF00] =	vst v63  }
0x145: {  	_ =	swait.ge [sflag:s6], $0x1400  }
0x146: {  	[sflag:s6] =	ssyncset.done $0x0  }
0x147: {  	[sflag:s6] =	ssyncadd.s32 $0xFFFFEC00  }
0x148: {  	[spmem:s1] =	stream.indirect.scatter.add.f32 [tilespmem:s31], [sflag:$0x5], $0x80, s7, s28, $0xb8;
	[tilespmem:$0x1FF00] =	vst v63  }
0x149: {  	_ =	swait.ge [sflag:s8], $0x1400  }
0x14a: {  	[sflag:s8] =	ssyncset.done $0x0  }
0x14b: {  	[sflag:s8] =	ssyncadd.s32 $0xFFFFEC00  }
0x14c: {  	v1 =	vld [tilespmem:$0x1BC80];
	_ =	sdelay $0x1  }
0x14d: {  	v2 =	vld [tilespmem:$0x1BC90];
	_ =	sdelay $0x1  }
0x14e: {  	v3 =	vld [tilespmem:$0x1BC98]  }
0x14f: {  	v63 =	vand.u32 $0xFFFF, v1  }
0x150: {  	v1 =	vshrl.u32 v1, $0x10;
	[tilespmem:$0x1C000] =	vst v63  }
0x151: {  	[tilespmem:$0x1C180] =	vst v1;
	v1 =	vand.u32 $0xFFFF, v2  }
0x152: {  	[tilespmem:$0x1C010] =	vst v1;
	v1 =	vshrl.u32 v2, $0x10  }
0x153: {  	[tilespmem:$0x1C190] =	vst v1;
	v1 =	vand.u32 $0xFFFF, v3  }
0x154: {  	[tilespmem:$0x1C018] =	vst v1;
	v1 =	vshrl.u32 v3, $0x10  }
0x155: {  	[tilespmem:$0x1C198] =	vst v1  }
0x156: {  	[tilespmem:s24], [sflag:$0x1] =	stream.indirect.gather [hbm4b:s4+s28], $0x80, s29, s28, $0xb8;
	[tilespmem:$0x1FF00] =	vst v63  }
0x157: {  	_ =	swait.ge [sflag:s9], $0x1400  }
0x158: {  	[sflag:s9] =	ssyncset.done $0x0  }
0x159: {  	[sflag:s9] =	ssyncadd.s32 $0xFFFFEC00  }
0x15a: {  	[spmem:s1] =	stream.indirect.scatter.add.f32 [tilespmem:s2], [sflag:$0x6], $0x80, s10, s28, $0xb8;
	[tilespmem:$0x1FF00] =	vst v63  }
0x15b: {  	_ =	swait.ge [sflag:s0], $0x1400  }
0x15c: {  	[sflag:s0] =	ssyncset.done $0x0  }
0x15d: {  	[sflag:s0] =	ssyncadd.s32 $0xFFFFEC00  }
0x15e: {  	[spmem:s1] =	stream.indirect.scatter.add.f32 [tilespmem:s24], [sflag:$0x4], $0x80, s3, s28, $0xb8;
	[tilespmem:$0x1FF00] =	vst v63  }
0x15f: {  	_ =	swait.ge [sflag:s8], $0x1400  }
0x160: {  	[sflag:s8] =	ssyncset.done $0x0  }
0x161: {  	[sflag:s8] =	ssyncadd.s32 $0xFFFFEC00  }
0x162: {  	_ =	swait.ge [sflag:s11], $0x1400  }
0x163: {  	[sflag:s11] =	ssyncset.done $0x0  }
0x164: {  	[sflag:s11] =	ssyncadd.s32 $0xFFFFEC00  }
0x165: {  	s16 =	stileid.u32;
	_ =	swait.ge [sflag:s12], $0x1400  }
0x166: {  	s15 =	sshrl.u32 s5, $0x3;
	s13 =	sadd.s32 $0x1, s13;
	[sflag:s12] =	ssyncset.done $0x0  }
0x167: {  	s14 =	sshll.u32 s16, $0x6;
	p0 =	sne.s32 s13, s23;
	[sflag:s12] =	ssyncadd.s32 $0xFFFFEC00  }
.Ltmp2:
0x168: {  	s14 =	sor.u32 $0x1C07, s14;
	[bflag:$0x0] =	sbarrier.arrive $0xFFFF;
	(pc) =	sbr.rel @p0 .LBB2_1-.Ltmp2, $4  }
0x169: {  	[hbm:s22], [sflag:s14] =	dma.local [spmem:s15], $0x2800  }
0x16a: {  	_ =	swait.ge [sflag:s25], $0x2800  }
0x16b: {  	[sflag:s25] =	ssyncset.done $0x0  }
0x16c: {  	[sflag:s25] =	ssyncadd.s32 $0xFFFFD800  }
0x16d: {  	_ =	sfence.sel $0x180000  }
0x16e: {  	[bflag:$0x0] =	sbarrier.arrive $0xFFFF  }
0x16f: {  	_ =	strace $0x9000004A  }
0x170: {  	s0 =	stileid.u32;
	[bflag:$0x2] =	sbarrier.arrive $0xFFFF  }
0x171: {  	p0 =	sne.s32 s0, $0x0;
	s0 =	rddreg [dreg:$0x2]  }
0x172: {  	s0 =	sadd.s32 @!p0 $0x100000, s0  }
0x173: {  	[sflag:s0] =	ssyncadd.tile.s32 @!p0 $0x1;
	_ =	shalt  }
.Lfunc_end2:
_tile_overlayer_lowered:
.L_overlay_start_2:
0x174: {  	(tag) =	ssettag $0x2  }
0x175: {  	s0 =	rddreg [dreg:$0x0];
	s2 =	stileid.u32  }
0x176: {  	s1 =	rddreg [dreg:$0x1];
	p0 =	sne.s32 s2, $0x0  }
0x177: {  	s3 =	rddreg [dreg:$0x2];
	[bflag:$0x3] =	sbarrier.arrive $0xFFFF;
	s2 =	simm.s32 @!p0 $0x1C07  }
0x178: {  	[timem:s3], [sflag:s2] =	dma.local @!p0 [hbm:s0], s1  }
0x179: {  	s0 =	simm.s32 @!p0 $0x7  }
0x17a: {  	_ =	swait.ge @!p0 [sflag:s0], s1  }
0x17b: {  	s1 =	ssub.s32 @!p0 $0x0, s1;
	[sflag:s0] =	ssyncset.done @!p0 $0x0  }
0x17c: {  	[sflag:s0] =	ssyncadd.s32 @!p0 s1  }
0x17d: {  	[bflag:$0x3] =	sbarrier.arrive $0xFFFF  }
0x17e: {  	_ =	shalt  }

// kernel: kernel.14.cloned.1.call-start
scs
__scs_entry_jumppad:
0x0: {  	(pc) =	sbr.rel $0x88, $3  }
0x1: {  	(tag) =	ssettag $0x0;
	lr =	simm.s32 $0x1  }
0x2: {  	[smem:$0x3F93] =	sst lr;
	_ =	strace $0xD0000000  }
0x3: {  	_ = 	snop  }
0x4: {  	_ = 	snop  }
0x5: {  	_ = 	snop  }
0x6: {  	_ = 	snop  }
0x7: {  	_ = 	snop  }
__scs_overlays_trampoline_lowered:
0x8: {  	[smem:$0x3FA2] =	sst s0  }
0x9: {  	[smem:$0x3FA3] =	sst s1  }
0xa: {  	[smem:$0x3FA4] =	sst s2  }
0xb: {  	[smem:$0x3FA5] =	sst s3  }
0xc: {  	[smem:$0x3FA6] =	sst s4  }
0xd: {  	[smem:$0x3FA7] =	sst s5  }
0xe: {  	[smem:$0x3FA8] =	sst s6  }
0xf: {  	[smem:$0x3FA9] =	sst s7  }
0x10: {  	[smem:$0x3FAA] =	sst s8  }
0x11: {  	[smem:$0x3FAB] =	sst s9;
	s0 =	simm.s32 @!p0 $0x0  }
0x12: {  	s1 =	sld [smem:$0x3F91];
	s0 =	simm.s32 @p0 $0x1  }
0x13: {  	[smem:$0x3FAC] =	sst s0;
	s0 =	simm.s32 @!p1 $0x0  }
0x14: {  	s2 =	sld [smem:$0x3F90];
	s0 =	simm.s32 @p1 $0x1  }
0x15: {  	[smem:$0x3FAD] =	sst s0;
	s0 =	simm.s32 @!p2 $0x0  }
0x16: {  	s3 =	sld [smem:$0x3FDB];
	s0 =	simm.s32 @p2 $0x1  }
0x17: {  	s4 =	simm.s32 $0x1BF5;
	[smem:$0x3FAF] =	sst s0  }
0x18: {  	s0 =	sld [smem:$0x3F92];
	_ =	swait.ge [sflag:s4], $0x0  }
0x19: {  	s7 =	sld [smem:$0x3F93]  }
0x1a: {  	s8 =	sadd.s32 $0xFFFFE003, lr  }
0x1b: {  	s9 =	sadd.s32 $0xFFFFFEF7, lr;
	s5 =	simm.s32 $0xFFFFFFFF;
	p2 =	slt.u32 s8, $0xFFFFF086  }
0x1c: {  	p1 =	slt.u32 s9, $0xF7A;
	s5 =	simm.s32 @!p2 $0x0  }
0x1d: {  	s5 =	simm.s32 @p1 $0x1;
	p0 =	seq.s32 s7, s2  }
0x1e: {  	s7 =	smul.u32 @!p0 $0xF7A, s2;
	p2 =	seq.s32 @!p0 s5, $0x0  }
0x1f: {  	s9 =	smul.u32 $0xF7A, s1;
	s8 =	simm.s32 @!p0 $0x1BF5;
	p2 =	por !p2, p0  }
0x20: {  	[sflag:s8] =	ssyncset.s32 @!p0 $0xFFFFF086;
	s6 =	sadd.s32 @!p0 s3, s7;
	s7 =	simm.s32 @!p0 $0x108  }
0x21: {  	s3 =	sadd.s32 s3, s9;
	s6 =	sadd.s32 @!p0 $0x88, s6;
	s7 =	simm.s32 @p2 $0x1082  }
0x22: {  	[simem:s7], [sflag:s8] =	dma.local @!p0 [hbm:s6], $0xF7A  }
0x23: {  	s9 =	sor.u32 $0xD0000000, s2;
	s6 =	simm.s32 $0x108;
	_ =	swait.ge @!p0 [sflag:s8], $0x0  }
0x24: {  	s3 =	sadd.s32 $0x88, s3;
	s6 =	simm.s32 @!p1 $0x1082;
	[sflag:s4] =	ssyncset.s32 $0xFFFFF086  }
0x25: {  	[simem:s6], [sflag:s4] =	dma.local [hbm:s3], $0xF7A  }
0x26: {  	[smem:$0x3F93] =	sst s1;
	(tag) =	ssettag s2;
	_ =	strace s9  }
0x27: {  	s1 =	sld [smem:$0x3FA3]  }
0x28: {  	s2 =	sld [smem:$0x3FA4]  }
0x29: {  	s4 =	sld [smem:$0x3FA6]  }
0x2a: {  	p0 =	seq.s32 s5, $0x0;
	s5 =	sld [smem:$0x3FA7]  }
0x2b: {  	s6 =	sld [smem:$0x3FA8]  }
0x2c: {  	s7 =	sld [smem:$0x3FA9]  }
0x2d: {  	s3 =	simm.s32 $0x108;
	s8 =	sld [smem:$0x3FAA]  }
0x2e: {  	s3 =	simm.s32 @!p0 $0x1082;
	s9 =	sld [smem:$0x3FAB]  }
0x2f: {  	lr =	sadd.s32 s0, s3;
	s0 =	sld [smem:$0x3FA2]  }
0x30: {  	s3 =	sld [smem:$0x3FA5]  }
0x31: {  	[smem:$0x3FAE] =	sst s10  }
0x32: {  	s10 =	sld [smem:$0x3FAC];
	_ =	sdelay $0x3  }
0x33: {  	p0 =	seq.s32 s10, $0x1;
	s10 =	sld [smem:$0x3FAE];
	_ =	sdelay $0x3  }
0x34: {  	[smem:$0x3FAE] =	sst s10  }
0x35: {  	s10 =	sld [smem:$0x3FAD];
	_ =	sdelay $0x3  }
0x36: {  	p1 =	seq.s32 s10, $0x1;
	s10 =	sld [smem:$0x3FAE];
	_ =	sdelay $0x3  }
0x37: {  	[smem:$0x3FAE] =	sst s10  }
0x38: {  	s10 =	sld [smem:$0x3FAF]  }
0x39: {  	_ = 	snop;
	(pc) =	sbr.ind lr, $3  }
0x3a: {  	_ = 	snop  }
0x3b: {  	_ = 	snop  }
0x3c: {  	p2 =	seq.s32 s10, $0x1;
	s10 =	sld [smem:$0x3FAE]  }
0x3d: {  	_ =	shalt  }
0x3e: {  	_ =	shalt  }
0x3f: {  	_ =	shalt  }
0x40: {  	_ =	shalt  }
0x41: {  	_ =	shalt  }
0x42: {  	_ =	shalt  }
0x43: {  	_ =	shalt  }
0x44: {  	_ =	shalt  }
0x45: {  	_ =	shalt  }
0x46: {  	_ =	shalt  }
0x47: {  	_ =	shalt  }
0x48: {  	_ =	shalt  }
0x49: {  	_ =	shalt  }
0x4a: {  	_ =	shalt  }
0x4b: {  	_ =	shalt  }
0x4c: {  	_ =	shalt  }
0x4d: {  	_ =	shalt  }
0x4e: {  	_ =	shalt  }
0x4f: {  	_ =	shalt  }
0x50: {  	_ =	shalt  }
0x51: {  	_ =	shalt  }
0x52: {  	_ =	shalt  }
0x53: {  	_ =	shalt  }
0x54: {  	_ =	shalt  }
0x55: {  	_ =	shalt  }
0x56: {  	_ =	shalt  }
0x57: {  	_ =	shalt  }
0x58: {  	_ =	shalt  }
0x59: {  	_ =	shalt  }
0x5a: {  	_ =	shalt  }
0x5b: {  	_ =	shalt  }
0x5c: {  	_ =	shalt  }
0x5d: {  	_ =	shalt  }
0x5e: {  	_ =	shalt  }
0x5f: {  	_ =	shalt  }
0x60: {  	_ =	shalt  }
0x61: {  	_ =	shalt  }
0x62: {  	_ =	shalt  }
0x63: {  	_ =	shalt  }
0x64: {  	_ =	shalt  }
0x65: {  	_ =	shalt  }
0x66: {  	_ =	shalt  }
0x67: {  	_ =	shalt  }
0x68: {  	_ =	shalt  }
0x69: {  	_ =	shalt  }
0x6a: {  	_ =	shalt  }
0x6b: {  	_ =	shalt  }
0x6c: {  	_ =	shalt  }
0x6d: {  	_ =	shalt  }
0x6e: {  	_ =	shalt  }
0x6f: {  	_ =	shalt  }
0x70: {  	_ =	shalt  }
0x71: {  	_ =	shalt  }
0x72: {  	_ =	shalt  }
0x73: {  	_ =	shalt  }
0x74: {  	_ =	shalt  }
0x75: {  	_ =	shalt  }
0x76: {  	_ =	shalt  }
0x77: {  	_ =	shalt  }
0x78: {  	_ =	shalt  }
0x79: {  	_ =	shalt  }
0x7a: {  	_ =	shalt  }
0x7b: {  	_ =	shalt  }
0x7c: {  	_ =	shalt  }
0x7d: {  	_ =	shalt  }
0x7e: {  	_ =	shalt  }
0x7f: {  	_ =	shalt  }
0x80: {  	_ =	shalt  }
0x81: {  	_ =	shalt  }
0x82: {  	_ =	shalt  }
0x83: {  	_ =	shalt  }
0x84: {  	_ =	shalt  }
0x85: {  	_ =	shalt  }
0x86: {  	_ =	shalt  }
0x87: {  	_ =	shalt  }
.Lfunc_end0:
.L_simem_size_0:
called_computation.2_lowered:
.L_overlay_start_0:
0x88: {  	s2 =	sld [smem:$0x3FD9]  }
0x89: {  	s3 =	sld [smem:$0x3FFE];
	_ =	sdelay $0x1  }
0x8a: {  	s1 =	srdreg.scid  }
0x8b: {  	s0 =	sand.u32 $0x1, s1  }
0x8c: {  	s16 =	sshll.u32 s0, $0xA;
	s2 =	sadd.s32 s3, s2  }
0x8d: {  	s2 =	sadd.s32 s2, s16  }
0x8e: {  	[smem:$0x3FBA] =	sst s2  }
0x8f: {  	_ = 	snop  }
0x90: {  	(tm) =	ssettm $0x1  }
0x91: {  	s17 =	sld [smem:$0x3FFB];
	_ =	sdelay $0x3  }
0x92: {  	_ =	strace s17  }
0x93: {  	s2 =	sld [smem:$0x3FFC];
	_ =	sdelay $0x3  }
0x94: {  	_ =	strace s2  }
0x95: {  	s2 =	sld [smem:$0x3FFD];
	_ =	sdelay $0x3  }
0x96: {  	_ =	strace s2  }
0x97: {  	_ =	strace $0x8FFFFFFF  }
0x98: {  	s18 =	sld [smem:$0x3FDB];
	_ =	sdelay $0x1  }
0x99: {  	s19 =	simm.s32 $_scs_section_size  }
0x9a: {  	s4 =	simm.s32 $_size__tile_overlayer_lowered;
	s5 =	simm.s32 $_tile_overlayer_lowered  }
0x9b: {  	s22 =	simm.s32 $0x1BFF;
	s21 =	sshll.u32 s5, $0x1;
	s2 =	sadd.s32 s19, s18  }
0x9c: {  	s6 =	simm.s32 $0x0;
	s20 =	sshll.u32 s4, $0x1;
	s4 =	sadd.s32 s21, s2  }
0x9d: {  	[timem:s6], [sflag:s22] =	dma.local [hbm:s4], s20  }
0x9e: {  	_ =	swait.ge [sflag:s22], s20  }
0x9f: {  	s3 =	ssub.s32 $0x0, s20;
	[sflag:s22] =	ssyncset.done $0x0  }
0xa0: {  	[sflag:s22] =	ssyncadd.s32 s3;
	_ =	sdelay $0x1  }
0xa1: {  	s23 =	simm.s32 $0x1B8B  }
0xa2: {  	_ =	swait.ge [sflag:s23], $0x1  }
0xa3: {  	[sflag:s23] =	ssyncset.done $0x0  }
0xa4: {  	s25 =	simm.s32 $0x1B8E;
	s24 =	sld [smem:$0x3FFE];
	[sflag:s23] =	ssyncadd.s32 $0xFFFFFFFF  }
0xa5: {  	s26 =	simm.s32 $execute0_lowered;
	[smem:$0x3FD2] =	sst s25  }
0xa6: {  	s4 =	sshll.u32 s26, $0x1;
	_ =	strace $0x8000004C;
	[dreg:$0x1] =	wrdreg $0xFFFFFFFF  }
0xa7: {  	s28 =	simm.s32 $_size_execute0_lowered;
	s2 =	sadd.s32 s2, s4;
	[dreg:$0x0] =	wrdreg $0x0  }
0xa8: {  	s4 =	sshll.u32 s28, $0x1;
	[dreg:$0x2] =	wrdreg s2  }
0xa9: {  	[dreg:$0x3] =	wrdreg s4  }
0xaa: {  	[dreg:$0x4] =	wrdreg $0xC0  }
0xab: {  	_ =	task [dreg:s6], $0x5FFFF  }
0xac: {  	[dreg:$0x1] =	wrdreg $0xFFFFFFFF  }
0xad: {  	[dreg:$0x0] =	wrdreg $0x60  }
0xae: {  	[dreg:$0x2] =	wrdreg s24  }
0xaf: {  	[dreg:$0x3] =	wrdreg $0x0  }
0xb0: {  	[dreg:$0x4] =	wrdreg $0x9  }
0xb1: {  	_ =	task.clear_ibuf [dreg:s6], $0x5FFFF;
	_ =	strace $0x9000004C  }
0xb2: {  	s29 =	simm.s32 $0x9;
	_ =	strace $0x8000004E  }
0xb3: {  	_ =	swait.ge [sflag:s29], $0x1  }
0xb4: {  	[sflag:s29] =	ssyncadd.s32 $0xFFFFFFFF  }
0xb5: {  	_ =	strace $0x9000004E  }
0xb6: {  	_ =	sfence  }
0xb7: {  	s30 =	sld [smem:$0x0];
	_ =	sdelay $0x2  }
0xb8: {  	s31 =	sshll.u32 s1, $0xD;
	s1 =	sshrl.u32 s1, $0x2  }
0xb9: {  	s3 =	sand.u32 $0x4000, s31;
	s1 =	sadd.s32 s1, s30  }
0xba: {  	s0 =	sor.u32 s3, s0;
	s1 =	sshll.u32 s1, $0x11  }
0xbb: {  	s0 =	sor.u32 s1, s0  }
0xbc: {  	s0 =	sadd.s32 $0x8F2B, s0  }
0xbd: {  	[sflag:s0] =	ssyncadd.remote.s32 $0x1  }
0xbe: {  	_ =	sfence.sel $0xFFFF  }
0xbf: {  	[dreg:$0x0] =	wrdreg $0xFFFFFFFF;
	(pc) =	sbr.abs _section_cstart, $3  }
0xc0: {  	[dreg:$0x1] =	wrdreg $0xFFFFFFFF  }
0xc1: {  	_ =	task.clear_ibuf [dreg:s6], $0x2FFFF;
	_ =	strace $0x9FFFFFFF  }
0xc2: {  	(tm) =	ssettm $0x7FFFFFFF  }
0xc3: {  	_ =	shalt  }
tec
execute0_lowered:
.L_overlay_start_1:
0x0: {  	(tag) =	ssettag $0x1  }
0x1: {  	s0 =	rddreg [dreg:$0x0]  }
0x2: {  	s1 =	rddreg [dreg:$0x1]  }
0x3: {  	s3 =	simm.s32 $0x0;
	s2 =	srdreg.scid;
	s8 =	stileid.u32  }
0x4: {  	s28 =	simm.s32 $0x28;
	s29 =	simm.s32 $0x1C000;
	s5 =	smul.u32 $0x14000, s8  }
0x5: {  	s30 =	simm.s32 $0x1C080;
	s2 =	sand.u32 $0x1, s2;
	s7 =	smul.u32 $0x50000, s8  }
0x6: {  	s31 =	simm.s32 $0x1D700;
	s9 =	simm.s32 $0x3;
	s13 =	smul.u32 $0x140000, s2  }
0x7: {  	s10 =	simm.s32 $0x1C280;
	s11 =	simm.s32 $0x5;
	s7 =	sshrl.u32 s7, $0x2  }
0x8: {  	[smem:$0x7FF] =	sst s3;
	s3 =	sadd.s32 s5, s13;
	s5 =	sadd.s32 s7, s1  }
0x9: {  	s12 =	simm.s32 $0x6;
	s4 =	sadd.s32 $0x22E00, s0;
	s15 =	sadd.s32 $0x1400, s5  }
0xa: {  	_ =	strace $0x8000004D;
	s16 =	sadd.s32 $0x2800, s5;
	[dreg:$0x3] =	wrdreg s15  }
0xb: {  	s26 =	sshll.u32 s8, $0xD;
	s17 =	sadd.s32 $0x3C00, s5;
	[dreg:$0x4] =	wrdreg s16  }
0xc: {  	s8 =	simm.s32 $0x4;
	s18 =	sadd.s32 $0x5000, s5;
	[dreg:$0x5] =	wrdreg s17  }
0xd: {  	s6 =	sshll.u32 s2, $0xC;
	s19 =	sadd.s32 $0x6400, s5;
	[dreg:$0x6] =	wrdreg s18  }
0xe: {  	s2 =	ssub.s32 $0x2, s2;
	s20 =	sadd.s32 $0x7800, s5;
	[dreg:$0x7] =	wrdreg s19  }
0xf: {  	s6 =	sadd.s32 s6, s0;
	s21 =	sadd.s32 $0x8C00, s5;
	[dreg:$0x8] =	wrdreg s20  }
0x10: {  	s14 =	sshrl.u32 s2, $0x1;
	s22 =	sadd.s32 $0xA000, s5;
	[dreg:$0x9] =	wrdreg s21  }
0x11: {  	s2 =	ssub.s32 s2, s14;
	s23 =	sadd.s32 $0xB400, s5;
	[dreg:$0xa] =	wrdreg s22  }
0x12: {  	s7 =	simm.s32 $0x1C200;
	s24 =	sadd.s32 $0xC800, s5;
	[dreg:$0xb] =	wrdreg s23  }
0x13: {  	s3 =	sshrl.u32 s3, $0x3;
	s25 =	sadd.s32 $0xDC00, s5;
	[dreg:$0xc] =	wrdreg s24  }
0x14: {  	s13 =	simm.s32 $0x0;
	s0 =	sadd.s32 s3, s0;
	[dreg:$0xd] =	wrdreg s25  }
0x15: {  	s17 =	sadd.s32 $0xF000, s5;
	s18 =	sadd.s32 $0x10400, s5;
	s3 =	sadd.s32 s26, s6  }
0x16: {  	s19 =	sadd.s32 $0x11800, s5;
	s20 =	sadd.s32 $0x12C00, s5;
	s23 =	smax.u32 s2, $0x1  }
0x17: {  	s24 =	simm.s32 $0x1C300;
	s25 =	simm.s32 $0x7;
	s26 =	simm.s32 $0x1C100  }
0x18: {  	s2 =	simm.s32 $0x1EB00;
	s6 =	simm.s32 $0x2;
	s21 =	sadd.s32 $0x2E00, s3  }
0x19: {  	v0 =	vimm.f32 $0.0e+00;
	s22 =	sadd.s32 $0x4A000, s0;
	s0 =	simm.s32 $0x1;
	s3 =	simm.s32 $0x1C180  }
.LBB2_1:
0x1a: {  	s14 =	simm.s32 $0x0;
	s15 =	simm.s32 $0x200  }
.LBB2_2:
0x1b: {  	p0 =	sne.s32 s15, $0x4E00;
	[tilespmem:s14+$0x1C370] =	vst v0  }
0x1c: {  	[tilespmem:s14+$0x1C300] =	vst v0  }
0x1d: {  	[tilespmem:s14+$0x1C310] =	vst v0  }
.Ltmp0:
0x1e: {  	[tilespmem:s14+$0x1C320] =	vst v0;
	(pc) =	sbr.rel @p0 .LBB2_2-.Ltmp0, $4  }
0x1f: {  	[tilespmem:s14+$0x1C330] =	vst v0  }
0x20: {  	[tilespmem:s14+$0x1C340] =	vst v0  }
0x21: {  	[tilespmem:s14+$0x1C350] =	vst v0  }
0x22: {  	[tilespmem:s14+$0x1C360] =	vst v0;
	s14 =	sshra.s32 s15, $0x2;
	s15 =	sadd.s32 $0x200, s15  }
0x23: {  	[tilespmem:s14+$0x1C370] =	vst v0  }
0x24: {  	[tilespmem:s14+$0x1C300] =	vst v0  }
0x25: {  	[tilespmem:s14+$0x1C310] =	vst v0  }
0x26: {  	[tilespmem:s14+$0x1C320] =	vst v0  }
0x27: {  	[tilespmem:s14+$0x1C330] =	vst v0  }
0x28: {  	[tilespmem:s14+$0x1C340] =	vst v0  }
0x29: {  	[tilespmem:s14+$0x1C350] =	vst v0  }
0x2a: {  	[tilespmem:s14+$0x1C360] =	vst v0  }
0x2b: {  	[spmem:s5] =	stream.linear.scatter [tilespmem:s24], [sflag:$0x7], $0x1400, $0x38;
	[tilespmem:$0x1FF00] =	vst v63  }
0x2c: {  	_ =	swait.ge [sflag:s25], $0x1400  }
0x2d: {  	[sflag:s25] =	ssyncset.done $0x0  }
0x2e: {  	s15 =	rddreg [dreg:$0x3];
	[sflag:s25] =	ssyncadd.s32 $0xFFFFEC00  }
0x2f: {  	[spmem:s15] =	stream.linear.scatter [tilespmem:s24], [sflag:$0x7], $0x1400, $0x38;
	[tilespmem:$0x1FF00] =	vst v63  }
0x30: {  	_ =	swait.ge [sflag:s25], $0x1400  }
0x31: {  	[sflag:s25] =	ssyncset.done $0x0  }
0x32: {  	s16 =	rddreg [dreg:$0x4];
	[sflag:s25] =	ssyncadd.s32 $0xFFFFEC00  }
0x33: {  	[spmem:s16] =	stream.linear.scatter [tilespmem:s24], [sflag:$0x7], $0x1400, $0x38;
	[tilespmem:$0x1FF00] =	vst v63  }
0x34: {  	_ =	swait.ge [sflag:s25], $0x1400  }
0x35: {  	[sflag:s25] =	ssyncset.done $0x0  }
0x36: {  	s15 =	rddreg [dreg:$0x5];
	[sflag:s25] =	ssyncadd.s32 $0xFFFFEC00  }
0x37: {  	[spmem:s15] =	stream.linear.scatter [tilespmem:s24], [sflag:$0x7], $0x1400, $0x38;
	[tilespmem:$0x1FF00] =	vst v63  }
0x38: {  	_ =	swait.ge [sflag:s25], $0x1400  }
0x39: {  	[sflag:s25] =	ssyncset.done $0x0  }
0x3a: {  	s16 =	rddreg [dreg:$0x6];
	[sflag:s25] =	ssyncadd.s32 $0xFFFFEC00  }
0x3b: {  	[spmem:s16] =	stream.linear.scatter [tilespmem:s24], [sflag:$0x7], $0x1400, $0x38;
	[tilespmem:$0x1FF00] =	vst v63  }
0x3c: {  	_ =	swait.ge [sflag:s25], $0x1400  }
0x3d: {  	[sflag:s25] =	ssyncset.done $0x0  }
0x3e: {  	s15 =	rddreg [dreg:$0x7];
	[sflag:s25] =	ssyncadd.s32 $0xFFFFEC00  }
0x3f: {  	[spmem:s15] =	stream.linear.scatter [tilespmem:s24], [sflag:$0x7], $0x1400, $0x38;
	[tilespmem:$0x1FF00] =	vst v63  }
0x40: {  	_ =	swait.ge [sflag:s25], $0x1400  }
0x41: {  	[sflag:s25] =	ssyncset.done $0x0  }
0x42: {  	s16 =	rddreg [dreg:$0x8];
	[sflag:s25] =	ssyncadd.s32 $0xFFFFEC00  }
0x43: {  	[spmem:s16] =	stream.linear.scatter [tilespmem:s24], [sflag:$0x7], $0x1400, $0x38;
	[tilespmem:$0x1FF00] =	vst v63  }
0x44: {  	_ =	swait.ge [sflag:s25], $0x1400  }
0x45: {  	[sflag:s25] =	ssyncset.done $0x0  }
0x46: {  	s15 =	rddreg [dreg:$0x9];
	[sflag:s25] =	ssyncadd.s32 $0xFFFFEC00  }
0x47: {  	[spmem:s15] =	stream.linear.scatter [tilespmem:s24], [sflag:$0x7], $0x1400, $0x38;
	[tilespmem:$0x1FF00] =	vst v63  }
0x48: {  	_ =	swait.ge [sflag:s25], $0x1400  }
0x49: {  	[sflag:s25] =	ssyncset.done $0x0  }
0x4a: {  	s16 =	rddreg [dreg:$0xa];
	[sflag:s25] =	ssyncadd.s32 $0xFFFFEC00  }
0x4b: {  	[spmem:s16] =	stream.linear.scatter [tilespmem:s24], [sflag:$0x7], $0x1400, $0x38;
	[tilespmem:$0x1FF00] =	vst v63  }
0x4c: {  	_ =	swait.ge [sflag:s25], $0x1400  }
0x4d: {  	[sflag:s25] =	ssyncset.done $0x0  }
0x4e: {  	s15 =	rddreg [dreg:$0xb];
	[sflag:s25] =	ssyncadd.s32 $0xFFFFEC00  }
0x4f: {  	[spmem:s15] =	stream.linear.scatter [tilespmem:s24], [sflag:$0x7], $0x1400, $0x38;
	[tilespmem:$0x1FF00] =	vst v63  }
0x50: {  	_ =	swait.ge [sflag:s25], $0x1400  }
0x51: {  	[sflag:s25] =	ssyncset.done $0x0  }
0x52: {  	s16 =	rddreg [dreg:$0xc];
	[sflag:s25] =	ssyncadd.s32 $0xFFFFEC00  }
0x53: {  	[spmem:s16] =	stream.linear.scatter [tilespmem:s24], [sflag:$0x7], $0x1400, $0x38;
	[tilespmem:$0x1FF00] =	vst v63  }
0x54: {  	_ =	swait.ge [sflag:s25], $0x1400  }
0x55: {  	[sflag:s25] =	ssyncset.done $0x0  }
0x56: {  	s15 =	rddreg [dreg:$0xd];
	[sflag:s25] =	ssyncadd.s32 $0xFFFFEC00  }
0x57: {  	[spmem:s15] =	stream.linear.scatter [tilespmem:s24], [sflag:$0x7], $0x1400, $0x38;
	[tilespmem:$0x1FF00] =	vst v63  }
0x58: {  	_ =	swait.ge [sflag:s25], $0x1400  }
0x59: {  	[sflag:s25] =	ssyncset.done $0x0  }
0x5a: {  	[sflag:s25] =	ssyncadd.s32 $0xFFFFEC00  }
0x5b: {  	[spmem:s17] =	stream.linear.scatter [tilespmem:s24], [sflag:$0x7], $0x1400, $0x38;
	[tilespmem:$0x1FF00] =	vst v63  }
0x5c: {  	_ =	swait.ge [sflag:s25], $0x1400  }
0x5d: {  	[sflag:s25] =	ssyncset.done $0x0  }
0x5e: {  	[sflag:s25] =	ssyncadd.s32 $0xFFFFEC00  }
0x5f: {  	[spmem:s18] =	stream.linear.scatter [tilespmem:s24], [sflag:$0x7], $0x1400, $0x38;
	[tilespmem:$0x1FF00] =	vst v63  }
0x60: {  	_ =	swait.ge [sflag:s25], $0x1400  }
0x61: {  	[sflag:s25] =	ssyncset.done $0x0  }
0x62: {  	[sflag:s25] =	ssyncadd.s32 $0xFFFFEC00  }
0x63: {  	[spmem:s19] =	stream.linear.scatter [tilespmem:s24], [sflag:$0x7], $0x1400, $0x38;
	[tilespmem:$0x1FF00] =	vst v63  }
0x64: {  	_ =	swait.ge [sflag:s25], $0x1400  }
0x65: {  	[sflag:s25] =	ssyncset.done $0x0  }
0x66: {  	[sflag:s25] =	ssyncadd.s32 $0xFFFFEC00  }
0x67: {  	[spmem:s20] =	stream.linear.scatter [tilespmem:s24], [sflag:$0x7], $0x1400, $0x38;
	[tilespmem:$0x1FF00] =	vst v63  }
0x68: {  	_ =	swait.ge [sflag:s25], $0x1400  }
0x69: {  	[sflag:s25] =	ssyncset.done $0x0  }
0x6a: {  	s16 =	simm.s32 $0x0;
	s15 =	simm.s32 $0x14000;
	[sflag:s25] =	ssyncadd.s32 $0xFFFFEC00  }
0x6b: {  	[tilespmem:s15], [sflag:$0x7] =	stream.linear.gather [hbm4b:s21+s16], $0x7D00, $0x38;
	[tilespmem:$0x1FF00] =	vst v63  }
0x6c: {  	_ =	swait.ge [sflag:s25], $0x7D00  }
0x6d: {  	[sflag:s25] =	ssyncset.done $0x0  }
0x6e: {  	[sflag:s25] =	ssyncadd.s32 $0xFFFF8300  }
0x6f: {  	[bflag:$0x0] =	sbarrier.arrive $0xFFFF  }
0x70: {  	v1 =	vld [tilespmem:$0x14000];
	_ =	sdelay $0x1  }
0x71: {  	v2 =	vld [tilespmem:$0x14010];
	_ =	sdelay $0x1  }
0x72: {  	v3 =	vld [tilespmem:$0x14018]  }
0x73: {  	v4 =	vand.u32 $0xFFFF, v1  }
0x74: {  	v1 =	vshrl.u32 v1, $0x10;
	[tilespmem:$0x1C000] =	vst v4  }
0x75: {  	[tilespmem:$0x1C180] =	vst v1;
	v1 =	vand.u32 $0xFFFF, v2  }
0x76: {  	[tilespmem:$0x1C010] =	vst v1;
	v1 =	vshrl.u32 v2, $0x10  }
0x77: {  	[tilespmem:$0x1C190] =	vst v1;
	v1 =	vand.u32 $0xFFFF, v3  }
0x78: {  	[tilespmem:$0x1C018] =	vst v1;
	v1 =	vshrl.u32 v3, $0x10  }
0x79: {  	[tilespmem:$0x1C198] =	vst v1  }
0x7a: {  	[tilespmem:s24], [sflag:$0x1] =	stream.indirect.gather [hbm4b:s4+s28], $0x80, s29, s28, $0xb8;
	[tilespmem:$0x1FF00] =	vst v63  }
0x7b: {  	v1 =	vld [tilespmem:$0x14080];
	_ =	sdelay $0x1  }
0x7c: {  	v2 =	vld [tilespmem:$0x14090];
	_ =	sdelay $0x1  }
0x7d: {  	v3 =	vld [tilespmem:$0x14098]  }
0x7e: {  	v62 =	vand.u32 $0xFFFF, v1  }
0x7f: {  	v1 =	vshrl.u32 v1, $0x10;
	[tilespmem:$0x1C080] =	vst v62  }
0x80: {  	[tilespmem:$0x1C200] =	vst v1;
	v1 =	vand.u32 $0xFFFF, v2  }
0x81: {  	[tilespmem:$0x1C090] =	vst v1;
	v1 =	vshrl.u32 v2, $0x10  }
0x82: {  	[tilespmem:$0x1C210] =	vst v1;
	v1 =	vand.u32 $0xFFFF, v3  }
0x83: {  	[tilespmem:$0x1C098] =	vst v1;
	v1 =	vshrl.u32 v3, $0x10  }
0x84: {  	[tilespmem:$0x1C218] =	vst v1  }
0x85: {  	[tilespmem:s31], [sflag:$0x2] =	stream.indirect.gather [hbm4b:s4+s28], $0x80, s30, s28, $0xb8;
	[tilespmem:$0x1FF00] =	vst v63  }
0x86: {  	_ =	swait.ge [sflag:s0], $0x1400  }
0x87: {  	[sflag:s0] =	ssyncset.done $0x0  }
0x88: {  	[sflag:s0] =	ssyncadd.s32 $0xFFFFEC00  }
0x89: {  	[spmem:s1] =	stream.indirect.scatter.add.f32 [tilespmem:s24], [sflag:$0x4], $0x80, s3, s28, $0xb8;
	[tilespmem:$0x1FF00] =	vst v63  }
0x8a: {  	v1 =	vld [tilespmem:$0x14100];
	_ =	sdelay $0x1  }
0x8b: {  	v2 =	vld [tilespmem:$0x14110];
	_ =	sdelay $0x1  }
0x8c: {  	v3 =	vld [tilespmem:$0x14118]  }
0x8d: {  	v63 =	vand.u32 $0xFFFF, v1  }
0x8e: {  	v1 =	vshrl.u32 v1, $0x10;
	[tilespmem:$0x1C100] =	vst v63  }
0x8f: {  	[tilespmem:$0x1C280] =	vst v1;
	v1 =	vand.u32 $0xFFFF, v2  }
0x90: {  	[tilespmem:$0x1C110] =	vst v1;
	v1 =	vshrl.u32 v2, $0x10  }
0x91: {  	[tilespmem:$0x1C290] =	vst v1;
	v1 =	vand.u32 $0xFFFF, v3  }
0x92: {  	[tilespmem:$0x1C118] =	vst v1;
	v1 =	vshrl.u32 v3, $0x10  }
0x93: {  	[tilespmem:$0x1C298] =	vst v1  }
0x94: {  	[tilespmem:s2], [sflag:$0x3] =	stream.indirect.gather [hbm4b:s4+s28], $0x80, s26, s28, $0xb8;
	[tilespmem:$0x1FF00] =	vst v63  }
0x95: {  	_ =	swait.ge [sflag:s6], $0x1400  }
0x96: {  	[sflag:s6] =	ssyncset.done $0x0  }
0x97: {  	[sflag:s6] =	ssyncadd.s32 $0xFFFFEC00  }
0x98: {  	[spmem:s1] =	stream.indirect.scatter.add.f32 [tilespmem:s31], [sflag:$0x5], $0x80, s7, s28, $0xb8;
	[tilespmem:$0x1FF00] =	vst v63  }
0x99: {  	_ =	swait.ge [sflag:s8], $0x1400  }
0x9a: {  	[sflag:s8] =	ssyncset.done $0x0  }
0x9b: {  	s14 =	simm.s32 $0x298;
	[sflag:s8] =	ssyncadd.s32 $0xFFFFEC00  }
0x9c: {  	v1 =	vld [tilespmem:s14+$0x13EE8];
	_ =	sdelay $0x4  }
0x9d: {  	v2 =	vand.u32 $0xFFFF, v1  }
0x9e: {  	v1 =	vshrl.u32 v1, $0x10;
	[tilespmem:$0x1C000] =	vst v2  }
0x9f: {  	[tilespmem:$0x1C180] =	vst v1  }
0xa0: {  	v1 =	vld [tilespmem:s14+$0x13EF8];
	_ =	sdelay $0x4  }
0xa1: {  	v2 =	vand.u32 $0xFFFF, v1  }
0xa2: {  	v1 =	vshrl.u32 v1, $0x10;
	[tilespmem:$0x1C010] =	vst v2  }
0xa3: {  	[tilespmem:$0x1C190] =	vst v1  }
0xa4: {  	v1 =	vld [tilespmem:s14+$0x13F00];
	_ =	sdelay $0x4  }
0xa5: {  	v2 =	vand.u32 $0xFFFF, v1  }
0xa6: {  	v1 =	vshrl.u32 v1, $0x10;
	[tilespmem:$0x1C018] =	vst v2  }
0xa7: {  	[tilespmem:$0x1C198] =	vst v1  }
0xa8: {  	[tilespmem:s24], [sflag:$0x1] =	stream.indirect.gather [hbm4b:s4+s28], $0x80, s29, s28, $0xb8;
	[tilespmem:$0x1FF00] =	vst v63  }
0xa9: {  	_ =	swait.ge [sflag:s9], $0x1400  }
0xaa: {  	[sflag:s9] =	ssyncset.done $0x0  }
0xab: {  	[sflag:s9] =	ssyncadd.s32 $0xFFFFEC00  }
0xac: {  	[spmem:s1] =	stream.indirect.scatter.add.f32 [tilespmem:s2], [sflag:$0x6], $0x80, s10, s28, $0xb8;
	[tilespmem:$0x1FF00] =	vst v63  }
0xad: {  	_ =	swait.ge [sflag:s11], $0x1400  }
0xae: {  	[sflag:s11] =	ssyncset.done $0x0  }
0xaf: {  	[sflag:s11] =	ssyncadd.s32 $0xFFFFEC00  }
0xb0: {  	v1 =	vld [tilespmem:s14+$0x13F68];
	_ =	sdelay $0x4  }
0xb1: {  	v2 =	vand.u32 $0xFFFF, v1  }
0xb2: {  	v1 =	vshrl.u32 v1, $0x10;
	[tilespmem:$0x1C080] =	vst v2  }
0xb3: {  	[tilespmem:$0x1C200] =	vst v1  }
0xb4: {  	v1 =	vld [tilespmem:s14+$0x13F78];
	_ =	sdelay $0x4  }
0xb5: {  	v2 =	vand.u32 $0xFFFF, v1  }
0xb6: {  	v1 =	vshrl.u32 v1, $0x10;
	[tilespmem:$0x1C090] =	vst v2  }
0xb7: {  	[tilespmem:$0x1C210] =	vst v1  }
0xb8: {  	v1 =	vld [tilespmem:s14+$0x13F80];
	_ =	sdelay $0x4  }
0xb9: {  	v2 =	vand.u32 $0xFFFF, v1  }
0xba: {  	v1 =	vshrl.u32 v1, $0x10;
	[tilespmem:$0x1C098] =	vst v2  }
0xbb: {  	[tilespmem:$0x1C218] =	vst v1  }
0xbc: {  	[tilespmem:s31], [sflag:$0x2] =	stream.indirect.gather [hbm4b:s4+s28], $0x80, s30, s28, $0xb8;
	[tilespmem:$0x1FF00] =	vst v63  }
0xbd: {  	_ =	swait.ge [sflag:s0], $0x1400  }
0xbe: {  	[sflag:s0] =	ssyncset.done $0x0  }
0xbf: {  	[sflag:s0] =	ssyncadd.s32 $0xFFFFEC00  }
0xc0: {  	[spmem:s1] =	stream.indirect.scatter.add.f32 [tilespmem:s24], [sflag:$0x4], $0x80, s3, s28, $0xb8;
	[tilespmem:$0x1FF00] =	vst v63  }
0xc1: {  	_ =	swait.ge [sflag:s12], $0x1400  }
0xc2: {  	[sflag:s12] =	ssyncset.done $0x0  }
0xc3: {  	[sflag:s12] =	ssyncadd.s32 $0xFFFFEC00  }
0xc4: {  	v1 =	vld [tilespmem:s14+$0x13FE8];
	_ =	sdelay $0x4  }
0xc5: {  	v2 =	vand.u32 $0xFFFF, v1  }
0xc6: {  	v1 =	vshrl.u32 v1, $0x10;
	[tilespmem:$0x1C100] =	vst v2  }
0xc7: {  	[tilespmem:$0x1C280] =	vst v1  }
0xc8: {  	v1 =	vld [tilespmem:s14+$0x13FF8];
	_ =	sdelay $0x4  }
0xc9: {  	v2 =	vand.u32 $0xFFFF, v1  }
0xca: {  	s15 =	simm.s32 $0x1060;
	v1 =	vshrl.u32 v1, $0x10;
	[tilespmem:$0x1C110] =	vst v2  }
.LBB2_4:
0xcb: {  	p0 =	sne.s32 s15, $0x1EA60;
	[tilespmem:$0x1C290] =	vst v1;
	s16 =	smov.u32 s15;
	s15 =	sadd.s32 $0x600, s15  }
0xcc: {  	v1 =	vld [tilespmem:s14+$0x14000];
	_ =	sdelay $0x4  }
0xcd: {  	v2 =	vand.u32 $0xFFFF, v1;
	v1 =	vshrl.u32 v1, $0x10  }
0xce: {  	[tilespmem:$0x1C118] =	vst v2  }
0xcf: {  	[tilespmem:$0x1C298] =	vst v1  }
0xd0: {  	[tilespmem:s2], [sflag:$0x3] =	stream.indirect.gather [hbm4b:s4+s28], $0x80, s26, s28, $0xb8;
	[tilespmem:$0x1FF00] =	vst v63  }
0xd1: {  	_ =	swait.ge [sflag:s6], $0x1400  }
0xd2: {  	[sflag:s6] =	ssyncset.done $0x0  }
0xd3: {  	[sflag:s6] =	ssyncadd.s32 $0xFFFFEC00  }
0xd4: {  	[spmem:s1] =	stream.indirect.scatter.add.f32 [tilespmem:s31], [sflag:$0x5], $0x80, s7, s28, $0xb8;
	[tilespmem:$0x1FF00] =	vst v63  }
0xd5: {  	_ =	swait.ge [sflag:s8], $0x1400  }
0xd6: {  	[sflag:s8] =	ssyncset.done $0x0  }
0xd7: {  	s14 =	sshra.s32 s16, $0x2;
	[sflag:s8] =	ssyncadd.s32 $0xFFFFEC00  }
0xd8: {  	v1 =	vld [tilespmem:s14+$0x13EE8];
	_ =	sdelay $0x4  }
0xd9: {  	v2 =	vand.u32 $0xFFFF, v1;
	v1 =	vshrl.u32 v1, $0x10  }
0xda: {  	[tilespmem:$0x1C000] =	vst v2  }
0xdb: {  	[tilespmem:$0x1C180] =	vst v1  }
0xdc: {  	v1 =	vld [tilespmem:s14+$0x13EF8];
	_ =	sdelay $0x4  }
0xdd: {  	v2 =	vand.u32 $0xFFFF, v1;
	v1 =	vshrl.u32 v1, $0x10  }
0xde: {  	[tilespmem:$0x1C010] =	vst v2  }
0xdf: {  	[tilespmem:$0x1C190] =	vst v1  }
0xe0: {  	v1 =	vld [tilespmem:s14+$0x13F00];
	_ =	sdelay $0x4  }
0xe1: {  	v2 =	vand.u32 $0xFFFF, v1;
	v1 =	vshrl.u32 v1, $0x10  }
0xe2: {  	[tilespmem:$0x1C018] =	vst v2  }
0xe3: {  	[tilespmem:$0x1C198] =	vst v1  }
0xe4: {  	[tilespmem:s24], [sflag:$0x1] =	stream.indirect.gather [hbm4b:s4+s28], $0x80, s29, s28, $0xb8;
	[tilespmem:$0x1FF00] =	vst v63  }
0xe5: {  	_ =	swait.ge [sflag:s9], $0x1400  }
0xe6: {  	[sflag:s9] =	ssyncset.done $0x0  }
0xe7: {  	[sflag:s9] =	ssyncadd.s32 $0xFFFFEC00  }
0xe8: {  	[spmem:s1] =	stream.indirect.scatter.add.f32 [tilespmem:s2], [sflag:$0x6], $0x80, s10, s28, $0xb8;
	[tilespmem:$0x1FF00] =	vst v63  }
0xe9: {  	_ =	swait.ge [sflag:s11], $0x1400  }
0xea: {  	[sflag:s11] =	ssyncset.done $0x0  }
0xeb: {  	[sflag:s11] =	ssyncadd.s32 $0xFFFFEC00  }
0xec: {  	v1 =	vld [tilespmem:s14+$0x13F68];
	_ =	sdelay $0x4  }
0xed: {  	v2 =	vand.u32 $0xFFFF, v1;
	v1 =	vshrl.u32 v1, $0x10  }
0xee: {  	[tilespmem:$0x1C080] =	vst v2  }
0xef: {  	[tilespmem:$0x1C200] =	vst v1  }
0xf0: {  	v1 =	vld [tilespmem:s14+$0x13F78];
	_ =	sdelay $0x4  }
0xf1: {  	v2 =	vand.u32 $0xFFFF, v1;
	v1 =	vshrl.u32 v1, $0x10  }
0xf2: {  	[tilespmem:$0x1C090] =	vst v2  }
0xf3: {  	[tilespmem:$0x1C210] =	vst v1  }
0xf4: {  	v1 =	vld [tilespmem:s14+$0x13F80];
	_ =	sdelay $0x4  }
0xf5: {  	v2 =	vand.u32 $0xFFFF, v1;
	v1 =	vshrl.u32 v1, $0x10  }
0xf6: {  	[tilespmem:$0x1C098] =	vst v2  }
0xf7: {  	[tilespmem:$0x1C218] =	vst v1  }
0xf8: {  	[tilespmem:s31], [sflag:$0x2] =	stream.indirect.gather [hbm4b:s4+s28], $0x80, s30, s28, $0xb8;
	[tilespmem:$0x1FF00] =	vst v63  }
0xf9: {  	_ =	swait.ge [sflag:s0], $0x1400  }
0xfa: {  	[sflag:s0] =	ssyncset.done $0x0  }
0xfb: {  	[sflag:s0] =	ssyncadd.s32 $0xFFFFEC00  }
0xfc: {  	[spmem:s1] =	stream.indirect.scatter.add.f32 [tilespmem:s24], [sflag:$0x4], $0x80, s3, s28, $0xb8;
	[tilespmem:$0x1FF00] =	vst v63  }
0xfd: {  	_ =	swait.ge [sflag:s12], $0x1400  }
0xfe: {  	[sflag:s12] =	ssyncset.done $0x0  }
0xff: {  	[sflag:s12] =	ssyncadd.s32 $0xFFFFEC00  }
0x100: {  	v1 =	vld [tilespmem:s14+$0x13FE8];
	_ =	sdelay $0x4  }
0x101: {  	v2 =	vand.u32 $0xFFFF, v1;
	v1 =	vshrl.u32 v1, $0x10  }
0x102: {  	[tilespmem:$0x1C100] =	vst v2  }
0x103: {  	[tilespmem:$0x1C280] =	vst v1  }
0x104: {  	v1 =	vld [tilespmem:s14+$0x13FF8];
	_ =	sdelay $0x1  }
.Ltmp1:
0x105: {  	(pc) =	sbr.rel @p0 .LBB2_4-.Ltmp1, $3  }
0x106: {  	_ =	sdelay $0x1  }
0x107: {  	v2 =	vand.u32 $0xFFFF, v1;
	v1 =	vshrl.u32 v1, $0x10  }
0x108: {  	[tilespmem:$0x1C110] =	vst v2  }
0x109: {  	[tilespmem:$0x1C290] =	vst v1  }
0x10a: {  	v1 =	vld [tilespmem:s14+$0x14000];
	_ =	sdelay $0x4  }
0x10b: {  	v2 =	vand.u32 $0xFFFF, v1  }
0x10c: {  	v1 =	vshrl.u32 v1, $0x10;
	[tilespmem:$0x1C118] =	vst v2  }
0x10d: {  	[tilespmem:$0x1C298] =	vst v1  }
0x10e: {  	[tilespmem:s2], [sflag:$0x3] =	stream.indirect.gather [hbm4b:s4+s28], $0x80, s26, s28, $0xb8;
	[tilespmem:$0x1FF00] =	vst v63  }
0x10f: {  	_ =	swait.ge [sflag:s6], $0x1400  }
0x110: {  	[sflag:s6] =	ssyncset.done $0x0  }
0x111: {  	[sflag:s6] =	ssyncadd.s32 $0xFFFFEC00  }
0x112: {  	[spmem:s1] =	stream.indirect.scatter.add.f32 [tilespmem:s31], [sflag:$0x5], $0x80, s7, s28, $0xb8;
	[tilespmem:$0x1FF00] =	vst v63  }
0x113: {  	_ =	swait.ge [sflag:s8], $0x1400  }
0x114: {  	[sflag:s8] =	ssyncset.done $0x0  }
0x115: {  	[sflag:s8] =	ssyncadd.s32 $0xFFFFEC00  }
0x116: {  	v1 =	vld [tilespmem:$0x1BB00];
	_ =	sdelay $0x1  }
0x117: {  	v2 =	vld [tilespmem:$0x1BB10];
	_ =	sdelay $0x1  }
0x118: {  	v3 =	vld [tilespmem:$0x1BB18]  }
0x119: {  	v4 =	vand.u32 $0xFFFF, v1  }
0x11a: {  	v1 =	vshrl.u32 v1, $0x10;
	[tilespmem:$0x1C000] =	vst v4  }
0x11b: {  	[tilespmem:$0x1C180] =	vst v1;
	v1 =	vand.u32 $0xFFFF, v2  }
0x11c: {  	[tilespmem:$0x1C010] =	vst v1;
	v1 =	vshrl.u32 v2, $0x10  }
0x11d: {  	[tilespmem:$0x1C190] =	vst v1;
	v1 =	vand.u32 $0xFFFF, v3  }
0x11e: {  	[tilespmem:$0x1C018] =	vst v1;
	v1 =	vshrl.u32 v3, $0x10  }
0x11f: {  	[tilespmem:$0x1C198] =	vst v1  }
0x120: {  	[tilespmem:s24], [sflag:$0x1] =	stream.indirect.gather [hbm4b:s4+s28], $0x80, s29, s28, $0xb8;
	[tilespmem:$0x1FF00] =	vst v63  }
0x121: {  	_ =	swait.ge [sflag:s9], $0x1400  }
0x122: {  	[sflag:s9] =	ssyncset.done $0x0  }
0x123: {  	[sflag:s9] =	ssyncadd.s32 $0xFFFFEC00  }
0x124: {  	[spmem:s1] =	stream.indirect.scatter.add.f32 [tilespmem:s2], [sflag:$0x6], $0x80, s10, s28, $0xb8;
	[tilespmem:$0x1FF00] =	vst v63  }
0x125: {  	_ =	swait.ge [sflag:s11], $0x1400  }
0x126: {  	[sflag:s11] =	ssyncset.done $0x0  }
0x127: {  	[sflag:s11] =	ssyncadd.s32 $0xFFFFEC00  }
0x128: {  	v1 =	vld [tilespmem:$0x1BB80];
	_ =	sdelay $0x1  }
0x129: {  	v2 =	vld [tilespmem:$0x1BB90];
	_ =	sdelay $0x1  }
0x12a: {  	v3 =	vld [tilespmem:$0x1BB98]  }
0x12b: {  	v61 =	vand.u32 $0xFFFF, v1  }
0x12c: {  	v1 =	vshrl.u32 v1, $0x10;
	[tilespmem:$0x1C080] =	vst v61  }
0x12d: {  	[tilespmem:$0x1C200] =	vst v1;
	v1 =	vand.u32 $0xFFFF, v2  }
0x12e: {  	[tilespmem:$0x1C090] =	vst v1;
	v1 =	vshrl.u32 v2, $0x10  }
0x12f: {  	[tilespmem:$0x1C210] =	vst v1;
	v1 =	vand.u32 $0xFFFF, v3  }
0x130: {  	[tilespmem:$0x1C098] =	vst v1;
	v1 =	vshrl.u32 v3, $0x10  }
0x131: {  	[tilespmem:$0x1C218] =	vst v1  }
0x132: {  	[tilespmem:s31], [sflag:$0x2] =	stream.indirect.gather [hbm4b:s4+s28], $0x80, s30, s28, $0xb8;
	[tilespmem:$0x1FF00] =	vst v63  }
0x133: {  	_ =	swait.ge [sflag:s0], $0x1400  }
0x134: {  	[sflag:s0] =	ssyncset.done $0x0  }
0x135: {  	[sflag:s0] =	ssyncadd.s32 $0xFFFFEC00  }
0x136: {  	[spmem:s1] =	stream.indirect.scatter.add.f32 [tilespmem:s24], [sflag:$0x4], $0x80, s3, s28, $0xb8;
	[tilespmem:$0x1FF00] =	vst v63  }
0x137: {  	_ =	swait.ge [sflag:s12], $0x1400  }
0x138: {  	[sflag:s12] =	ssyncset.done $0x0  }
0x139: {  	[sflag:s12] =	ssyncadd.s32 $0xFFFFEC00  }
0x13a: {  	v1 =	vld [tilespmem:$0x1BC00];
	_ =	sdelay $0x1  }
0x13b: {  	v2 =	vld [tilespmem:$0x1BC10];
	_ =	sdelay $0x1  }
0x13c: {  	v3 =	vld [tilespmem:$0x1BC18]  }
0x13d: {  	v62 =	vand.u32 $0xFFFF, v1  }
0x13e: {  	v1 =	vshrl.u32 v1, $0x10;
	[tilespmem:$0x1C100] =	vst v62  }
0x13f: {  	[tilespmem:$0x1C280] =	vst v1;
	v1 =	vand.u32 $0xFFFF, v2  }
0x140: {  	[tilespmem:$0x1C110] =	vst v1;
	v1 =	vshrl.u32 v2, $0x10  }
0x141: {  	[tilespmem:$0x1C290] =	vst v1;
	v1 =	vand.u32 $0xFFFF, v3  }
0x142: {  	[tilespmem:$0x1C118] =	vst v1;
	v1 =	vshrl.u32 v3, $0x10  }
0x143: {  	[tilespmem:$0x1C298] =	vst v1  }
0x144: {  	[tilespmem:s2], [sflag:$0x3] =	stream.indirect.gather [hbm4b:s4+s28], $0x80, s26, s28, $0xb8;
	[tilespmem:$0x1FF00] =	vst v63  }
0x145: {  	_ =	swait.ge [sflag:s6], $0x1400  }
0x146: {  	[sflag:s6] =	ssyncset.done $0x0  }
0x147: {  	[sflag:s6] =	ssyncadd.s32 $0xFFFFEC00  }
0x148: {  	[spmem:s1] =	stream.indirect.scatter.add.f32 [tilespmem:s31], [sflag:$0x5], $0x80, s7, s28, $0xb8;
	[tilespmem:$0x1FF00] =	vst v63  }
0x149: {  	_ =	swait.ge [sflag:s8], $0x1400  }
0x14a: {  	[sflag:s8] =	ssyncset.done $0x0  }
0x14b: {  	[sflag:s8] =	ssyncadd.s32 $0xFFFFEC00  }
0x14c: {  	v1 =	vld [tilespmem:$0x1BC80];
	_ =	sdelay $0x1  }
0x14d: {  	v2 =	vld [tilespmem:$0x1BC90];
	_ =	sdelay $0x1  }
0x14e: {  	v3 =	vld [tilespmem:$0x1BC98]  }
0x14f: {  	v63 =	vand.u32 $0xFFFF, v1  }
0x150: {  	v1 =	vshrl.u32 v1, $0x10;
	[tilespmem:$0x1C000] =	vst v63  }
0x151: {  	[tilespmem:$0x1C180] =	vst v1;
	v1 =	vand.u32 $0xFFFF, v2  }
0x152: {  	[tilespmem:$0x1C010] =	vst v1;
	v1 =	vshrl.u32 v2, $0x10  }
0x153: {  	[tilespmem:$0x1C190] =	vst v1;
	v1 =	vand.u32 $0xFFFF, v3  }
0x154: {  	[tilespmem:$0x1C018] =	vst v1;
	v1 =	vshrl.u32 v3, $0x10  }
0x155: {  	[tilespmem:$0x1C198] =	vst v1  }
0x156: {  	[tilespmem:s24], [sflag:$0x1] =	stream.indirect.gather [hbm4b:s4+s28], $0x80, s29, s28, $0xb8;
	[tilespmem:$0x1FF00] =	vst v63  }
0x157: {  	_ =	swait.ge [sflag:s9], $0x1400  }
0x158: {  	[sflag:s9] =	ssyncset.done $0x0  }
0x159: {  	[sflag:s9] =	ssyncadd.s32 $0xFFFFEC00  }
0x15a: {  	[spmem:s1] =	stream.indirect.scatter.add.f32 [tilespmem:s2], [sflag:$0x6], $0x80, s10, s28, $0xb8;
	[tilespmem:$0x1FF00] =	vst v63  }
0x15b: {  	_ =	swait.ge [sflag:s0], $0x1400  }
0x15c: {  	[sflag:s0] =	ssyncset.done $0x0  }
0x15d: {  	[sflag:s0] =	ssyncadd.s32 $0xFFFFEC00  }
0x15e: {  	[spmem:s1] =	stream.indirect.scatter.add.f32 [tilespmem:s24], [sflag:$0x4], $0x80, s3, s28, $0xb8;
	[tilespmem:$0x1FF00] =	vst v63  }
0x15f: {  	_ =	swait.ge [sflag:s8], $0x1400  }
0x160: {  	[sflag:s8] =	ssyncset.done $0x0  }
0x161: {  	[sflag:s8] =	ssyncadd.s32 $0xFFFFEC00  }
0x162: {  	_ =	swait.ge [sflag:s11], $0x1400  }
0x163: {  	[sflag:s11] =	ssyncset.done $0x0  }
0x164: {  	[sflag:s11] =	ssyncadd.s32 $0xFFFFEC00  }
0x165: {  	s16 =	stileid.u32;
	_ =	swait.ge [sflag:s12], $0x1400  }
0x166: {  	s15 =	sshrl.u32 s5, $0x3;
	s13 =	sadd.s32 $0x1, s13;
	[sflag:s12] =	ssyncset.done $0x0  }
0x167: {  	s14 =	sshll.u32 s16, $0x6;
	p0 =	sne.s32 s13, s23;
	[sflag:s12] =	ssyncadd.s32 $0xFFFFEC00  }
.Ltmp2:
0x168: {  	s14 =	sor.u32 $0x1C07, s14;
	[bflag:$0x0] =	sbarrier.arrive $0xFFFF;
	(pc) =	sbr.rel @p0 .LBB2_1-.Ltmp2, $4  }
0x169: {  	[hbm:s22], [sflag:s14] =	dma.local [spmem:s15], $0x2800  }
0x16a: {  	_ =	swait.ge [sflag:s25], $0x2800  }
0x16b: {  	[sflag:s25] =	ssyncset.done $0x0  }
0x16c: {  	[sflag:s25] =	ssyncadd.s32 $0xFFFFD800  }
0x16d: {  	_ =	sfence.sel $0x180000  }
0x16e: {  	[bflag:$0x0] =	sbarrier.arrive $0xFFFF  }
0x16f: {  	_ =	strace $0x9000004D  }
0x170: {  	s0 =	stileid.u32;
	[bflag:$0x2] =	sbarrier.arrive $0xFFFF  }
0x171: {  	p0 =	sne.s32 s0, $0x0;
	s0 =	rddreg [dreg:$0x2]  }
0x172: {  	s0 =	sadd.s32 @!p0 $0x100000, s0  }
0x173: {  	[sflag:s0] =	ssyncadd.tile.s32 @!p0 $0x1;
	_ =	shalt  }
.Lfunc_end2:
_tile_overlayer_lowered:
.L_overlay_start_2:
0x174: {  	(tag) =	ssettag $0x2  }
0x175: {  	s0 =	rddreg [dreg:$0x0];
	s2 =	stileid.u32  }
0x176: {  	s1 =	rddreg [dreg:$0x1];
	p0 =	sne.s32 s2, $0x0  }
0x177: {  	s3 =	rddreg [dreg:$0x2];
	[bflag:$0x3] =	sbarrier.arrive $0xFFFF;
	s2 =	simm.s32 @!p0 $0x1C07  }
0x178: {  	[timem:s3], [sflag:s2] =	dma.local @!p0 [hbm:s0], s1  }
0x179: {  	s0 =	simm.s32 @!p0 $0x7  }
0x17a: {  	_ =	swait.ge @!p0 [sflag:s0], s1  }
0x17b: {  	s1 =	ssub.s32 @!p0 $0x0, s1;
	[sflag:s0] =	ssyncset.done @!p0 $0x0  }
0x17c: {  	[sflag:s0] =	ssyncadd.s32 @!p0 s1  }
0x17d: {  	[bflag:$0x3] =	sbarrier.arrive $0xFFFF  }
0x17e: {  	_ =	shalt  }

// kernel: kernel.8.cloned.1.call-start
scs
__scs_entry_jumppad:
0x0: {  	(pc) =	sbr.rel $0x88, $3  }
0x1: {  	(tag) =	ssettag $0x0;
	lr =	simm.s32 $0x1  }
0x2: {  	[smem:$0x3F93] =	sst lr;
	_ =	strace $0xD0000000  }
0x3: {  	_ = 	snop  }
0x4: {  	_ = 	snop  }
0x5: {  	_ = 	snop  }
0x6: {  	_ = 	snop  }
0x7: {  	_ = 	snop  }
__scs_overlays_trampoline_lowered:
0x8: {  	[smem:$0x3FA2] =	sst s0  }
0x9: {  	[smem:$0x3FA3] =	sst s1  }
0xa: {  	[smem:$0x3FA4] =	sst s2  }
0xb: {  	[smem:$0x3FA5] =	sst s3  }
0xc: {  	[smem:$0x3FA6] =	sst s4  }
0xd: {  	[smem:$0x3FA7] =	sst s5  }
0xe: {  	[smem:$0x3FA8] =	sst s6  }
0xf: {  	[smem:$0x3FA9] =	sst s7  }
0x10: {  	[smem:$0x3FAA] =	sst s8  }
0x11: {  	[smem:$0x3FAB] =	sst s9;
	s0 =	simm.s32 @!p0 $0x0  }
0x12: {  	s1 =	sld [smem:$0x3F91];
	s0 =	simm.s32 @p0 $0x1  }
0x13: {  	[smem:$0x3FAC] =	sst s0;
	s0 =	simm.s32 @!p1 $0x0  }
0x14: {  	s2 =	sld [smem:$0x3F90];
	s0 =	simm.s32 @p1 $0x1  }
0x15: {  	[smem:$0x3FAD] =	sst s0;
	s0 =	simm.s32 @!p2 $0x0  }
0x16: {  	s3 =	sld [smem:$0x3FDB];
	s0 =	simm.s32 @p2 $0x1  }
0x17: {  	s4 =	simm.s32 $0x1BF5;
	[smem:$0x3FAF] =	sst s0  }
0x18: {  	s0 =	sld [smem:$0x3F92];
	_ =	swait.ge [sflag:s4], $0x0  }
0x19: {  	s7 =	sld [smem:$0x3F93]  }
0x1a: {  	s8 =	sadd.s32 $0xFFFFE003, lr  }
0x1b: {  	s9 =	sadd.s32 $0xFFFFFEF7, lr;
	s5 =	simm.s32 $0xFFFFFFFF;
	p2 =	slt.u32 s8, $0xFFFFF086  }
0x1c: {  	p1 =	slt.u32 s9, $0xF7A;
	s5 =	simm.s32 @!p2 $0x0  }
0x1d: {  	s5 =	simm.s32 @p1 $0x1;
	p0 =	seq.s32 s7, s2  }
0x1e: {  	s7 =	smul.u32 @!p0 $0xF7A, s2;
	p2 =	seq.s32 @!p0 s5, $0x0  }
0x1f: {  	s9 =	smul.u32 $0xF7A, s1;
	s8 =	simm.s32 @!p0 $0x1BF5;
	p2 =	por !p2, p0  }
0x20: {  	[sflag:s8] =	ssyncset.s32 @!p0 $0xFFFFF086;
	s6 =	sadd.s32 @!p0 s3, s7;
	s7 =	simm.s32 @!p0 $0x108  }
0x21: {  	s3 =	sadd.s32 s3, s9;
	s6 =	sadd.s32 @!p0 $0x88, s6;
	s7 =	simm.s32 @p2 $0x1082  }
0x22: {  	[simem:s7], [sflag:s8] =	dma.local @!p0 [hbm:s6], $0xF7A  }
0x23: {  	s9 =	sor.u32 $0xD0000000, s2;
	s6 =	simm.s32 $0x108;
	_ =	swait.ge @!p0 [sflag:s8], $0x0  }
0x24: {  	s3 =	sadd.s32 $0x88, s3;
	s6 =	simm.s32 @!p1 $0x1082;
	[sflag:s4] =	ssyncset.s32 $0xFFFFF086  }
0x25: {  	[simem:s6], [sflag:s4] =	dma.local [hbm:s3], $0xF7A  }
0x26: {  	[smem:$0x3F93] =	sst s1;
	(tag) =	ssettag s2;
	_ =	strace s9  }
0x27: {  	s1 =	sld [smem:$0x3FA3]  }
0x28: {  	s2 =	sld [smem:$0x3FA4]  }
0x29: {  	s4 =	sld [smem:$0x3FA6]  }
0x2a: {  	p0 =	seq.s32 s5, $0x0;
	s5 =	sld [smem:$0x3FA7]  }
0x2b: {  	s6 =	sld [smem:$0x3FA8]  }
0x2c: {  	s7 =	sld [smem:$0x3FA9]  }
0x2d: {  	s3 =	simm.s32 $0x108;
	s8 =	sld [smem:$0x3FAA]  }
0x2e: {  	s3 =	simm.s32 @!p0 $0x1082;
	s9 =	sld [smem:$0x3FAB]  }
0x2f: {  	lr =	sadd.s32 s0, s3;
	s0 =	sld [smem:$0x3FA2]  }
0x30: {  	s3 =	sld [smem:$0x3FA5]  }
0x31: {  	[smem:$0x3FAE] =	sst s10  }
0x32: {  	s10 =	sld [smem:$0x3FAC];
	_ =	sdelay $0x3  }
0x33: {  	p0 =	seq.s32 s10, $0x1;
	s10 =	sld [smem:$0x3FAE];
	_ =	sdelay $0x3  }
0x34: {  	[smem:$0x3FAE] =	sst s10  }
0x35: {  	s10 =	sld [smem:$0x3FAD];
	_ =	sdelay $0x3  }
0x36: {  	p1 =	seq.s32 s10, $0x1;
	s10 =	sld [smem:$0x3FAE];
	_ =	sdelay $0x3  }
0x37: {  	[smem:$0x3FAE] =	sst s10  }
0x38: {  	s10 =	sld [smem:$0x3FAF]  }
0x39: {  	_ = 	snop;
	(pc) =	sbr.ind lr, $3  }
0x3a: {  	_ = 	snop  }
0x3b: {  	_ = 	snop  }
0x3c: {  	p2 =	seq.s32 s10, $0x1;
	s10 =	sld [smem:$0x3FAE]  }
0x3d: {  	_ =	shalt  }
0x3e: {  	_ =	shalt  }
0x3f: {  	_ =	shalt  }
0x40: {  	_ =	shalt  }
0x41: {  	_ =	shalt  }
0x42: {  	_ =	shalt  }
0x43: {  	_ =	shalt  }
0x44: {  	_ =	shalt  }
0x45: {  	_ =	shalt  }
0x46: {  	_ =	shalt  }
0x47: {  	_ =	shalt  }
0x48: {  	_ =	shalt  }
0x49: {  	_ =	shalt  }
0x4a: {  	_ =	shalt  }
0x4b: {  	_ =	shalt  }
0x4c: {  	_ =	shalt  }
0x4d: {  	_ =	shalt  }
0x4e: {  	_ =	shalt  }
0x4f: {  	_ =	shalt  }
0x50: {  	_ =	shalt  }
0x51: {  	_ =	shalt  }
0x52: {  	_ =	shalt  }
0x53: {  	_ =	shalt  }
0x54: {  	_ =	shalt  }
0x55: {  	_ =	shalt  }
0x56: {  	_ =	shalt  }
0x57: {  	_ =	shalt  }
0x58: {  	_ =	shalt  }
0x59: {  	_ =	shalt  }
0x5a: {  	_ =	shalt  }
0x5b: {  	_ =	shalt  }
0x5c: {  	_ =	shalt  }
0x5d: {  	_ =	shalt  }
0x5e: {  	_ =	shalt  }
0x5f: {  	_ =	shalt  }
0x60: {  	_ =	shalt  }
0x61: {  	_ =	shalt  }
0x62: {  	_ =	shalt  }
0x63: {  	_ =	shalt  }
0x64: {  	_ =	shalt  }
0x65: {  	_ =	shalt  }
0x66: {  	_ =	shalt  }
0x67: {  	_ =	shalt  }
0x68: {  	_ =	shalt  }
0x69: {  	_ =	shalt  }
0x6a: {  	_ =	shalt  }
0x6b: {  	_ =	shalt  }
0x6c: {  	_ =	shalt  }
0x6d: {  	_ =	shalt  }
0x6e: {  	_ =	shalt  }
0x6f: {  	_ =	shalt  }
0x70: {  	_ =	shalt  }
0x71: {  	_ =	shalt  }
0x72: {  	_ =	shalt  }
0x73: {  	_ =	shalt  }
0x74: {  	_ =	shalt  }
0x75: {  	_ =	shalt  }
0x76: {  	_ =	shalt  }
0x77: {  	_ =	shalt  }
0x78: {  	_ =	shalt  }
0x79: {  	_ =	shalt  }
0x7a: {  	_ =	shalt  }
0x7b: {  	_ =	shalt  }
0x7c: {  	_ =	shalt  }
0x7d: {  	_ =	shalt  }
0x7e: {  	_ =	shalt  }
0x7f: {  	_ =	shalt  }
0x80: {  	_ =	shalt  }
0x81: {  	_ =	shalt  }
0x82: {  	_ =	shalt  }
0x83: {  	_ =	shalt  }
0x84: {  	_ =	shalt  }
0x85: {  	_ =	shalt  }
0x86: {  	_ =	shalt  }
0x87: {  	_ =	shalt  }
.Lfunc_end0:
.L_simem_size_0:
called_computation_lowered:
.L_overlay_start_0:
0x88: {  	s2 =	sld [smem:$0x3FD9]  }
0x89: {  	s3 =	sld [smem:$0x3FFE];
	_ =	sdelay $0x1  }
0x8a: {  	s1 =	srdreg.scid  }
0x8b: {  	s0 =	sand.u32 $0x1, s1  }
0x8c: {  	s15 =	sshll.u32 s0, $0xA;
	s2 =	sadd.s32 s3, s2  }
0x8d: {  	s2 =	sadd.s32 s2, s15  }
0x8e: {  	[smem:$0x3FBA] =	sst s2  }
0x8f: {  	_ = 	snop  }
0x90: {  	s2 =	sld [smem:$0x3FD0];
	_ =	sdelay $0x2  }
0x91: {  	s16 =	simm.s32 $0xA;
	s4 =	simm.s32 $0x10  }
0x92: {  	[smem:s4], [sflag:s16] =	dma.local [hbm:s2], $0x1  }
0x93: {  	_ =	swait.eq [sflag:s16], $0x1  }
0x94: {  	[sflag:s16] =	ssyncset.done $0x0  }
0x95: {  	s17 =	sld [smem:$0x10];
	[sflag:s16] =	ssyncadd.s32 $0xFFFFFFFF  }
0x96: {  	s18 =	sld [smem:$0x11];
	(tm) =	ssettm $0x1  }
0x97: {  	s19 =	sld [smem:$0x3FFB];
	_ =	sdelay $0x3  }
0x98: {  	_ =	strace s19  }
0x99: {  	s4 =	sld [smem:$0x3FFC];
	_ =	sdelay $0x3  }
0x9a: {  	_ =	strace s4  }
0x9b: {  	s4 =	sld [smem:$0x3FFD];
	_ =	sdelay $0x3  }
0x9c: {  	_ =	strace s4  }
0x9d: {  	_ =	strace $0x8FFFFFFF  }
0x9e: {  	s20 =	sld [smem:$0x3FDB];
	_ =	sdelay $0x1  }
0x9f: {  	s5 =	simm.s32 $_scs_section_size  }
0xa0: {  	s6 =	simm.s32 $_size__tile_overlayer_lowered;
	s7 =	simm.s32 $_tile_overlayer_lowered  }
0xa1: {  	s23 =	simm.s32 $0x1BFF;
	s22 =	sshll.u32 s7, $0x1;
	s4 =	sadd.s32 s5, s20  }
0xa2: {  	s8 =	simm.s32 $0x0;
	s21 =	sshll.u32 s6, $0x1;
	s6 =	sadd.s32 s22, s4  }
0xa3: {  	[timem:s8], [sflag:s23] =	dma.local [hbm:s6], s21  }
0xa4: {  	_ =	swait.ge [sflag:s23], s21  }
0xa5: {  	s5 =	ssub.s32 $0x0, s21;
	[sflag:s23] =	ssyncset.done $0x0  }
0xa6: {  	[sflag:s23] =	ssyncadd.s32 s5;
	_ =	sdelay $0x1  }
0xa7: {  	s24 =	simm.s32 $0x1B8B  }
0xa8: {  	_ =	swait.ge [sflag:s24], $0x1  }
0xa9: {  	[sflag:s24] =	ssyncset.done $0x0  }
0xaa: {  	s25 =	simm.s32 $0x1B8E;
	[sflag:s24] =	ssyncadd.s32 $0xFFFFFFFF  }
0xab: {  	s26 =	simm.s32 $execute0_lowered;
	[smem:$0x3FD2] =	sst s25  }
0xac: {  	s5 =	sshll.u32 s26, $0x1;
	_ =	strace $0x80000046;
	[dreg:$0x1] =	wrdreg $0xFFFFFFFF  }
0xad: {  	s28 =	simm.s32 $_size_execute0_lowered;
	s4 =	sadd.s32 s4, s5;
	[dreg:$0x0] =	wrdreg $0x0  }
0xae: {  	s5 =	sshll.u32 s28, $0x1;
	[dreg:$0x2] =	wrdreg s4  }
0xaf: {  	[dreg:$0x3] =	wrdreg s5  }
0xb0: {  	[dreg:$0x4] =	wrdreg $0xC0  }
0xb1: {  	_ =	task [dreg:s8], $0x5FFFF  }
0xb2: {  	[dreg:$0x1] =	wrdreg $0xFFFFFFFF  }
0xb3: {  	[dreg:$0x0] =	wrdreg $0x60  }
0xb4: {  	[dreg:$0x2] =	wrdreg s18  }
0xb5: {  	[dreg:$0x3] =	wrdreg s17  }
0xb6: {  	[dreg:$0x4] =	wrdreg $0x0  }
0xb7: {  	[dreg:$0x5] =	wrdreg $0x9  }
0xb8: {  	_ =	task.clear_ibuf [dreg:s8], $0x6FFFF;
	_ =	strace $0x90000046  }
0xb9: {  	s29 =	simm.s32 $0x9;
	_ =	strace $0x80000048  }
0xba: {  	_ =	swait.ge [sflag:s29], $0x1  }
0xbb: {  	[sflag:s29] =	ssyncadd.s32 $0xFFFFFFFF  }
0xbc: {  	_ =	strace $0x90000048  }
0xbd: {  	_ =	sfence  }
0xbe: {  	s30 =	sld [smem:$0x0];
	_ =	sdelay $0x2  }
0xbf: {  	s31 =	sshll.u32 s1, $0xD;
	s1 =	sshrl.u32 s1, $0x2  }
0xc0: {  	s3 =	sand.u32 $0x4000, s31;
	s1 =	sadd.s32 s1, s30  }
0xc1: {  	s0 =	sor.u32 s3, s0;
	s1 =	sshll.u32 s1, $0x11  }
0xc2: {  	s0 =	sor.u32 s1, s0  }
0xc3: {  	s0 =	sadd.s32 $0x8F2B, s0  }
0xc4: {  	[sflag:s0] =	ssyncadd.remote.s32 $0x1  }
0xc5: {  	_ =	sfence.sel $0xFFFF  }
0xc6: {  	[dreg:$0x0] =	wrdreg $0xFFFFFFFF;
	(pc) =	sbr.abs _section_cstart, $3  }
0xc7: {  	[dreg:$0x1] =	wrdreg $0xFFFFFFFF  }
0xc8: {  	_ =	task.clear_ibuf [dreg:s8], $0x2FFFF;
	_ =	strace $0x9FFFFFFF  }
0xc9: {  	(tm) =	ssettm $0x7FFFFFFF  }
tec
execute0_lowered:
.L_overlay_start_1:
0x0: {  	(tag) =	ssettag $0x1  }
0x1: {  	s5 =	rddreg [dreg:$0x0]  }
0x2: {  	s6 =	rddreg [dreg:$0x1]  }
0x3: {  	s2 =	rddreg [dreg:$0x2];
	s3 =	simm.s32 $0x0  }
0x4: {  	s19 =	simm.s32 $0x4300;
	[smem:$0x7FF] =	sst s3  }
0x5: {  	s20 =	simm.s32 $0x300;
	_ =	strace $0x80000047;
	[dreg:$0x6] =	wrdreg s19  }
0x6: {  	s21 =	simm.s32 $0x380;
	[dreg:$0x7] =	wrdreg s20  }
0x7: {  	s22 =	simm.s32 $0x400;
	[dreg:$0x8] =	wrdreg s21  }
0x8: {  	s23 =	simm.s32 $0x480;
	[dreg:$0x9] =	wrdreg s22  }
0x9: {  	s24 =	simm.s32 $0x500;
	[dreg:$0xa] =	wrdreg s23  }
0xa: {  	s25 =	simm.s32 $0x580;
	[dreg:$0xb] =	wrdreg s24  }
0xb: {  	s1 =	srdreg.scid;
	s26 =	simm.s32 $0x600;
	[dreg:$0xc] =	wrdreg s25  }
0xc: {  	s28 =	sand.u32 $0x1, s1;
	s1 =	simm.s32 $0x680;
	[dreg:$0xd] =	wrdreg s26  }
0xd: {  	s10 =	simm.s32 $0x900;
	[dreg:$0xe] =	wrdreg s1  }
0xe: {  	s11 =	simm.s32 $0x980;
	[dreg:$0x13] =	wrdreg s10  }
0xf: {  	s12 =	simm.s32 $0xA00;
	[dreg:$0x14] =	wrdreg s11  }
0x10: {  	s13 =	simm.s32 $0xA80;
	[dreg:$0x15] =	wrdreg s12  }
0x11: {  	s14 =	simm.s32 $0xB00;
	[dreg:$0x16] =	wrdreg s13  }
0x12: {  	s15 =	simm.s32 $0xB80;
	[dreg:$0x17] =	wrdreg s14  }
0x13: {  	s16 =	simm.s32 $0xC00;
	[dreg:$0x18] =	wrdreg s15  }
0x14: {  	s17 =	simm.s32 $0xC80;
	[dreg:$0x19] =	wrdreg s16  }
0x15: {  	[dreg:$0x1a] =	wrdreg s17;
	s19 =	simm.s32 $0xD80  }
0x16: {  	s20 =	simm.s32 $0xE00;
	[dreg:$0x1c] =	wrdreg s19  }
0x17: {  	s21 =	simm.s32 $0xE80;
	[dreg:$0x1d] =	wrdreg s20  }
0x18: {  	s22 =	simm.s32 $0xF00;
	[dreg:$0x1e] =	wrdreg s21  }
0x19: {  	s23 =	simm.s32 $0xF80;
	[dreg:$0x1f] =	wrdreg s22  }
0x1a: {  	s24 =	simm.s32 $0x1000;
	[smem:$0x7AC] =	sst s23  }
0x1b: {  	s25 =	simm.s32 $0x1080;
	[smem:$0x7AD] =	sst s24  }
0x1c: {  	s26 =	simm.s32 $0x1100;
	[smem:$0x7AE] =	sst s25  }
0x1d: {  	s1 =	simm.s32 $0x1180;
	[smem:$0x7AF] =	sst s26  }
0x1e: {  	s10 =	simm.s32 $0x1400;
	[smem:$0x7B0] =	sst s1  }
0x1f: {  	s11 =	simm.s32 $0x1480;
	[smem:$0x7B5] =	sst s10  }
0x20: {  	s12 =	simm.s32 $0x1500;
	[smem:$0x7B6] =	sst s11  }
0x21: {  	s13 =	simm.s32 $0x1580;
	[smem:$0x7B7] =	sst s12  }
0x22: {  	s14 =	simm.s32 $0x1600;
	[smem:$0x7B8] =	sst s13  }
0x23: {  	s15 =	simm.s32 $0x1680;
	[smem:$0x7B9] =	sst s14  }
0x24: {  	s16 =	simm.s32 $0x1700;
	[smem:$0x7BA] =	sst s15  }
0x25: {  	s8 =	sshll.u32 s28, $0xB;
	s17 =	simm.s32 $0x1780;
	[smem:$0x7BB] =	sst s16  }
0x26: {  	s5 =	sadd.s32 s5, s8;
	s8 =	simm.s32 $0x800;
	[smem:$0x7BC] =	sst s17  }
0x27: {  	s19 =	simm.s32 $0x1880;
	[dreg:$0x11] =	wrdreg s8  }
0x28: {  	s20 =	simm.s32 $0x1900;
	[smem:$0x7BE] =	sst s19  }
0x29: {  	s21 =	simm.s32 $0x1980;
	[smem:$0x7BF] =	sst s20  }
0x2a: {  	s22 =	simm.s32 $0x1A00;
	[smem:$0x7C0] =	sst s21  }
0x2b: {  	s23 =	simm.s32 $0x1A80;
	[smem:$0x7C1] =	sst s22  }
0x2c: {  	s24 =	simm.s32 $0x1B00;
	[smem:$0x7C2] =	sst s23  }
0x2d: {  	s25 =	simm.s32 $0x1B80;
	[smem:$0x7C3] =	sst s24  }
0x2e: {  	s26 =	simm.s32 $0x1C00;
	[smem:$0x7C4] =	sst s25  }
0x2f: {  	s1 =	simm.s32 $0x1C80;
	[smem:$0x7C5] =	sst s26  }
0x30: {  	s10 =	simm.s32 $0x1F00;
	[smem:$0x7C6] =	sst s1  }
0x31: {  	s11 =	simm.s32 $0x1F80;
	[smem:$0x7CB] =	sst s10  }
0x32: {  	s12 =	simm.s32 $0x2000;
	[smem:$0x7CC] =	sst s11  }
0x33: {  	s13 =	simm.s32 $0x2080;
	[smem:$0x7CD] =	sst s12  }
0x34: {  	s14 =	simm.s32 $0x2100;
	[smem:$0x7CE] =	sst s13  }
0x35: {  	s15 =	simm.s32 $0x2180;
	[smem:$0x7CF] =	sst s14  }
0x36: {  	s0 =	stileid.u32;
	s16 =	simm.s32 $0x2200;
	[smem:$0x7D0] =	sst s15  }
0x37: {  	s9 =	sshll.u32 s0, $0xC;
	s17 =	simm.s32 $0x2280;
	[smem:$0x7D1] =	sst s16  }
0x38: {  	s5 =	sadd.s32 s9, s5;
	[smem:$0x7D2] =	sst s17  }
0x39: {  	s9 =	simm.s32 $0x880;
	[dreg:$0x4] =	wrdreg s5  }
0x3a: {  	s8 =	simm.s32 $0x1300;
	[dreg:$0x12] =	wrdreg s9  }
0x3b: {  	s19 =	simm.s32 $0x2380;
	[smem:$0x7B3] =	sst s8  }
0x3c: {  	s20 =	simm.s32 $0x2400;
	[smem:$0x7D4] =	sst s19  }
0x3d: {  	s21 =	simm.s32 $0x2480;
	[smem:$0x7D5] =	sst s20  }
0x3e: {  	s22 =	simm.s32 $0x2500;
	[smem:$0x7D6] =	sst s21  }
0x3f: {  	s23 =	simm.s32 $0x2580;
	[smem:$0x7D7] =	sst s22  }
0x40: {  	s24 =	simm.s32 $0x2600;
	[smem:$0x7D8] =	sst s23  }
0x41: {  	s25 =	simm.s32 $0x2680;
	[smem:$0x7D9] =	sst s24  }
0x42: {  	s26 =	simm.s32 $0x2700;
	[smem:$0x7DA] =	sst s25  }
0x43: {  	s1 =	simm.s32 $0x2780;
	[smem:$0x7DB] =	sst s26  }
0x44: {  	s10 =	simm.s32 $0x2A00;
	[smem:$0x7DC] =	sst s1  }
0x45: {  	s11 =	simm.s32 $0x2A80;
	[smem:$0x7E1] =	sst s10  }
0x46: {  	s12 =	simm.s32 $0x2B00;
	[smem:$0x7E2] =	sst s11  }
0x47: {  	s13 =	simm.s32 $0x2B80;
	[smem:$0x7E3] =	sst s12  }
0x48: {  	s14 =	simm.s32 $0x2C00;
	[smem:$0x7E4] =	sst s13  }
0x49: {  	s15 =	simm.s32 $0x2C80;
	[smem:$0x7E5] =	sst s14  }
0x4a: {  	s16 =	simm.s32 $0x2D00;
	[smem:$0x7E6] =	sst s15  }
0x4b: {  	s17 =	simm.s32 $0x2D80;
	[smem:$0x7E7] =	sst s16  }
0x4c: {  	s9 =	simm.s32 $0x1380;
	[smem:$0x7E8] =	sst s17  }
0x4d: {  	v0 =	vimm.f32 $0.0e+00;
	s8 =	simm.s32 $0x1E00;
	[smem:$0x7B4] =	sst s9  }
0x4e: {  	[tilespmem:$0x4300] =	vst v0;
	s19 =	simm.s32 $0x2E80;
	[smem:$0x7C9] =	sst s8  }
0x4f: {  	[tilespmem:$0x4310] =	vst v0;
	s20 =	simm.s32 $0x2F00;
	[smem:$0x7EA] =	sst s19  }
0x50: {  	[tilespmem:$0x4320] =	vst v0;
	s21 =	simm.s32 $0x2F80;
	[smem:$0x7EB] =	sst s20  }
0x51: {  	[tilespmem:$0x4330] =	vst v0;
	s22 =	simm.s32 $0x3000;
	[smem:$0x7EC] =	sst s21  }
0x52: {  	[tilespmem:$0x4340] =	vst v0;
	s23 =	simm.s32 $0x3080;
	[smem:$0x7ED] =	sst s22  }
0x53: {  	[tilespmem:$0x4350] =	vst v0;
	s24 =	simm.s32 $0x3100;
	[smem:$0x7EE] =	sst s23  }
0x54: {  	[tilespmem:$0x4360] =	vst v0;
	s25 =	simm.s32 $0x3180;
	[smem:$0x7EF] =	sst s24  }
0x55: {  	[tilespmem:$0x4370] =	vst v0;
	s26 =	simm.s32 $0x3200;
	[smem:$0x7F0] =	sst s25  }
0x56: {  	[tilespmem:$0x4380] =	vst v0;
	s1 =	simm.s32 $0x3280;
	[smem:$0x7F1] =	sst s26  }
0x57: {  	[tilespmem:$0x4390] =	vst v0;
	s10 =	simm.s32 $0x3500;
	[smem:$0x7F2] =	sst s1  }
0x58: {  	[tilespmem:$0x43A0] =	vst v0;
	s11 =	simm.s32 $0x3580;
	[smem:$0x7F7] =	sst s10  }
0x59: {  	s4 =	smul.u32 $0x280, s0;
	[tilespmem:$0x43B0] =	vst v0;
	s12 =	simm.s32 $0x3600;
	[smem:$0x7F8] =	sst s11  }
0x5a: {  	s7 =	smul.u32 $0x2800, s28;
	[tilespmem:$0x43C0] =	vst v0;
	s13 =	simm.s32 $0x3680;
	[smem:$0x7F9] =	sst s12  }
0x5b: {  	v1 =	vimm.f32 $1.000000000e+00;
	[tilespmem:$0x43D0] =	vst v0;
	s14 =	simm.s32 $0x3700;
	[smem:$0x7FA] =	sst s13  }
0x5c: {  	[tilespmem:$0x4280] =	vst v1;
	s7 =	sadd.s32 s4, s7;
	s15 =	simm.s32 $0x3780;
	[smem:$0x7FB] =	sst s14  }
0x5d: {  	[tilespmem:$0x4500] =	vst v0;
	s7 =	sshrl.u32 s7, $0x3;
	s16 =	simm.s32 $0x3800;
	[smem:$0x7FC] =	sst s15  }
0x5e: {  	[tilespmem:$0x44F0] =	vst v0;
	s18 =	sadd.s32 s6, s7;
	[smem:$0x7FD] =	sst s16  }
0x5f: {  	[tilespmem:$0x44E0] =	vst v0;
	s6 =	simm.s32 $0x700;
	[dreg:$0x5] =	wrdreg s18  }
0x60: {  	[tilespmem:$0x44D0] =	vst v0;
	s7 =	simm.s32 $0x780;
	[dreg:$0xf] =	wrdreg s6  }
0x61: {  	[tilespmem:$0x44C0] =	vst v0;
	s9 =	simm.s32 $0x1E80;
	[dreg:$0x10] =	wrdreg s7  }
0x62: {  	[tilespmem:$0x44B0] =	vst v0;
	s8 =	simm.s32 $0x2900;
	[smem:$0x7CA] =	sst s9  }
0x63: {  	[tilespmem:$0x44A0] =	vst v0;
	s18 =	simm.s32 $0xD00;
	[smem:$0x7DF] =	sst s8  }
0x64: {  	[tilespmem:$0x4490] =	vst v0;
	s6 =	simm.s32 $0x1200;
	[dreg:$0x1b] =	wrdreg s18  }
0x65: {  	[tilespmem:$0x4480] =	vst v0;
	s7 =	simm.s32 $0x1280;
	[smem:$0x7B1] =	sst s6  }
0x66: {  	[tilespmem:$0x4470] =	vst v0;
	s9 =	simm.s32 $0x2980;
	[smem:$0x7B2] =	sst s7  }
0x67: {  	[tilespmem:$0x4460] =	vst v0;
	s8 =	simm.s32 $0x3400;
	[smem:$0x7E0] =	sst s9  }
0x68: {  	[tilespmem:$0x4450] =	vst v0;
	s18 =	simm.s32 $0x1800;
	[smem:$0x7F5] =	sst s8  }
0x69: {  	[tilespmem:$0x4440] =	vst v0;
	s6 =	simm.s32 $0x1D00;
	[smem:$0x7BD] =	sst s18  }
0x6a: {  	[tilespmem:$0x4430] =	vst v0;
	s7 =	simm.s32 $0x1D80;
	[smem:$0x7C7] =	sst s6  }
0x6b: {  	[tilespmem:$0x4420] =	vst v0;
	s9 =	simm.s32 $0x3480;
	[smem:$0x7C8] =	sst s7  }
0x6c: {  	[tilespmem:$0x4410] =	vst v0;
	s18 =	simm.s32 $0x2300;
	[smem:$0x7F6] =	sst s9  }
0x6d: {  	[tilespmem:$0x4400] =	vst v0;
	s6 =	simm.s32 $0x2800;
	[smem:$0x7D3] =	sst s18  }
0x6e: {  	[tilespmem:$0x43F0] =	vst v0;
	s7 =	simm.s32 $0x2880;
	[smem:$0x7DD] =	sst s6  }
0x6f: {  	[tilespmem:$0x43E0] =	vst v0;
	[smem:$0x7DE] =	sst s7;
	s18 =	simm.s32 $0x2E00  }
0x70: {  	[tilespmem:$0x42C0] =	vst v1;
	s6 =	simm.s32 $0x3300;
	[smem:$0x7E9] =	sst s18  }
0x71: {  	[tilespmem:$0x42B0] =	vst v1;
	s7 =	simm.s32 $0x3380;
	[smem:$0x7F3] =	sst s6  }
0x72: {  	[smem:$0x7F4] =	sst s7;
	[tilespmem:$0x42A0] =	vst v1  }
0x73: {  	[tilespmem:$0x4290] =	vst v1  }
0x74: {  	[tilespmem:$0x4510] =	vst v0  }
0x75: {  	[tilespmem:$0x4570] =	vst v0  }
0x76: {  	[tilespmem:$0x4560] =	vst v0  }
0x77: {  	[tilespmem:$0x4530] =	vst v0  }
0x78: {  	[tilespmem:$0x4540] =	vst v0  }
0x79: {  	[tilespmem:$0x4520] =	vst v0  }
0x7a: {  	s5 =	sadd.s32 s4, s2;
	s4 =	simm.s32 $0x2;
	[tilespmem:$0x4550] =	vst v0;
	s17 =	rddreg [dreg:$0x6]  }
0x7b: {  	[spmem:s5] =	stream.linear.scatter [tilespmem:s17], [sflag:$0x2], $0x280, $0x38;
	[tilespmem:$0x4580] =	vst v63  }
0x7c: {  	_ =	swait.ge [sflag:s4], $0x280  }
0x7d: {  	[sflag:s4] =	ssyncset.done $0x0  }
0x7e: {  	s6 =	simm.s32 $0x280;
	s18 =	rddreg [dreg:$0x4];
	[sflag:s4] =	ssyncadd.s32 $0xFFFFFD80  }
0x7f: {  	[tilespmem:s6], [sflag:$0x2] =	stream.linear.gather [hbm4b:s18+s3], $0x3E80, $0x38;
	[tilespmem:$0x4580] =	vst v63  }
0x80: {  	_ =	swait.ge [sflag:s4], $0x3E80  }
0x81: {  	[sflag:s4] =	ssyncset.done $0x0  }
0x82: {  	[sflag:s4] =	ssyncadd.s32 $0xFFFFC180  }
0x83: {  	s8 =	simm.s32 $0x4280;
	s7 =	simm.s32 $0x50;
	[bflag:$0x0] =	sbarrier.arrive $0xFFFF  }
0x84: {  	[spmem:s2] =	stream.indirect.scatter.add.f32 [tilespmem:s8], [sflag:$0x1], $0x1, s6, s7, $0xb8;
	[tilespmem:$0x4580] =	vst v63  }
0x85: {  	s19 =	rddreg [dreg:$0x7]  }
0x86: {  	[spmem:s2] =	stream.indirect.scatter.add.f32 [tilespmem:s8], [sflag:$0x1], $0x1, s19, s7, $0xb8;
	[tilespmem:$0x4580] =	vst v63  }
0x87: {  	s10 =	rddreg [dreg:$0x8]  }
0x88: {  	[spmem:s2] =	stream.indirect.scatter.add.f32 [tilespmem:s8], [sflag:$0x1], $0x1, s10, s7, $0xb8;
	[tilespmem:$0x4580] =	vst v63  }
0x89: {  	s20 =	rddreg [dreg:$0x9]  }
0x8a: {  	[spmem:s2] =	stream.indirect.scatter.add.f32 [tilespmem:s8], [sflag:$0x1], $0x1, s20, s7, $0xb8;
	[tilespmem:$0x4580] =	vst v63  }
0x8b: {  	s21 =	rddreg [dreg:$0xa]  }
0x8c: {  	[spmem:s2] =	stream.indirect.scatter.add.f32 [tilespmem:s8], [sflag:$0x1], $0x1, s21, s7, $0xb8;
	[tilespmem:$0x4580] =	vst v63  }
0x8d: {  	s22 =	rddreg [dreg:$0xb]  }
0x8e: {  	[spmem:s2] =	stream.indirect.scatter.add.f32 [tilespmem:s8], [sflag:$0x1], $0x1, s22, s7, $0xb8;
	[tilespmem:$0x4580] =	vst v63  }
0x8f: {  	s23 =	rddreg [dreg:$0xc]  }
0x90: {  	[spmem:s2] =	stream.indirect.scatter.add.f32 [tilespmem:s8], [sflag:$0x1], $0x1, s23, s7, $0xb8;
	[tilespmem:$0x4580] =	vst v63  }
0x91: {  	s24 =	rddreg [dreg:$0xd]  }
0x92: {  	[spmem:s2] =	stream.indirect.scatter.add.f32 [tilespmem:s8], [sflag:$0x1], $0x1, s24, s7, $0xb8;
	[tilespmem:$0x4580] =	vst v63  }
0x93: {  	s25 =	rddreg [dreg:$0xe]  }
0x94: {  	[spmem:s2] =	stream.indirect.scatter.add.f32 [tilespmem:s8], [sflag:$0x1], $0x1, s25, s7, $0xb8;
	[tilespmem:$0x4580] =	vst v63  }
0x95: {  	s26 =	rddreg [dreg:$0xf]  }
0x96: {  	[spmem:s2] =	stream.indirect.scatter.add.f32 [tilespmem:s8], [sflag:$0x1], $0x1, s26, s7, $0xb8;
	[tilespmem:$0x4580] =	vst v63  }
0x97: {  	s1 =	rddreg [dreg:$0x10]  }
0x98: {  	[spmem:s2] =	stream.indirect.scatter.add.f32 [tilespmem:s8], [sflag:$0x1], $0x1, s1, s7, $0xb8;
	[tilespmem:$0x4580] =	vst v63  }
0x99: {  	s11 =	rddreg [dreg:$0x11]  }
0x9a: {  	[spmem:s2] =	stream.indirect.scatter.add.f32 [tilespmem:s8], [sflag:$0x1], $0x1, s11, s7, $0xb8;
	[tilespmem:$0x4580] =	vst v63  }
0x9b: {  	s12 =	rddreg [dreg:$0x12]  }
0x9c: {  	[spmem:s2] =	stream.indirect.scatter.add.f32 [tilespmem:s8], [sflag:$0x1], $0x1, s12, s7, $0xb8;
	[tilespmem:$0x4580] =	vst v63  }
0x9d: {  	s13 =	rddreg [dreg:$0x13]  }
0x9e: {  	[spmem:s2] =	stream.indirect.scatter.add.f32 [tilespmem:s8], [sflag:$0x1], $0x1, s13, s7, $0xb8;
	[tilespmem:$0x4580] =	vst v63  }
0x9f: {  	s14 =	rddreg [dreg:$0x14]  }
0xa0: {  	[spmem:s2] =	stream.indirect.scatter.add.f32 [tilespmem:s8], [sflag:$0x1], $0x1, s14, s7, $0xb8;
	[tilespmem:$0x4580] =	vst v63  }
0xa1: {  	s15 =	rddreg [dreg:$0x15]  }
0xa2: {  	[spmem:s2] =	stream.indirect.scatter.add.f32 [tilespmem:s8], [sflag:$0x1], $0x1, s15, s7, $0xb8;
	[tilespmem:$0x4580] =	vst v63  }
0xa3: {  	s16 =	rddreg [dreg:$0x16]  }
0xa4: {  	[spmem:s2] =	stream.indirect.scatter.add.f32 [tilespmem:s8], [sflag:$0x1], $0x1, s16, s7, $0xb8;
	[tilespmem:$0x4580] =	vst v63  }
0xa5: {  	s17 =	rddreg [dreg:$0x17]  }
0xa6: {  	[spmem:s2] =	stream.indirect.scatter.add.f32 [tilespmem:s8], [sflag:$0x1], $0x1, s17, s7, $0xb8;
	[tilespmem:$0x4580] =	vst v63  }
0xa7: {  	s18 =	rddreg [dreg:$0x18]  }
0xa8: {  	[spmem:s2] =	stream.indirect.scatter.add.f32 [tilespmem:s8], [sflag:$0x1], $0x1, s18, s7, $0xb8;
	[tilespmem:$0x4580] =	vst v63  }
0xa9: {  	s19 =	rddreg [dreg:$0x19]  }
0xaa: {  	[spmem:s2] =	stream.indirect.scatter.add.f32 [tilespmem:s8], [sflag:$0x1], $0x1, s19, s7, $0xb8;
	[tilespmem:$0x4580] =	vst v63  }
0xab: {  	s20 =	rddreg [dreg:$0x1a]  }
0xac: {  	[spmem:s2] =	stream.indirect.scatter.add.f32 [tilespmem:s8], [sflag:$0x1], $0x1, s20, s7, $0xb8;
	[tilespmem:$0x4580] =	vst v63  }
0xad: {  	s21 =	rddreg [dreg:$0x1b]  }
0xae: {  	[spmem:s2] =	stream.indirect.scatter.add.f32 [tilespmem:s8], [sflag:$0x1], $0x1, s21, s7, $0xb8;
	[tilespmem:$0x4580] =	vst v63  }
0xaf: {  	s22 =	rddreg [dreg:$0x1c]  }
0xb0: {  	[spmem:s2] =	stream.indirect.scatter.add.f32 [tilespmem:s8], [sflag:$0x1], $0x1, s22, s7, $0xb8;
	[tilespmem:$0x4580] =	vst v63  }
0xb1: {  	s23 =	rddreg [dreg:$0x1d]  }
0xb2: {  	[spmem:s2] =	stream.indirect.scatter.add.f32 [tilespmem:s8], [sflag:$0x1], $0x1, s23, s7, $0xb8;
	[tilespmem:$0x4580] =	vst v63  }
0xb3: {  	s9 =	simm.s32 $0x1;
	s24 =	rddreg [dreg:$0x1e]  }
0xb4: {  	[spmem:s2] =	stream.indirect.scatter.add.f32 [tilespmem:s8], [sflag:$0x1], $0x1, s24, s7, $0xb8;
	[tilespmem:$0x4580] =	vst v63  }
0xb5: {  	_ =	swait.ge [sflag:s9], $0x50  }
0xb6: {  	[sflag:s9] =	ssyncset.done $0x0  }
0xb7: {  	[sflag:s9] =	ssyncadd.s32 $0xFFFFFFB0  }
0xb8: {  	_ =	swait.ge [sflag:s9], $0x50  }
0xb9: {  	[sflag:s9] =	ssyncset.done $0x0  }
0xba: {  	[sflag:s9] =	ssyncadd.s32 $0xFFFFFFB0  }
0xbb: {  	_ =	swait.ge [sflag:s9], $0x50  }
0xbc: {  	[sflag:s9] =	ssyncset.done $0x0  }
0xbd: {  	[sflag:s9] =	ssyncadd.s32 $0xFFFFFFB0  }
0xbe: {  	_ =	swait.ge [sflag:s9], $0x50  }
0xbf: {  	[sflag:s9] =	ssyncset.done $0x0  }
0xc0: {  	[sflag:s9] =	ssyncadd.s32 $0xFFFFFFB0  }
0xc1: {  	_ =	swait.ge [sflag:s9], $0x50  }
0xc2: {  	[sflag:s9] =	ssyncset.done $0x0  }
0xc3: {  	[sflag:s9] =	ssyncadd.s32 $0xFFFFFFB0  }
0xc4: {  	_ =	swait.ge [sflag:s9], $0x50  }
0xc5: {  	[sflag:s9] =	ssyncset.done $0x0  }
0xc6: {  	[sflag:s9] =	ssyncadd.s32 $0xFFFFFFB0  }
0xc7: {  	_ =	swait.ge [sflag:s9], $0x50  }
0xc8: {  	[sflag:s9] =	ssyncset.done $0x0  }
0xc9: {  	[sflag:s9] =	ssyncadd.s32 $0xFFFFFFB0  }
0xca: {  	_ =	swait.ge [sflag:s9], $0x50  }
0xcb: {  	[sflag:s9] =	ssyncset.done $0x0  }
0xcc: {  	[sflag:s9] =	ssyncadd.s32 $0xFFFFFFB0  }
0xcd: {  	_ =	swait.ge [sflag:s9], $0x50  }
0xce: {  	[sflag:s9] =	ssyncset.done $0x0  }
0xcf: {  	[sflag:s9] =	ssyncadd.s32 $0xFFFFFFB0  }
0xd0: {  	_ =	swait.ge [sflag:s9], $0x50  }
0xd1: {  	[sflag:s9] =	ssyncset.done $0x0  }
0xd2: {  	[sflag:s9] =	ssyncadd.s32 $0xFFFFFFB0  }
0xd3: {  	_ =	swait.ge [sflag:s9], $0x50  }
0xd4: {  	[sflag:s9] =	ssyncset.done $0x0  }
0xd5: {  	[sflag:s9] =	ssyncadd.s32 $0xFFFFFFB0  }
0xd6: {  	_ =	swait.ge [sflag:s9], $0x50  }
0xd7: {  	[sflag:s9] =	ssyncset.done $0x0  }
0xd8: {  	[sflag:s9] =	ssyncadd.s32 $0xFFFFFFB0  }
0xd9: {  	_ =	swait.ge [sflag:s9], $0x50  }
0xda: {  	[sflag:s9] =	ssyncset.done $0x0  }
0xdb: {  	[sflag:s9] =	ssyncadd.s32 $0xFFFFFFB0  }
0xdc: {  	_ =	swait.ge [sflag:s9], $0x50  }
0xdd: {  	[sflag:s9] =	ssyncset.done $0x0  }
0xde: {  	[sflag:s9] =	ssyncadd.s32 $0xFFFFFFB0  }
0xdf: {  	_ =	swait.ge [sflag:s9], $0x50  }
0xe0: {  	[sflag:s9] =	ssyncset.done $0x0  }
0xe1: {  	[sflag:s9] =	ssyncadd.s32 $0xFFFFFFB0  }
0xe2: {  	_ =	swait.ge [sflag:s9], $0x50  }
0xe3: {  	[sflag:s9] =	ssyncset.done $0x0  }
0xe4: {  	[sflag:s9] =	ssyncadd.s32 $0xFFFFFFB0  }
0xe5: {  	_ =	swait.ge [sflag:s9], $0x50  }
0xe6: {  	[sflag:s9] =	ssyncset.done $0x0  }
0xe7: {  	[sflag:s9] =	ssyncadd.s32 $0xFFFFFFB0  }
0xe8: {  	_ =	swait.ge [sflag:s9], $0x50  }
0xe9: {  	[sflag:s9] =	ssyncset.done $0x0  }
0xea: {  	[sflag:s9] =	ssyncadd.s32 $0xFFFFFFB0  }
0xeb: {  	_ =	swait.ge [sflag:s9], $0x50  }
0xec: {  	[sflag:s9] =	ssyncset.done $0x0  }
0xed: {  	[sflag:s9] =	ssyncadd.s32 $0xFFFFFFB0  }
0xee: {  	_ =	swait.ge [sflag:s9], $0x50  }
0xef: {  	[sflag:s9] =	ssyncset.done $0x0  }
0xf0: {  	[sflag:s9] =	ssyncadd.s32 $0xFFFFFFB0  }
0xf1: {  	_ =	swait.ge [sflag:s9], $0x50  }
0xf2: {  	[sflag:s9] =	ssyncset.done $0x0  }
0xf3: {  	[sflag:s9] =	ssyncadd.s32 $0xFFFFFFB0  }
0xf4: {  	_ =	swait.ge [sflag:s9], $0x50  }
0xf5: {  	[sflag:s9] =	ssyncset.done $0x0  }
0xf6: {  	[sflag:s9] =	ssyncadd.s32 $0xFFFFFFB0  }
0xf7: {  	_ =	swait.ge [sflag:s9], $0x50  }
0xf8: {  	[sflag:s9] =	ssyncset.done $0x0  }
0xf9: {  	[sflag:s9] =	ssyncadd.s32 $0xFFFFFFB0  }
0xfa: {  	_ =	swait.ge [sflag:s9], $0x50  }
0xfb: {  	[sflag:s9] =	ssyncset.done $0x0  }
0xfc: {  	[sflag:s9] =	ssyncadd.s32 $0xFFFFFFB0  }
0xfd: {  	_ =	swait.ge [sflag:s9], $0x50  }
0xfe: {  	s25 =	rddreg [dreg:$0x1f];
	[sflag:s9] =	ssyncset.done $0x0  }
0xff: {  	s11 =	sld [smem:$0x7AC];
	[sflag:s9] =	ssyncadd.s32 $0xFFFFFFB0  }
0x100: {  	[spmem:s2] =	stream.indirect.scatter.add.f32 [tilespmem:s8], [sflag:$0x1], $0x1, s25, s7, $0xb8;
	[tilespmem:$0x4580] =	vst v63  }
0x101: {  	s26 =	sld [smem:$0x7AD]  }
0x102: {  	[spmem:s2] =	stream.indirect.scatter.add.f32 [tilespmem:s8], [sflag:$0x1], $0x1, s11, s7, $0xb8;
	[tilespmem:$0x4580] =	vst v63  }
0x103: {  	s1 =	sld [smem:$0x7AE]  }
0x104: {  	[spmem:s2] =	stream.indirect.scatter.add.f32 [tilespmem:s8], [sflag:$0x1], $0x1, s26, s7, $0xb8;
	[tilespmem:$0x4580] =	vst v63  }
0x105: {  	s12 =	sld [smem:$0x7AF]  }
0x106: {  	[spmem:s2] =	stream.indirect.scatter.add.f32 [tilespmem:s8], [sflag:$0x1], $0x1, s1, s7, $0xb8;
	[tilespmem:$0x4580] =	vst v63  }
0x107: {  	s13 =	sld [smem:$0x7B0]  }
0x108: {  	[spmem:s2] =	stream.indirect.scatter.add.f32 [tilespmem:s8], [sflag:$0x1], $0x1, s12, s7, $0xb8;
	[tilespmem:$0x4580] =	vst v63  }
0x109: {  	s14 =	sld [smem:$0x7B1]  }
0x10a: {  	[spmem:s2] =	stream.indirect.scatter.add.f32 [tilespmem:s8], [sflag:$0x1], $0x1, s13, s7, $0xb8;
	[tilespmem:$0x4580] =	vst v63  }
0x10b: {  	s15 =	sld [smem:$0x7B2]  }
0x10c: {  	[spmem:s2] =	stream.indirect.scatter.add.f32 [tilespmem:s8], [sflag:$0x1], $0x1, s14, s7, $0xb8;
	[tilespmem:$0x4580] =	vst v63  }
0x10d: {  	s16 =	sld [smem:$0x7B3]  }
0x10e: {  	[spmem:s2] =	stream.indirect.scatter.add.f32 [tilespmem:s8], [sflag:$0x1], $0x1, s15, s7, $0xb8;
	[tilespmem:$0x4580] =	vst v63  }
0x10f: {  	s17 =	sld [smem:$0x7B4]  }
0x110: {  	[spmem:s2] =	stream.indirect.scatter.add.f32 [tilespmem:s8], [sflag:$0x1], $0x1, s16, s7, $0xb8;
	[tilespmem:$0x4580] =	vst v63  }
0x111: {  	s18 =	sld [smem:$0x7B5]  }
0x112: {  	[spmem:s2] =	stream.indirect.scatter.add.f32 [tilespmem:s8], [sflag:$0x1], $0x1, s17, s7, $0xb8;
	[tilespmem:$0x4580] =	vst v63  }
0x113: {  	s19 =	sld [smem:$0x7B6]  }
0x114: {  	[spmem:s2] =	stream.indirect.scatter.add.f32 [tilespmem:s8], [sflag:$0x1], $0x1, s18, s7, $0xb8;
	[tilespmem:$0x4580] =	vst v63  }
0x115: {  	s20 =	sld [smem:$0x7B7]  }
0x116: {  	[spmem:s2] =	stream.indirect.scatter.add.f32 [tilespmem:s8], [sflag:$0x1], $0x1, s19, s7, $0xb8;
	[tilespmem:$0x4580] =	vst v63  }
0x117: {  	s21 =	sld [smem:$0x7B8]  }
0x118: {  	[spmem:s2] =	stream.indirect.scatter.add.f32 [tilespmem:s8], [sflag:$0x1], $0x1, s20, s7, $0xb8;
	[tilespmem:$0x4580] =	vst v63  }
0x119: {  	s22 =	sld [smem:$0x7B9]  }
0x11a: {  	[spmem:s2] =	stream.indirect.scatter.add.f32 [tilespmem:s8], [sflag:$0x1], $0x1, s21, s7, $0xb8;
	[tilespmem:$0x4580] =	vst v63  }
0x11b: {  	s23 =	sld [smem:$0x7BA]  }
0x11c: {  	[spmem:s2] =	stream.indirect.scatter.add.f32 [tilespmem:s8], [sflag:$0x1], $0x1, s22, s7, $0xb8;
	[tilespmem:$0x4580] =	vst v63  }
0x11d: {  	s24 =	sld [smem:$0x7BB]  }
0x11e: {  	[spmem:s2] =	stream.indirect.scatter.add.f32 [tilespmem:s8], [sflag:$0x1], $0x1, s23, s7, $0xb8;
	[tilespmem:$0x4580] =	vst v63  }
0x11f: {  	s25 =	sld [smem:$0x7BC]  }
0x120: {  	[spmem:s2] =	stream.indirect.scatter.add.f32 [tilespmem:s8], [sflag:$0x1], $0x1, s24, s7, $0xb8;
	[tilespmem:$0x4580] =	vst v63  }
0x121: {  	s26 =	sld [smem:$0x7BD]  }
0x122: {  	[spmem:s2] =	stream.indirect.scatter.add.f32 [tilespmem:s8], [sflag:$0x1], $0x1, s25, s7, $0xb8;
	[tilespmem:$0x4580] =	vst v63  }
0x123: {  	s1 =	sld [smem:$0x7BE]  }
0x124: {  	[spmem:s2] =	stream.indirect.scatter.add.f32 [tilespmem:s8], [sflag:$0x1], $0x1, s26, s7, $0xb8;
	[tilespmem:$0x4580] =	vst v63  }
0x125: {  	s12 =	sld [smem:$0x7BF]  }
0x126: {  	[spmem:s2] =	stream.indirect.scatter.add.f32 [tilespmem:s8], [sflag:$0x1], $0x1, s1, s7, $0xb8;
	[tilespmem:$0x4580] =	vst v63  }
0x127: {  	s13 =	sld [smem:$0x7C0]  }
0x128: {  	[spmem:s2] =	stream.indirect.scatter.add.f32 [tilespmem:s8], [sflag:$0x1], $0x1, s12, s7, $0xb8;
	[tilespmem:$0x4580] =	vst v63  }
0x129: {  	s14 =	sld [smem:$0x7C1]  }
0x12a: {  	[spmem:s2] =	stream.indirect.scatter.add.f32 [tilespmem:s8], [sflag:$0x1], $0x1, s13, s7, $0xb8;
	[tilespmem:$0x4580] =	vst v63  }
0x12b: {  	s15 =	sld [smem:$0x7C2]  }
0x12c: {  	[spmem:s2] =	stream.indirect.scatter.add.f32 [tilespmem:s8], [sflag:$0x1], $0x1, s14, s7, $0xb8;
	[tilespmem:$0x4580] =	vst v63  }
0x12d: {  	s16 =	sld [smem:$0x7C3]  }
0x12e: {  	[spmem:s2] =	stream.indirect.scatter.add.f32 [tilespmem:s8], [sflag:$0x1], $0x1, s15, s7, $0xb8;
	[tilespmem:$0x4580] =	vst v63  }
0x12f: {  	_ = 	snop  }
0x130: {  	[spmem:s2] =	stream.indirect.scatter.add.f32 [tilespmem:s8], [sflag:$0x1], $0x1, s16, s7, $0xb8;
	[tilespmem:$0x4580] =	vst v63  }
0x131: {  	_ =	swait.ge [sflag:s9], $0x50  }
0x132: {  	[sflag:s9] =	ssyncset.done $0x0  }
0x133: {  	[sflag:s9] =	ssyncadd.s32 $0xFFFFFFB0  }
0x134: {  	_ =	swait.ge [sflag:s9], $0x50  }
0x135: {  	[sflag:s9] =	ssyncset.done $0x0  }
0x136: {  	[sflag:s9] =	ssyncadd.s32 $0xFFFFFFB0  }
0x137: {  	_ =	swait.ge [sflag:s9], $0x50  }
0x138: {  	[sflag:s9] =	ssyncset.done $0x0  }
0x139: {  	[sflag:s9] =	ssyncadd.s32 $0xFFFFFFB0  }
0x13a: {  	_ =	swait.ge [sflag:s9], $0x50  }
0x13b: {  	[sflag:s9] =	ssyncset.done $0x0  }
0x13c: {  	[sflag:s9] =	ssyncadd.s32 $0xFFFFFFB0  }
0x13d: {  	_ =	swait.ge [sflag:s9], $0x50  }
0x13e: {  	[sflag:s9] =	ssyncset.done $0x0  }
0x13f: {  	[sflag:s9] =	ssyncadd.s32 $0xFFFFFFB0  }
0x140: {  	_ =	swait.ge [sflag:s9], $0x50  }
0x141: {  	[sflag:s9] =	ssyncset.done $0x0  }
0x142: {  	[sflag:s9] =	ssyncadd.s32 $0xFFFFFFB0  }
0x143: {  	_ =	swait.ge [sflag:s9], $0x50  }
0x144: {  	[sflag:s9] =	ssyncset.done $0x0  }
0x145: {  	[sflag:s9] =	ssyncadd.s32 $0xFFFFFFB0  }
0x146: {  	_ =	swait.ge [sflag:s9], $0x50  }
0x147: {  	[sflag:s9] =	ssyncset.done $0x0  }
0x148: {  	[sflag:s9] =	ssyncadd.s32 $0xFFFFFFB0  }
0x149: {  	_ =	swait.ge [sflag:s9], $0x50  }
0x14a: {  	[sflag:s9] =	ssyncset.done $0x0  }
0x14b: {  	[sflag:s9] =	ssyncadd.s32 $0xFFFFFFB0  }
0x14c: {  	_ =	swait.ge [sflag:s9], $0x50  }
0x14d: {  	[sflag:s9] =	ssyncset.done $0x0  }
0x14e: {  	[sflag:s9] =	ssyncadd.s32 $0xFFFFFFB0  }
0x14f: {  	_ =	swait.ge [sflag:s9], $0x50  }
0x150: {  	[sflag:s9] =	ssyncset.done $0x0  }
0x151: {  	[sflag:s9] =	ssyncadd.s32 $0xFFFFFFB0  }
0x152: {  	_ =	swait.ge [sflag:s9], $0x50  }
0x153: {  	[sflag:s9] =	ssyncset.done $0x0  }
0x154: {  	[sflag:s9] =	ssyncadd.s32 $0xFFFFFFB0  }
0x155: {  	_ =	swait.ge [sflag:s9], $0x50  }
0x156: {  	[sflag:s9] =	ssyncset.done $0x0  }
0x157: {  	[sflag:s9] =	ssyncadd.s32 $0xFFFFFFB0  }
0x158: {  	_ =	swait.ge [sflag:s9], $0x50  }
0x159: {  	[sflag:s9] =	ssyncset.done $0x0  }
0x15a: {  	[sflag:s9] =	ssyncadd.s32 $0xFFFFFFB0  }
0x15b: {  	_ =	swait.ge [sflag:s9], $0x50  }
0x15c: {  	[sflag:s9] =	ssyncset.done $0x0  }
0x15d: {  	[sflag:s9] =	ssyncadd.s32 $0xFFFFFFB0  }
0x15e: {  	_ =	swait.ge [sflag:s9], $0x50  }
0x15f: {  	[sflag:s9] =	ssyncset.done $0x0  }
0x160: {  	[sflag:s9] =	ssyncadd.s32 $0xFFFFFFB0  }
0x161: {  	_ =	swait.ge [sflag:s9], $0x50  }
0x162: {  	[sflag:s9] =	ssyncset.done $0x0  }
0x163: {  	[sflag:s9] =	ssyncadd.s32 $0xFFFFFFB0  }
0x164: {  	_ =	swait.ge [sflag:s9], $0x50  }
0x165: {  	[sflag:s9] =	ssyncset.done $0x0  }
0x166: {  	[sflag:s9] =	ssyncadd.s32 $0xFFFFFFB0  }
0x167: {  	_ =	swait.ge [sflag:s9], $0x50  }
0x168: {  	[sflag:s9] =	ssyncset.done $0x0  }
0x169: {  	[sflag:s9] =	ssyncadd.s32 $0xFFFFFFB0  }
0x16a: {  	_ =	swait.ge [sflag:s9], $0x50  }
0x16b: {  	[sflag:s9] =	ssyncset.done $0x0  }
0x16c: {  	[sflag:s9] =	ssyncadd.s32 $0xFFFFFFB0  }
0x16d: {  	_ =	swait.ge [sflag:s9], $0x50  }
0x16e: {  	[sflag:s9] =	ssyncset.done $0x0  }
0x16f: {  	[sflag:s9] =	ssyncadd.s32 $0xFFFFFFB0  }
0x170: {  	_ =	swait.ge [sflag:s9], $0x50  }
0x171: {  	[sflag:s9] =	ssyncset.done $0x0  }
0x172: {  	[sflag:s9] =	ssyncadd.s32 $0xFFFFFFB0  }
0x173: {  	_ =	swait.ge [sflag:s9], $0x50  }
0x174: {  	[sflag:s9] =	ssyncset.done $0x0  }
0x175: {  	[sflag:s9] =	ssyncadd.s32 $0xFFFFFFB0  }
0x176: {  	_ =	swait.ge [sflag:s9], $0x50  }
0x177: {  	[sflag:s9] =	ssyncset.done $0x0  }
0x178: {  	[sflag:s9] =	ssyncadd.s32 $0xFFFFFFB0  }
0x179: {  	_ =	swait.ge [sflag:s9], $0x50  }
0x17a: {  	s17 =	sld [smem:$0x7C4]  }
0x17b: {  	[sflag:s9] =	ssyncset.done $0x0  }
0x17c: {  	s18 =	sld [smem:$0x7C5];
	[sflag:s9] =	ssyncadd.s32 $0xFFFFFFB0  }
0x17d: {  	[spmem:s2] =	stream.indirect.scatter.add.f32 [tilespmem:s8], [sflag:$0x1], $0x1, s17, s7, $0xb8;
	[tilespmem:$0x4580] =	vst v63  }
0x17e: {  	s19 =	sld [smem:$0x7C6]  }
0x17f: {  	[spmem:s2] =	stream.indirect.scatter.add.f32 [tilespmem:s8], [sflag:$0x1], $0x1, s18, s7, $0xb8;
	[tilespmem:$0x4580] =	vst v63  }
0x180: {  	s20 =	sld [smem:$0x7C7]  }
0x181: {  	[spmem:s2] =	stream.indirect.scatter.add.f32 [tilespmem:s8], [sflag:$0x1], $0x1, s19, s7, $0xb8;
	[tilespmem:$0x4580] =	vst v63  }
0x182: {  	s21 =	sld [smem:$0x7C8]  }
0x183: {  	[spmem:s2] =	stream.indirect.scatter.add.f32 [tilespmem:s8], [sflag:$0x1], $0x1, s20, s7, $0xb8;
	[tilespmem:$0x4580] =	vst v63  }
0x184: {  	s22 =	sld [smem:$0x7C9]  }
0x185: {  	[spmem:s2] =	stream.indirect.scatter.add.f32 [tilespmem:s8], [sflag:$0x1], $0x1, s21, s7, $0xb8;
	[tilespmem:$0x4580] =	vst v63  }
0x186: {  	s23 =	sld [smem:$0x7CA]  }
0x187: {  	[spmem:s2] =	stream.indirect.scatter.add.f32 [tilespmem:s8], [sflag:$0x1], $0x1, s22, s7, $0xb8;
	[tilespmem:$0x4580] =	vst v63  }
0x188: {  	s24 =	sld [smem:$0x7CB]  }
0x189: {  	[spmem:s2] =	stream.indirect.scatter.add.f32 [tilespmem:s8], [sflag:$0x1], $0x1, s23, s7, $0xb8;
	[tilespmem:$0x4580] =	vst v63  }
0x18a: {  	s25 =	sld [smem:$0x7CC]  }
0x18b: {  	[spmem:s2] =	stream.indirect.scatter.add.f32 [tilespmem:s8], [sflag:$0x1], $0x1, s24, s7, $0xb8;
	[tilespmem:$0x4580] =	vst v63  }
0x18c: {  	s26 =	sld [smem:$0x7CD]  }
0x18d: {  	[spmem:s2] =	stream.indirect.scatter.add.f32 [tilespmem:s8], [sflag:$0x1], $0x1, s25, s7, $0xb8;
	[tilespmem:$0x4580] =	vst v63  }
0x18e: {  	s1 =	sld [smem:$0x7CE]  }
0x18f: {  	[spmem:s2] =	stream.indirect.scatter.add.f32 [tilespmem:s8], [sflag:$0x1], $0x1, s26, s7, $0xb8;
	[tilespmem:$0x4580] =	vst v63  }
0x190: {  	s12 =	sld [smem:$0x7CF]  }
0x191: {  	[spmem:s2] =	stream.indirect.scatter.add.f32 [tilespmem:s8], [sflag:$0x1], $0x1, s1, s7, $0xb8;
	[tilespmem:$0x4580] =	vst v63  }
0x192: {  	s13 =	sld [smem:$0x7D0]  }
0x193: {  	[spmem:s2] =	stream.indirect.scatter.add.f32 [tilespmem:s8], [sflag:$0x1], $0x1, s12, s7, $0xb8;
	[tilespmem:$0x4580] =	vst v63  }
0x194: {  	s14 =	sld [smem:$0x7D1]  }
0x195: {  	[spmem:s2] =	stream.indirect.scatter.add.f32 [tilespmem:s8], [sflag:$0x1], $0x1, s13, s7, $0xb8;
	[tilespmem:$0x4580] =	vst v63  }
0x196: {  	s15 =	sld [smem:$0x7D2]  }
0x197: {  	[spmem:s2] =	stream.indirect.scatter.add.f32 [tilespmem:s8], [sflag:$0x1], $0x1, s14, s7, $0xb8;
	[tilespmem:$0x4580] =	vst v63  }
0x198: {  	s16 =	sld [smem:$0x7D3]  }
0x199: {  	[spmem:s2] =	stream.indirect.scatter.add.f32 [tilespmem:s8], [sflag:$0x1], $0x1, s15, s7, $0xb8;
	[tilespmem:$0x4580] =	vst v63  }
0x19a: {  	s17 =	sld [smem:$0x7D4]  }
0x19b: {  	[spmem:s2] =	stream.indirect.scatter.add.f32 [tilespmem:s8], [sflag:$0x1], $0x1, s16, s7, $0xb8;
	[tilespmem:$0x4580] =	vst v63  }
0x19c: {  	s18 =	sld [smem:$0x7D5]  }
0x19d: {  	[spmem:s2] =	stream.indirect.scatter.add.f32 [tilespmem:s8], [sflag:$0x1], $0x1, s17, s7, $0xb8;
	[tilespmem:$0x4580] =	vst v63  }
0x19e: {  	s19 =	sld [smem:$0x7D6]  }
0x19f: {  	[spmem:s2] =	stream.indirect.scatter.add.f32 [tilespmem:s8], [sflag:$0x1], $0x1, s18, s7, $0xb8;
	[tilespmem:$0x4580] =	vst v63  }
0x1a0: {  	s20 =	sld [smem:$0x7D7]  }
0x1a1: {  	[spmem:s2] =	stream.indirect.scatter.add.f32 [tilespmem:s8], [sflag:$0x1], $0x1, s19, s7, $0xb8;
	[tilespmem:$0x4580] =	vst v63  }
0x1a2: {  	s21 =	sld [smem:$0x7D8]  }
0x1a3: {  	[spmem:s2] =	stream.indirect.scatter.add.f32 [tilespmem:s8], [sflag:$0x1], $0x1, s20, s7, $0xb8;
	[tilespmem:$0x4580] =	vst v63  }
0x1a4: {  	s22 =	sld [smem:$0x7D9]  }
0x1a5: {  	[spmem:s2] =	stream.indirect.scatter.add.f32 [tilespmem:s8], [sflag:$0x1], $0x1, s21, s7, $0xb8;
	[tilespmem:$0x4580] =	vst v63  }
0x1a6: {  	s23 =	sld [smem:$0x7DA]  }
0x1a7: {  	[spmem:s2] =	stream.indirect.scatter.add.f32 [tilespmem:s8], [sflag:$0x1], $0x1, s22, s7, $0xb8;
	[tilespmem:$0x4580] =	vst v63  }
0x1a8: {  	s24 =	sld [smem:$0x7DB]  }
0x1a9: {  	[spmem:s2] =	stream.indirect.scatter.add.f32 [tilespmem:s8], [sflag:$0x1], $0x1, s23, s7, $0xb8;
	[tilespmem:$0x4580] =	vst v63  }
0x1aa: {  	s25 =	sld [smem:$0x7DC]  }
0x1ab: {  	[spmem:s2] =	stream.indirect.scatter.add.f32 [tilespmem:s8], [sflag:$0x1], $0x1, s24, s7, $0xb8;
	[tilespmem:$0x4580] =	vst v63  }
0x1ac: {  	_ = 	snop  }
0x1ad: {  	[spmem:s2] =	stream.indirect.scatter.add.f32 [tilespmem:s8], [sflag:$0x1], $0x1, s25, s7, $0xb8;
	[tilespmem:$0x4580] =	vst v63  }
0x1ae: {  	_ =	swait.ge [sflag:s9], $0x50  }
0x1af: {  	[sflag:s9] =	ssyncset.done $0x0  }
0x1b0: {  	[sflag:s9] =	ssyncadd.s32 $0xFFFFFFB0  }
0x1b1: {  	_ =	swait.ge [sflag:s9], $0x50  }
0x1b2: {  	[sflag:s9] =	ssyncset.done $0x0  }
0x1b3: {  	[sflag:s9] =	ssyncadd.s32 $0xFFFFFFB0  }
0x1b4: {  	_ =	swait.ge [sflag:s9], $0x50  }
0x1b5: {  	[sflag:s9] =	ssyncset.done $0x0  }
0x1b6: {  	[sflag:s9] =	ssyncadd.s32 $0xFFFFFFB0  }
0x1b7: {  	_ =	swait.ge [sflag:s9], $0x50  }
0x1b8: {  	[sflag:s9] =	ssyncset.done $0x0  }
0x1b9: {  	[sflag:s9] =	ssyncadd.s32 $0xFFFFFFB0  }
0x1ba: {  	_ =	swait.ge [sflag:s9], $0x50  }
0x1bb: {  	[sflag:s9] =	ssyncset.done $0x0  }
0x1bc: {  	[sflag:s9] =	ssyncadd.s32 $0xFFFFFFB0  }
0x1bd: {  	_ =	swait.ge [sflag:s9], $0x50  }
0x1be: {  	[sflag:s9] =	ssyncset.done $0x0  }
0x1bf: {  	[sflag:s9] =	ssyncadd.s32 $0xFFFFFFB0  }
0x1c0: {  	_ =	swait.ge [sflag:s9], $0x50  }
0x1c1: {  	[sflag:s9] =	ssyncset.done $0x0  }
0x1c2: {  	[sflag:s9] =	ssyncadd.s32 $0xFFFFFFB0  }
0x1c3: {  	_ =	swait.ge [sflag:s9], $0x50  }
0x1c4: {  	[sflag:s9] =	ssyncset.done $0x0  }
0x1c5: {  	[sflag:s9] =	ssyncadd.s32 $0xFFFFFFB0  }
0x1c6: {  	_ =	swait.ge [sflag:s9], $0x50  }
0x1c7: {  	[sflag:s9] =	ssyncset.done $0x0  }
0x1c8: {  	[sflag:s9] =	ssyncadd.s32 $0xFFFFFFB0  }
0x1c9: {  	_ =	swait.ge [sflag:s9], $0x50  }
0x1ca: {  	[sflag:s9] =	ssyncset.done $0x0  }
0x1cb: {  	[sflag:s9] =	ssyncadd.s32 $0xFFFFFFB0  }
0x1cc: {  	_ =	swait.ge [sflag:s9], $0x50  }
0x1cd: {  	[sflag:s9] =	ssyncset.done $0x0  }
0x1ce: {  	[sflag:s9] =	ssyncadd.s32 $0xFFFFFFB0  }
0x1cf: {  	_ =	swait.ge [sflag:s9], $0x50  }
0x1d0: {  	[sflag:s9] =	ssyncset.done $0x0  }
0x1d1: {  	[sflag:s9] =	ssyncadd.s32 $0xFFFFFFB0  }
0x1d2: {  	_ =	swait.ge [sflag:s9], $0x50  }
0x1d3: {  	[sflag:s9] =	ssyncset.done $0x0  }
0x1d4: {  	[sflag:s9] =	ssyncadd.s32 $0xFFFFFFB0  }
0x1d5: {  	_ =	swait.ge [sflag:s9], $0x50  }
0x1d6: {  	[sflag:s9] =	ssyncset.done $0x0  }
0x1d7: {  	[sflag:s9] =	ssyncadd.s32 $0xFFFFFFB0  }
0x1d8: {  	_ =	swait.ge [sflag:s9], $0x50  }
0x1d9: {  	[sflag:s9] =	ssyncset.done $0x0  }
0x1da: {  	[sflag:s9] =	ssyncadd.s32 $0xFFFFFFB0  }
0x1db: {  	_ =	swait.ge [sflag:s9], $0x50  }
0x1dc: {  	[sflag:s9] =	ssyncset.done $0x0  }
0x1dd: {  	[sflag:s9] =	ssyncadd.s32 $0xFFFFFFB0  }
0x1de: {  	_ =	swait.ge [sflag:s9], $0x50  }
0x1df: {  	[sflag:s9] =	ssyncset.done $0x0  }
0x1e0: {  	[sflag:s9] =	ssyncadd.s32 $0xFFFFFFB0  }
0x1e1: {  	_ =	swait.ge [sflag:s9], $0x50  }
0x1e2: {  	[sflag:s9] =	ssyncset.done $0x0  }
0x1e3: {  	[sflag:s9] =	ssyncadd.s32 $0xFFFFFFB0  }
0x1e4: {  	_ =	swait.ge [sflag:s9], $0x50  }
0x1e5: {  	[sflag:s9] =	ssyncset.done $0x0  }
0x1e6: {  	[sflag:s9] =	ssyncadd.s32 $0xFFFFFFB0  }
0x1e7: {  	_ =	swait.ge [sflag:s9], $0x50  }
0x1e8: {  	[sflag:s9] =	ssyncset.done $0x0  }
0x1e9: {  	[sflag:s9] =	ssyncadd.s32 $0xFFFFFFB0  }
0x1ea: {  	_ =	swait.ge [sflag:s9], $0x50  }
0x1eb: {  	[sflag:s9] =	ssyncset.done $0x0  }
0x1ec: {  	[sflag:s9] =	ssyncadd.s32 $0xFFFFFFB0  }
0x1ed: {  	_ =	swait.ge [sflag:s9], $0x50  }
0x1ee: {  	[sflag:s9] =	ssyncset.done $0x0  }
0x1ef: {  	[sflag:s9] =	ssyncadd.s32 $0xFFFFFFB0  }
0x1f0: {  	_ =	swait.ge [sflag:s9], $0x50  }
0x1f1: {  	[sflag:s9] =	ssyncset.done $0x0  }
0x1f2: {  	[sflag:s9] =	ssyncadd.s32 $0xFFFFFFB0  }
0x1f3: {  	_ =	swait.ge [sflag:s9], $0x50  }
0x1f4: {  	[sflag:s9] =	ssyncset.done $0x0  }
0x1f5: {  	[sflag:s9] =	ssyncadd.s32 $0xFFFFFFB0  }
0x1f6: {  	_ =	swait.ge [sflag:s9], $0x50  }
0x1f7: {  	s26 =	sld [smem:$0x7DD]  }
0x1f8: {  	[sflag:s9] =	ssyncset.done $0x0  }
0x1f9: {  	s1 =	sld [smem:$0x7DE];
	[sflag:s9] =	ssyncadd.s32 $0xFFFFFFB0  }
0x1fa: {  	[spmem:s2] =	stream.indirect.scatter.add.f32 [tilespmem:s8], [sflag:$0x1], $0x1, s26, s7, $0xb8;
	[tilespmem:$0x4580] =	vst v63  }
0x1fb: {  	s12 =	sld [smem:$0x7DF]  }
0x1fc: {  	[spmem:s2] =	stream.indirect.scatter.add.f32 [tilespmem:s8], [sflag:$0x1], $0x1, s1, s7, $0xb8;
	[tilespmem:$0x4580] =	vst v63  }
0x1fd: {  	s13 =	sld [smem:$0x7E0]  }
0x1fe: {  	[spmem:s2] =	stream.indirect.scatter.add.f32 [tilespmem:s8], [sflag:$0x1], $0x1, s12, s7, $0xb8;
	[tilespmem:$0x4580] =	vst v63  }
0x1ff: {  	s14 =	sld [smem:$0x7E1]  }
0x200: {  	[spmem:s2] =	stream.indirect.scatter.add.f32 [tilespmem:s8], [sflag:$0x1], $0x1, s13, s7, $0xb8;
	[tilespmem:$0x4580] =	vst v63  }
0x201: {  	s15 =	sld [smem:$0x7E2]  }
0x202: {  	[spmem:s2] =	stream.indirect.scatter.add.f32 [tilespmem:s8], [sflag:$0x1], $0x1, s14, s7, $0xb8;
	[tilespmem:$0x4580] =	vst v63  }
0x203: {  	s16 =	sld [smem:$0x7E3]  }
0x204: {  	[spmem:s2] =	stream.indirect.scatter.add.f32 [tilespmem:s8], [sflag:$0x1], $0x1, s15, s7, $0xb8;
	[tilespmem:$0x4580] =	vst v63  }
0x205: {  	s17 =	sld [smem:$0x7E4]  }
0x206: {  	[spmem:s2] =	stream.indirect.scatter.add.f32 [tilespmem:s8], [sflag:$0x1], $0x1, s16, s7, $0xb8;
	[tilespmem:$0x4580] =	vst v63  }
0x207: {  	s18 =	sld [smem:$0x7E5]  }
0x208: {  	[spmem:s2] =	stream.indirect.scatter.add.f32 [tilespmem:s8], [sflag:$0x1], $0x1, s17, s7, $0xb8;
	[tilespmem:$0x4580] =	vst v63  }
0x209: {  	s19 =	sld [smem:$0x7E6]  }
0x20a: {  	[spmem:s2] =	stream.indirect.scatter.add.f32 [tilespmem:s8], [sflag:$0x1], $0x1, s18, s7, $0xb8;
	[tilespmem:$0x4580] =	vst v63  }
0x20b: {  	s20 =	sld [smem:$0x7E7]  }
0x20c: {  	[spmem:s2] =	stream.indirect.scatter.add.f32 [tilespmem:s8], [sflag:$0x1], $0x1, s19, s7, $0xb8;
	[tilespmem:$0x4580] =	vst v63  }
0x20d: {  	s21 =	sld [smem:$0x7E8]  }
0x20e: {  	[spmem:s2] =	stream.indirect.scatter.add.f32 [tilespmem:s8], [sflag:$0x1], $0x1, s20, s7, $0xb8;
	[tilespmem:$0x4580] =	vst v63  }
0x20f: {  	s22 =	sld [smem:$0x7E9]  }
0x210: {  	[spmem:s2] =	stream.indirect.scatter.add.f32 [tilespmem:s8], [sflag:$0x1], $0x1, s21, s7, $0xb8;
	[tilespmem:$0x4580] =	vst v63  }
0x211: {  	s23 =	sld [smem:$0x7EA]  }
0x212: {  	[spmem:s2] =	stream.indirect.scatter.add.f32 [tilespmem:s8], [sflag:$0x1], $0x1, s22, s7, $0xb8;
	[tilespmem:$0x4580] =	vst v63  }
0x213: {  	s24 =	sld [smem:$0x7EB]  }
0x214: {  	[spmem:s2] =	stream.indirect.scatter.add.f32 [tilespmem:s8], [sflag:$0x1], $0x1, s23, s7, $0xb8;
	[tilespmem:$0x4580] =	vst v63  }
0x215: {  	s25 =	sld [smem:$0x7EC]  }
0x216: {  	[spmem:s2] =	stream.indirect.scatter.add.f32 [tilespmem:s8], [sflag:$0x1], $0x1, s24, s7, $0xb8;
	[tilespmem:$0x4580] =	vst v63  }
0x217: {  	s26 =	sld [smem:$0x7ED]  }
0x218: {  	[spmem:s2] =	stream.indirect.scatter.add.f32 [tilespmem:s8], [sflag:$0x1], $0x1, s25, s7, $0xb8;
	[tilespmem:$0x4580] =	vst v63  }
0x219: {  	s1 =	sld [smem:$0x7EE]  }
0x21a: {  	[spmem:s2] =	stream.indirect.scatter.add.f32 [tilespmem:s8], [sflag:$0x1], $0x1, s26, s7, $0xb8;
	[tilespmem:$0x4580] =	vst v63  }
0x21b: {  	s12 =	sld [smem:$0x7EF]  }
0x21c: {  	[spmem:s2] =	stream.indirect.scatter.add.f32 [tilespmem:s8], [sflag:$0x1], $0x1, s1, s7, $0xb8;
	[tilespmem:$0x4580] =	vst v63  }
0x21d: {  	s13 =	sld [smem:$0x7F0]  }
0x21e: {  	[spmem:s2] =	stream.indirect.scatter.add.f32 [tilespmem:s8], [sflag:$0x1], $0x1, s12, s7, $0xb8;
	[tilespmem:$0x4580] =	vst v63  }
0x21f: {  	s14 =	sld [smem:$0x7F1]  }
0x220: {  	[spmem:s2] =	stream.indirect.scatter.add.f32 [tilespmem:s8], [sflag:$0x1], $0x1, s13, s7, $0xb8;
	[tilespmem:$0x4580] =	vst v63  }
0x221: {  	s15 =	sld [smem:$0x7F2]  }
0x222: {  	[spmem:s2] =	stream.indirect.scatter.add.f32 [tilespmem:s8], [sflag:$0x1], $0x1, s14, s7, $0xb8;
	[tilespmem:$0x4580] =	vst v63  }
0x223: {  	s16 =	sld [smem:$0x7F3]  }
0x224: {  	[spmem:s2] =	stream.indirect.scatter.add.f32 [tilespmem:s8], [sflag:$0x1], $0x1, s15, s7, $0xb8;
	[tilespmem:$0x4580] =	vst v63  }
0x225: {  	s17 =	sld [smem:$0x7F4]  }
0x226: {  	[spmem:s2] =	stream.indirect.scatter.add.f32 [tilespmem:s8], [sflag:$0x1], $0x1, s16, s7, $0xb8;
	[tilespmem:$0x4580] =	vst v63  }
0x227: {  	s18 =	sld [smem:$0x7F5]  }
0x228: {  	[spmem:s2] =	stream.indirect.scatter.add.f32 [tilespmem:s8], [sflag:$0x1], $0x1, s17, s7, $0xb8;
	[tilespmem:$0x4580] =	vst v63  }
0x229: {  	_ = 	snop  }
0x22a: {  	[spmem:s2] =	stream.indirect.scatter.add.f32 [tilespmem:s8], [sflag:$0x1], $0x1, s18, s7, $0xb8;
	[tilespmem:$0x4580] =	vst v63  }
0x22b: {  	_ =	swait.ge [sflag:s9], $0x50  }
0x22c: {  	[sflag:s9] =	ssyncset.done $0x0  }
0x22d: {  	[sflag:s9] =	ssyncadd.s32 $0xFFFFFFB0  }
0x22e: {  	_ =	swait.ge [sflag:s9], $0x50  }
0x22f: {  	[sflag:s9] =	ssyncset.done $0x0  }
0x230: {  	[sflag:s9] =	ssyncadd.s32 $0xFFFFFFB0  }
0x231: {  	_ =	swait.ge [sflag:s9], $0x50  }
0x232: {  	[sflag:s9] =	ssyncset.done $0x0  }
0x233: {  	[sflag:s9] =	ssyncadd.s32 $0xFFFFFFB0  }
0x234: {  	_ =	swait.ge [sflag:s9], $0x50  }
0x235: {  	[sflag:s9] =	ssyncset.done $0x0  }
0x236: {  	[sflag:s9] =	ssyncadd.s32 $0xFFFFFFB0  }
0x237: {  	_ =	swait.ge [sflag:s9], $0x50  }
0x238: {  	[sflag:s9] =	ssyncset.done $0x0  }
0x239: {  	[sflag:s9] =	ssyncadd.s32 $0xFFFFFFB0  }
0x23a: {  	_ =	swait.ge [sflag:s9], $0x50  }
0x23b: {  	[sflag:s9] =	ssyncset.done $0x0  }
0x23c: {  	[sflag:s9] =	ssyncadd.s32 $0xFFFFFFB0  }
0x23d: {  	_ =	swait.ge [sflag:s9], $0x50  }
0x23e: {  	[sflag:s9] =	ssyncset.done $0x0  }
0x23f: {  	[sflag:s9] =	ssyncadd.s32 $0xFFFFFFB0  }
0x240: {  	_ =	swait.ge [sflag:s9], $0x50  }
0x241: {  	[sflag:s9] =	ssyncset.done $0x0  }
0x242: {  	[sflag:s9] =	ssyncadd.s32 $0xFFFFFFB0  }
0x243: {  	_ =	swait.ge [sflag:s9], $0x50  }
0x244: {  	[sflag:s9] =	ssyncset.done $0x0  }
0x245: {  	[sflag:s9] =	ssyncadd.s32 $0xFFFFFFB0  }
0x246: {  	_ =	swait.ge [sflag:s9], $0x50  }
0x247: {  	[sflag:s9] =	ssyncset.done $0x0  }
0x248: {  	[sflag:s9] =	ssyncadd.s32 $0xFFFFFFB0  }
0x249: {  	_ =	swait.ge [sflag:s9], $0x50  }
0x24a: {  	[sflag:s9] =	ssyncset.done $0x0  }
0x24b: {  	[sflag:s9] =	ssyncadd.s32 $0xFFFFFFB0  }
0x24c: {  	_ =	swait.ge [sflag:s9], $0x50  }
0x24d: {  	[sflag:s9] =	ssyncset.done $0x0  }
0x24e: {  	[sflag:s9] =	ssyncadd.s32 $0xFFFFFFB0  }
0x24f: {  	_ =	swait.ge [sflag:s9], $0x50  }
0x250: {  	[sflag:s9] =	ssyncset.done $0x0  }
0x251: {  	[sflag:s9] =	ssyncadd.s32 $0xFFFFFFB0  }
0x252: {  	_ =	swait.ge [sflag:s9], $0x50  }
0x253: {  	[sflag:s9] =	ssyncset.done $0x0  }
0x254: {  	[sflag:s9] =	ssyncadd.s32 $0xFFFFFFB0  }
0x255: {  	_ =	swait.ge [sflag:s9], $0x50  }
0x256: {  	[sflag:s9] =	ssyncset.done $0x0  }
0x257: {  	[sflag:s9] =	ssyncadd.s32 $0xFFFFFFB0  }
0x258: {  	_ =	swait.ge [sflag:s9], $0x50  }
0x259: {  	[sflag:s9] =	ssyncset.done $0x0  }
0x25a: {  	[sflag:s9] =	ssyncadd.s32 $0xFFFFFFB0  }
0x25b: {  	_ =	swait.ge [sflag:s9], $0x50  }
0x25c: {  	[sflag:s9] =	ssyncset.done $0x0  }
0x25d: {  	[sflag:s9] =	ssyncadd.s32 $0xFFFFFFB0  }
0x25e: {  	_ =	swait.ge [sflag:s9], $0x50  }
0x25f: {  	[sflag:s9] =	ssyncset.done $0x0  }
0x260: {  	[sflag:s9] =	ssyncadd.s32 $0xFFFFFFB0  }
0x261: {  	_ =	swait.ge [sflag:s9], $0x50  }
0x262: {  	[sflag:s9] =	ssyncset.done $0x0  }
0x263: {  	[sflag:s9] =	ssyncadd.s32 $0xFFFFFFB0  }
0x264: {  	_ =	swait.ge [sflag:s9], $0x50  }
0x265: {  	[sflag:s9] =	ssyncset.done $0x0  }
0x266: {  	[sflag:s9] =	ssyncadd.s32 $0xFFFFFFB0  }
0x267: {  	_ =	swait.ge [sflag:s9], $0x50  }
0x268: {  	[sflag:s9] =	ssyncset.done $0x0  }
0x269: {  	[sflag:s9] =	ssyncadd.s32 $0xFFFFFFB0  }
0x26a: {  	_ =	swait.ge [sflag:s9], $0x50  }
0x26b: {  	[sflag:s9] =	ssyncset.done $0x0  }
0x26c: {  	[sflag:s9] =	ssyncadd.s32 $0xFFFFFFB0  }
0x26d: {  	_ =	swait.ge [sflag:s9], $0x50  }
0x26e: {  	[sflag:s9] =	ssyncset.done $0x0  }
0x26f: {  	[sflag:s9] =	ssyncadd.s32 $0xFFFFFFB0  }
0x270: {  	_ =	swait.ge [sflag:s9], $0x50  }
0x271: {  	[sflag:s9] =	ssyncset.done $0x0  }
0x272: {  	[sflag:s9] =	ssyncadd.s32 $0xFFFFFFB0  }
0x273: {  	_ =	swait.ge [sflag:s9], $0x50  }
0x274: {  	s19 =	sld [smem:$0x7F6]  }
0x275: {  	[sflag:s9] =	ssyncset.done $0x0  }
0x276: {  	s20 =	sld [smem:$0x7F7];
	[sflag:s9] =	ssyncadd.s32 $0xFFFFFFB0  }
0x277: {  	[spmem:s2] =	stream.indirect.scatter.add.f32 [tilespmem:s8], [sflag:$0x1], $0x1, s19, s7, $0xb8;
	[tilespmem:$0x4580] =	vst v63  }
0x278: {  	s21 =	sld [smem:$0x7F8]  }
0x279: {  	[spmem:s2] =	stream.indirect.scatter.add.f32 [tilespmem:s8], [sflag:$0x1], $0x1, s20, s7, $0xb8;
	[tilespmem:$0x4580] =	vst v63  }
0x27a: {  	s22 =	sld [smem:$0x7F9]  }
0x27b: {  	[spmem:s2] =	stream.indirect.scatter.add.f32 [tilespmem:s8], [sflag:$0x1], $0x1, s21, s7, $0xb8;
	[tilespmem:$0x4580] =	vst v63  }
0x27c: {  	s23 =	sld [smem:$0x7FA]  }
0x27d: {  	[spmem:s2] =	stream.indirect.scatter.add.f32 [tilespmem:s8], [sflag:$0x1], $0x1, s22, s7, $0xb8;
	[tilespmem:$0x4580] =	vst v63  }
0x27e: {  	s24 =	sld [smem:$0x7FB]  }
0x27f: {  	[spmem:s2] =	stream.indirect.scatter.add.f32 [tilespmem:s8], [sflag:$0x1], $0x1, s23, s7, $0xb8;
	[tilespmem:$0x4580] =	vst v63  }
0x280: {  	s25 =	sld [smem:$0x7FC]  }
0x281: {  	[spmem:s2] =	stream.indirect.scatter.add.f32 [tilespmem:s8], [sflag:$0x1], $0x1, s24, s7, $0xb8;
	[tilespmem:$0x4580] =	vst v63  }
0x282: {  	s26 =	sld [smem:$0x7FD]  }
0x283: {  	[spmem:s2] =	stream.indirect.scatter.add.f32 [tilespmem:s8], [sflag:$0x1], $0x1, s25, s7, $0xb8;
	[tilespmem:$0x4580] =	vst v63  }
0x284: {  	_ = 	snop  }
0x285: {  	[spmem:s2] =	stream.indirect.scatter.add.f32 [tilespmem:s8], [sflag:$0x1], $0x1, s26, s7, $0xb8;
	[tilespmem:$0x4580] =	vst v63  }
0x286: {  	s10 =	simm.s32 $0x3880  }
0x287: {  	[spmem:s2] =	stream.indirect.scatter.add.f32 [tilespmem:s8], [sflag:$0x1], $0x1, s10, s7, $0xb8;
	[tilespmem:$0x4580] =	vst v63  }
0x288: {  	s11 =	simm.s32 $0x3900  }
0x289: {  	[spmem:s2] =	stream.indirect.scatter.add.f32 [tilespmem:s8], [sflag:$0x1], $0x1, s11, s7, $0xb8;
	[tilespmem:$0x4580] =	vst v63  }
0x28a: {  	s12 =	simm.s32 $0x3980  }
0x28b: {  	[spmem:s2] =	stream.indirect.scatter.add.f32 [tilespmem:s8], [sflag:$0x1], $0x1, s12, s7, $0xb8;
	[tilespmem:$0x4580] =	vst v63  }
0x28c: {  	s13 =	simm.s32 $0x3A00  }
0x28d: {  	[spmem:s2] =	stream.indirect.scatter.add.f32 [tilespmem:s8], [sflag:$0x1], $0x1, s13, s7, $0xb8;
	[tilespmem:$0x4580] =	vst v63  }
0x28e: {  	s14 =	simm.s32 $0x3A80  }
0x28f: {  	[spmem:s2] =	stream.indirect.scatter.add.f32 [tilespmem:s8], [sflag:$0x1], $0x1, s14, s7, $0xb8;
	[tilespmem:$0x4580] =	vst v63  }
0x290: {  	s15 =	simm.s32 $0x3B00  }
0x291: {  	[spmem:s2] =	stream.indirect.scatter.add.f32 [tilespmem:s8], [sflag:$0x1], $0x1, s15, s7, $0xb8;
	[tilespmem:$0x4580] =	vst v63  }
0x292: {  	s16 =	simm.s32 $0x3B80  }
0x293: {  	[spmem:s2] =	stream.indirect.scatter.add.f32 [tilespmem:s8], [sflag:$0x1], $0x1, s16, s7, $0xb8;
	[tilespmem:$0x4580] =	vst v63  }
0x294: {  	s17 =	simm.s32 $0x3C00  }
0x295: {  	[spmem:s2] =	stream.indirect.scatter.add.f32 [tilespmem:s8], [sflag:$0x1], $0x1, s17, s7, $0xb8;
	[tilespmem:$0x4580] =	vst v63  }
0x296: {  	s18 =	simm.s32 $0x3C80  }
0x297: {  	[spmem:s2] =	stream.indirect.scatter.add.f32 [tilespmem:s8], [sflag:$0x1], $0x1, s18, s7, $0xb8;
	[tilespmem:$0x4580] =	vst v63  }
0x298: {  	s19 =	simm.s32 $0x3D00  }
0x299: {  	[spmem:s2] =	stream.indirect.scatter.add.f32 [tilespmem:s8], [sflag:$0x1], $0x1, s19, s7, $0xb8;
	[tilespmem:$0x4580] =	vst v63  }
0x29a: {  	s20 =	simm.s32 $0x3D80  }
0x29b: {  	[spmem:s2] =	stream.indirect.scatter.add.f32 [tilespmem:s8], [sflag:$0x1], $0x1, s20, s7, $0xb8;
	[tilespmem:$0x4580] =	vst v63  }
0x29c: {  	s21 =	simm.s32 $0x3E00  }
0x29d: {  	[spmem:s2] =	stream.indirect.scatter.add.f32 [tilespmem:s8], [sflag:$0x1], $0x1, s21, s7, $0xb8;
	[tilespmem:$0x4580] =	vst v63  }
0x29e: {  	s22 =	simm.s32 $0x3E80  }
0x29f: {  	[spmem:s2] =	stream.indirect.scatter.add.f32 [tilespmem:s8], [sflag:$0x1], $0x1, s22, s7, $0xb8;
	[tilespmem:$0x4580] =	vst v63  }
0x2a0: {  	s23 =	simm.s32 $0x3F00  }
0x2a1: {  	[spmem:s2] =	stream.indirect.scatter.add.f32 [tilespmem:s8], [sflag:$0x1], $0x1, s23, s7, $0xb8;
	[tilespmem:$0x4580] =	vst v63  }
0x2a2: {  	s24 =	simm.s32 $0x3F80  }
0x2a3: {  	[spmem:s2] =	stream.indirect.scatter.add.f32 [tilespmem:s8], [sflag:$0x1], $0x1, s24, s7, $0xb8;
	[tilespmem:$0x4580] =	vst v63  }
0x2a4: {  	s25 =	simm.s32 $0x4000  }
0x2a5: {  	[spmem:s2] =	stream.indirect.scatter.add.f32 [tilespmem:s8], [sflag:$0x1], $0x1, s25, s7, $0xb8;
	[tilespmem:$0x4580] =	vst v63  }
0x2a6: {  	s26 =	simm.s32 $0x4080  }
0x2a7: {  	[spmem:s2] =	stream.indirect.scatter.add.f32 [tilespmem:s8], [sflag:$0x1], $0x1, s26, s7, $0xb8;
	[tilespmem:$0x4580] =	vst v63  }
0x2a8: {  	_ =	swait.ge [sflag:s9], $0x50  }
0x2a9: {  	[sflag:s9] =	ssyncset.done $0x0  }
0x2aa: {  	[sflag:s9] =	ssyncadd.s32 $0xFFFFFFB0  }
0x2ab: {  	_ =	swait.ge [sflag:s9], $0x50  }
0x2ac: {  	[sflag:s9] =	ssyncset.done $0x0  }
0x2ad: {  	[sflag:s9] =	ssyncadd.s32 $0xFFFFFFB0  }
0x2ae: {  	_ =	swait.ge [sflag:s9], $0x50  }
0x2af: {  	[sflag:s9] =	ssyncset.done $0x0  }
0x2b0: {  	[sflag:s9] =	ssyncadd.s32 $0xFFFFFFB0  }
0x2b1: {  	_ =	swait.ge [sflag:s9], $0x50  }
0x2b2: {  	[sflag:s9] =	ssyncset.done $0x0  }
0x2b3: {  	[sflag:s9] =	ssyncadd.s32 $0xFFFFFFB0  }
0x2b4: {  	_ =	swait.ge [sflag:s9], $0x50  }
0x2b5: {  	[sflag:s9] =	ssyncset.done $0x0  }
0x2b6: {  	[sflag:s9] =	ssyncadd.s32 $0xFFFFFFB0  }
0x2b7: {  	_ =	swait.ge [sflag:s9], $0x50  }
0x2b8: {  	[sflag:s9] =	ssyncset.done $0x0  }
0x2b9: {  	[sflag:s9] =	ssyncadd.s32 $0xFFFFFFB0  }
0x2ba: {  	_ =	swait.ge [sflag:s9], $0x50  }
0x2bb: {  	[sflag:s9] =	ssyncset.done $0x0  }
0x2bc: {  	[sflag:s9] =	ssyncadd.s32 $0xFFFFFFB0  }
0x2bd: {  	_ =	swait.ge [sflag:s9], $0x50  }
0x2be: {  	[sflag:s9] =	ssyncset.done $0x0  }
0x2bf: {  	[sflag:s9] =	ssyncadd.s32 $0xFFFFFFB0  }
0x2c0: {  	_ =	swait.ge [sflag:s9], $0x50  }
0x2c1: {  	[sflag:s9] =	ssyncset.done $0x0  }
0x2c2: {  	[sflag:s9] =	ssyncadd.s32 $0xFFFFFFB0  }
0x2c3: {  	_ =	swait.ge [sflag:s9], $0x50  }
0x2c4: {  	[sflag:s9] =	ssyncset.done $0x0  }
0x2c5: {  	[sflag:s9] =	ssyncadd.s32 $0xFFFFFFB0  }
0x2c6: {  	_ =	swait.ge [sflag:s9], $0x50  }
0x2c7: {  	[sflag:s9] =	ssyncset.done $0x0  }
0x2c8: {  	[sflag:s9] =	ssyncadd.s32 $0xFFFFFFB0  }
0x2c9: {  	_ =	swait.ge [sflag:s9], $0x50  }
0x2ca: {  	[sflag:s9] =	ssyncset.done $0x0  }
0x2cb: {  	[sflag:s9] =	ssyncadd.s32 $0xFFFFFFB0  }
0x2cc: {  	_ =	swait.ge [sflag:s9], $0x50  }
0x2cd: {  	[sflag:s9] =	ssyncset.done $0x0  }
0x2ce: {  	[sflag:s9] =	ssyncadd.s32 $0xFFFFFFB0  }
0x2cf: {  	_ =	swait.ge [sflag:s9], $0x50  }
0x2d0: {  	[sflag:s9] =	ssyncset.done $0x0  }
0x2d1: {  	[sflag:s9] =	ssyncadd.s32 $0xFFFFFFB0  }
0x2d2: {  	_ =	swait.ge [sflag:s9], $0x50  }
0x2d3: {  	[sflag:s9] =	ssyncset.done $0x0  }
0x2d4: {  	[sflag:s9] =	ssyncadd.s32 $0xFFFFFFB0  }
0x2d5: {  	_ =	swait.ge [sflag:s9], $0x50  }
0x2d6: {  	[sflag:s9] =	ssyncset.done $0x0  }
0x2d7: {  	[sflag:s9] =	ssyncadd.s32 $0xFFFFFFB0  }
0x2d8: {  	_ =	swait.ge [sflag:s9], $0x50  }
0x2d9: {  	[sflag:s9] =	ssyncset.done $0x0  }
0x2da: {  	[sflag:s9] =	ssyncadd.s32 $0xFFFFFFB0  }
0x2db: {  	_ =	swait.ge [sflag:s9], $0x50  }
0x2dc: {  	[sflag:s9] =	ssyncset.done $0x0  }
0x2dd: {  	[sflag:s9] =	ssyncadd.s32 $0xFFFFFFB0  }
0x2de: {  	_ =	swait.ge [sflag:s9], $0x50  }
0x2df: {  	[sflag:s9] =	ssyncset.done $0x0  }
0x2e0: {  	[sflag:s9] =	ssyncadd.s32 $0xFFFFFFB0  }
0x2e1: {  	_ =	swait.ge [sflag:s9], $0x50  }
0x2e2: {  	[sflag:s9] =	ssyncset.done $0x0  }
0x2e3: {  	[sflag:s9] =	ssyncadd.s32 $0xFFFFFFB0  }
0x2e4: {  	_ =	swait.ge [sflag:s9], $0x50  }
0x2e5: {  	[sflag:s9] =	ssyncset.done $0x0  }
0x2e6: {  	[sflag:s9] =	ssyncadd.s32 $0xFFFFFFB0  }
0x2e7: {  	_ =	swait.ge [sflag:s9], $0x50  }
0x2e8: {  	[sflag:s9] =	ssyncset.done $0x0  }
0x2e9: {  	[sflag:s9] =	ssyncadd.s32 $0xFFFFFFB0  }
0x2ea: {  	_ =	swait.ge [sflag:s9], $0x50  }
0x2eb: {  	s28 =	ssub.s32 $0x2, s28;
	[sflag:s9] =	ssyncset.done $0x0  }
0x2ec: {  	s29 =	sshrl.u32 s28, $0x1;
	[sflag:s9] =	ssyncadd.s32 $0xFFFFFFB0  }
0x2ed: {  	s28 =	ssub.s32 s28, s29;
	_ =	swait.ge [sflag:s9], $0x50  }
0x2ee: {  	s28 =	smax.u32 s28, $0x1;
	[sflag:s9] =	ssyncset.done $0x0  }
0x2ef: {  	p0 =	sne.s32 s28, $0x1;
	[sflag:s9] =	ssyncadd.s32 $0xFFFFFFB0  }
.Ltmp0:
0x2f0: {  	_ =	swait.ge [sflag:s9], $0x50;
	(pc) =	sbr.rel @!p0 .LBB2_2-.Ltmp0, $4  }
0x2f1: {  	[sflag:s9] =	ssyncset.done $0x0  }
0x2f2: {  	[sflag:s9] =	ssyncadd.s32 $0xFFFFFFB0  }
0x2f3: {  	s29 =	sadd.s32 $0xFFFFFFFF, s28;
	s28 =	sshll.u32 s0, $0x6;
	[bflag:$0x0] =	sbarrier.arrive $0xFFFF  }
0x2f4: {  	s30 =	sshrl.u32 s5, $0x3;
	s28 =	sor.u32 $0x1C02, s28;
	s31 =	rddreg [dreg:$0x5]  }
.LBB2_1:
0x2f5: {  	[hbm:s31], [sflag:s28] =	dma.local [spmem:s30], $0x50  }
0x2f6: {  	_ =	swait.ge [sflag:s4], $0x50  }
0x2f7: {  	[sflag:s4] =	ssyncset.done $0x0  }
0x2f8: {  	[sflag:s4] =	ssyncadd.s32 $0xFFFFFFB0  }
0x2f9: {  	[tilespmem:$0x4300] =	vst v0  }
0x2fa: {  	[tilespmem:$0x4310] =	vst v0  }
0x2fb: {  	[tilespmem:$0x4320] =	vst v0  }
0x2fc: {  	[tilespmem:$0x4330] =	vst v0  }
0x2fd: {  	[tilespmem:$0x4340] =	vst v0  }
0x2fe: {  	[tilespmem:$0x4350] =	vst v0  }
0x2ff: {  	[tilespmem:$0x4360] =	vst v0  }
0x300: {  	[tilespmem:$0x4370] =	vst v0  }
0x301: {  	[tilespmem:$0x4380] =	vst v0  }
0x302: {  	[tilespmem:$0x4390] =	vst v0  }
0x303: {  	[tilespmem:$0x43A0] =	vst v0  }
0x304: {  	[tilespmem:$0x43B0] =	vst v0  }
0x305: {  	[tilespmem:$0x43C0] =	vst v0  }
0x306: {  	[tilespmem:$0x43D0] =	vst v0  }
0x307: {  	[tilespmem:$0x4280] =	vst v1  }
0x308: {  	[tilespmem:$0x4500] =	vst v0  }
0x309: {  	[tilespmem:$0x44F0] =	vst v0  }
0x30a: {  	[tilespmem:$0x44E0] =	vst v0  }
0x30b: {  	[tilespmem:$0x44D0] =	vst v0  }
0x30c: {  	[tilespmem:$0x44C0] =	vst v0  }
0x30d: {  	[tilespmem:$0x44B0] =	vst v0  }
0x30e: {  	[tilespmem:$0x44A0] =	vst v0  }
0x30f: {  	[tilespmem:$0x4490] =	vst v0  }
0x310: {  	[tilespmem:$0x4480] =	vst v0  }
0x311: {  	[tilespmem:$0x4470] =	vst v0  }
0x312: {  	[tilespmem:$0x4460] =	vst v0  }
0x313: {  	[tilespmem:$0x4450] =	vst v0  }
0x314: {  	[tilespmem:$0x4440] =	vst v0  }
0x315: {  	[tilespmem:$0x4430] =	vst v0  }
0x316: {  	[tilespmem:$0x4420] =	vst v0  }
0x317: {  	[tilespmem:$0x4410] =	vst v0  }
0x318: {  	[tilespmem:$0x4400] =	vst v0  }
0x319: {  	[tilespmem:$0x43F0] =	vst v0  }
0x31a: {  	[tilespmem:$0x43E0] =	vst v0  }
0x31b: {  	[tilespmem:$0x42C0] =	vst v1  }
0x31c: {  	[tilespmem:$0x42B0] =	vst v1  }
0x31d: {  	[tilespmem:$0x42A0] =	vst v1  }
0x31e: {  	[tilespmem:$0x4290] =	vst v1  }
0x31f: {  	[tilespmem:$0x4510] =	vst v0  }
0x320: {  	[tilespmem:$0x4570] =	vst v0  }
0x321: {  	[tilespmem:$0x4560] =	vst v0  }
0x322: {  	[tilespmem:$0x4530] =	vst v0  }
0x323: {  	[tilespmem:$0x4540] =	vst v0  }
0x324: {  	[tilespmem:$0x4520] =	vst v0  }
0x325: {  	[tilespmem:$0x4550] =	vst v0;
	s31 =	rddreg [dreg:$0x6]  }
0x326: {  	[spmem:s5] =	stream.linear.scatter [tilespmem:s31], [sflag:$0x2], $0x280, $0x38;
	[tilespmem:$0x4580] =	vst v63  }
0x327: {  	_ =	swait.ge [sflag:s4], $0x280  }
0x328: {  	[sflag:s4] =	ssyncset.done $0x0  }
0x329: {  	s31 =	rddreg [dreg:$0x4];
	[sflag:s4] =	ssyncadd.s32 $0xFFFFFD80  }
0x32a: {  	[tilespmem:s6], [sflag:$0x2] =	stream.linear.gather [hbm4b:s31+s3], $0x3E80, $0x38;
	[tilespmem:$0x4580] =	vst v63  }
0x32b: {  	_ =	swait.ge [sflag:s4], $0x3E80  }
0x32c: {  	[sflag:s4] =	ssyncset.done $0x0  }
0x32d: {  	[sflag:s4] =	ssyncadd.s32 $0xFFFFC180  }
0x32e: {  	[bflag:$0x0] =	sbarrier.arrive $0xFFFF  }
0x32f: {  	[spmem:s2] =	stream.indirect.scatter.add.f32 [tilespmem:s8], [sflag:$0x1], $0x1, s6, s7, $0xb8;
	[tilespmem:$0x4580] =	vst v63  }
0x330: {  	s31 =	rddreg [dreg:$0x7]  }
0x331: {  	[spmem:s2] =	stream.indirect.scatter.add.f32 [tilespmem:s8], [sflag:$0x1], $0x1, s31, s7, $0xb8;
	[tilespmem:$0x4580] =	vst v63  }
0x332: {  	s1 =	rddreg [dreg:$0x8]  }
0x333: {  	[spmem:s2] =	stream.indirect.scatter.add.f32 [tilespmem:s8], [sflag:$0x1], $0x1, s1, s7, $0xb8;
	[tilespmem:$0x4580] =	vst v63  }
0x334: {  	s31 =	rddreg [dreg:$0x9]  }
0x335: {  	[spmem:s2] =	stream.indirect.scatter.add.f32 [tilespmem:s8], [sflag:$0x1], $0x1, s31, s7, $0xb8;
	[tilespmem:$0x4580] =	vst v63  }
0x336: {  	s1 =	rddreg [dreg:$0xa]  }
0x337: {  	[spmem:s2] =	stream.indirect.scatter.add.f32 [tilespmem:s8], [sflag:$0x1], $0x1, s1, s7, $0xb8;
	[tilespmem:$0x4580] =	vst v63  }
0x338: {  	s31 =	rddreg [dreg:$0xb]  }
0x339: {  	[spmem:s2] =	stream.indirect.scatter.add.f32 [tilespmem:s8], [sflag:$0x1], $0x1, s31, s7, $0xb8;
	[tilespmem:$0x4580] =	vst v63  }
0x33a: {  	s1 =	rddreg [dreg:$0xc]  }
0x33b: {  	[spmem:s2] =	stream.indirect.scatter.add.f32 [tilespmem:s8], [sflag:$0x1], $0x1, s1, s7, $0xb8;
	[tilespmem:$0x4580] =	vst v63  }
0x33c: {  	s31 =	rddreg [dreg:$0xd]  }
0x33d: {  	[spmem:s2] =	stream.indirect.scatter.add.f32 [tilespmem:s8], [sflag:$0x1], $0x1, s31, s7, $0xb8;
	[tilespmem:$0x4580] =	vst v63  }
0x33e: {  	s1 =	rddreg [dreg:$0xe]  }
0x33f: {  	[spmem:s2] =	stream.indirect.scatter.add.f32 [tilespmem:s8], [sflag:$0x1], $0x1, s1, s7, $0xb8;
	[tilespmem:$0x4580] =	vst v63  }
0x340: {  	s31 =	rddreg [dreg:$0xf]  }
0x341: {  	[spmem:s2] =	stream.indirect.scatter.add.f32 [tilespmem:s8], [sflag:$0x1], $0x1, s31, s7, $0xb8;
	[tilespmem:$0x4580] =	vst v63  }
0x342: {  	s1 =	rddreg [dreg:$0x10]  }
0x343: {  	[spmem:s2] =	stream.indirect.scatter.add.f32 [tilespmem:s8], [sflag:$0x1], $0x1, s1, s7, $0xb8;
	[tilespmem:$0x4580] =	vst v63  }
0x344: {  	s31 =	rddreg [dreg:$0x11]  }
0x345: {  	[spmem:s2] =	stream.indirect.scatter.add.f32 [tilespmem:s8], [sflag:$0x1], $0x1, s31, s7, $0xb8;
	[tilespmem:$0x4580] =	vst v63  }
0x346: {  	s1 =	rddreg [dreg:$0x12]  }
0x347: {  	[spmem:s2] =	stream.indirect.scatter.add.f32 [tilespmem:s8], [sflag:$0x1], $0x1, s1, s7, $0xb8;
	[tilespmem:$0x4580] =	vst v63  }
0x348: {  	s31 =	rddreg [dreg:$0x13]  }
0x349: {  	[spmem:s2] =	stream.indirect.scatter.add.f32 [tilespmem:s8], [sflag:$0x1], $0x1, s31, s7, $0xb8;
	[tilespmem:$0x4580] =	vst v63  }
0x34a: {  	s1 =	rddreg [dreg:$0x14]  }
0x34b: {  	[spmem:s2] =	stream.indirect.scatter.add.f32 [tilespmem:s8], [sflag:$0x1], $0x1, s1, s7, $0xb8;
	[tilespmem:$0x4580] =	vst v63  }
0x34c: {  	s31 =	rddreg [dreg:$0x15]  }
0x34d: {  	[spmem:s2] =	stream.indirect.scatter.add.f32 [tilespmem:s8], [sflag:$0x1], $0x1, s31, s7, $0xb8;
	[tilespmem:$0x4580] =	vst v63  }
0x34e: {  	s1 =	rddreg [dreg:$0x16]  }
0x34f: {  	[spmem:s2] =	stream.indirect.scatter.add.f32 [tilespmem:s8], [sflag:$0x1], $0x1, s1, s7, $0xb8;
	[tilespmem:$0x4580] =	vst v63  }
0x350: {  	s31 =	rddreg [dreg:$0x17]  }
0x351: {  	[spmem:s2] =	stream.indirect.scatter.add.f32 [tilespmem:s8], [sflag:$0x1], $0x1, s31, s7, $0xb8;
	[tilespmem:$0x4580] =	vst v63  }
0x352: {  	s1 =	rddreg [dreg:$0x18]  }
0x353: {  	[spmem:s2] =	stream.indirect.scatter.add.f32 [tilespmem:s8], [sflag:$0x1], $0x1, s1, s7, $0xb8;
	[tilespmem:$0x4580] =	vst v63  }
0x354: {  	s31 =	rddreg [dreg:$0x19]  }
0x355: {  	[spmem:s2] =	stream.indirect.scatter.add.f32 [tilespmem:s8], [sflag:$0x1], $0x1, s31, s7, $0xb8;
	[tilespmem:$0x4580] =	vst v63  }
0x356: {  	s1 =	rddreg [dreg:$0x1a]  }
0x357: {  	[spmem:s2] =	stream.indirect.scatter.add.f32 [tilespmem:s8], [sflag:$0x1], $0x1, s1, s7, $0xb8;
	[tilespmem:$0x4580] =	vst v63  }
0x358: {  	s31 =	rddreg [dreg:$0x1b]  }
0x359: {  	[spmem:s2] =	stream.indirect.scatter.add.f32 [tilespmem:s8], [sflag:$0x1], $0x1, s31, s7, $0xb8;
	[tilespmem:$0x4580] =	vst v63  }
0x35a: {  	s1 =	rddreg [dreg:$0x1c]  }
0x35b: {  	[spmem:s2] =	stream.indirect.scatter.add.f32 [tilespmem:s8], [sflag:$0x1], $0x1, s1, s7, $0xb8;
	[tilespmem:$0x4580] =	vst v63  }
0x35c: {  	s31 =	rddreg [dreg:$0x1d]  }
0x35d: {  	[spmem:s2] =	stream.indirect.scatter.add.f32 [tilespmem:s8], [sflag:$0x1], $0x1, s31, s7, $0xb8;
	[tilespmem:$0x4580] =	vst v63  }
0x35e: {  	s1 =	rddreg [dreg:$0x1e]  }
0x35f: {  	[spmem:s2] =	stream.indirect.scatter.add.f32 [tilespmem:s8], [sflag:$0x1], $0x1, s1, s7, $0xb8;
	[tilespmem:$0x4580] =	vst v63  }
0x360: {  	_ =	swait.ge [sflag:s9], $0x50  }
0x361: {  	[sflag:s9] =	ssyncset.done $0x0  }
0x362: {  	[sflag:s9] =	ssyncadd.s32 $0xFFFFFFB0  }
0x363: {  	_ =	swait.ge [sflag:s9], $0x50  }
0x364: {  	[sflag:s9] =	ssyncset.done $0x0  }
0x365: {  	[sflag:s9] =	ssyncadd.s32 $0xFFFFFFB0  }
0x366: {  	_ =	swait.ge [sflag:s9], $0x50  }
0x367: {  	[sflag:s9] =	ssyncset.done $0x0  }
0x368: {  	[sflag:s9] =	ssyncadd.s32 $0xFFFFFFB0  }
0x369: {  	_ =	swait.ge [sflag:s9], $0x50  }
0x36a: {  	[sflag:s9] =	ssyncset.done $0x0  }
0x36b: {  	[sflag:s9] =	ssyncadd.s32 $0xFFFFFFB0  }
0x36c: {  	_ =	swait.ge [sflag:s9], $0x50  }
0x36d: {  	[sflag:s9] =	ssyncset.done $0x0  }
0x36e: {  	[sflag:s9] =	ssyncadd.s32 $0xFFFFFFB0  }
0x36f: {  	_ =	swait.ge [sflag:s9], $0x50  }
0x370: {  	[sflag:s9] =	ssyncset.done $0x0  }
0x371: {  	[sflag:s9] =	ssyncadd.s32 $0xFFFFFFB0  }
0x372: {  	_ =	swait.ge [sflag:s9], $0x50  }
0x373: {  	[sflag:s9] =	ssyncset.done $0x0  }
0x374: {  	[sflag:s9] =	ssyncadd.s32 $0xFFFFFFB0  }
0x375: {  	_ =	swait.ge [sflag:s9], $0x50  }
0x376: {  	[sflag:s9] =	ssyncset.done $0x0  }
0x377: {  	[sflag:s9] =	ssyncadd.s32 $0xFFFFFFB0  }
0x378: {  	_ =	swait.ge [sflag:s9], $0x50  }
0x379: {  	[sflag:s9] =	ssyncset.done $0x0  }
0x37a: {  	[sflag:s9] =	ssyncadd.s32 $0xFFFFFFB0  }
0x37b: {  	_ =	swait.ge [sflag:s9], $0x50  }
0x37c: {  	[sflag:s9] =	ssyncset.done $0x0  }
0x37d: {  	[sflag:s9] =	ssyncadd.s32 $0xFFFFFFB0  }
0x37e: {  	_ =	swait.ge [sflag:s9], $0x50  }
0x37f: {  	[sflag:s9] =	ssyncset.done $0x0  }
0x380: {  	[sflag:s9] =	ssyncadd.s32 $0xFFFFFFB0  }
0x381: {  	_ =	swait.ge [sflag:s9], $0x50  }
0x382: {  	[sflag:s9] =	ssyncset.done $0x0  }
0x383: {  	[sflag:s9] =	ssyncadd.s32 $0xFFFFFFB0  }
0x384: {  	_ =	swait.ge [sflag:s9], $0x50  }
0x385: {  	[sflag:s9] =	ssyncset.done $0x0  }
0x386: {  	[sflag:s9] =	ssyncadd.s32 $0xFFFFFFB0  }
0x387: {  	_ =	swait.ge [sflag:s9], $0x50  }
0x388: {  	[sflag:s9] =	ssyncset.done $0x0  }
0x389: {  	[sflag:s9] =	ssyncadd.s32 $0xFFFFFFB0  }
0x38a: {  	_ =	swait.ge [sflag:s9], $0x50  }
0x38b: {  	[sflag:s9] =	ssyncset.done $0x0  }
0x38c: {  	[sflag:s9] =	ssyncadd.s32 $0xFFFFFFB0  }
0x38d: {  	_ =	swait.ge [sflag:s9], $0x50  }
0x38e: {  	[sflag:s9] =	ssyncset.done $0x0  }
0x38f: {  	[sflag:s9] =	ssyncadd.s32 $0xFFFFFFB0  }
0x390: {  	_ =	swait.ge [sflag:s9], $0x50  }
0x391: {  	[sflag:s9] =	ssyncset.done $0x0  }
0x392: {  	[sflag:s9] =	ssyncadd.s32 $0xFFFFFFB0  }
0x393: {  	_ =	swait.ge [sflag:s9], $0x50  }
0x394: {  	[sflag:s9] =	ssyncset.done $0x0  }
0x395: {  	[sflag:s9] =	ssyncadd.s32 $0xFFFFFFB0  }
0x396: {  	_ =	swait.ge [sflag:s9], $0x50  }
0x397: {  	[sflag:s9] =	ssyncset.done $0x0  }
0x398: {  	[sflag:s9] =	ssyncadd.s32 $0xFFFFFFB0  }
0x399: {  	_ =	swait.ge [sflag:s9], $0x50  }
0x39a: {  	[sflag:s9] =	ssyncset.done $0x0  }
0x39b: {  	[sflag:s9] =	ssyncadd.s32 $0xFFFFFFB0  }
0x39c: {  	_ =	swait.ge [sflag:s9], $0x50  }
0x39d: {  	[sflag:s9] =	ssyncset.done $0x0  }
0x39e: {  	[sflag:s9] =	ssyncadd.s32 $0xFFFFFFB0  }
0x39f: {  	_ =	swait.ge [sflag:s9], $0x50  }
0x3a0: {  	[sflag:s9] =	ssyncset.done $0x0  }
0x3a1: {  	[sflag:s9] =	ssyncadd.s32 $0xFFFFFFB0  }
0x3a2: {  	_ =	swait.ge [sflag:s9], $0x50  }
0x3a3: {  	[sflag:s9] =	ssyncset.done $0x0  }
0x3a4: {  	[sflag:s9] =	ssyncadd.s32 $0xFFFFFFB0  }
0x3a5: {  	_ =	swait.ge [sflag:s9], $0x50  }
0x3a6: {  	[sflag:s9] =	ssyncset.done $0x0  }
0x3a7: {  	[sflag:s9] =	ssyncadd.s32 $0xFFFFFFB0  }
0x3a8: {  	_ =	swait.ge [sflag:s9], $0x50  }
0x3a9: {  	s1 =	rddreg [dreg:$0x1f];
	[sflag:s9] =	ssyncset.done $0x0  }
0x3aa: {  	s31 =	sld [smem:$0x7AC];
	[sflag:s9] =	ssyncadd.s32 $0xFFFFFFB0  }
0x3ab: {  	[spmem:s2] =	stream.indirect.scatter.add.f32 [tilespmem:s8], [sflag:$0x1], $0x1, s1, s7, $0xb8;
	[tilespmem:$0x4580] =	vst v63  }
0x3ac: {  	s1 =	sld [smem:$0x7AD]  }
0x3ad: {  	[spmem:s2] =	stream.indirect.scatter.add.f32 [tilespmem:s8], [sflag:$0x1], $0x1, s31, s7, $0xb8;
	[tilespmem:$0x4580] =	vst v63  }
0x3ae: {  	s31 =	sld [smem:$0x7AE]  }
0x3af: {  	[spmem:s2] =	stream.indirect.scatter.add.f32 [tilespmem:s8], [sflag:$0x1], $0x1, s1, s7, $0xb8;
	[tilespmem:$0x4580] =	vst v63  }
0x3b0: {  	s1 =	sld [smem:$0x7AF]  }
0x3b1: {  	[spmem:s2] =	stream.indirect.scatter.add.f32 [tilespmem:s8], [sflag:$0x1], $0x1, s31, s7, $0xb8;
	[tilespmem:$0x4580] =	vst v63  }
0x3b2: {  	s31 =	sld [smem:$0x7B0]  }
0x3b3: {  	[spmem:s2] =	stream.indirect.scatter.add.f32 [tilespmem:s8], [sflag:$0x1], $0x1, s1, s7, $0xb8;
	[tilespmem:$0x4580] =	vst v63  }
0x3b4: {  	s1 =	sld [smem:$0x7B1]  }
0x3b5: {  	[spmem:s2] =	stream.indirect.scatter.add.f32 [tilespmem:s8], [sflag:$0x1], $0x1, s31, s7, $0xb8;
	[tilespmem:$0x4580] =	vst v63  }
0x3b6: {  	s31 =	sld [smem:$0x7B2]  }
0x3b7: {  	[spmem:s2] =	stream.indirect.scatter.add.f32 [tilespmem:s8], [sflag:$0x1], $0x1, s1, s7, $0xb8;
	[tilespmem:$0x4580] =	vst v63  }
0x3b8: {  	s1 =	sld [smem:$0x7B3]  }
0x3b9: {  	[spmem:s2] =	stream.indirect.scatter.add.f32 [tilespmem:s8], [sflag:$0x1], $0x1, s31, s7, $0xb8;
	[tilespmem:$0x4580] =	vst v63  }
0x3ba: {  	s31 =	sld [smem:$0x7B4]  }
0x3bb: {  	[spmem:s2] =	stream.indirect.scatter.add.f32 [tilespmem:s8], [sflag:$0x1], $0x1, s1, s7, $0xb8;
	[tilespmem:$0x4580] =	vst v63  }
0x3bc: {  	s1 =	sld [smem:$0x7B5]  }
0x3bd: {  	[spmem:s2] =	stream.indirect.scatter.add.f32 [tilespmem:s8], [sflag:$0x1], $0x1, s31, s7, $0xb8;
	[tilespmem:$0x4580] =	vst v63  }
0x3be: {  	s31 =	sld [smem:$0x7B6]  }
0x3bf: {  	[spmem:s2] =	stream.indirect.scatter.add.f32 [tilespmem:s8], [sflag:$0x1], $0x1, s1, s7, $0xb8;
	[tilespmem:$0x4580] =	vst v63  }
0x3c0: {  	s1 =	sld [smem:$0x7B7]  }
0x3c1: {  	[spmem:s2] =	stream.indirect.scatter.add.f32 [tilespmem:s8], [sflag:$0x1], $0x1, s31, s7, $0xb8;
	[tilespmem:$0x4580] =	vst v63  }
0x3c2: {  	s31 =	sld [smem:$0x7B8]  }
0x3c3: {  	[spmem:s2] =	stream.indirect.scatter.add.f32 [tilespmem:s8], [sflag:$0x1], $0x1, s1, s7, $0xb8;
	[tilespmem:$0x4580] =	vst v63  }
0x3c4: {  	s1 =	sld [smem:$0x7B9]  }
0x3c5: {  	[spmem:s2] =	stream.indirect.scatter.add.f32 [tilespmem:s8], [sflag:$0x1], $0x1, s31, s7, $0xb8;
	[tilespmem:$0x4580] =	vst v63  }
0x3c6: {  	s31 =	sld [smem:$0x7BA]  }
0x3c7: {  	[spmem:s2] =	stream.indirect.scatter.add.f32 [tilespmem:s8], [sflag:$0x1], $0x1, s1, s7, $0xb8;
	[tilespmem:$0x4580] =	vst v63  }
0x3c8: {  	s1 =	sld [smem:$0x7BB]  }
0x3c9: {  	[spmem:s2] =	stream.indirect.scatter.add.f32 [tilespmem:s8], [sflag:$0x1], $0x1, s31, s7, $0xb8;
	[tilespmem:$0x4580] =	vst v63  }
0x3ca: {  	s31 =	sld [smem:$0x7BC]  }
0x3cb: {  	[spmem:s2] =	stream.indirect.scatter.add.f32 [tilespmem:s8], [sflag:$0x1], $0x1, s1, s7, $0xb8;
	[tilespmem:$0x4580] =	vst v63  }
0x3cc: {  	s1 =	sld [smem:$0x7BD]  }
0x3cd: {  	[spmem:s2] =	stream.indirect.scatter.add.f32 [tilespmem:s8], [sflag:$0x1], $0x1, s31, s7, $0xb8;
	[tilespmem:$0x4580] =	vst v63  }
0x3ce: {  	s31 =	sld [smem:$0x7BE]  }
0x3cf: {  	[spmem:s2] =	stream.indirect.scatter.add.f32 [tilespmem:s8], [sflag:$0x1], $0x1, s1, s7, $0xb8;
	[tilespmem:$0x4580] =	vst v63  }
0x3d0: {  	s1 =	sld [smem:$0x7BF]  }
0x3d1: {  	[spmem:s2] =	stream.indirect.scatter.add.f32 [tilespmem:s8], [sflag:$0x1], $0x1, s31, s7, $0xb8;
	[tilespmem:$0x4580] =	vst v63  }
0x3d2: {  	s31 =	sld [smem:$0x7C0]  }
0x3d3: {  	[spmem:s2] =	stream.indirect.scatter.add.f32 [tilespmem:s8], [sflag:$0x1], $0x1, s1, s7, $0xb8;
	[tilespmem:$0x4580] =	vst v63  }
0x3d4: {  	s1 =	sld [smem:$0x7C1]  }
0x3d5: {  	[spmem:s2] =	stream.indirect.scatter.add.f32 [tilespmem:s8], [sflag:$0x1], $0x1, s31, s7, $0xb8;
	[tilespmem:$0x4580] =	vst v63  }
0x3d6: {  	s31 =	sld [smem:$0x7C2]  }
0x3d7: {  	[spmem:s2] =	stream.indirect.scatter.add.f32 [tilespmem:s8], [sflag:$0x1], $0x1, s1, s7, $0xb8;
	[tilespmem:$0x4580] =	vst v63  }
0x3d8: {  	s1 =	sld [smem:$0x7C3]  }
0x3d9: {  	[spmem:s2] =	stream.indirect.scatter.add.f32 [tilespmem:s8], [sflag:$0x1], $0x1, s31, s7, $0xb8;
	[tilespmem:$0x4580] =	vst v63  }
0x3da: {  	_ = 	snop  }
0x3db: {  	[spmem:s2] =	stream.indirect.scatter.add.f32 [tilespmem:s8], [sflag:$0x1], $0x1, s1, s7, $0xb8;
	[tilespmem:$0x4580] =	vst v63  }
0x3dc: {  	_ =	swait.ge [sflag:s9], $0x50  }
0x3dd: {  	[sflag:s9] =	ssyncset.done $0x0  }
0x3de: {  	[sflag:s9] =	ssyncadd.s32 $0xFFFFFFB0  }
0x3df: {  	_ =	swait.ge [sflag:s9], $0x50  }
0x3e0: {  	[sflag:s9] =	ssyncset.done $0x0  }
0x3e1: {  	[sflag:s9] =	ssyncadd.s32 $0xFFFFFFB0  }
0x3e2: {  	_ =	swait.ge [sflag:s9], $0x50  }
0x3e3: {  	[sflag:s9] =	ssyncset.done $0x0  }
0x3e4: {  	[sflag:s9] =	ssyncadd.s32 $0xFFFFFFB0  }
0x3e5: {  	_ =	swait.ge [sflag:s9], $0x50  }
0x3e6: {  	[sflag:s9] =	ssyncset.done $0x0  }
0x3e7: {  	[sflag:s9] =	ssyncadd.s32 $0xFFFFFFB0  }
0x3e8: {  	_ =	swait.ge [sflag:s9], $0x50  }
0x3e9: {  	[sflag:s9] =	ssyncset.done $0x0  }
0x3ea: {  	[sflag:s9] =	ssyncadd.s32 $0xFFFFFFB0  }
0x3eb: {  	_ =	swait.ge [sflag:s9], $0x50  }
0x3ec: {  	[sflag:s9] =	ssyncset.done $0x0  }
0x3ed: {  	[sflag:s9] =	ssyncadd.s32 $0xFFFFFFB0  }
0x3ee: {  	_ =	swait.ge [sflag:s9], $0x50  }
0x3ef: {  	[sflag:s9] =	ssyncset.done $0x0  }
0x3f0: {  	[sflag:s9] =	ssyncadd.s32 $0xFFFFFFB0  }
0x3f1: {  	_ =	swait.ge [sflag:s9], $0x50  }
0x3f2: {  	[sflag:s9] =	ssyncset.done $0x0  }
0x3f3: {  	[sflag:s9] =	ssyncadd.s32 $0xFFFFFFB0  }
0x3f4: {  	_ =	swait.ge [sflag:s9], $0x50  }
0x3f5: {  	[sflag:s9] =	ssyncset.done $0x0  }
0x3f6: {  	[sflag:s9] =	ssyncadd.s32 $0xFFFFFFB0  }
0x3f7: {  	_ =	swait.ge [sflag:s9], $0x50  }
0x3f8: {  	[sflag:s9] =	ssyncset.done $0x0  }
0x3f9: {  	[sflag:s9] =	ssyncadd.s32 $0xFFFFFFB0  }
0x3fa: {  	_ =	swait.ge [sflag:s9], $0x50  }
0x3fb: {  	[sflag:s9] =	ssyncset.done $0x0  }
0x3fc: {  	[sflag:s9] =	ssyncadd.s32 $0xFFFFFFB0  }
0x3fd: {  	_ =	swait.ge [sflag:s9], $0x50  }
0x3fe: {  	[sflag:s9] =	ssyncset.done $0x0  }
0x3ff: {  	[sflag:s9] =	ssyncadd.s32 $0xFFFFFFB0  }
0x400: {  	_ =	swait.ge [sflag:s9], $0x50  }
0x401: {  	[sflag:s9] =	ssyncset.done $0x0  }
0x402: {  	[sflag:s9] =	ssyncadd.s32 $0xFFFFFFB0  }
0x403: {  	_ =	swait.ge [sflag:s9], $0x50  }
0x404: {  	[sflag:s9] =	ssyncset.done $0x0  }
0x405: {  	[sflag:s9] =	ssyncadd.s32 $0xFFFFFFB0  }
0x406: {  	_ =	swait.ge [sflag:s9], $0x50  }
0x407: {  	[sflag:s9] =	ssyncset.done $0x0  }
0x408: {  	[sflag:s9] =	ssyncadd.s32 $0xFFFFFFB0  }
0x409: {  	_ =	swait.ge [sflag:s9], $0x50  }
0x40a: {  	[sflag:s9] =	ssyncset.done $0x0  }
0x40b: {  	[sflag:s9] =	ssyncadd.s32 $0xFFFFFFB0  }
0x40c: {  	_ =	swait.ge [sflag:s9], $0x50  }
0x40d: {  	[sflag:s9] =	ssyncset.done $0x0  }
0x40e: {  	[sflag:s9] =	ssyncadd.s32 $0xFFFFFFB0  }
0x40f: {  	_ =	swait.ge [sflag:s9], $0x50  }
0x410: {  	[sflag:s9] =	ssyncset.done $0x0  }
0x411: {  	[sflag:s9] =	ssyncadd.s32 $0xFFFFFFB0  }
0x412: {  	_ =	swait.ge [sflag:s9], $0x50  }
0x413: {  	[sflag:s9] =	ssyncset.done $0x0  }
0x414: {  	[sflag:s9] =	ssyncadd.s32 $0xFFFFFFB0  }
0x415: {  	_ =	swait.ge [sflag:s9], $0x50  }
0x416: {  	[sflag:s9] =	ssyncset.done $0x0  }
0x417: {  	[sflag:s9] =	ssyncadd.s32 $0xFFFFFFB0  }
0x418: {  	_ =	swait.ge [sflag:s9], $0x50  }
0x419: {  	[sflag:s9] =	ssyncset.done $0x0  }
0x41a: {  	[sflag:s9] =	ssyncadd.s32 $0xFFFFFFB0  }
0x41b: {  	_ =	swait.ge [sflag:s9], $0x50  }
0x41c: {  	[sflag:s9] =	ssyncset.done $0x0  }
0x41d: {  	[sflag:s9] =	ssyncadd.s32 $0xFFFFFFB0  }
0x41e: {  	_ =	swait.ge [sflag:s9], $0x50  }
0x41f: {  	[sflag:s9] =	ssyncset.done $0x0  }
0x420: {  	[sflag:s9] =	ssyncadd.s32 $0xFFFFFFB0  }
0x421: {  	_ =	swait.ge [sflag:s9], $0x50  }
0x422: {  	[sflag:s9] =	ssyncset.done $0x0  }
0x423: {  	[sflag:s9] =	ssyncadd.s32 $0xFFFFFFB0  }
0x424: {  	_ =	swait.ge [sflag:s9], $0x50  }
0x425: {  	s1 =	sld [smem:$0x7C4]  }
0x426: {  	[sflag:s9] =	ssyncset.done $0x0  }
0x427: {  	s31 =	sld [smem:$0x7C5];
	[sflag:s9] =	ssyncadd.s32 $0xFFFFFFB0  }
0x428: {  	[spmem:s2] =	stream.indirect.scatter.add.f32 [tilespmem:s8], [sflag:$0x1], $0x1, s1, s7, $0xb8;
	[tilespmem:$0x4580] =	vst v63  }
0x429: {  	s1 =	sld [smem:$0x7C6]  }
0x42a: {  	[spmem:s2] =	stream.indirect.scatter.add.f32 [tilespmem:s8], [sflag:$0x1], $0x1, s31, s7, $0xb8;
	[tilespmem:$0x4580] =	vst v63  }
0x42b: {  	s31 =	sld [smem:$0x7C7]  }
0x42c: {  	[spmem:s2] =	stream.indirect.scatter.add.f32 [tilespmem:s8], [sflag:$0x1], $0x1, s1, s7, $0xb8;
	[tilespmem:$0x4580] =	vst v63  }
0x42d: {  	s1 =	sld [smem:$0x7C8]  }
0x42e: {  	[spmem:s2] =	stream.indirect.scatter.add.f32 [tilespmem:s8], [sflag:$0x1], $0x1, s31, s7, $0xb8;
	[tilespmem:$0x4580] =	vst v63  }
0x42f: {  	s31 =	sld [smem:$0x7C9]  }
0x430: {  	[spmem:s2] =	stream.indirect.scatter.add.f32 [tilespmem:s8], [sflag:$0x1], $0x1, s1, s7, $0xb8;
	[tilespmem:$0x4580] =	vst v63  }
0x431: {  	s1 =	sld [smem:$0x7CA]  }
0x432: {  	[spmem:s2] =	stream.indirect.scatter.add.f32 [tilespmem:s8], [sflag:$0x1], $0x1, s31, s7, $0xb8;
	[tilespmem:$0x4580] =	vst v63  }
0x433: {  	s31 =	sld [smem:$0x7CB]  }
0x434: {  	[spmem:s2] =	stream.indirect.scatter.add.f32 [tilespmem:s8], [sflag:$0x1], $0x1, s1, s7, $0xb8;
	[tilespmem:$0x4580] =	vst v63  }
0x435: {  	s1 =	sld [smem:$0x7CC]  }
0x436: {  	[spmem:s2] =	stream.indirect.scatter.add.f32 [tilespmem:s8], [sflag:$0x1], $0x1, s31, s7, $0xb8;
	[tilespmem:$0x4580] =	vst v63  }
0x437: {  	s31 =	sld [smem:$0x7CD]  }
0x438: {  	[spmem:s2] =	stream.indirect.scatter.add.f32 [tilespmem:s8], [sflag:$0x1], $0x1, s1, s7, $0xb8;
	[tilespmem:$0x4580] =	vst v63  }
0x439: {  	s1 =	sld [smem:$0x7CE]  }
0x43a: {  	[spmem:s2] =	stream.indirect.scatter.add.f32 [tilespmem:s8], [sflag:$0x1], $0x1, s31, s7, $0xb8;
	[tilespmem:$0x4580] =	vst v63  }
0x43b: {  	s31 =	sld [smem:$0x7CF]  }
0x43c: {  	[spmem:s2] =	stream.indirect.scatter.add.f32 [tilespmem:s8], [sflag:$0x1], $0x1, s1, s7, $0xb8;
	[tilespmem:$0x4580] =	vst v63  }
0x43d: {  	s1 =	sld [smem:$0x7D0]  }
0x43e: {  	[spmem:s2] =	stream.indirect.scatter.add.f32 [tilespmem:s8], [sflag:$0x1], $0x1, s31, s7, $0xb8;
	[tilespmem:$0x4580] =	vst v63  }
0x43f: {  	s31 =	sld [smem:$0x7D1]  }
0x440: {  	[spmem:s2] =	stream.indirect.scatter.add.f32 [tilespmem:s8], [sflag:$0x1], $0x1, s1, s7, $0xb8;
	[tilespmem:$0x4580] =	vst v63  }
0x441: {  	s1 =	sld [smem:$0x7D2]  }
0x442: {  	[spmem:s2] =	stream.indirect.scatter.add.f32 [tilespmem:s8], [sflag:$0x1], $0x1, s31, s7, $0xb8;
	[tilespmem:$0x4580] =	vst v63  }
0x443: {  	s31 =	sld [smem:$0x7D3]  }
0x444: {  	[spmem:s2] =	stream.indirect.scatter.add.f32 [tilespmem:s8], [sflag:$0x1], $0x1, s1, s7, $0xb8;
	[tilespmem:$0x4580] =	vst v63  }
0x445: {  	s1 =	sld [smem:$0x7D4]  }
0x446: {  	[spmem:s2] =	stream.indirect.scatter.add.f32 [tilespmem:s8], [sflag:$0x1], $0x1, s31, s7, $0xb8;
	[tilespmem:$0x4580] =	vst v63  }
0x447: {  	s31 =	sld [smem:$0x7D5]  }
0x448: {  	[spmem:s2] =	stream.indirect.scatter.add.f32 [tilespmem:s8], [sflag:$0x1], $0x1, s1, s7, $0xb8;
	[tilespmem:$0x4580] =	vst v63  }
0x449: {  	s1 =	sld [smem:$0x7D6]  }
0x44a: {  	[spmem:s2] =	stream.indirect.scatter.add.f32 [tilespmem:s8], [sflag:$0x1], $0x1, s31, s7, $0xb8;
	[tilespmem:$0x4580] =	vst v63  }
0x44b: {  	s31 =	sld [smem:$0x7D7]  }
0x44c: {  	[spmem:s2] =	stream.indirect.scatter.add.f32 [tilespmem:s8], [sflag:$0x1], $0x1, s1, s7, $0xb8;
	[tilespmem:$0x4580] =	vst v63  }
0x44d: {  	s1 =	sld [smem:$0x7D8]  }
0x44e: {  	[spmem:s2] =	stream.indirect.scatter.add.f32 [tilespmem:s8], [sflag:$0x1], $0x1, s31, s7, $0xb8;
	[tilespmem:$0x4580] =	vst v63  }
0x44f: {  	s31 =	sld [smem:$0x7D9]  }
0x450: {  	[spmem:s2] =	stream.indirect.scatter.add.f32 [tilespmem:s8], [sflag:$0x1], $0x1, s1, s7, $0xb8;
	[tilespmem:$0x4580] =	vst v63  }
0x451: {  	s1 =	sld [smem:$0x7DA]  }
0x452: {  	[spmem:s2] =	stream.indirect.scatter.add.f32 [tilespmem:s8], [sflag:$0x1], $0x1, s31, s7, $0xb8;
	[tilespmem:$0x4580] =	vst v63  }
0x453: {  	s31 =	sld [smem:$0x7DB]  }
0x454: {  	[spmem:s2] =	stream.indirect.scatter.add.f32 [tilespmem:s8], [sflag:$0x1], $0x1, s1, s7, $0xb8;
	[tilespmem:$0x4580] =	vst v63  }
0x455: {  	s1 =	sld [smem:$0x7DC]  }
0x456: {  	[spmem:s2] =	stream.indirect.scatter.add.f32 [tilespmem:s8], [sflag:$0x1], $0x1, s31, s7, $0xb8;
	[tilespmem:$0x4580] =	vst v63  }
0x457: {  	_ = 	snop  }
0x458: {  	[spmem:s2] =	stream.indirect.scatter.add.f32 [tilespmem:s8], [sflag:$0x1], $0x1, s1, s7, $0xb8;
	[tilespmem:$0x4580] =	vst v63  }
0x459: {  	_ =	swait.ge [sflag:s9], $0x50  }
0x45a: {  	[sflag:s9] =	ssyncset.done $0x0  }
0x45b: {  	[sflag:s9] =	ssyncadd.s32 $0xFFFFFFB0  }
0x45c: {  	_ =	swait.ge [sflag:s9], $0x50  }
0x45d: {  	[sflag:s9] =	ssyncset.done $0x0  }
0x45e: {  	[sflag:s9] =	ssyncadd.s32 $0xFFFFFFB0  }
0x45f: {  	_ =	swait.ge [sflag:s9], $0x50  }
0x460: {  	[sflag:s9] =	ssyncset.done $0x0  }
0x461: {  	[sflag:s9] =	ssyncadd.s32 $0xFFFFFFB0  }
0x462: {  	_ =	swait.ge [sflag:s9], $0x50  }
0x463: {  	[sflag:s9] =	ssyncset.done $0x0  }
0x464: {  	[sflag:s9] =	ssyncadd.s32 $0xFFFFFFB0  }
0x465: {  	_ =	swait.ge [sflag:s9], $0x50  }
0x466: {  	[sflag:s9] =	ssyncset.done $0x0  }
0x467: {  	[sflag:s9] =	ssyncadd.s32 $0xFFFFFFB0  }
0x468: {  	_ =	swait.ge [sflag:s9], $0x50  }
0x469: {  	[sflag:s9] =	ssyncset.done $0x0  }
0x46a: {  	[sflag:s9] =	ssyncadd.s32 $0xFFFFFFB0  }
0x46b: {  	_ =	swait.ge [sflag:s9], $0x50  }
0x46c: {  	[sflag:s9] =	ssyncset.done $0x0  }
0x46d: {  	[sflag:s9] =	ssyncadd.s32 $0xFFFFFFB0  }
0x46e: {  	_ =	swait.ge [sflag:s9], $0x50  }
0x46f: {  	[sflag:s9] =	ssyncset.done $0x0  }
0x470: {  	[sflag:s9] =	ssyncadd.s32 $0xFFFFFFB0  }
0x471: {  	_ =	swait.ge [sflag:s9], $0x50  }
0x472: {  	[sflag:s9] =	ssyncset.done $0x0  }
0x473: {  	[sflag:s9] =	ssyncadd.s32 $0xFFFFFFB0  }
0x474: {  	_ =	swait.ge [sflag:s9], $0x50  }
0x475: {  	[sflag:s9] =	ssyncset.done $0x0  }
0x476: {  	[sflag:s9] =	ssyncadd.s32 $0xFFFFFFB0  }
0x477: {  	_ =	swait.ge [sflag:s9], $0x50  }
0x478: {  	[sflag:s9] =	ssyncset.done $0x0  }
0x479: {  	[sflag:s9] =	ssyncadd.s32 $0xFFFFFFB0  }
0x47a: {  	_ =	swait.ge [sflag:s9], $0x50  }
0x47b: {  	[sflag:s9] =	ssyncset.done $0x0  }
0x47c: {  	[sflag:s9] =	ssyncadd.s32 $0xFFFFFFB0  }
0x47d: {  	_ =	swait.ge [sflag:s9], $0x50  }
0x47e: {  	[sflag:s9] =	ssyncset.done $0x0  }
0x47f: {  	[sflag:s9] =	ssyncadd.s32 $0xFFFFFFB0  }
0x480: {  	_ =	swait.ge [sflag:s9], $0x50  }
0x481: {  	[sflag:s9] =	ssyncset.done $0x0  }
0x482: {  	[sflag:s9] =	ssyncadd.s32 $0xFFFFFFB0  }
0x483: {  	_ =	swait.ge [sflag:s9], $0x50  }
0x484: {  	[sflag:s9] =	ssyncset.done $0x0  }
0x485: {  	[sflag:s9] =	ssyncadd.s32 $0xFFFFFFB0  }
0x486: {  	_ =	swait.ge [sflag:s9], $0x50  }
0x487: {  	[sflag:s9] =	ssyncset.done $0x0  }
0x488: {  	[sflag:s9] =	ssyncadd.s32 $0xFFFFFFB0  }
0x489: {  	_ =	swait.ge [sflag:s9], $0x50  }
0x48a: {  	[sflag:s9] =	ssyncset.done $0x0  }
0x48b: {  	[sflag:s9] =	ssyncadd.s32 $0xFFFFFFB0  }
0x48c: {  	_ =	swait.ge [sflag:s9], $0x50  }
0x48d: {  	[sflag:s9] =	ssyncset.done $0x0  }
0x48e: {  	[sflag:s9] =	ssyncadd.s32 $0xFFFFFFB0  }
0x48f: {  	_ =	swait.ge [sflag:s9], $0x50  }
0x490: {  	[sflag:s9] =	ssyncset.done $0x0  }
0x491: {  	[sflag:s9] =	ssyncadd.s32 $0xFFFFFFB0  }
0x492: {  	_ =	swait.ge [sflag:s9], $0x50  }
0x493: {  	[sflag:s9] =	ssyncset.done $0x0  }
0x494: {  	[sflag:s9] =	ssyncadd.s32 $0xFFFFFFB0  }
0x495: {  	_ =	swait.ge [sflag:s9], $0x50  }
0x496: {  	[sflag:s9] =	ssyncset.done $0x0  }
0x497: {  	[sflag:s9] =	ssyncadd.s32 $0xFFFFFFB0  }
0x498: {  	_ =	swait.ge [sflag:s9], $0x50  }
0x499: {  	[sflag:s9] =	ssyncset.done $0x0  }
0x49a: {  	[sflag:s9] =	ssyncadd.s32 $0xFFFFFFB0  }
0x49b: {  	_ =	swait.ge [sflag:s9], $0x50  }
0x49c: {  	[sflag:s9] =	ssyncset.done $0x0  }
0x49d: {  	[sflag:s9] =	ssyncadd.s32 $0xFFFFFFB0  }
0x49e: {  	_ =	swait.ge [sflag:s9], $0x50  }
0x49f: {  	[sflag:s9] =	ssyncset.done $0x0  }
0x4a0: {  	[sflag:s9] =	ssyncadd.s32 $0xFFFFFFB0  }
0x4a1: {  	_ =	swait.ge [sflag:s9], $0x50  }
0x4a2: {  	s1 =	sld [smem:$0x7DD]  }
0x4a3: {  	[sflag:s9] =	ssyncset.done $0x0  }
0x4a4: {  	s31 =	sld [smem:$0x7DE];
	[sflag:s9] =	ssyncadd.s32 $0xFFFFFFB0  }
0x4a5: {  	[spmem:s2] =	stream.indirect.scatter.add.f32 [tilespmem:s8], [sflag:$0x1], $0x1, s1, s7, $0xb8;
	[tilespmem:$0x4580] =	vst v63  }
0x4a6: {  	s1 =	sld [smem:$0x7DF]  }
0x4a7: {  	[spmem:s2] =	stream.indirect.scatter.add.f32 [tilespmem:s8], [sflag:$0x1], $0x1, s31, s7, $0xb8;
	[tilespmem:$0x4580] =	vst v63  }
0x4a8: {  	s31 =	sld [smem:$0x7E0]  }
0x4a9: {  	[spmem:s2] =	stream.indirect.scatter.add.f32 [tilespmem:s8], [sflag:$0x1], $0x1, s1, s7, $0xb8;
	[tilespmem:$0x4580] =	vst v63  }
0x4aa: {  	s1 =	sld [smem:$0x7E1]  }
0x4ab: {  	[spmem:s2] =	stream.indirect.scatter.add.f32 [tilespmem:s8], [sflag:$0x1], $0x1, s31, s7, $0xb8;
	[tilespmem:$0x4580] =	vst v63  }
0x4ac: {  	s31 =	sld [smem:$0x7E2]  }
0x4ad: {  	[spmem:s2] =	stream.indirect.scatter.add.f32 [tilespmem:s8], [sflag:$0x1], $0x1, s1, s7, $0xb8;
	[tilespmem:$0x4580] =	vst v63  }
0x4ae: {  	s1 =	sld [smem:$0x7E3]  }
0x4af: {  	[spmem:s2] =	stream.indirect.scatter.add.f32 [tilespmem:s8], [sflag:$0x1], $0x1, s31, s7, $0xb8;
	[tilespmem:$0x4580] =	vst v63  }
0x4b0: {  	s31 =	sld [smem:$0x7E4]  }
0x4b1: {  	[spmem:s2] =	stream.indirect.scatter.add.f32 [tilespmem:s8], [sflag:$0x1], $0x1, s1, s7, $0xb8;
	[tilespmem:$0x4580] =	vst v63  }
0x4b2: {  	s1 =	sld [smem:$0x7E5]  }
0x4b3: {  	[spmem:s2] =	stream.indirect.scatter.add.f32 [tilespmem:s8], [sflag:$0x1], $0x1, s31, s7, $0xb8;
	[tilespmem:$0x4580] =	vst v63  }
0x4b4: {  	s31 =	sld [smem:$0x7E6]  }
0x4b5: {  	[spmem:s2] =	stream.indirect.scatter.add.f32 [tilespmem:s8], [sflag:$0x1], $0x1, s1, s7, $0xb8;
	[tilespmem:$0x4580] =	vst v63  }
0x4b6: {  	s1 =	sld [smem:$0x7E7]  }
0x4b7: {  	[spmem:s2] =	stream.indirect.scatter.add.f32 [tilespmem:s8], [sflag:$0x1], $0x1, s31, s7, $0xb8;
	[tilespmem:$0x4580] =	vst v63  }
0x4b8: {  	s31 =	sld [smem:$0x7E8]  }
0x4b9: {  	[spmem:s2] =	stream.indirect.scatter.add.f32 [tilespmem:s8], [sflag:$0x1], $0x1, s1, s7, $0xb8;
	[tilespmem:$0x4580] =	vst v63  }
0x4ba: {  	s1 =	sld [smem:$0x7E9]  }
0x4bb: {  	[spmem:s2] =	stream.indirect.scatter.add.f32 [tilespmem:s8], [sflag:$0x1], $0x1, s31, s7, $0xb8;
	[tilespmem:$0x4580] =	vst v63  }
0x4bc: {  	s31 =	sld [smem:$0x7EA]  }
0x4bd: {  	[spmem:s2] =	stream.indirect.scatter.add.f32 [tilespmem:s8], [sflag:$0x1], $0x1, s1, s7, $0xb8;
	[tilespmem:$0x4580] =	vst v63  }
0x4be: {  	s1 =	sld [smem:$0x7EB]  }
0x4bf: {  	[spmem:s2] =	stream.indirect.scatter.add.f32 [tilespmem:s8], [sflag:$0x1], $0x1, s31, s7, $0xb8;
	[tilespmem:$0x4580] =	vst v63  }
0x4c0: {  	s31 =	sld [smem:$0x7EC]  }
0x4c1: {  	[spmem:s2] =	stream.indirect.scatter.add.f32 [tilespmem:s8], [sflag:$0x1], $0x1, s1, s7, $0xb8;
	[tilespmem:$0x4580] =	vst v63  }
0x4c2: {  	s1 =	sld [smem:$0x7ED]  }
0x4c3: {  	[spmem:s2] =	stream.indirect.scatter.add.f32 [tilespmem:s8], [sflag:$0x1], $0x1, s31, s7, $0xb8;
	[tilespmem:$0x4580] =	vst v63  }
0x4c4: {  	s31 =	sld [smem:$0x7EE]  }
0x4c5: {  	[spmem:s2] =	stream.indirect.scatter.add.f32 [tilespmem:s8], [sflag:$0x1], $0x1, s1, s7, $0xb8;
	[tilespmem:$0x4580] =	vst v63  }
0x4c6: {  	s1 =	sld [smem:$0x7EF]  }
0x4c7: {  	[spmem:s2] =	stream.indirect.scatter.add.f32 [tilespmem:s8], [sflag:$0x1], $0x1, s31, s7, $0xb8;
	[tilespmem:$0x4580] =	vst v63  }
0x4c8: {  	s31 =	sld [smem:$0x7F0]  }
0x4c9: {  	[spmem:s2] =	stream.indirect.scatter.add.f32 [tilespmem:s8], [sflag:$0x1], $0x1, s1, s7, $0xb8;
	[tilespmem:$0x4580] =	vst v63  }
0x4ca: {  	s1 =	sld [smem:$0x7F1]  }
0x4cb: {  	[spmem:s2] =	stream.indirect.scatter.add.f32 [tilespmem:s8], [sflag:$0x1], $0x1, s31, s7, $0xb8;
	[tilespmem:$0x4580] =	vst v63  }
0x4cc: {  	s31 =	sld [smem:$0x7F2]  }
0x4cd: {  	[spmem:s2] =	stream.indirect.scatter.add.f32 [tilespmem:s8], [sflag:$0x1], $0x1, s1, s7, $0xb8;
	[tilespmem:$0x4580] =	vst v63  }
0x4ce: {  	s1 =	sld [smem:$0x7F3]  }
0x4cf: {  	[spmem:s2] =	stream.indirect.scatter.add.f32 [tilespmem:s8], [sflag:$0x1], $0x1, s31, s7, $0xb8;
	[tilespmem:$0x4580] =	vst v63  }
0x4d0: {  	s31 =	sld [smem:$0x7F4]  }
0x4d1: {  	[spmem:s2] =	stream.indirect.scatter.add.f32 [tilespmem:s8], [sflag:$0x1], $0x1, s1, s7, $0xb8;
	[tilespmem:$0x4580] =	vst v63  }
0x4d2: {  	s1 =	sld [smem:$0x7F5]  }
0x4d3: {  	[spmem:s2] =	stream.indirect.scatter.add.f32 [tilespmem:s8], [sflag:$0x1], $0x1, s31, s7, $0xb8;
	[tilespmem:$0x4580] =	vst v63  }
0x4d4: {  	_ = 	snop  }
0x4d5: {  	[spmem:s2] =	stream.indirect.scatter.add.f32 [tilespmem:s8], [sflag:$0x1], $0x1, s1, s7, $0xb8;
	[tilespmem:$0x4580] =	vst v63  }
0x4d6: {  	_ =	swait.ge [sflag:s9], $0x50  }
0x4d7: {  	[sflag:s9] =	ssyncset.done $0x0  }
0x4d8: {  	[sflag:s9] =	ssyncadd.s32 $0xFFFFFFB0  }
0x4d9: {  	_ =	swait.ge [sflag:s9], $0x50  }
0x4da: {  	[sflag:s9] =	ssyncset.done $0x0  }
0x4db: {  	[sflag:s9] =	ssyncadd.s32 $0xFFFFFFB0  }
0x4dc: {  	_ =	swait.ge [sflag:s9], $0x50  }
0x4dd: {  	[sflag:s9] =	ssyncset.done $0x0  }
0x4de: {  	[sflag:s9] =	ssyncadd.s32 $0xFFFFFFB0  }
0x4df: {  	_ =	swait.ge [sflag:s9], $0x50  }
0x4e0: {  	[sflag:s9] =	ssyncset.done $0x0  }
0x4e1: {  	[sflag:s9] =	ssyncadd.s32 $0xFFFFFFB0  }
0x4e2: {  	_ =	swait.ge [sflag:s9], $0x50  }
0x4e3: {  	[sflag:s9] =	ssyncset.done $0x0  }
0x4e4: {  	[sflag:s9] =	ssyncadd.s32 $0xFFFFFFB0  }
0x4e5: {  	_ =	swait.ge [sflag:s9], $0x50  }
0x4e6: {  	[sflag:s9] =	ssyncset.done $0x0  }
0x4e7: {  	[sflag:s9] =	ssyncadd.s32 $0xFFFFFFB0  }
0x4e8: {  	_ =	swait.ge [sflag:s9], $0x50  }
0x4e9: {  	[sflag:s9] =	ssyncset.done $0x0  }
0x4ea: {  	[sflag:s9] =	ssyncadd.s32 $0xFFFFFFB0  }
0x4eb: {  	_ =	swait.ge [sflag:s9], $0x50  }
0x4ec: {  	[sflag:s9] =	ssyncset.done $0x0  }
0x4ed: {  	[sflag:s9] =	ssyncadd.s32 $0xFFFFFFB0  }
0x4ee: {  	_ =	swait.ge [sflag:s9], $0x50  }
0x4ef: {  	[sflag:s9] =	ssyncset.done $0x0  }
0x4f0: {  	[sflag:s9] =	ssyncadd.s32 $0xFFFFFFB0  }
0x4f1: {  	_ =	swait.ge [sflag:s9], $0x50  }
0x4f2: {  	[sflag:s9] =	ssyncset.done $0x0  }
0x4f3: {  	[sflag:s9] =	ssyncadd.s32 $0xFFFFFFB0  }
0x4f4: {  	_ =	swait.ge [sflag:s9], $0x50  }
0x4f5: {  	[sflag:s9] =	ssyncset.done $0x0  }
0x4f6: {  	[sflag:s9] =	ssyncadd.s32 $0xFFFFFFB0  }
0x4f7: {  	_ =	swait.ge [sflag:s9], $0x50  }
0x4f8: {  	[sflag:s9] =	ssyncset.done $0x0  }
0x4f9: {  	[sflag:s9] =	ssyncadd.s32 $0xFFFFFFB0  }
0x4fa: {  	_ =	swait.ge [sflag:s9], $0x50  }
0x4fb: {  	[sflag:s9] =	ssyncset.done $0x0  }
0x4fc: {  	[sflag:s9] =	ssyncadd.s32 $0xFFFFFFB0  }
0x4fd: {  	_ =	swait.ge [sflag:s9], $0x50  }
0x4fe: {  	[sflag:s9] =	ssyncset.done $0x0  }
0x4ff: {  	[sflag:s9] =	ssyncadd.s32 $0xFFFFFFB0  }
0x500: {  	_ =	swait.ge [sflag:s9], $0x50  }
0x501: {  	[sflag:s9] =	ssyncset.done $0x0  }
0x502: {  	[sflag:s9] =	ssyncadd.s32 $0xFFFFFFB0  }
0x503: {  	_ =	swait.ge [sflag:s9], $0x50  }
0x504: {  	[sflag:s9] =	ssyncset.done $0x0  }
0x505: {  	[sflag:s9] =	ssyncadd.s32 $0xFFFFFFB0  }
0x506: {  	_ =	swait.ge [sflag:s9], $0x50  }
0x507: {  	[sflag:s9] =	ssyncset.done $0x0  }
0x508: {  	[sflag:s9] =	ssyncadd.s32 $0xFFFFFFB0  }
0x509: {  	_ =	swait.ge [sflag:s9], $0x50  }
0x50a: {  	[sflag:s9] =	ssyncset.done $0x0  }
0x50b: {  	[sflag:s9] =	ssyncadd.s32 $0xFFFFFFB0  }
0x50c: {  	_ =	swait.ge [sflag:s9], $0x50  }
0x50d: {  	[sflag:s9] =	ssyncset.done $0x0  }
0x50e: {  	[sflag:s9] =	ssyncadd.s32 $0xFFFFFFB0  }
0x50f: {  	_ =	swait.ge [sflag:s9], $0x50  }
0x510: {  	[sflag:s9] =	ssyncset.done $0x0  }
0x511: {  	[sflag:s9] =	ssyncadd.s32 $0xFFFFFFB0  }
0x512: {  	_ =	swait.ge [sflag:s9], $0x50  }
0x513: {  	[sflag:s9] =	ssyncset.done $0x0  }
0x514: {  	[sflag:s9] =	ssyncadd.s32 $0xFFFFFFB0  }
0x515: {  	_ =	swait.ge [sflag:s9], $0x50  }
0x516: {  	[sflag:s9] =	ssyncset.done $0x0  }
0x517: {  	[sflag:s9] =	ssyncadd.s32 $0xFFFFFFB0  }
0x518: {  	_ =	swait.ge [sflag:s9], $0x50  }
0x519: {  	[sflag:s9] =	ssyncset.done $0x0  }
0x51a: {  	[sflag:s9] =	ssyncadd.s32 $0xFFFFFFB0  }
0x51b: {  	_ =	swait.ge [sflag:s9], $0x50  }
0x51c: {  	[sflag:s9] =	ssyncset.done $0x0  }
0x51d: {  	[sflag:s9] =	ssyncadd.s32 $0xFFFFFFB0  }
0x51e: {  	_ =	swait.ge [sflag:s9], $0x50  }
0x51f: {  	s1 =	sld [smem:$0x7F6]  }
0x520: {  	[sflag:s9] =	ssyncset.done $0x0  }
0x521: {  	s31 =	sld [smem:$0x7F7];
	[sflag:s9] =	ssyncadd.s32 $0xFFFFFFB0  }
0x522: {  	[spmem:s2] =	stream.indirect.scatter.add.f32 [tilespmem:s8], [sflag:$0x1], $0x1, s1, s7, $0xb8;
	[tilespmem:$0x4580] =	vst v63  }
0x523: {  	s1 =	sld [smem:$0x7F8]  }
0x524: {  	[spmem:s2] =	stream.indirect.scatter.add.f32 [tilespmem:s8], [sflag:$0x1], $0x1, s31, s7, $0xb8;
	[tilespmem:$0x4580] =	vst v63  }
0x525: {  	s31 =	sld [smem:$0x7F9]  }
0x526: {  	[spmem:s2] =	stream.indirect.scatter.add.f32 [tilespmem:s8], [sflag:$0x1], $0x1, s1, s7, $0xb8;
	[tilespmem:$0x4580] =	vst v63  }
0x527: {  	s1 =	sld [smem:$0x7FA]  }
0x528: {  	[spmem:s2] =	stream.indirect.scatter.add.f32 [tilespmem:s8], [sflag:$0x1], $0x1, s31, s7, $0xb8;
	[tilespmem:$0x4580] =	vst v63  }
0x529: {  	s31 =	sld [smem:$0x7FB]  }
0x52a: {  	[spmem:s2] =	stream.indirect.scatter.add.f32 [tilespmem:s8], [sflag:$0x1], $0x1, s1, s7, $0xb8;
	[tilespmem:$0x4580] =	vst v63  }
0x52b: {  	s1 =	sld [smem:$0x7FC]  }
0x52c: {  	[spmem:s2] =	stream.indirect.scatter.add.f32 [tilespmem:s8], [sflag:$0x1], $0x1, s31, s7, $0xb8;
	[tilespmem:$0x4580] =	vst v63  }
0x52d: {  	s31 =	sld [smem:$0x7FD]  }
0x52e: {  	[spmem:s2] =	stream.indirect.scatter.add.f32 [tilespmem:s8], [sflag:$0x1], $0x1, s1, s7, $0xb8;
	[tilespmem:$0x4580] =	vst v63  }
0x52f: {  	_ = 	snop  }
0x530: {  	[spmem:s2] =	stream.indirect.scatter.add.f32 [tilespmem:s8], [sflag:$0x1], $0x1, s31, s7, $0xb8;
	[tilespmem:$0x4580] =	vst v63  }
0x531: {  	_ = 	snop  }
0x532: {  	[spmem:s2] =	stream.indirect.scatter.add.f32 [tilespmem:s8], [sflag:$0x1], $0x1, s10, s7, $0xb8;
	[tilespmem:$0x4580] =	vst v63  }
0x533: {  	_ = 	snop  }
0x534: {  	[spmem:s2] =	stream.indirect.scatter.add.f32 [tilespmem:s8], [sflag:$0x1], $0x1, s11, s7, $0xb8;
	[tilespmem:$0x4580] =	vst v63  }
0x535: {  	_ = 	snop  }
0x536: {  	[spmem:s2] =	stream.indirect.scatter.add.f32 [tilespmem:s8], [sflag:$0x1], $0x1, s12, s7, $0xb8;
	[tilespmem:$0x4580] =	vst v63  }
0x537: {  	_ = 	snop  }
0x538: {  	[spmem:s2] =	stream.indirect.scatter.add.f32 [tilespmem:s8], [sflag:$0x1], $0x1, s13, s7, $0xb8;
	[tilespmem:$0x4580] =	vst v63  }
0x539: {  	_ = 	snop  }
0x53a: {  	[spmem:s2] =	stream.indirect.scatter.add.f32 [tilespmem:s8], [sflag:$0x1], $0x1, s14, s7, $0xb8;
	[tilespmem:$0x4580] =	vst v63  }
0x53b: {  	_ = 	snop  }
0x53c: {  	[spmem:s2] =	stream.indirect.scatter.add.f32 [tilespmem:s8], [sflag:$0x1], $0x1, s15, s7, $0xb8;
	[tilespmem:$0x4580] =	vst v63  }
0x53d: {  	_ = 	snop  }
0x53e: {  	[spmem:s2] =	stream.indirect.scatter.add.f32 [tilespmem:s8], [sflag:$0x1], $0x1, s16, s7, $0xb8;
	[tilespmem:$0x4580] =	vst v63  }
0x53f: {  	_ = 	snop  }
0x540: {  	[spmem:s2] =	stream.indirect.scatter.add.f32 [tilespmem:s8], [sflag:$0x1], $0x1, s17, s7, $0xb8;
	[tilespmem:$0x4580] =	vst v63  }
0x541: {  	_ = 	snop  }
0x542: {  	[spmem:s2] =	stream.indirect.scatter.add.f32 [tilespmem:s8], [sflag:$0x1], $0x1, s18, s7, $0xb8;
	[tilespmem:$0x4580] =	vst v63  }
0x543: {  	_ = 	snop  }
0x544: {  	[spmem:s2] =	stream.indirect.scatter.add.f32 [tilespmem:s8], [sflag:$0x1], $0x1, s19, s7, $0xb8;
	[tilespmem:$0x4580] =	vst v63  }
0x545: {  	_ = 	snop  }
0x546: {  	[spmem:s2] =	stream.indirect.scatter.add.f32 [tilespmem:s8], [sflag:$0x1], $0x1, s20, s7, $0xb8;
	[tilespmem:$0x4580] =	vst v63  }
0x547: {  	_ = 	snop  }
0x548: {  	[spmem:s2] =	stream.indirect.scatter.add.f32 [tilespmem:s8], [sflag:$0x1], $0x1, s21, s7, $0xb8;
	[tilespmem:$0x4580] =	vst v63  }
0x549: {  	_ = 	snop  }
0x54a: {  	[spmem:s2] =	stream.indirect.scatter.add.f32 [tilespmem:s8], [sflag:$0x1], $0x1, s22, s7, $0xb8;
	[tilespmem:$0x4580] =	vst v63  }
0x54b: {  	_ = 	snop  }
0x54c: {  	[spmem:s2] =	stream.indirect.scatter.add.f32 [tilespmem:s8], [sflag:$0x1], $0x1, s23, s7, $0xb8;
	[tilespmem:$0x4580] =	vst v63  }
0x54d: {  	_ = 	snop  }
0x54e: {  	[spmem:s2] =	stream.indirect.scatter.add.f32 [tilespmem:s8], [sflag:$0x1], $0x1, s24, s7, $0xb8;
	[tilespmem:$0x4580] =	vst v63  }
0x54f: {  	_ = 	snop  }
0x550: {  	[spmem:s2] =	stream.indirect.scatter.add.f32 [tilespmem:s8], [sflag:$0x1], $0x1, s25, s7, $0xb8;
	[tilespmem:$0x4580] =	vst v63  }
0x551: {  	_ = 	snop  }
0x552: {  	[spmem:s2] =	stream.indirect.scatter.add.f32 [tilespmem:s8], [sflag:$0x1], $0x1, s26, s7, $0xb8;
	[tilespmem:$0x4580] =	vst v63  }
0x553: {  	_ =	swait.ge [sflag:s9], $0x50  }
0x554: {  	[sflag:s9] =	ssyncset.done $0x0  }
0x555: {  	[sflag:s9] =	ssyncadd.s32 $0xFFFFFFB0  }
0x556: {  	_ =	swait.ge [sflag:s9], $0x50  }
0x557: {  	[sflag:s9] =	ssyncset.done $0x0  }
0x558: {  	[sflag:s9] =	ssyncadd.s32 $0xFFFFFFB0  }
0x559: {  	_ =	swait.ge [sflag:s9], $0x50  }
0x55a: {  	[sflag:s9] =	ssyncset.done $0x0  }
0x55b: {  	[sflag:s9] =	ssyncadd.s32 $0xFFFFFFB0  }
0x55c: {  	_ =	swait.ge [sflag:s9], $0x50  }
0x55d: {  	[sflag:s9] =	ssyncset.done $0x0  }
0x55e: {  	[sflag:s9] =	ssyncadd.s32 $0xFFFFFFB0  }
0x55f: {  	_ =	swait.ge [sflag:s9], $0x50  }
0x560: {  	[sflag:s9] =	ssyncset.done $0x0  }
0x561: {  	[sflag:s9] =	ssyncadd.s32 $0xFFFFFFB0  }
0x562: {  	_ =	swait.ge [sflag:s9], $0x50  }
0x563: {  	[sflag:s9] =	ssyncset.done $0x0  }
0x564: {  	[sflag:s9] =	ssyncadd.s32 $0xFFFFFFB0  }
0x565: {  	_ =	swait.ge [sflag:s9], $0x50  }
0x566: {  	[sflag:s9] =	ssyncset.done $0x0  }
0x567: {  	[sflag:s9] =	ssyncadd.s32 $0xFFFFFFB0  }
0x568: {  	_ =	swait.ge [sflag:s9], $0x50  }
0x569: {  	[sflag:s9] =	ssyncset.done $0x0  }
0x56a: {  	[sflag:s9] =	ssyncadd.s32 $0xFFFFFFB0  }
0x56b: {  	_ =	swait.ge [sflag:s9], $0x50  }
0x56c: {  	[sflag:s9] =	ssyncset.done $0x0  }
0x56d: {  	[sflag:s9] =	ssyncadd.s32 $0xFFFFFFB0  }
0x56e: {  	_ =	swait.ge [sflag:s9], $0x50  }
0x56f: {  	[sflag:s9] =	ssyncset.done $0x0  }
0x570: {  	[sflag:s9] =	ssyncadd.s32 $0xFFFFFFB0  }
0x571: {  	_ =	swait.ge [sflag:s9], $0x50  }
0x572: {  	[sflag:s9] =	ssyncset.done $0x0  }
0x573: {  	[sflag:s9] =	ssyncadd.s32 $0xFFFFFFB0  }
0x574: {  	_ =	swait.ge [sflag:s9], $0x50  }
0x575: {  	[sflag:s9] =	ssyncset.done $0x0  }
0x576: {  	[sflag:s9] =	ssyncadd.s32 $0xFFFFFFB0  }
0x577: {  	_ =	swait.ge [sflag:s9], $0x50  }
0x578: {  	[sflag:s9] =	ssyncset.done $0x0  }
0x579: {  	[sflag:s9] =	ssyncadd.s32 $0xFFFFFFB0  }
0x57a: {  	_ =	swait.ge [sflag:s9], $0x50  }
0x57b: {  	[sflag:s9] =	ssyncset.done $0x0  }
0x57c: {  	[sflag:s9] =	ssyncadd.s32 $0xFFFFFFB0  }
0x57d: {  	_ =	swait.ge [sflag:s9], $0x50  }
0x57e: {  	[sflag:s9] =	ssyncset.done $0x0  }
0x57f: {  	[sflag:s9] =	ssyncadd.s32 $0xFFFFFFB0  }
0x580: {  	_ =	swait.ge [sflag:s9], $0x50  }
0x581: {  	[sflag:s9] =	ssyncset.done $0x0  }
0x582: {  	[sflag:s9] =	ssyncadd.s32 $0xFFFFFFB0  }
0x583: {  	_ =	swait.ge [sflag:s9], $0x50  }
0x584: {  	[sflag:s9] =	ssyncset.done $0x0  }
0x585: {  	[sflag:s9] =	ssyncadd.s32 $0xFFFFFFB0  }
0x586: {  	_ =	swait.ge [sflag:s9], $0x50  }
0x587: {  	[sflag:s9] =	ssyncset.done $0x0  }
0x588: {  	[sflag:s9] =	ssyncadd.s32 $0xFFFFFFB0  }
0x589: {  	_ =	swait.ge [sflag:s9], $0x50  }
0x58a: {  	[sflag:s9] =	ssyncset.done $0x0  }
0x58b: {  	[sflag:s9] =	ssyncadd.s32 $0xFFFFFFB0  }
0x58c: {  	_ =	swait.ge [sflag:s9], $0x50  }
0x58d: {  	[sflag:s9] =	ssyncset.done $0x0  }
0x58e: {  	[sflag:s9] =	ssyncadd.s32 $0xFFFFFFB0  }
0x58f: {  	_ =	swait.ge [sflag:s9], $0x50  }
0x590: {  	[sflag:s9] =	ssyncset.done $0x0  }
0x591: {  	[sflag:s9] =	ssyncadd.s32 $0xFFFFFFB0  }
0x592: {  	_ =	swait.ge [sflag:s9], $0x50  }
0x593: {  	[sflag:s9] =	ssyncset.done $0x0  }
0x594: {  	[sflag:s9] =	ssyncadd.s32 $0xFFFFFFB0  }
0x595: {  	_ =	swait.ge [sflag:s9], $0x50  }
0x596: {  	[sflag:s9] =	ssyncset.done $0x0  }
0x597: {  	[sflag:s9] =	ssyncadd.s32 $0xFFFFFFB0  }
0x598: {  	_ =	swait.ge [sflag:s9], $0x50  }
0x599: {  	[sflag:s9] =	ssyncset.done $0x0  }
0x59a: {  	p0 =	sne.s32 s29, $0x1;
	[sflag:s9] =	ssyncadd.s32 $0xFFFFFFB0  }
.Ltmp1:
0x59b: {  	_ =	swait.ge [sflag:s9], $0x50;
	(pc) =	sbr.rel @p0 .LBB2_1-.Ltmp1, $4  }
0x59c: {  	[sflag:s9] =	ssyncset.done $0x0  }
0x59d: {  	[sflag:s9] =	ssyncadd.s32 $0xFFFFFFB0  }
0x59e: {  	[bflag:$0x0] =	sbarrier.arrive $0xFFFF  }
0x59f: {  	s29 =	sadd.s32 $0xFFFFFFFF, s29;
	s31 =	rddreg [dreg:$0x5]  }
.LBB2_2:
0x5a0: {  	[hbm:s31], [sflag:s28] =	dma.local [spmem:s30], $0x50  }
0x5a1: {  	_ =	swait.ge [sflag:s4], $0x50  }
0x5a2: {  	[sflag:s4] =	ssyncset.done $0x0  }
0x5a3: {  	[sflag:s4] =	ssyncadd.s32 $0xFFFFFFB0  }
0x5a4: {  	_ =	sfence.sel $0x180000  }
0x5a5: {  	[bflag:$0x0] =	sbarrier.arrive $0xFFFF  }
0x5a6: {  	_ =	strace $0x90000047  }
0x5a7: {  	[bflag:$0x2] =	sbarrier.arrive $0xFFFF  }
0x5a8: {  	p0 =	sne.s32 s0, $0x0;
	s0 =	rddreg [dreg:$0x3]  }
0x5a9: {  	s0 =	sadd.s32 @!p0 $0x100000, s0  }
0x5aa: {  	[sflag:s0] =	ssyncadd.tile.s32 @!p0 $0x1;
	_ =	shalt  }
.Lfunc_end2:
_tile_overlayer_lowered:
.L_overlay_start_2:
0x5ab: {  	(tag) =	ssettag $0x2  }
0x5ac: {  	s0 =	rddreg [dreg:$0x0];
	s2 =	stileid.u32  }
0x5ad: {  	s1 =	rddreg [dreg:$0x1];
	p0 =	sne.s32 s2, $0x0  }
0x5ae: {  	s3 =	rddreg [dreg:$0x2];
	[bflag:$0x3] =	sbarrier.arrive $0xFFFF;
	s2 =	simm.s32 @!p0 $0x1C02  }
0x5af: {  	[timem:s3], [sflag:s2] =	dma.local @!p0 [hbm:s0], s1  }
0x5b0: {  	s0 =	simm.s32 @!p0 $0x2  }
0x5b1: {  	_ =	swait.ge @!p0 [sflag:s0], s1  }
0x5b2: {  	s1 =	ssub.s32 @!p0 $0x0, s1;
	[sflag:s0] =	ssyncset.done @!p0 $0x0  }
0x5b3: {  	[sflag:s0] =	ssyncadd.s32 @!p0 s1  }
0x5b4: {  	[bflag:$0x3] =	sbarrier.arrive $0xFFFF  }
0x5b5: {  	_ =	shalt  }

</sc_bundles>
